<compile_context>
chip_gen: v7x
topology: tpu7x:2x2x1
jax: 0.10.2.dev20260603
libtpu: 0.0.44.dev20260713+nightly
codegen_flags: <defaults>
</compile_context>

<pallas_src>
import functools

import jax
import jax.numpy as jnp
from jax import lax
from jax.experimental import pallas as pl
from jax.experimental.pallas import tpu as pltpu
from jax.experimental.pallas import tpu_sc as plsc

N = 10000
E = 320000
D_IN = 128
H = 128
C = 64

NC = 2
NS = 16
NW = NC * NS
E_PER = E // NW
EB = 80
NCHUNK = E_PER // EB
RB = 624
REM = N - RB * NS
ZR = 208

_mesh = plsc.VectorSubcoreMesh(core_axis_name="c", subcore_axis_name="s")


def _fill_zeros(ref, rows, width):
    def body(i, _):
        def inner(j, _):
            ref[i, pl.ds(j * 16, 16)] = jnp.zeros((16,), jnp.float32)
            return 0
        return lax.fori_loop(0, width // 16, inner, 0)
    lax.fori_loop(0, rows, body, 0)


def _zero_acc(zero_v, acc, sid, width_rows=ZR):
    r0 = sid * RB
    for k in range(RB // ZR):
        pltpu.sync_copy(zero_v, acc.at[pl.ds(r0 + k * ZR, ZR)])

    @pl.when(sid == NS - 1)
    def _zero_tail():
        pltpu.sync_copy(zero_v.at[pl.ds(0, REM)], acc.at[pl.ds(RB * NS, REM)])


def _writeback(acc, out_hbm, cid, sid):
    r0 = sid * RB
    pltpu.sync_copy(acc.at[pl.ds(r0, RB)], out_hbm.at[cid, pl.ds(r0, RB)])

    @pl.when(sid == NS - 1)
    def _write_tail():
        pltpu.sync_copy(acc.at[pl.ds(RB * NS, REM)],
                        out_hbm.at[cid, pl.ds(RB * NS, REM)])


DEGW = 16
NPAD = 10240
NPT = NPAD // NS


def _deg_body(src_hbm, dst_hbm, out_hbm, in_hbm, ia, hs, hd, rbuf, red,
              rep, sh_s, sh_d, sa):
    cid = lax.axis_index("c")
    sid = lax.axis_index("s")
    wid = cid * NS + sid

    def zero(i, _):
        hs[pl.ds(i * 16, 16)] = jnp.zeros((16,), jnp.float32)
        hd[pl.ds(i * 16, 16)] = jnp.zeros((16,), jnp.float32)
        return 0
    lax.fori_loop(0, NPAD // 16, zero, 0)

    ones16 = jnp.ones((16,), jnp.float32)

    d_src = pltpu.async_copy(src_hbm.at[pl.ds(wid * E_PER, E_PER)],
                             ia.at[pl.ds(0, E_PER)], sa)
    d_dst = pltpu.async_copy(dst_hbm.at[pl.ds(wid * E_PER, E_PER)],
                             ia.at[pl.ds(E_PER, E_PER)], sa)
    d_src.wait()

    def scat_s(j, _):
        plsc.addupdate_scatter(hs, [ia[pl.ds(j * 16, 16)]], ones16)
        return 0
    lax.fori_loop(0, E_PER // 16, scat_s, 0)
    d_dst.wait()

    def scat_d(j, _):
        plsc.addupdate_scatter(hd, [ia[pl.ds(E_PER + j * 16, 16)]], ones16)
        return 0
    lax.fori_loop(0, E_PER // 16, scat_d, 0)

    pltpu.sync_copy(hs, sh_s.at[pl.ds(sid * NPAD, NPAD)])
    pltpu.sync_copy(hd, sh_d.at[pl.ds(sid * NPAD, NPAD)])
    plsc.subcore_barrier()

    for shx, o_hbm in ((sh_s, out_hbm), (sh_d, in_hbm)):
        for r in range(NS):
            pltpu.sync_copy(shx.at[pl.ds(r * NPAD + sid * NPT, NPT)],
                            rbuf.at[pl.ds(r * NPT, NPT)])

        def reduce(j, _):
            acc16 = rbuf[pl.ds(j * 16, 16)]
            for r in range(1, NS):
                acc16 = acc16 + rbuf[pl.ds(r * NPT + j * 16, 16)]
            red[pl.ds(j * 16, 16)] = acc16
            return 0
        lax.fori_loop(0, NPT // 16, reduce, 0)

        def repl(j, _):
            c16 = red[pl.ds(j * 16, 16)]
            for t in range(16):
                rep[pl.ds(j * 256 + t * 16, 16)] = jnp.full(
                    (16,), c16[t], jnp.float32)
            return 0
        lax.fori_loop(0, NPT // 16, repl, 0)

        @pl.when(sid < NS - 1)
        def _full_wb():
            pltpu.sync_copy(rep, o_hbm.at[cid,
                                          pl.ds(sid * NPT * DEGW,
                                                NPT * DEGW)])

        @pl.when(sid == NS - 1)
        def _clip_wb():
            nlast = (N - (NS - 1) * NPT) * DEGW
            pltpu.sync_copy(rep.at[pl.ds(0, nlast)],
                            o_hbm.at[cid, pl.ds((NS - 1) * NPT * DEGW,
                                                nlast)])


_deg_kernel = pl.kernel(
    _deg_body,
    out_type=[jax.ShapeDtypeStruct((NC, N * DEGW), jnp.float32),
              jax.ShapeDtypeStruct((NC, N * DEGW), jnp.float32)],
    mesh=_mesh,
    compiler_params=pltpu.CompilerParams(needs_layout_passes=False),
    scratch_types=(
        [pltpu.VMEM((2 * E_PER,), jnp.int32)]
        + [pltpu.VMEM((NPAD,), jnp.float32)] * 2
        + [pltpu.VMEM((NS * NPT,), jnp.float32),
           pltpu.VMEM((NPT,), jnp.float32),
           pltpu.VMEM((NPT * DEGW,), jnp.float32),
           pltpu.VMEM_SHARED((NS * NPAD,), jnp.float32),
           pltpu.VMEM_SHARED((NS * NPAD,), jnp.float32)]
        + [pltpu.SemaphoreType.DMA]
    ),
)


def _agg_body(h_hbm, src_hbm, dst3_hbm, out_hbm, isrc, idst, r0, r1, acc,
              s0, s1, si, *, d):
    cid = lax.axis_index("c")
    sid = lax.axis_index("s")
    wid = cid * NS + sid
    rbufs = (r0, r1)
    sems = (s0, s1)

    d_src = pltpu.async_copy(src_hbm.at[pl.ds(wid * E_PER, E_PER)], isrc, si)
    d_dst = pltpu.async_copy(dst3_hbm.at[wid], idst, si)

    _fill_zeros(r0, EB, d)
    zb = sid * RB
    for k in range(RB // EB):
        pltpu.sync_copy(r0, acc.at[pl.ds(zb + k * EB, EB)])
    pltpu.sync_copy(r0.at[pl.ds(0, RB % EB)],
                    acc.at[pl.ds(zb + RB - RB % EB, RB % EB)])

    @pl.when(sid == NS - 1)
    def _zero_tail():
        pltpu.sync_copy(r0.at[pl.ds(0, REM)], acc.at[pl.ds(RB * NS, REM)])
    d_src.wait()
    d_dst.wait()
    plsc.subcore_barrier()

    def start_gather(b, g):
        pltpu.async_copy(h_hbm.at[isrc.at[pl.ds(g * EB, EB)]], rbufs[b],
                         sems[b])

    def wait_gather(b):
        pltpu.make_async_copy(h_hbm.at[isrc.at[pl.ds(0, EB)]], rbufs[b],
                              sems[b]).wait()

    def start_scatter(b, g):
        pltpu.async_copy(rbufs[b], acc.at[idst.at[g]], sems[b], add=True)

    def wait_scatter(b):
        pltpu.make_async_copy(rbufs[b], acc.at[idst.at[0]], sems[b]).wait()

    start_gather(0, 0)

    def body(p, _):
        wait_gather(0)
        start_scatter(0, 2 * p)
        start_gather(1, 2 * p + 1)
        wait_scatter(0)
        start_gather(0, 2 * p + 2)
        wait_gather(1)
        start_scatter(1, 2 * p + 1)
        wait_scatter(1)
        return 0
    lax.fori_loop(0, (NCHUNK - 1) // 2, body, 0)
    wait_gather(0)
    start_scatter(0, NCHUNK - 1)
    wait_scatter(0)
    plsc.subcore_barrier()
    _writeback(acc, out_hbm, cid, sid)


def _make_agg(d):
    return pl.kernel(
        functools.partial(_agg_body, d=d),
        out_type=jax.ShapeDtypeStruct((NC, N, d), jnp.float32),
        mesh=_mesh,
        scratch_types=(
            [pltpu.VMEM((E_PER,), jnp.int32),
             pltpu.VMEM((NCHUNK, EB), jnp.int32)]
            + [pltpu.VMEM((EB, d), jnp.float32)] * 2
            + [pltpu.VMEM_SHARED((N, d), jnp.float32)]
            + [pltpu.SemaphoreType.DMA] * 3
        ),
    )


_agg_h = _make_agg(H)


R = 1000


def _scale_from_counts(cnt_ref):
    cnt = cnt_ref[0, :, :] + cnt_ref[1, :, :]
    return lax.rsqrt(jnp.maximum(cnt[:, 0:1], 1.0))


def _l1_body(x_ref, co_ref, w_ref, o_ref):
    s = _scale_from_counts(co_ref)
    o_ref[...] = jnp.dot(x_ref[...] * s, w_ref[...],
                         preferred_element_type=jnp.float32)


def _mid_body(agg_ref, ci_ref, co_ref, b_ref, w_ref, o_ref):
    a = agg_ref[0, :, :] + agg_ref[1, :, :]
    si = _scale_from_counts(ci_ref)
    t = jnp.maximum(a * si + b_ref[...], 0.0)
    so = _scale_from_counts(co_ref)
    o_ref[...] = jnp.dot(t * so, w_ref[...],
                         preferred_element_type=jnp.float32)


def _final_body(agg_ref, ci_ref, b_ref, o_ref):
    a = agg_ref[0, :, :C] + agg_ref[1, :, :C]
    si = _scale_from_counts(ci_ref)
    o_ref[...] = a * si + b_ref[...]


def _cnt_spec():
    return pl.BlockSpec((NC, R, DEGW), lambda i: (0, i, 0))


def _l1(x, cnt_out, w):
    return pl.pallas_call(
        _l1_body,
        grid=(N // R,),
        in_specs=[pl.BlockSpec((R, D_IN), lambda i: (i, 0)),
                  _cnt_spec(),
                  pl.BlockSpec((D_IN, H), lambda i: (0, 0))],
        out_specs=pl.BlockSpec((R, H), lambda i: (i, 0)),
        out_shape=jax.ShapeDtypeStruct((N, H), jnp.float32),
    )(x, cnt_out, w)


def _mid(agg, cnt_in, cnt_out, b, w, dout):
    return pl.pallas_call(
        _mid_body,
        grid=(N // R,),
        in_specs=[pl.BlockSpec((NC, R, H), lambda i: (0, i, 0)),
                  _cnt_spec(), _cnt_spec(),
                  pl.BlockSpec((1, H), lambda i: (0, 0)),
                  pl.BlockSpec((H, dout), lambda i: (0, 0))],
        out_specs=pl.BlockSpec((R, dout), lambda i: (i, 0)),
        out_shape=jax.ShapeDtypeStruct((N, dout), jnp.float32),
    )(agg, cnt_in, cnt_out, b.reshape(1, H), w)


def _final(agg, cnt_in, b):
    return pl.pallas_call(
        _final_body,
        grid=(N // R,),
        in_specs=[pl.BlockSpec((NC, R, H), lambda i: (0, i, 0)),
                  _cnt_spec(),
                  pl.BlockSpec((1, C), lambda i: (0, 0))],
        out_specs=pl.BlockSpec((R, C), lambda i: (i, 0)),
        out_shape=jax.ShapeDtypeStruct((N, C), jnp.float32),
    )(agg, cnt_in, b.reshape(1, C))


def kernel(features, edge_index, W1, b1, W2, b2, W3, b3):
    src = edge_index[0]
    dst = edge_index[1]
    dst3 = dst.reshape(NW, NCHUNK, EB)
    cnt_out, cnt_in = _deg_kernel(src, dst)
    cnt_out = cnt_out.reshape(NC, N, DEGW)
    cnt_in = cnt_in.reshape(NC, N, DEGW)
    h1 = _l1(features, cnt_out, W1)
    agg1 = _agg_h(h1, src, dst3)
    h2 = _mid(agg1, cnt_in, cnt_out, b1, W2, H)
    agg2 = _agg_h(h2, src, dst3)
    W3p = jnp.pad(W3, ((0, 0), (0, H - C)))
    h3 = _mid(agg2, cnt_in, cnt_out, b2, W3p, H)
    agg3 = _agg_h(h3, src, dst3)
    return _final(agg3, cnt_in, b3)

# --- scband reference (transcript-rebuilt; emitter-appended) ---
"""Pipeline reference for scband-gcn-1065151889943 (READ-ONLY COPY).

The authoritative reference and input builder live on the scoring server;
editing this copy changes nothing except your own understanding.
"""

import jax, jax.numpy as jnp
import numpy as np

N = 10000
E = 320000
D = 128
H = 128
C = 64


def setup_inputs(seed: int = 0) -> dict:
    key = jax.random.key(seed)
    ks = jax.random.split(key, 8)
    features = jax.random.normal(ks[0], (N, D), dtype=jnp.float32)
    edge_index = jax.random.randint(ks[1], (2, E), 0, N, dtype=jnp.int32)
    W1 = jax.random.normal(ks[2], (D, H), dtype=jnp.float32) * (1.0 / np.sqrt(D))
    b1 = jnp.zeros((H,), dtype=jnp.float32)
    W2 = jax.random.normal(ks[3], (H, H), dtype=jnp.float32) * (1.0 / np.sqrt(H))
    b2 = jnp.zeros((H,), dtype=jnp.float32)
    W3 = jax.random.normal(ks[4], (H, C), dtype=jnp.float32) * (1.0 / np.sqrt(H))
    b3 = jnp.zeros((C,), dtype=jnp.float32)
    return {"features": features, "edge_index": edge_index,
            "W1": W1, "b1": b1, "W2": W2, "b2": b2, "W3": W3, "b3": b3}


def _gcn_layer(x, src, dst, W, b, act):
    # DGL GraphConv with norm='both': D_out^{-1/2} A D_in^{-1/2} X W + b
    deg_out = jnp.clip(jnp.bincount(src, length=N), 1).astype(x.dtype)
    deg_in = jnp.clip(jnp.bincount(dst, length=N), 1).astype(x.dtype)
    h = x * jax.lax.rsqrt(deg_out)[:, None]
    h = h @ W  # project first (in_feats >= out_feats path)
    msgs = jnp.take(h, src, axis=0)  # gather over edges
    agg = jax.ops.segment_sum(msgs, dst, num_segments=N)  # scatter-add
    agg = agg * jax.lax.rsqrt(deg_in)[:, None]
    out = agg + b
    if act is not None:
        out = act(out)
    return out


def reference(features, edge_index, W1, b1, W2, b2, W3, b3):
    src = edge_index[0]
    dst = edge_index[1]
    h = _gcn_layer(features, src, dst, W1, b1, jax.nn.relu)
    # dropout is identity in eval mode
    h = _gcn_layer(h, src, dst, W2, b2, jax.nn.relu)
    h = _gcn_layer(h, src, dst, W3, b3, None)
    return h

if __name__ == "__main__":
    import jax
    _d = setup_inputs()
    print(jax.jit(kernel)(*tuple(_d.values())))

</pallas_src>

<mosaic_0001>
#map = affine_map<(d0, d1) -> (0)>
#map1 = affine_map<(d0, d1) -> (0, 0)>
module attributes {stable_mosaic.version = 14 : i64} {
  func.func @_deg_body(%arg0: i32, %arg1: i32, %arg2: memref<320000xi32, #tpu.memory_space<hbm>>, %arg3: memref<320000xi32, #tpu.memory_space<hbm>>, %arg4: memref<2x160000xf32, #tpu.memory_space<hbm>>, %arg5: memref<2x160000xf32, #tpu.memory_space<hbm>>, %arg6: memref<20000xi32, #tpu.memory_space<vmem>>, %arg7: memref<10240xf32, #tpu.memory_space<vmem>>, %arg8: memref<10240xf32, #tpu.memory_space<vmem>>, %arg9: memref<10240xf32, #tpu.memory_space<vmem>>, %arg10: memref<640xf32, #tpu.memory_space<vmem>>, %arg11: memref<10240xf32, #tpu.memory_space<vmem>>, %arg12: memref<163840xf32, #tpu.memory_space<vmem_shared>>, %arg13: memref<163840xf32, #tpu.memory_space<vmem_shared>>, %arg14: memref<!tpu.dma_semaphore, #tpu.memory_space<semaphore_mem>>) attributes {dimension_semantics = [#tpu.dimension_semantics<core_parallel>, #tpu.dimension_semantics<subcore_parallel>], iteration_bounds = array<i64: 2, 16>, scalar_prefetch = 0 : i64, scratch_operands = 9 : i64, tpu.core_type = #tpu.core_type<sc_vector_subcore>, window_params = [{transform_indices = #map}, {transform_indices = #map}, {transform_indices = #map1}, {transform_indices = #map1}]} {
    %mul3A = arith.constant 16 : i32
    %mul3A_0 = arith.muli %arg0, %mul3A : i32
    %add3A = arith.addi %mul3A_0, %arg1 : i32
    %scan3A = arith.constant 0 : i32
    %scan3A_1 = arith.constant 0 : i32
    %scan3A_2 = arith.constant 640 : i32
    %scan3A_3 = arith.addi %scan3A_1, %scan3A_2 : i32
    %scan3A_4 = arith.constant 1 : i32
    %scan3A_5 = scf.for %scan3A_224 = %scan3A_1 to %scan3A_3 step %scan3A_4 iter_args(%scan3A_225 = %scan3A) -> (i32)  : i32 {
      %broadcast_in_dim3A_226 = arith.constant 0.000000e+00 : f32
      %broadcast_in_dim3A_227 = vector.broadcast %broadcast_in_dim3A_226 : f32 to vector<16xf32>
      %mul3A_228 = arith.constant 16 : i32
      %mul3A_229 = arith.muli %scan3A_224, %mul3A_228 : i32
      %swap3A = arith.index_cast %mul3A_229 : i32 to index
      %swap3A_230 = tpu.vector_load %arg7[%swap3A] {strides = array<i32>} : memref<10240xf32, #tpu.memory_space<vmem>>, vector<16xf32>,
      tpu.vector_store %arg7[%swap3A], %broadcast_in_dim3A_227 {strides = array<i32>} : memref<10240xf32, #tpu.memory_space<vmem>>, vector<16xf32>,
      %broadcast_in_dim3A_231 = arith.constant 0.000000e+00 : f32
      %broadcast_in_dim3A_232 = vector.broadcast %broadcast_in_dim3A_231 : f32 to vector<16xf32>
      %mul3A_233 = arith.constant 16 : i32
      %mul3A_234 = arith.muli %scan3A_224, %mul3A_233 : i32
      %swap3A_235 = arith.index_cast %mul3A_234 : i32 to index
      %swap3A_236 = tpu.vector_load %arg8[%swap3A_235] {strides = array<i32>} : memref<10240xf32, #tpu.memory_space<vmem>>, vector<16xf32>,
      tpu.vector_store %arg8[%swap3A_235], %broadcast_in_dim3A_232 {strides = array<i32>} : memref<10240xf32, #tpu.memory_space<vmem>>, vector<16xf32>,
      %scan3A_237 = arith.constant 0 : i32
      scf.yield %scan3A_237 : i32
    }
    %scan3A_6 = arith.constant 640 : i32
    %broadcast_in_dim3A = arith.constant 1.000000e+00 : f32
    %broadcast_in_dim3A_7 = vector.broadcast %broadcast_in_dim3A : f32 to vector<16xf32>
    %mul3A_8 = arith.constant 10000 : i32
    %mul3A_9 = arith.muli %add3A, %mul3A_8 : i32
    %dma_start3A = arith.constant 0 : i32
    %dma_start3A_10 = tpu.memref_slice %arg6[%dma_start3A] : memref<20000xi32, #tpu.memory_space<vmem>> -> memref<10000xi32, #tpu.memory_space<vmem>>
    %dma_start3A_11 = tpu.memref_slice %arg2[%mul3A_9] : memref<320000xi32, #tpu.memory_space<hbm>> -> memref<10000xi32, #tpu.memory_space<hbm>>
    %dma_start3A_12 = arith.constant 0 : i32
    %dma_start3A_13 = tpu.memref_slice %arg6[%dma_start3A_12] : memref<20000xi32, #tpu.memory_space<vmem>> -> memref<10000xi32, #tpu.memory_space<vmem>>
    %dma_start3A_14 = tpu.memref_slice %arg2[%mul3A_9] : memref<320000xi32, #tpu.memory_space<hbm>> -> memref<10000xi32, #tpu.memory_space<hbm>>
    tpu.enqueue_dma source(%dma_start3A_14 : memref<10000xi32, #tpu.memory_space<hbm>>) target(%dma_start3A_13 : memref<10000xi32, #tpu.memory_space<vmem>>) target_semaphore(%arg14 : memref<!tpu.dma_semaphore, #tpu.memory_space<semaphore_mem>>)
    %mul3A_15 = arith.constant 10000 : i32
    %mul3A_16 = arith.muli %add3A, %mul3A_15 : i32
    %dma_start3A_17 = arith.constant 10000 : i32
    %dma_start3A_18 = tpu.memref_slice %arg6[%dma_start3A_17] : memref<20000xi32, #tpu.memory_space<vmem>> -> memref<10000xi32, #tpu.memory_space<vmem>>
    %dma_start3A_19 = tpu.memref_slice %arg3[%mul3A_16] : memref<320000xi32, #tpu.memory_space<hbm>> -> memref<10000xi32, #tpu.memory_space<hbm>>
    %dma_start3A_20 = arith.constant 10000 : i32
    %dma_start3A_21 = tpu.memref_slice %arg6[%dma_start3A_20] : memref<20000xi32, #tpu.memory_space<vmem>> -> memref<10000xi32, #tpu.memory_space<vmem>>
    %dma_start3A_22 = tpu.memref_slice %arg3[%mul3A_16] : memref<320000xi32, #tpu.memory_space<hbm>> -> memref<10000xi32, #tpu.memory_space<hbm>>
    tpu.enqueue_dma source(%dma_start3A_22 : memref<10000xi32, #tpu.memory_space<hbm>>) target(%dma_start3A_21 : memref<10000xi32, #tpu.memory_space<vmem>>) target_semaphore(%arg14 : memref<!tpu.dma_semaphore, #tpu.memory_space<semaphore_mem>>)
    %dma_wait3A = arith.constant 0 : i32
    %dma_wait3A_23 = tpu.memref_slice %arg6[%dma_wait3A] : memref<20000xi32, #tpu.memory_space<vmem>> -> memref<10000xi32, #tpu.memory_space<vmem>>
    %dma_wait3A_24 = tpu.memref_slice %arg2[%mul3A_9] : memref<320000xi32, #tpu.memory_space<hbm>> -> memref<10000xi32, #tpu.memory_space<hbm>>
    %dma_wait3A_25 = arith.constant 0 : i32
    %dma_wait3A_26 = tpu.memref_slice %arg6[%dma_wait3A_25] : memref<20000xi32, #tpu.memory_space<vmem>> -> memref<10000xi32, #tpu.memory_space<vmem>>
    %dma_wait3A_27 = tpu.memref_slice %arg2[%mul3A_9] : memref<320000xi32, #tpu.memory_space<hbm>> -> memref<10000xi32, #tpu.memory_space<hbm>>
    tpu.wait_dma2 semaphore(%arg14 : memref<!tpu.dma_semaphore, #tpu.memory_space<semaphore_mem>>) src(%dma_wait3A_27 : memref<10000xi32, #tpu.memory_space<hbm>>) dst(%dma_wait3A_26 : memref<10000xi32, #tpu.memory_space<vmem>>)
    %scan3A_28 = arith.constant 0 : i32
    %scan3A_29 = arith.constant 0 : i32
    %scan3A_30 = arith.constant 625 : i32
    %scan3A_31 = arith.addi %scan3A_29, %scan3A_30 : i32
    %scan3A_32 = arith.constant 1 : i32
    %scan3A_33 = scf.for %scan3A_224 = %scan3A_29 to %scan3A_31 step %scan3A_32 iter_args(%scan3A_225 = %scan3A_28) -> (i32)  : i32 {
      %mul3A_226 = arith.constant 16 : i32
      %mul3A_227 = arith.muli %scan3A_224, %mul3A_226 : i32
      %get3A = arith.index_cast %mul3A_227 : i32 to index
      %get3A_228 = tpu.vector_load %arg6[%get3A] {strides = array<i32>} : memref<20000xi32, #tpu.memory_space<vmem>>, vector<16xi32>,
      tpu.vector_store_idx %arg7[%get3A_228], %broadcast_in_dim3A_7 {add = true} : memref<10240xf32, #tpu.memory_space<vmem>>[vector<16xi32>], vector<16xf32>,
      %scan3A_229 = arith.constant 0 : i32
      scf.yield %scan3A_229 : i32
    }
    %scan3A_34 = arith.constant 625 : i32
    %dma_wait3A_35 = arith.constant 10000 : i32
    %dma_wait3A_36 = tpu.memref_slice %arg6[%dma_wait3A_35] : memref<20000xi32, #tpu.memory_space<vmem>> -> memref<10000xi32, #tpu.memory_space<vmem>>
    %dma_wait3A_37 = tpu.memref_slice %arg3[%mul3A_16] : memref<320000xi32, #tpu.memory_space<hbm>> -> memref<10000xi32, #tpu.memory_space<hbm>>
    %dma_wait3A_38 = arith.constant 10000 : i32
    %dma_wait3A_39 = tpu.memref_slice %arg6[%dma_wait3A_38] : memref<20000xi32, #tpu.memory_space<vmem>> -> memref<10000xi32, #tpu.memory_space<vmem>>
    %dma_wait3A_40 = tpu.memref_slice %arg3[%mul3A_16] : memref<320000xi32, #tpu.memory_space<hbm>> -> memref<10000xi32, #tpu.memory_space<hbm>>
    tpu.wait_dma2 semaphore(%arg14 : memref<!tpu.dma_semaphore, #tpu.memory_space<semaphore_mem>>) src(%dma_wait3A_40 : memref<10000xi32, #tpu.memory_space<hbm>>) dst(%dma_wait3A_39 : memref<10000xi32, #tpu.memory_space<vmem>>)
    %scan3A_41 = arith.constant 0 : i32
    %scan3A_42 = arith.constant 0 : i32
    %scan3A_43 = arith.constant 625 : i32
    %scan3A_44 = arith.addi %scan3A_42, %scan3A_43 : i32
    %scan3A_45 = arith.constant 1 : i32
    %scan3A_46 = scf.for %scan3A_224 = %scan3A_42 to %scan3A_44 step %scan3A_45 iter_args(%scan3A_225 = %scan3A_41) -> (i32)  : i32 {
      %mul3A_226 = arith.constant 16 : i32
      %mul3A_227 = arith.muli %scan3A_224, %mul3A_226 : i32
      %add3A_228 = arith.constant 10000 : i32
      %add3A_229 = arith.addi %add3A_228, %mul3A_227 : i32
      %get3A = arith.index_cast %add3A_229 : i32 to index
      %get3A_230 = tpu.vector_load %arg6[%get3A] {strides = array<i32>} : memref<20000xi32, #tpu.memory_space<vmem>>, vector<16xi32>,
      tpu.vector_store_idx %arg8[%get3A_230], %broadcast_in_dim3A_7 {add = true} : memref<10240xf32, #tpu.memory_space<vmem>>[vector<16xi32>], vector<16xf32>,
      %scan3A_231 = arith.constant 0 : i32
      scf.yield %scan3A_231 : i32
    }
    %scan3A_47 = arith.constant 625 : i32
    %mul3A_48 = arith.constant 10240 : i32
    %mul3A_49 = arith.muli %arg1, %mul3A_48 : i32
    "tpu.region"() ({
      %run_scoped3A = tpu.sem_alloc : memref<!tpu.dma_semaphore, #tpu.memory_space<semaphore_mem>>
      %dma_start3A_224 = tpu.memref_slice %arg12[%mul3A_49] : memref<163840xf32, #tpu.memory_space<vmem_shared>> -> memref<10240xf32, #tpu.memory_space<vmem_shared>>
      %dma_start3A_225 = tpu.memref_slice %arg12[%mul3A_49] : memref<163840xf32, #tpu.memory_space<vmem_shared>> -> memref<10240xf32, #tpu.memory_space<vmem_shared>>
      tpu.enqueue_dma source(%arg7 : memref<10240xf32, #tpu.memory_space<vmem>>) target(%dma_start3A_225 : memref<10240xf32, #tpu.memory_space<vmem_shared>>) target_semaphore(%run_scoped3A : memref<!tpu.dma_semaphore, #tpu.memory_space<semaphore_mem>>)
      %dma_wait3A_226 = tpu.memref_slice %arg12[%mul3A_49] : memref<163840xf32, #tpu.memory_space<vmem_shared>> -> memref<10240xf32, #tpu.memory_space<vmem_shared>>
      %dma_wait3A_227 = tpu.memref_slice %arg12[%mul3A_49] : memref<163840xf32, #tpu.memory_space<vmem_shared>> -> memref<10240xf32, #tpu.memory_space<vmem_shared>>
      tpu.wait_dma2 semaphore(%run_scoped3A : memref<!tpu.dma_semaphore, #tpu.memory_space<semaphore_mem>>) src(%arg7 : memref<10240xf32, #tpu.memory_space<vmem>>) dst(%dma_wait3A_227 : memref<10240xf32, #tpu.memory_space<vmem_shared>>)
      tpu.yield
    }) : () -> ()
    %mul3A_50 = arith.constant 10240 : i32
    %mul3A_51 = arith.muli %arg1, %mul3A_50 : i32
    "tpu.region"() ({
      %run_scoped3A = tpu.sem_alloc : memref<!tpu.dma_semaphore, #tpu.memory_space<semaphore_mem>>
      %dma_start3A_224 = tpu.memref_slice %arg13[%mul3A_51] : memref<163840xf32, #tpu.memory_space<vmem_shared>> -> memref<10240xf32, #tpu.memory_space<vmem_shared>>
      %dma_start3A_225 = tpu.memref_slice %arg13[%mul3A_51] : memref<163840xf32, #tpu.memory_space<vmem_shared>> -> memref<10240xf32, #tpu.memory_space<vmem_shared>>
      tpu.enqueue_dma source(%arg8 : memref<10240xf32, #tpu.memory_space<vmem>>) target(%dma_start3A_225 : memref<10240xf32, #tpu.memory_space<vmem_shared>>) target_semaphore(%run_scoped3A : memref<!tpu.dma_semaphore, #tpu.memory_space<semaphore_mem>>)
      %dma_wait3A_226 = tpu.memref_slice %arg13[%mul3A_51] : memref<163840xf32, #tpu.memory_space<vmem_shared>> -> memref<10240xf32, #tpu.memory_space<vmem_shared>>
      %dma_wait3A_227 = tpu.memref_slice %arg13[%mul3A_51] : memref<163840xf32, #tpu.memory_space<vmem_shared>> -> memref<10240xf32, #tpu.memory_space<vmem_shared>>
      tpu.wait_dma2 semaphore(%run_scoped3A : memref<!tpu.dma_semaphore, #tpu.memory_space<semaphore_mem>>) src(%arg8 : memref<10240xf32, #tpu.memory_space<vmem>>) dst(%dma_wait3A_227 : memref<10240xf32, #tpu.memory_space<vmem_shared>>)
      tpu.yield
    }) : () -> ()
    %barrier3A = arith.constant 0 : index
    tpu.barrier barrier_id(%barrier3A)
    %mul3A_52 = arith.constant 640 : i32
    %mul3A_53 = arith.muli %arg1, %mul3A_52 : i32
    %add3A_54 = arith.constant 0 : i32
    %add3A_55 = arith.addi %add3A_54, %mul3A_53 : i32
    "tpu.region"() ({
      %run_scoped3A = tpu.sem_alloc : memref<!tpu.dma_semaphore, #tpu.memory_space<semaphore_mem>>
      %dma_start3A_224 = arith.constant 0 : i32
      %dma_start3A_225 = tpu.memref_slice %arg9[%dma_start3A_224] : memref<10240xf32, #tpu.memory_space<vmem>> -> memref<640xf32, #tpu.memory_space<vmem>>
      %dma_start3A_226 = tpu.memref_slice %arg12[%add3A_55] : memref<163840xf32, #tpu.memory_space<vmem_shared>> -> memref<640xf32, #tpu.memory_space<vmem_shared>>
      %dma_start3A_227 = arith.constant 0 : i32
      %dma_start3A_228 = tpu.memref_slice %arg9[%dma_start3A_227] : memref<10240xf32, #tpu.memory_space<vmem>> -> memref<640xf32, #tpu.memory_space<vmem>>
      %dma_start3A_229 = tpu.memref_slice %arg12[%add3A_55] : memref<163840xf32, #tpu.memory_space<vmem_shared>> -> memref<640xf32, #tpu.memory_space<vmem_shared>>
      tpu.enqueue_dma source(%dma_start3A_229 : memref<640xf32, #tpu.memory_space<vmem_shared>>) target(%dma_start3A_228 : memref<640xf32, #tpu.memory_space<vmem>>) target_semaphore(%run_scoped3A : memref<!tpu.dma_semaphore, #tpu.memory_space<semaphore_mem>>)
      %dma_wait3A_230 = arith.constant 0 : i32
      %dma_wait3A_231 = tpu.memref_slice %arg9[%dma_wait3A_230] : memref<10240xf32, #tpu.memory_space<vmem>> -> memref<640xf32, #tpu.memory_space<vmem>>
      %dma_wait3A_232 = tpu.memref_slice %arg12[%add3A_55] : memref<163840xf32, #tpu.memory_space<vmem_shared>> -> memref<640xf32, #tpu.memory_space<vmem_shared>>
      %dma_wait3A_233 = arith.constant 0 : i32
      %dma_wait3A_234 = tpu.memref_slice %arg9[%dma_wait3A_233] : memref<10240xf32, #tpu.memory_space<vmem>> -> memref<640xf32, #tpu.memory_space<vmem>>
      %dma_wait3A_235 = tpu.memref_slice %arg12[%add3A_55] : memref<163840xf32, #tpu.memory_space<vmem_shared>> -> memref<640xf32, #tpu.memory_space<vmem_shared>>
      tpu.wait_dma2 semaphore(%run_scoped3A : memref<!tpu.dma_semaphore, #tpu.memory_space<semaphore_mem>>) src(%dma_wait3A_235 : memref<640xf32, #tpu.memory_space<vmem_shared>>) dst(%dma_wait3A_234 : memref<640xf32, #tpu.memory_space<vmem>>)
      tpu.yield
    }) : () -> ()
    %mul3A_56 = arith.constant 640 : i32
    %mul3A_57 = arith.muli %arg1, %mul3A_56 : i32
    %add3A_58 = arith.constant 10240 : i32
    %add3A_59 = arith.addi %add3A_58, %mul3A_57 : i32
    "tpu.region"() ({
      %run_scoped3A = tpu.sem_alloc : memref<!tpu.dma_semaphore, #tpu.memory_space<semaphore_mem>>
      %dma_start3A_224 = arith.constant 640 : i32
      %dma_start3A_225 = tpu.memref_slice %arg9[%dma_start3A_224] : memref<10240xf32, #tpu.memory_space<vmem>> -> memref<640xf32, #tpu.memory_space<vmem>>
      %dma_start3A_226 = tpu.memref_slice %arg12[%add3A_59] : memref<163840xf32, #tpu.memory_space<vmem_shared>> -> memref<640xf32, #tpu.memory_space<vmem_shared>>
      %dma_start3A_227 = arith.constant 640 : i32
      %dma_start3A_228 = tpu.memref_slice %arg9[%dma_start3A_227] : memref<10240xf32, #tpu.memory_space<vmem>> -> memref<640xf32, #tpu.memory_space<vmem>>
      %dma_start3A_229 = tpu.memref_slice %arg12[%add3A_59] : memref<163840xf32, #tpu.memory_space<vmem_shared>> -> memref<640xf32, #tpu.memory_space<vmem_shared>>
      tpu.enqueue_dma source(%dma_start3A_229 : memref<640xf32, #tpu.memory_space<vmem_shared>>) target(%dma_start3A_228 : memref<640xf32, #tpu.memory_space<vmem>>) target_semaphore(%run_scoped3A : memref<!tpu.dma_semaphore, #tpu.memory_space<semaphore_mem>>)
      %dma_wait3A_230 = arith.constant 640 : i32
      %dma_wait3A_231 = tpu.memref_slice %arg9[%dma_wait3A_230] : memref<10240xf32, #tpu.memory_space<vmem>> -> memref<640xf32, #tpu.memory_space<vmem>>
      %dma_wait3A_232 = tpu.memref_slice %arg12[%add3A_59] : memref<163840xf32, #tpu.memory_space<vmem_shared>> -> memref<640xf32, #tpu.memory_space<vmem_shared>>
      %dma_wait3A_233 = arith.constant 640 : i32
      %dma_wait3A_234 = tpu.memref_slice %arg9[%dma_wait3A_233] : memref<10240xf32, #tpu.memory_space<vmem>> -> memref<640xf32, #tpu.memory_space<vmem>>
      %dma_wait3A_235 = tpu.memref_slice %arg12[%add3A_59] : memref<163840xf32, #tpu.memory_space<vmem_shared>> -> memref<640xf32, #tpu.memory_space<vmem_shared>>
      tpu.wait_dma2 semaphore(%run_scoped3A : memref<!tpu.dma_semaphore, #tpu.memory_space<semaphore_mem>>) src(%dma_wait3A_235 : memref<640xf32, #tpu.memory_space<vmem_shared>>) dst(%dma_wait3A_234 : memref<640xf32, #tpu.memory_space<vmem>>)
      tpu.yield
    }) : () -> ()
    %mul3A_60 = arith.constant 640 : i32
    %mul3A_61 = arith.muli %arg1, %mul3A_60 : i32
    %add3A_62 = arith.constant 20480 : i32
    %add3A_63 = arith.addi %add3A_62, %mul3A_61 : i32
    "tpu.region"() ({
      %run_scoped3A = tpu.sem_alloc : memref<!tpu.dma_semaphore, #tpu.memory_space<semaphore_mem>>
      %dma_start3A_224 = arith.constant 1280 : i32
      %dma_start3A_225 = tpu.memref_slice %arg9[%dma_start3A_224] : memref<10240xf32, #tpu.memory_space<vmem>> -> memref<640xf32, #tpu.memory_space<vmem>>
      %dma_start3A_226 = tpu.memref_slice %arg12[%add3A_63] : memref<163840xf32, #tpu.memory_space<vmem_shared>> -> memref<640xf32, #tpu.memory_space<vmem_shared>>
      %dma_start3A_227 = arith.constant 1280 : i32
      %dma_start3A_228 = tpu.memref_slice %arg9[%dma_start3A_227] : memref<10240xf32, #tpu.memory_space<vmem>> -> memref<640xf32, #tpu.memory_space<vmem>>
      %dma_start3A_229 = tpu.memref_slice %arg12[%add3A_63] : memref<163840xf32, #tpu.memory_space<vmem_shared>> -> memref<640xf32, #tpu.memory_space<vmem_shared>>
      tpu.enqueue_dma source(%dma_start3A_229 : memref<640xf32, #tpu.memory_space<vmem_shared>>) target(%dma_start3A_228 : memref<640xf32, #tpu.memory_space<vmem>>) target_semaphore(%run_scoped3A : memref<!tpu.dma_semaphore, #tpu.memory_space<semaphore_mem>>)
      %dma_wait3A_230 = arith.constant 1280 : i32
      %dma_wait3A_231 = tpu.memref_slice %arg9[%dma_wait3A_230] : memref<10240xf32, #tpu.memory_space<vmem>> -> memref<640xf32, #tpu.memory_space<vmem>>
      %dma_wait3A_232 = tpu.memref_slice %arg12[%add3A_63] : memref<163840xf32, #tpu.memory_space<vmem_shared>> -> memref<640xf32, #tpu.memory_space<vmem_shared>>
      %dma_wait3A_233 = arith.constant 1280 : i32
      %dma_wait3A_234 = tpu.memref_slice %arg9[%dma_wait3A_233] : memref<10240xf32, #tpu.memory_space<vmem>> -> memref<640xf32, #tpu.memory_space<vmem>>
      %dma_wait3A_235 = tpu.memref_slice %arg12[%add3A_63] : memref<163840xf32, #tpu.memory_space<vmem_shared>> -> memref<640xf32, #tpu.memory_space<vmem_shared>>
      tpu.wait_dma2 semaphore(%run_scoped3A : memref<!tpu.dma_semaphore, #tpu.memory_space<semaphore_mem>>) src(%dma_wait3A_235 : memref<640xf32, #tpu.memory_space<vmem_shared>>) dst(%dma_wait3A_234 : memref<640xf32, #tpu.memory_space<vmem>>)
      tpu.yield
    }) : () -> ()
    %mul3A_64 = arith.constant 640 : i32
    %mul3A_65 = arith.muli %arg1, %mul3A_64 : i32
    %add3A_66 = arith.constant 30720 : i32
    %add3A_67 = arith.addi %add3A_66, %mul3A_65 : i32
    "tpu.region"() ({
      %run_scoped3A = tpu.sem_alloc : memref<!tpu.dma_semaphore, #tpu.memory_space<semaphore_mem>>
      %dma_start3A_224 = arith.constant 1920 : i32
      %dma_start3A_225 = tpu.memref_slice %arg9[%dma_start3A_224] : memref<10240xf32, #tpu.memory_space<vmem>> -> memref<640xf32, #tpu.memory_space<vmem>>
      %dma_start3A_226 = tpu.memref_slice %arg12[%add3A_67] : memref<163840xf32, #tpu.memory_space<vmem_shared>> -> memref<640xf32, #tpu.memory_space<vmem_shared>>
      %dma_start3A_227 = arith.constant 1920 : i32
      %dma_start3A_228 = tpu.memref_slice %arg9[%dma_start3A_227] : memref<10240xf32, #tpu.memory_space<vmem>> -> memref<640xf32, #tpu.memory_space<vmem>>
      %dma_start3A_229 = tpu.memref_slice %arg12[%add3A_67] : memref<163840xf32, #tpu.memory_space<vmem_shared>> -> memref<640xf32, #tpu.memory_space<vmem_shared>>
      tpu.enqueue_dma source(%dma_start3A_229 : memref<640xf32, #tpu.memory_space<vmem_shared>>) target(%dma_start3A_228 : memref<640xf32, #tpu.memory_space<vmem>>) target_semaphore(%run_scoped3A : memref<!tpu.dma_semaphore, #tpu.memory_space<semaphore_mem>>)
      %dma_wait3A_230 = arith.constant 1920 : i32
      %dma_wait3A_231 = tpu.memref_slice %arg9[%dma_wait3A_230] : memref<10240xf32, #tpu.memory_space<vmem>> -> memref<640xf32, #tpu.memory_space<vmem>>
      %dma_wait3A_232 = tpu.memref_slice %arg12[%add3A_67] : memref<163840xf32, #tpu.memory_space<vmem_shared>> -> memref<640xf32, #tpu.memory_space<vmem_shared>>
      %dma_wait3A_233 = arith.constant 1920 : i32
      %dma_wait3A_234 = tpu.memref_slice %arg9[%dma_wait3A_233] : memref<10240xf32, #tpu.memory_space<vmem>> -> memref<640xf32, #tpu.memory_space<vmem>>
      %dma_wait3A_235 = tpu.memref_slice %arg12[%add3A_67] : memref<163840xf32, #tpu.memory_space<vmem_shared>> -> memref<640xf32, #tpu.memory_space<vmem_shared>>
      tpu.wait_dma2 semaphore(%run_scoped3A : memref<!tpu.dma_semaphore, #tpu.memory_space<semaphore_mem>>) src(%dma_wait3A_235 : memref<640xf32, #tpu.memory_space<vmem_shared>>) dst(%dma_wait3A_234 : memref<640xf32, #tpu.memory_space<vmem>>)
      tpu.yield
    }) : () -> ()
    %mul3A_68 = arith.constant 640 : i32
    %mul3A_69 = arith.muli %arg1, %mul3A_68 : i32
    %add3A_70 = arith.constant 40960 : i32
    %add3A_71 = arith.addi %add3A_70, %mul3A_69 : i32
    "tpu.region"() ({
      %run_scoped3A = tpu.sem_alloc : memref<!tpu.dma_semaphore, #tpu.memory_space<semaphore_mem>>
      %dma_start3A_224 = arith.constant 2560 : i32
      %dma_start3A_225 = tpu.memref_slice %arg9[%dma_start3A_224] : memref<10240xf32, #tpu.memory_space<vmem>> -> memref<640xf32, #tpu.memory_space<vmem>>
      %dma_start3A_226 = tpu.memref_slice %arg12[%add3A_71] : memref<163840xf32, #tpu.memory_space<vmem_shared>> -> memref<640xf32, #tpu.memory_space<vmem_shared>>
      %dma_start3A_227 = arith.constant 2560 : i32
      %dma_start3A_228 = tpu.memref_slice %arg9[%dma_start3A_227] : memref<10240xf32, #tpu.memory_space<vmem>> -> memref<640xf32, #tpu.memory_space<vmem>>
      %dma_start3A_229 = tpu.memref_slice %arg12[%add3A_71] : memref<163840xf32, #tpu.memory_space<vmem_shared>> -> memref<640xf32, #tpu.memory_space<vmem_shared>>
      tpu.enqueue_dma source(%dma_start3A_229 : memref<640xf32, #tpu.memory_space<vmem_shared>>) target(%dma_start3A_228 : memref<640xf32, #tpu.memory_space<vmem>>) target_semaphore(%run_scoped3A : memref<!tpu.dma_semaphore, #tpu.memory_space<semaphore_mem>>)
      %dma_wait3A_230 = arith.constant 2560 : i32
      %dma_wait3A_231 = tpu.memref_slice %arg9[%dma_wait3A_230] : memref<10240xf32, #tpu.memory_space<vmem>> -> memref<640xf32, #tpu.memory_space<vmem>>
      %dma_wait3A_232 = tpu.memref_slice %arg12[%add3A_71] : memref<163840xf32, #tpu.memory_space<vmem_shared>> -> memref<640xf32, #tpu.memory_space<vmem_shared>>
      %dma_wait3A_233 = arith.constant 2560 : i32
      %dma_wait3A_234 = tpu.memref_slice %arg9[%dma_wait3A_233] : memref<10240xf32, #tpu.memory_space<vmem>> -> memref<640xf32, #tpu.memory_space<vmem>>
      %dma_wait3A_235 = tpu.memref_slice %arg12[%add3A_71] : memref<163840xf32, #tpu.memory_space<vmem_shared>> -> memref<640xf32, #tpu.memory_space<vmem_shared>>
      tpu.wait_dma2 semaphore(%run_scoped3A : memref<!tpu.dma_semaphore, #tpu.memory_space<semaphore_mem>>) src(%dma_wait3A_235 : memref<640xf32, #tpu.memory_space<vmem_shared>>) dst(%dma_wait3A_234 : memref<640xf32, #tpu.memory_space<vmem>>)
      tpu.yield
    }) : () -> ()
    %mul3A_72 = arith.constant 640 : i32
    %mul3A_73 = arith.muli %arg1, %mul3A_72 : i32
    %add3A_74 = arith.constant 51200 : i32
    %add3A_75 = arith.addi %add3A_74, %mul3A_73 : i32
    "tpu.region"() ({
      %run_scoped3A = tpu.sem_alloc : memref<!tpu.dma_semaphore, #tpu.memory_space<semaphore_mem>>
      %dma_start3A_224 = arith.constant 3200 : i32
      %dma_start3A_225 = tpu.memref_slice %arg9[%dma_start3A_224] : memref<10240xf32, #tpu.memory_space<vmem>> -> memref<640xf32, #tpu.memory_space<vmem>>
      %dma_start3A_226 = tpu.memref_slice %arg12[%add3A_75] : memref<163840xf32, #tpu.memory_space<vmem_shared>> -> memref<640xf32, #tpu.memory_space<vmem_shared>>
      %dma_start3A_227 = arith.constant 3200 : i32
      %dma_start3A_228 = tpu.memref_slice %arg9[%dma_start3A_227] : memref<10240xf32, #tpu.memory_space<vmem>> -> memref<640xf32, #tpu.memory_space<vmem>>
      %dma_start3A_229 = tpu.memref_slice %arg12[%add3A_75] : memref<163840xf32, #tpu.memory_space<vmem_shared>> -> memref<640xf32, #tpu.memory_space<vmem_shared>>
      tpu.enqueue_dma source(%dma_start3A_229 : memref<640xf32, #tpu.memory_space<vmem_shared>>) target(%dma_start3A_228 : memref<640xf32, #tpu.memory_space<vmem>>) target_semaphore(%run_scoped3A : memref<!tpu.dma_semaphore, #tpu.memory_space<semaphore_mem>>)
      %dma_wait3A_230 = arith.constant 3200 : i32
      %dma_wait3A_231 = tpu.memref_slice %arg9[%dma_wait3A_230] : memref<10240xf32, #tpu.memory_space<vmem>> -> memref<640xf32, #tpu.memory_space<vmem>>
      %dma_wait3A_232 = tpu.memref_slice %arg12[%add3A_75] : memref<163840xf32, #tpu.memory_space<vmem_shared>> -> memref<640xf32, #tpu.memory_space<vmem_shared>>
      %dma_wait3A_233 = arith.constant 3200 : i32
      %dma_wait3A_234 = tpu.memref_slice %arg9[%dma_wait3A_233] : memref<10240xf32, #tpu.memory_space<vmem>> -> memref<640xf32, #tpu.memory_space<vmem>>
      %dma_wait3A_235 = tpu.memref_slice %arg12[%add3A_75] : memref<163840xf32, #tpu.memory_space<vmem_shared>> -> memref<640xf32, #tpu.memory_space<vmem_shared>>
      tpu.wait_dma2 semaphore(%run_scoped3A : memref<!tpu.dma_semaphore, #tpu.memory_space<semaphore_mem>>) src(%dma_wait3A_235 : memref<640xf32, #tpu.memory_space<vmem_shared>>) dst(%dma_wait3A_234 : memref<640xf32, #tpu.memory_space<vmem>>)
      tpu.yield
    }) : () -> ()
    %mul3A_76 = arith.constant 640 : i32
    %mul3A_77 = arith.muli %arg1, %mul3A_76 : i32
    %add3A_78 = arith.constant 61440 : i32
    %add3A_79 = arith.addi %add3A_78, %mul3A_77 : i32
    "tpu.region"() ({
      %run_scoped3A = tpu.sem_alloc : memref<!tpu.dma_semaphore, #tpu.memory_space<semaphore_mem>>
      %dma_start3A_224 = arith.constant 3840 : i32
      %dma_start3A_225 = tpu.memref_slice %arg9[%dma_start3A_224] : memref<10240xf32, #tpu.memory_space<vmem>> -> memref<640xf32, #tpu.memory_space<vmem>>
      %dma_start3A_226 = tpu.memref_slice %arg12[%add3A_79] : memref<163840xf32, #tpu.memory_space<vmem_shared>> -> memref<640xf32, #tpu.memory_space<vmem_shared>>
      %dma_start3A_227 = arith.constant 3840 : i32
      %dma_start3A_228 = tpu.memref_slice %arg9[%dma_start3A_227] : memref<10240xf32, #tpu.memory_space<vmem>> -> memref<640xf32, #tpu.memory_space<vmem>>
      %dma_start3A_229 = tpu.memref_slice %arg12[%add3A_79] : memref<163840xf32, #tpu.memory_space<vmem_shared>> -> memref<640xf32, #tpu.memory_space<vmem_shared>>
      tpu.enqueue_dma source(%dma_start3A_229 : memref<640xf32, #tpu.memory_space<vmem_shared>>) target(%dma_start3A_228 : memref<640xf32, #tpu.memory_space<vmem>>) target_semaphore(%run_scoped3A : memref<!tpu.dma_semaphore, #tpu.memory_space<semaphore_mem>>)
      %dma_wait3A_230 = arith.constant 3840 : i32
      %dma_wait3A_231 = tpu.memref_slice %arg9[%dma_wait3A_230] : memref<10240xf32, #tpu.memory_space<vmem>> -> memref<640xf32, #tpu.memory_space<vmem>>
      %dma_wait3A_232 = tpu.memref_slice %arg12[%add3A_79] : memref<163840xf32, #tpu.memory_space<vmem_shared>> -> memref<640xf32, #tpu.memory_space<vmem_shared>>
      %dma_wait3A_233 = arith.constant 3840 : i32
      %dma_wait3A_234 = tpu.memref_slice %arg9[%dma_wait3A_233] : memref<10240xf32, #tpu.memory_space<vmem>> -> memref<640xf32, #tpu.memory_space<vmem>>
      %dma_wait3A_235 = tpu.memref_slice %arg12[%add3A_79] : memref<163840xf32, #tpu.memory_space<vmem_shared>> -> memref<640xf32, #tpu.memory_space<vmem_shared>>
      tpu.wait_dma2 semaphore(%run_scoped3A : memref<!tpu.dma_semaphore, #tpu.memory_space<semaphore_mem>>) src(%dma_wait3A_235 : memref<640xf32, #tpu.memory_space<vmem_shared>>) dst(%dma_wait3A_234 : memref<640xf32, #tpu.memory_space<vmem>>)
      tpu.yield
    }) : () -> ()
    %mul3A_80 = arith.constant 640 : i32
    %mul3A_81 = arith.muli %arg1, %mul3A_80 : i32
    %add3A_82 = arith.constant 71680 : i32
    %add3A_83 = arith.addi %add3A_82, %mul3A_81 : i32
    "tpu.region"() ({
      %run_scoped3A = tpu.sem_alloc : memref<!tpu.dma_semaphore, #tpu.memory_space<semaphore_mem>>
      %dma_start3A_224 = arith.constant 4480 : i32
      %dma_start3A_225 = tpu.memref_slice %arg9[%dma_start3A_224] : memref<10240xf32, #tpu.memory_space<vmem>> -> memref<640xf32, #tpu.memory_space<vmem>>
      %dma_start3A_226 = tpu.memref_slice %arg12[%add3A_83] : memref<163840xf32, #tpu.memory_space<vmem_shared>> -> memref<640xf32, #tpu.memory_space<vmem_shared>>
      %dma_start3A_227 = arith.constant 4480 : i32
      %dma_start3A_228 = tpu.memref_slice %arg9[%dma_start3A_227] : memref<10240xf32, #tpu.memory_space<vmem>> -> memref<640xf32, #tpu.memory_space<vmem>>
      %dma_start3A_229 = tpu.memref_slice %arg12[%add3A_83] : memref<163840xf32, #tpu.memory_space<vmem_shared>> -> memref<640xf32, #tpu.memory_space<vmem_shared>>
      tpu.enqueue_dma source(%dma_start3A_229 : memref<640xf32, #tpu.memory_space<vmem_shared>>) target(%dma_start3A_228 : memref<640xf32, #tpu.memory_space<vmem>>) target_semaphore(%run_scoped3A : memref<!tpu.dma_semaphore, #tpu.memory_space<semaphore_mem>>)
      %dma_wait3A_230 = arith.constant 4480 : i32
      %dma_wait3A_231 = tpu.memref_slice %arg9[%dma_wait3A_230] : memref<10240xf32, #tpu.memory_space<vmem>> -> memref<640xf32, #tpu.memory_space<vmem>>
      %dma_wait3A_232 = tpu.memref_slice %arg12[%add3A_83] : memref<163840xf32, #tpu.memory_space<vmem_shared>> -> memref<640xf32, #tpu.memory_space<vmem_shared>>
      %dma_wait3A_233 = arith.constant 4480 : i32
      %dma_wait3A_234 = tpu.memref_slice %arg9[%dma_wait3A_233] : memref<10240xf32, #tpu.memory_space<vmem>> -> memref<640xf32, #tpu.memory_space<vmem>>
      %dma_wait3A_235 = tpu.memref_slice %arg12[%add3A_83] : memref<163840xf32, #tpu.memory_space<vmem_shared>> -> memref<640xf32, #tpu.memory_space<vmem_shared>>
      tpu.wait_dma2 semaphore(%run_scoped3A : memref<!tpu.dma_semaphore, #tpu.memory_space<semaphore_mem>>) src(%dma_wait3A_235 : memref<640xf32, #tpu.memory_space<vmem_shared>>) dst(%dma_wait3A_234 : memref<640xf32, #tpu.memory_space<vmem>>)
      tpu.yield
    }) : () -> ()
    %mul3A_84 = arith.constant 640 : i32
    %mul3A_85 = arith.muli %arg1, %mul3A_84 : i32
    %add3A_86 = arith.constant 81920 : i32
    %add3A_87 = arith.addi %add3A_86, %mul3A_85 : i32
    "tpu.region"() ({
      %run_scoped3A = tpu.sem_alloc : memref<!tpu.dma_semaphore, #tpu.memory_space<semaphore_mem>>
      %dma_start3A_224 = arith.constant 5120 : i32
      %dma_start3A_225 = tpu.memref_slice %arg9[%dma_start3A_224] : memref<10240xf32, #tpu.memory_space<vmem>> -> memref<640xf32, #tpu.memory_space<vmem>>
      %dma_start3A_226 = tpu.memref_slice %arg12[%add3A_87] : memref<163840xf32, #tpu.memory_space<vmem_shared>> -> memref<640xf32, #tpu.memory_space<vmem_shared>>
      %dma_start3A_227 = arith.constant 5120 : i32
      %dma_start3A_228 = tpu.memref_slice %arg9[%dma_start3A_227] : memref<10240xf32, #tpu.memory_space<vmem>> -> memref<640xf32, #tpu.memory_space<vmem>>
      %dma_start3A_229 = tpu.memref_slice %arg12[%add3A_87] : memref<163840xf32, #tpu.memory_space<vmem_shared>> -> memref<640xf32, #tpu.memory_space<vmem_shared>>
      tpu.enqueue_dma source(%dma_start3A_229 : memref<640xf32, #tpu.memory_space<vmem_shared>>) target(%dma_start3A_228 : memref<640xf32, #tpu.memory_space<vmem>>) target_semaphore(%run_scoped3A : memref<!tpu.dma_semaphore, #tpu.memory_space<semaphore_mem>>)
      %dma_wait3A_230 = arith.constant 5120 : i32
      %dma_wait3A_231 = tpu.memref_slice %arg9[%dma_wait3A_230] : memref<10240xf32, #tpu.memory_space<vmem>> -> memref<640xf32, #tpu.memory_space<vmem>>
      %dma_wait3A_232 = tpu.memref_slice %arg12[%add3A_87] : memref<163840xf32, #tpu.memory_space<vmem_shared>> -> memref<640xf32, #tpu.memory_space<vmem_shared>>
      %dma_wait3A_233 = arith.constant 5120 : i32
      %dma_wait3A_234 = tpu.memref_slice %arg9[%dma_wait3A_233] : memref<10240xf32, #tpu.memory_space<vmem>> -> memref<640xf32, #tpu.memory_space<vmem>>
      %dma_wait3A_235 = tpu.memref_slice %arg12[%add3A_87] : memref<163840xf32, #tpu.memory_space<vmem_shared>> -> memref<640xf32, #tpu.memory_space<vmem_shared>>
      tpu.wait_dma2 semaphore(%run_scoped3A : memref<!tpu.dma_semaphore, #tpu.memory_space<semaphore_mem>>) src(%dma_wait3A_235 : memref<640xf32, #tpu.memory_space<vmem_shared>>) dst(%dma_wait3A_234 : memref<640xf32, #tpu.memory_space<vmem>>)
      tpu.yield
    }) : () -> ()
    %mul3A_88 = arith.constant 640 : i32
    %mul3A_89 = arith.muli %arg1, %mul3A_88 : i32
    %add3A_90 = arith.constant 92160 : i32
    %add3A_91 = arith.addi %add3A_90, %mul3A_89 : i32
    "tpu.region"() ({
      %run_scoped3A = tpu.sem_alloc : memref<!tpu.dma_semaphore, #tpu.memory_space<semaphore_mem>>
      %dma_start3A_224 = arith.constant 5760 : i32
      %dma_start3A_225 = tpu.memref_slice %arg9[%dma_start3A_224] : memref<10240xf32, #tpu.memory_space<vmem>> -> memref<640xf32, #tpu.memory_space<vmem>>
      %dma_start3A_226 = tpu.memref_slice %arg12[%add3A_91] : memref<163840xf32, #tpu.memory_space<vmem_shared>> -> memref<640xf32, #tpu.memory_space<vmem_shared>>
      %dma_start3A_227 = arith.constant 5760 : i32
      %dma_start3A_228 = tpu.memref_slice %arg9[%dma_start3A_227] : memref<10240xf32, #tpu.memory_space<vmem>> -> memref<640xf32, #tpu.memory_space<vmem>>
      %dma_start3A_229 = tpu.memref_slice %arg12[%add3A_91] : memref<163840xf32, #tpu.memory_space<vmem_shared>> -> memref<640xf32, #tpu.memory_space<vmem_shared>>
      tpu.enqueue_dma source(%dma_start3A_229 : memref<640xf32, #tpu.memory_space<vmem_shared>>) target(%dma_start3A_228 : memref<640xf32, #tpu.memory_space<vmem>>) target_semaphore(%run_scoped3A : memref<!tpu.dma_semaphore, #tpu.memory_space<semaphore_mem>>)
      %dma_wait3A_230 = arith.constant 5760 : i32
      %dma_wait3A_231 = tpu.memref_slice %arg9[%dma_wait3A_230] : memref<10240xf32, #tpu.memory_space<vmem>> -> memref<640xf32, #tpu.memory_space<vmem>>
      %dma_wait3A_232 = tpu.memref_slice %arg12[%add3A_91] : memref<163840xf32, #tpu.memory_space<vmem_shared>> -> memref<640xf32, #tpu.memory_space<vmem_shared>>
      %dma_wait3A_233 = arith.constant 5760 : i32
      %dma_wait3A_234 = tpu.memref_slice %arg9[%dma_wait3A_233] : memref<10240xf32, #tpu.memory_space<vmem>> -> memref<640xf32, #tpu.memory_space<vmem>>
      %dma_wait3A_235 = tpu.memref_slice %arg12[%add3A_91] : memref<163840xf32, #tpu.memory_space<vmem_shared>> -> memref<640xf32, #tpu.memory_space<vmem_shared>>
      tpu.wait_dma2 semaphore(%run_scoped3A : memref<!tpu.dma_semaphore, #tpu.memory_space<semaphore_mem>>) src(%dma_wait3A_235 : memref<640xf32, #tpu.memory_space<vmem_shared>>) dst(%dma_wait3A_234 : memref<640xf32, #tpu.memory_space<vmem>>)
      tpu.yield
    }) : () -> ()
    %mul3A_92 = arith.constant 640 : i32
    %mul3A_93 = arith.muli %arg1, %mul3A_92 : i32
    %add3A_94 = arith.constant 102400 : i32
    %add3A_95 = arith.addi %add3A_94, %mul3A_93 : i32
    "tpu.region"() ({
      %run_scoped3A = tpu.sem_alloc : memref<!tpu.dma_semaphore, #tpu.memory_space<semaphore_mem>>
      %dma_start3A_224 = arith.constant 6400 : i32
      %dma_start3A_225 = tpu.memref_slice %arg9[%dma_start3A_224] : memref<10240xf32, #tpu.memory_space<vmem>> -> memref<640xf32, #tpu.memory_space<vmem>>
      %dma_start3A_226 = tpu.memref_slice %arg12[%add3A_95] : memref<163840xf32, #tpu.memory_space<vmem_shared>> -> memref<640xf32, #tpu.memory_space<vmem_shared>>
      %dma_start3A_227 = arith.constant 6400 : i32
      %dma_start3A_228 = tpu.memref_slice %arg9[%dma_start3A_227] : memref<10240xf32, #tpu.memory_space<vmem>> -> memref<640xf32, #tpu.memory_space<vmem>>
      %dma_start3A_229 = tpu.memref_slice %arg12[%add3A_95] : memref<163840xf32, #tpu.memory_space<vmem_shared>> -> memref<640xf32, #tpu.memory_space<vmem_shared>>
      tpu.enqueue_dma source(%dma_start3A_229 : memref<640xf32, #tpu.memory_space<vmem_shared>>) target(%dma_start3A_228 : memref<640xf32, #tpu.memory_space<vmem>>) target_semaphore(%run_scoped3A : memref<!tpu.dma_semaphore, #tpu.memory_space<semaphore_mem>>)
      %dma_wait3A_230 = arith.constant 6400 : i32
      %dma_wait3A_231 = tpu.memref_slice %arg9[%dma_wait3A_230] : memref<10240xf32, #tpu.memory_space<vmem>> -> memref<640xf32, #tpu.memory_space<vmem>>
      %dma_wait3A_232 = tpu.memref_slice %arg12[%add3A_95] : memref<163840xf32, #tpu.memory_space<vmem_shared>> -> memref<640xf32, #tpu.memory_space<vmem_shared>>
      %dma_wait3A_233 = arith.constant 6400 : i32
      %dma_wait3A_234 = tpu.memref_slice %arg9[%dma_wait3A_233] : memref<10240xf32, #tpu.memory_space<vmem>> -> memref<640xf32, #tpu.memory_space<vmem>>
      %dma_wait3A_235 = tpu.memref_slice %arg12[%add3A_95] : memref<163840xf32, #tpu.memory_space<vmem_shared>> -> memref<640xf32, #tpu.memory_space<vmem_shared>>
      tpu.wait_dma2 semaphore(%run_scoped3A : memref<!tpu.dma_semaphore, #tpu.memory_space<semaphore_mem>>) src(%dma_wait3A_235 : memref<640xf32, #tpu.memory_space<vmem_shared>>) dst(%dma_wait3A_234 : memref<640xf32, #tpu.memory_space<vmem>>)
      tpu.yield
    }) : () -> ()
    %mul3A_96 = arith.constant 640 : i32
    %mul3A_97 = arith.muli %arg1, %mul3A_96 : i32
    %add3A_98 = arith.constant 112640 : i32
    %add3A_99 = arith.addi %add3A_98, %mul3A_97 : i32
    "tpu.region"() ({
      %run_scoped3A = tpu.sem_alloc : memref<!tpu.dma_semaphore, #tpu.memory_space<semaphore_mem>>
      %dma_start3A_224 = arith.constant 7040 : i32
      %dma_start3A_225 = tpu.memref_slice %arg9[%dma_start3A_224] : memref<10240xf32, #tpu.memory_space<vmem>> -> memref<640xf32, #tpu.memory_space<vmem>>
      %dma_start3A_226 = tpu.memref_slice %arg12[%add3A_99] : memref<163840xf32, #tpu.memory_space<vmem_shared>> -> memref<640xf32, #tpu.memory_space<vmem_shared>>
      %dma_start3A_227 = arith.constant 7040 : i32
      %dma_start3A_228 = tpu.memref_slice %arg9[%dma_start3A_227] : memref<10240xf32, #tpu.memory_space<vmem>> -> memref<640xf32, #tpu.memory_space<vmem>>
      %dma_start3A_229 = tpu.memref_slice %arg12[%add3A_99] : memref<163840xf32, #tpu.memory_space<vmem_shared>> -> memref<640xf32, #tpu.memory_space<vmem_shared>>
      tpu.enqueue_dma source(%dma_start3A_229 : memref<640xf32, #tpu.memory_space<vmem_shared>>) target(%dma_start3A_228 : memref<640xf32, #tpu.memory_space<vmem>>) target_semaphore(%run_scoped3A : memref<!tpu.dma_semaphore, #tpu.memory_space<semaphore_mem>>)
      %dma_wait3A_230 = arith.constant 7040 : i32
      %dma_wait3A_231 = tpu.memref_slice %arg9[%dma_wait3A_230] : memref<10240xf32, #tpu.memory_space<vmem>> -> memref<640xf32, #tpu.memory_space<vmem>>
      %dma_wait3A_232 = tpu.memref_slice %arg12[%add3A_99] : memref<163840xf32, #tpu.memory_space<vmem_shared>> -> memref<640xf32, #tpu.memory_space<vmem_shared>>
      %dma_wait3A_233 = arith.constant 7040 : i32
      %dma_wait3A_234 = tpu.memref_slice %arg9[%dma_wait3A_233] : memref<10240xf32, #tpu.memory_space<vmem>> -> memref<640xf32, #tpu.memory_space<vmem>>
      %dma_wait3A_235 = tpu.memref_slice %arg12[%add3A_99] : memref<163840xf32, #tpu.memory_space<vmem_shared>> -> memref<640xf32, #tpu.memory_space<vmem_shared>>
      tpu.wait_dma2 semaphore(%run_scoped3A : memref<!tpu.dma_semaphore, #tpu.memory_space<semaphore_mem>>) src(%dma_wait3A_235 : memref<640xf32, #tpu.memory_space<vmem_shared>>) dst(%dma_wait3A_234 : memref<640xf32, #tpu.memory_space<vmem>>)
      tpu.yield
    }) : () -> ()
    %mul3A_100 = arith.constant 640 : i32
    %mul3A_101 = arith.muli %arg1, %mul3A_100 : i32
    %add3A_102 = arith.constant 122880 : i32
    %add3A_103 = arith.addi %add3A_102, %mul3A_101 : i32
    "tpu.region"() ({
      %run_scoped3A = tpu.sem_alloc : memref<!tpu.dma_semaphore, #tpu.memory_space<semaphore_mem>>
      %dma_start3A_224 = arith.constant 7680 : i32
      %dma_start3A_225 = tpu.memref_slice %arg9[%dma_start3A_224] : memref<10240xf32, #tpu.memory_space<vmem>> -> memref<640xf32, #tpu.memory_space<vmem>>
      %dma_start3A_226 = tpu.memref_slice %arg12[%add3A_103] : memref<163840xf32, #tpu.memory_space<vmem_shared>> -> memref<640xf32, #tpu.memory_space<vmem_shared>>
      %dma_start3A_227 = arith.constant 7680 : i32
      %dma_start3A_228 = tpu.memref_slice %arg9[%dma_start3A_227] : memref<10240xf32, #tpu.memory_space<vmem>> -> memref<640xf32, #tpu.memory_space<vmem>>
      %dma_start3A_229 = tpu.memref_slice %arg12[%add3A_103] : memref<163840xf32, #tpu.memory_space<vmem_shared>> -> memref<640xf32, #tpu.memory_space<vmem_shared>>
      tpu.enqueue_dma source(%dma_start3A_229 : memref<640xf32, #tpu.memory_space<vmem_shared>>) target(%dma_start3A_228 : memref<640xf32, #tpu.memory_space<vmem>>) target_semaphore(%run_scoped3A : memref<!tpu.dma_semaphore, #tpu.memory_space<semaphore_mem>>)
      %dma_wait3A_230 = arith.constant 7680 : i32
      %dma_wait3A_231 = tpu.memref_slice %arg9[%dma_wait3A_230] : memref<10240xf32, #tpu.memory_space<vmem>> -> memref<640xf32, #tpu.memory_space<vmem>>
      %dma_wait3A_232 = tpu.memref_slice %arg12[%add3A_103] : memref<163840xf32, #tpu.memory_space<vmem_shared>> -> memref<640xf32, #tpu.memory_space<vmem_shared>>
      %dma_wait3A_233 = arith.constant 7680 : i32
      %dma_wait3A_234 = tpu.memref_slice %arg9[%dma_wait3A_233] : memref<10240xf32, #tpu.memory_space<vmem>> -> memref<640xf32, #tpu.memory_space<vmem>>
      %dma_wait3A_235 = tpu.memref_slice %arg12[%add3A_103] : memref<163840xf32, #tpu.memory_space<vmem_shared>> -> memref<640xf32, #tpu.memory_space<vmem_shared>>
      tpu.wait_dma2 semaphore(%run_scoped3A : memref<!tpu.dma_semaphore, #tpu.memory_space<semaphore_mem>>) src(%dma_wait3A_235 : memref<640xf32, #tpu.memory_space<vmem_shared>>) dst(%dma_wait3A_234 : memref<640xf32, #tpu.memory_space<vmem>>)
      tpu.yield
    }) : () -> ()
    %mul3A_104 = arith.constant 640 : i32
    %mul3A_105 = arith.muli %arg1, %mul3A_104 : i32
    %add3A_106 = arith.constant 133120 : i32
    %add3A_107 = arith.addi %add3A_106, %mul3A_105 : i32
    "tpu.region"() ({
      %run_scoped3A = tpu.sem_alloc : memref<!tpu.dma_semaphore, #tpu.memory_space<semaphore_mem>>
      %dma_start3A_224 = arith.constant 8320 : i32
      %dma_start3A_225 = tpu.memref_slice %arg9[%dma_start3A_224] : memref<10240xf32, #tpu.memory_space<vmem>> -> memref<640xf32, #tpu.memory_space<vmem>>
      %dma_start3A_226 = tpu.memref_slice %arg12[%add3A_107] : memref<163840xf32, #tpu.memory_space<vmem_shared>> -> memref<640xf32, #tpu.memory_space<vmem_shared>>
      %dma_start3A_227 = arith.constant 8320 : i32
      %dma_start3A_228 = tpu.memref_slice %arg9[%dma_start3A_227] : memref<10240xf32, #tpu.memory_space<vmem>> -> memref<640xf32, #tpu.memory_space<vmem>>
      %dma_start3A_229 = tpu.memref_slice %arg12[%add3A_107] : memref<163840xf32, #tpu.memory_space<vmem_shared>> -> memref<640xf32, #tpu.memory_space<vmem_shared>>
      tpu.enqueue_dma source(%dma_start3A_229 : memref<640xf32, #tpu.memory_space<vmem_shared>>) target(%dma_start3A_228 : memref<640xf32, #tpu.memory_space<vmem>>) target_semaphore(%run_scoped3A : memref<!tpu.dma_semaphore, #tpu.memory_space<semaphore_mem>>)
      %dma_wait3A_230 = arith.constant 8320 : i32
      %dma_wait3A_231 = tpu.memref_slice %arg9[%dma_wait3A_230] : memref<10240xf32, #tpu.memory_space<vmem>> -> memref<640xf32, #tpu.memory_space<vmem>>
      %dma_wait3A_232 = tpu.memref_slice %arg12[%add3A_107] : memref<163840xf32, #tpu.memory_space<vmem_shared>> -> memref<640xf32, #tpu.memory_space<vmem_shared>>
      %dma_wait3A_233 = arith.constant 8320 : i32
      %dma_wait3A_234 = tpu.memref_slice %arg9[%dma_wait3A_233] : memref<10240xf32, #tpu.memory_space<vmem>> -> memref<640xf32, #tpu.memory_space<vmem>>
      %dma_wait3A_235 = tpu.memref_slice %arg12[%add3A_107] : memref<163840xf32, #tpu.memory_space<vmem_shared>> -> memref<640xf32, #tpu.memory_space<vmem_shared>>
      tpu.wait_dma2 semaphore(%run_scoped3A : memref<!tpu.dma_semaphore, #tpu.memory_space<semaphore_mem>>) src(%dma_wait3A_235 : memref<640xf32, #tpu.memory_space<vmem_shared>>) dst(%dma_wait3A_234 : memref<640xf32, #tpu.memory_space<vmem>>)
      tpu.yield
    }) : () -> ()
    %mul3A_108 = arith.constant 640 : i32
    %mul3A_109 = arith.muli %arg1, %mul3A_108 : i32
    %add3A_110 = arith.constant 143360 : i32
    %add3A_111 = arith.addi %add3A_110, %mul3A_109 : i32
    "tpu.region"() ({
      %run_scoped3A = tpu.sem_alloc : memref<!tpu.dma_semaphore, #tpu.memory_space<semaphore_mem>>
      %dma_start3A_224 = arith.constant 8960 : i32
      %dma_start3A_225 = tpu.memref_slice %arg9[%dma_start3A_224] : memref<10240xf32, #tpu.memory_space<vmem>> -> memref<640xf32, #tpu.memory_space<vmem>>
      %dma_start3A_226 = tpu.memref_slice %arg12[%add3A_111] : memref<163840xf32, #tpu.memory_space<vmem_shared>> -> memref<640xf32, #tpu.memory_space<vmem_shared>>
      %dma_start3A_227 = arith.constant 8960 : i32
      %dma_start3A_228 = tpu.memref_slice %arg9[%dma_start3A_227] : memref<10240xf32, #tpu.memory_space<vmem>> -> memref<640xf32, #tpu.memory_space<vmem>>
      %dma_start3A_229 = tpu.memref_slice %arg12[%add3A_111] : memref<163840xf32, #tpu.memory_space<vmem_shared>> -> memref<640xf32, #tpu.memory_space<vmem_shared>>
      tpu.enqueue_dma source(%dma_start3A_229 : memref<640xf32, #tpu.memory_space<vmem_shared>>) target(%dma_start3A_228 : memref<640xf32, #tpu.memory_space<vmem>>) target_semaphore(%run_scoped3A : memref<!tpu.dma_semaphore, #tpu.memory_space<semaphore_mem>>)
      %dma_wait3A_230 = arith.constant 8960 : i32
      %dma_wait3A_231 = tpu.memref_slice %arg9[%dma_wait3A_230] : memref<10240xf32, #tpu.memory_space<vmem>> -> memref<640xf32, #tpu.memory_space<vmem>>
      %dma_wait3A_232 = tpu.memref_slice %arg12[%add3A_111] : memref<163840xf32, #tpu.memory_space<vmem_shared>> -> memref<640xf32, #tpu.memory_space<vmem_shared>>
      %dma_wait3A_233 = arith.constant 8960 : i32
      %dma_wait3A_234 = tpu.memref_slice %arg9[%dma_wait3A_233] : memref<10240xf32, #tpu.memory_space<vmem>> -> memref<640xf32, #tpu.memory_space<vmem>>
      %dma_wait3A_235 = tpu.memref_slice %arg12[%add3A_111] : memref<163840xf32, #tpu.memory_space<vmem_shared>> -> memref<640xf32, #tpu.memory_space<vmem_shared>>
      tpu.wait_dma2 semaphore(%run_scoped3A : memref<!tpu.dma_semaphore, #tpu.memory_space<semaphore_mem>>) src(%dma_wait3A_235 : memref<640xf32, #tpu.memory_space<vmem_shared>>) dst(%dma_wait3A_234 : memref<640xf32, #tpu.memory_space<vmem>>)
      tpu.yield
    }) : () -> ()
    %mul3A_112 = arith.constant 640 : i32
    %mul3A_113 = arith.muli %arg1, %mul3A_112 : i32
    %add3A_114 = arith.constant 153600 : i32
    %add3A_115 = arith.addi %add3A_114, %mul3A_113 : i32
    "tpu.region"() ({
      %run_scoped3A = tpu.sem_alloc : memref<!tpu.dma_semaphore, #tpu.memory_space<semaphore_mem>>
      %dma_start3A_224 = arith.constant 9600 : i32
      %dma_start3A_225 = tpu.memref_slice %arg9[%dma_start3A_224] : memref<10240xf32, #tpu.memory_space<vmem>> -> memref<640xf32, #tpu.memory_space<vmem>>
      %dma_start3A_226 = tpu.memref_slice %arg12[%add3A_115] : memref<163840xf32, #tpu.memory_space<vmem_shared>> -> memref<640xf32, #tpu.memory_space<vmem_shared>>
      %dma_start3A_227 = arith.constant 9600 : i32
      %dma_start3A_228 = tpu.memref_slice %arg9[%dma_start3A_227] : memref<10240xf32, #tpu.memory_space<vmem>> -> memref<640xf32, #tpu.memory_space<vmem>>
      %dma_start3A_229 = tpu.memref_slice %arg12[%add3A_115] : memref<163840xf32, #tpu.memory_space<vmem_shared>> -> memref<640xf32, #tpu.memory_space<vmem_shared>>
      tpu.enqueue_dma source(%dma_start3A_229 : memref<640xf32, #tpu.memory_space<vmem_shared>>) target(%dma_start3A_228 : memref<640xf32, #tpu.memory_space<vmem>>) target_semaphore(%run_scoped3A : memref<!tpu.dma_semaphore, #tpu.memory_space<semaphore_mem>>)
      %dma_wait3A_230 = arith.constant 9600 : i32
      %dma_wait3A_231 = tpu.memref_slice %arg9[%dma_wait3A_230] : memref<10240xf32, #tpu.memory_space<vmem>> -> memref<640xf32, #tpu.memory_space<vmem>>
      %dma_wait3A_232 = tpu.memref_slice %arg12[%add3A_115] : memref<163840xf32, #tpu.memory_space<vmem_shared>> -> memref<640xf32, #tpu.memory_space<vmem_shared>>
      %dma_wait3A_233 = arith.constant 9600 : i32
      %dma_wait3A_234 = tpu.memref_slice %arg9[%dma_wait3A_233] : memref<10240xf32, #tpu.memory_space<vmem>> -> memref<640xf32, #tpu.memory_space<vmem>>
      %dma_wait3A_235 = tpu.memref_slice %arg12[%add3A_115] : memref<163840xf32, #tpu.memory_space<vmem_shared>> -> memref<640xf32, #tpu.memory_space<vmem_shared>>
      tpu.wait_dma2 semaphore(%run_scoped3A : memref<!tpu.dma_semaphore, #tpu.memory_space<semaphore_mem>>) src(%dma_wait3A_235 : memref<640xf32, #tpu.memory_space<vmem_shared>>) dst(%dma_wait3A_234 : memref<640xf32, #tpu.memory_space<vmem>>)
      tpu.yield
    }) : () -> ()
    %scan3A_116 = arith.constant 0 : i32
    %scan3A_117 = arith.constant 0 : i32
    %scan3A_118 = arith.constant 40 : i32
    %scan3A_119 = arith.addi %scan3A_117, %scan3A_118 : i32
    %scan3A_120 = arith.constant 1 : i32
    %scan3A_121 = scf.for %scan3A_224 = %scan3A_117 to %scan3A_119 step %scan3A_120 iter_args(%scan3A_225 = %scan3A_116) -> (i32)  : i32 {
      %mul3A_226 = arith.constant 16 : i32
      %mul3A_227 = arith.muli %scan3A_224, %mul3A_226 : i32
      %get3A = arith.index_cast %mul3A_227 : i32 to index
      %get3A_228 = tpu.vector_load %arg9[%get3A] {strides = array<i32>} : memref<10240xf32, #tpu.memory_space<vmem>>, vector<16xf32>,
      %mul3A_229 = arith.constant 16 : i32
      %mul3A_230 = arith.muli %scan3A_224, %mul3A_229 : i32
      %add3A_231 = arith.constant 640 : i32
      %add3A_232 = arith.addi %add3A_231, %mul3A_230 : i32
      %get3A_233 = arith.index_cast %add3A_232 : i32 to index
      %get3A_234 = tpu.vector_load %arg9[%get3A_233] {strides = array<i32>} : memref<10240xf32, #tpu.memory_space<vmem>>, vector<16xf32>,
      %add3A_235 = arith.addf %get3A_228, %get3A_234 : vector<16xf32>
      %mul3A_236 = arith.constant 16 : i32
      %mul3A_237 = arith.muli %scan3A_224, %mul3A_236 : i32
      %add3A_238 = arith.constant 1280 : i32
      %add3A_239 = arith.addi %add3A_238, %mul3A_237 : i32
      %get3A_240 = arith.index_cast %add3A_239 : i32 to index
      %get3A_241 = tpu.vector_load %arg9[%get3A_240] {strides = array<i32>} : memref<10240xf32, #tpu.memory_space<vmem>>, vector<16xf32>,
      %add3A_242 = arith.addf %add3A_235, %get3A_241 : vector<16xf32>
      %mul3A_243 = arith.constant 16 : i32
      %mul3A_244 = arith.muli %scan3A_224, %mul3A_243 : i32
      %add3A_245 = arith.constant 1920 : i32
      %add3A_246 = arith.addi %add3A_245, %mul3A_244 : i32
      %get3A_247 = arith.index_cast %add3A_246 : i32 to index
      %get3A_248 = tpu.vector_load %arg9[%get3A_247] {strides = array<i32>} : memref<10240xf32, #tpu.memory_space<vmem>>, vector<16xf32>,
      %add3A_249 = arith.addf %add3A_242, %get3A_248 : vector<16xf32>
      %mul3A_250 = arith.constant 16 : i32
      %mul3A_251 = arith.muli %scan3A_224, %mul3A_250 : i32
      %add3A_252 = arith.constant 2560 : i32
      %add3A_253 = arith.addi %add3A_252, %mul3A_251 : i32
      %get3A_254 = arith.index_cast %add3A_253 : i32 to index
      %get3A_255 = tpu.vector_load %arg9[%get3A_254] {strides = array<i32>} : memref<10240xf32, #tpu.memory_space<vmem>>, vector<16xf32>,
      %add3A_256 = arith.addf %add3A_249, %get3A_255 : vector<16xf32>
      %mul3A_257 = arith.constant 16 : i32
      %mul3A_258 = arith.muli %scan3A_224, %mul3A_257 : i32
      %add3A_259 = arith.constant 3200 : i32
      %add3A_260 = arith.addi %add3A_259, %mul3A_258 : i32
      %get3A_261 = arith.index_cast %add3A_260 : i32 to index
      %get3A_262 = tpu.vector_load %arg9[%get3A_261] {strides = array<i32>} : memref<10240xf32, #tpu.memory_space<vmem>>, vector<16xf32>,
      %add3A_263 = arith.addf %add3A_256, %get3A_262 : vector<16xf32>
      %mul3A_264 = arith.constant 16 : i32
      %mul3A_265 = arith.muli %scan3A_224, %mul3A_264 : i32
      %add3A_266 = arith.constant 3840 : i32
      %add3A_267 = arith.addi %add3A_266, %mul3A_265 : i32
      %get3A_268 = arith.index_cast %add3A_267 : i32 to index
      %get3A_269 = tpu.vector_load %arg9[%get3A_268] {strides = array<i32>} : memref<10240xf32, #tpu.memory_space<vmem>>, vector<16xf32>,
      %add3A_270 = arith.addf %add3A_263, %get3A_269 : vector<16xf32>
      %mul3A_271 = arith.constant 16 : i32
      %mul3A_272 = arith.muli %scan3A_224, %mul3A_271 : i32
      %add3A_273 = arith.constant 4480 : i32
      %add3A_274 = arith.addi %add3A_273, %mul3A_272 : i32
      %get3A_275 = arith.index_cast %add3A_274 : i32 to index
      %get3A_276 = tpu.vector_load %arg9[%get3A_275] {strides = array<i32>} : memref<10240xf32, #tpu.memory_space<vmem>>, vector<16xf32>,
      %add3A_277 = arith.addf %add3A_270, %get3A_276 : vector<16xf32>
      %mul3A_278 = arith.constant 16 : i32
      %mul3A_279 = arith.muli %scan3A_224, %mul3A_278 : i32
      %add3A_280 = arith.constant 5120 : i32
      %add3A_281 = arith.addi %add3A_280, %mul3A_279 : i32
      %get3A_282 = arith.index_cast %add3A_281 : i32 to index
      %get3A_283 = tpu.vector_load %arg9[%get3A_282] {strides = array<i32>} : memref<10240xf32, #tpu.memory_space<vmem>>, vector<16xf32>,
      %add3A_284 = arith.addf %add3A_277, %get3A_283 : vector<16xf32>
      %mul3A_285 = arith.constant 16 : i32
      %mul3A_286 = arith.muli %scan3A_224, %mul3A_285 : i32
      %add3A_287 = arith.constant 5760 : i32
      %add3A_288 = arith.addi %add3A_287, %mul3A_286 : i32
      %get3A_289 = arith.index_cast %add3A_288 : i32 to index
      %get3A_290 = tpu.vector_load %arg9[%get3A_289] {strides = array<i32>} : memref<10240xf32, #tpu.memory_space<vmem>>, vector<16xf32>,
      %add3A_291 = arith.addf %add3A_284, %get3A_290 : vector<16xf32>
      %mul3A_292 = arith.constant 16 : i32
      %mul3A_293 = arith.muli %scan3A_224, %mul3A_292 : i32
      %add3A_294 = arith.constant 6400 : i32
      %add3A_295 = arith.addi %add3A_294, %mul3A_293 : i32
      %get3A_296 = arith.index_cast %add3A_295 : i32 to index
      %get3A_297 = tpu.vector_load %arg9[%get3A_296] {strides = array<i32>} : memref<10240xf32, #tpu.memory_space<vmem>>, vector<16xf32>,
      %add3A_298 = arith.addf %add3A_291, %get3A_297 : vector<16xf32>
      %mul3A_299 = arith.constant 16 : i32
      %mul3A_300 = arith.muli %scan3A_224, %mul3A_299 : i32
      %add3A_301 = arith.constant 7040 : i32
      %add3A_302 = arith.addi %add3A_301, %mul3A_300 : i32
      %get3A_303 = arith.index_cast %add3A_302 : i32 to index
      %get3A_304 = tpu.vector_load %arg9[%get3A_303] {strides = array<i32>} : memref<10240xf32, #tpu.memory_space<vmem>>, vector<16xf32>,
      %add3A_305 = arith.addf %add3A_298, %get3A_304 : vector<16xf32>
      %mul3A_306 = arith.constant 16 : i32
      %mul3A_307 = arith.muli %scan3A_224, %mul3A_306 : i32
      %add3A_308 = arith.constant 7680 : i32
      %add3A_309 = arith.addi %add3A_308, %mul3A_307 : i32
      %get3A_310 = arith.index_cast %add3A_309 : i32 to index
      %get3A_311 = tpu.vector_load %arg9[%get3A_310] {strides = array<i32>} : memref<10240xf32, #tpu.memory_space<vmem>>, vector<16xf32>,
      %add3A_312 = arith.addf %add3A_305, %get3A_311 : vector<16xf32>
      %mul3A_313 = arith.constant 16 : i32
      %mul3A_314 = arith.muli %scan3A_224, %mul3A_313 : i32
      %add3A_315 = arith.constant 8320 : i32
      %add3A_316 = arith.addi %add3A_315, %mul3A_314 : i32
      %get3A_317 = arith.index_cast %add3A_316 : i32 to index
      %get3A_318 = tpu.vector_load %arg9[%get3A_317] {strides = array<i32>} : memref<10240xf32, #tpu.memory_space<vmem>>, vector<16xf32>,
      %add3A_319 = arith.addf %add3A_312, %get3A_318 : vector<16xf32>
      %mul3A_320 = arith.constant 16 : i32
      %mul3A_321 = arith.muli %scan3A_224, %mul3A_320 : i32
      %add3A_322 = arith.constant 8960 : i32
      %add3A_323 = arith.addi %add3A_322, %mul3A_321 : i32
      %get3A_324 = arith.index_cast %add3A_323 : i32 to index
      %get3A_325 = tpu.vector_load %arg9[%get3A_324] {strides = array<i32>} : memref<10240xf32, #tpu.memory_space<vmem>>, vector<16xf32>,
      %add3A_326 = arith.addf %add3A_319, %get3A_325 : vector<16xf32>
      %mul3A_327 = arith.constant 16 : i32
      %mul3A_328 = arith.muli %scan3A_224, %mul3A_327 : i32
      %add3A_329 = arith.constant 9600 : i32
      %add3A_330 = arith.addi %add3A_329, %mul3A_328 : i32
      %get3A_331 = arith.index_cast %add3A_330 : i32 to index
      %get3A_332 = tpu.vector_load %arg9[%get3A_331] {strides = array<i32>} : memref<10240xf32, #tpu.memory_space<vmem>>, vector<16xf32>,
      %add3A_333 = arith.addf %add3A_326, %get3A_332 : vector<16xf32>
      %mul3A_334 = arith.constant 16 : i32
      %mul3A_335 = arith.muli %scan3A_224, %mul3A_334 : i32
      %swap3A = arith.index_cast %mul3A_335 : i32 to index
      %swap3A_336 = tpu.vector_load %arg10[%swap3A] {strides = array<i32>} : memref<640xf32, #tpu.memory_space<vmem>>, vector<16xf32>,
      tpu.vector_store %arg10[%swap3A], %add3A_333 {strides = array<i32>} : memref<640xf32, #tpu.memory_space<vmem>>, vector<16xf32>,
      %scan3A_337 = arith.constant 0 : i32
      scf.yield %scan3A_337 : i32
    }
    %scan3A_122 = arith.constant 40 : i32
    %scan3A_123 = arith.constant 0 : i32
    %scan3A_124 = arith.constant 0 : i32
    %scan3A_125 = arith.constant 40 : i32
    %scan3A_126 = arith.addi %scan3A_124, %scan3A_125 : i32
    %scan3A_127 = arith.constant 1 : i32
    %scan3A_128 = scf.for %scan3A_224 = %scan3A_124 to %scan3A_126 step %scan3A_127 iter_args(%scan3A_225 = %scan3A_123) -> (i32)  : i32 {
      %mul3A_226 = arith.constant 16 : i32
      %mul3A_227 = arith.muli %scan3A_224, %mul3A_226 : i32
      %get3A = arith.index_cast %mul3A_227 : i32 to index
      %get3A_228 = tpu.vector_load %arg10[%get3A] {strides = array<i32>} : memref<640xf32, #tpu.memory_space<vmem>>, vector<16xf32>,
      %slice3A = vector.extract_strided_slice %get3A_228 {offsets = [0], sizes = [1], strides = [1]} : vector<16xf32> to vector<1xf32>
      %squeeze3A = vector.extract %slice3A[0] : f32 from vector<1xf32>
      %broadcast_in_dim3A_229 = vector.broadcast %squeeze3A : f32 to vector<16xf32>
      %mul3A_230 = arith.constant 256 : i32
      %mul3A_231 = arith.muli %scan3A_224, %mul3A_230 : i32
      %add3A_232 = arith.constant 0 : i32
      %add3A_233 = arith.addi %mul3A_231, %add3A_232 : i32
      %swap3A = arith.index_cast %add3A_233 : i32 to index
      %swap3A_234 = tpu.vector_load %arg11[%swap3A] {strides = array<i32>} : memref<10240xf32, #tpu.memory_space<vmem>>, vector<16xf32>,
      tpu.vector_store %arg11[%swap3A], %broadcast_in_dim3A_229 {strides = array<i32>} : memref<10240xf32, #tpu.memory_space<vmem>>, vector<16xf32>,
      %slice3A_235 = vector.extract_strided_slice %get3A_228 {offsets = [1], sizes = [1], strides = [1]} : vector<16xf32> to vector<1xf32>
      %squeeze3A_236 = vector.extract %slice3A_235[0] : f32 from vector<1xf32>
      %broadcast_in_dim3A_237 = vector.broadcast %squeeze3A_236 : f32 to vector<16xf32>
      %mul3A_238 = arith.constant 256 : i32
      %mul3A_239 = arith.muli %scan3A_224, %mul3A_238 : i32
      %add3A_240 = arith.constant 16 : i32
      %add3A_241 = arith.addi %mul3A_239, %add3A_240 : i32
      %swap3A_242 = arith.index_cast %add3A_241 : i32 to index
      %swap3A_243 = tpu.vector_load %arg11[%swap3A_242] {strides = array<i32>} : memref<10240xf32, #tpu.memory_space<vmem>>, vector<16xf32>,
      tpu.vector_store %arg11[%swap3A_242], %broadcast_in_dim3A_237 {strides = array<i32>} : memref<10240xf32, #tpu.memory_space<vmem>>, vector<16xf32>,
      %slice3A_244 = vector.extract_strided_slice %get3A_228 {offsets = [2], sizes = [1], strides = [1]} : vector<16xf32> to vector<1xf32>
      %squeeze3A_245 = vector.extract %slice3A_244[0] : f32 from vector<1xf32>
      %broadcast_in_dim3A_246 = vector.broadcast %squeeze3A_245 : f32 to vector<16xf32>
      %mul3A_247 = arith.constant 256 : i32
      %mul3A_248 = arith.muli %scan3A_224, %mul3A_247 : i32
      %add3A_249 = arith.constant 32 : i32
      %add3A_250 = arith.addi %mul3A_248, %add3A_249 : i32
      %swap3A_251 = arith.index_cast %add3A_250 : i32 to index
      %swap3A_252 = tpu.vector_load %arg11[%swap3A_251] {strides = array<i32>} : memref<10240xf32, #tpu.memory_space<vmem>>, vector<16xf32>,
      tpu.vector_store %arg11[%swap3A_251], %broadcast_in_dim3A_246 {strides = array<i32>} : memref<10240xf32, #tpu.memory_space<vmem>>, vector<16xf32>,
      %slice3A_253 = vector.extract_strided_slice %get3A_228 {offsets = [3], sizes = [1], strides = [1]} : vector<16xf32> to vector<1xf32>
      %squeeze3A_254 = vector.extract %slice3A_253[0] : f32 from vector<1xf32>
      %broadcast_in_dim3A_255 = vector.broadcast %squeeze3A_254 : f32 to vector<16xf32>
      %mul3A_256 = arith.constant 256 : i32
      %mul3A_257 = arith.muli %scan3A_224, %mul3A_256 : i32
      %add3A_258 = arith.constant 48 : i32
      %add3A_259 = arith.addi %mul3A_257, %add3A_258 : i32
      %swap3A_260 = arith.index_cast %add3A_259 : i32 to index
      %swap3A_261 = tpu.vector_load %arg11[%swap3A_260] {strides = array<i32>} : memref<10240xf32, #tpu.memory_space<vmem>>, vector<16xf32>,
      tpu.vector_store %arg11[%swap3A_260], %broadcast_in_dim3A_255 {strides = array<i32>} : memref<10240xf32, #tpu.memory_space<vmem>>, vector<16xf32>,
      %slice3A_262 = vector.extract_strided_slice %get3A_228 {offsets = [4], sizes = [1], strides = [1]} : vector<16xf32> to vector<1xf32>
      %squeeze3A_263 = vector.extract %slice3A_262[0] : f32 from vector<1xf32>
      %broadcast_in_dim3A_264 = vector.broadcast %squeeze3A_263 : f32 to vector<16xf32>
      %mul3A_265 = arith.constant 256 : i32
      %mul3A_266 = arith.muli %scan3A_224, %mul3A_265 : i32
      %add3A_267 = arith.constant 64 : i32
      %add3A_268 = arith.addi %mul3A_266, %add3A_267 : i32
      %swap3A_269 = arith.index_cast %add3A_268 : i32 to index
      %swap3A_270 = tpu.vector_load %arg11[%swap3A_269] {strides = array<i32>} : memref<10240xf32, #tpu.memory_space<vmem>>, vector<16xf32>,
      tpu.vector_store %arg11[%swap3A_269], %broadcast_in_dim3A_264 {strides = array<i32>} : memref<10240xf32, #tpu.memory_space<vmem>>, vector<16xf32>,
      %slice3A_271 = vector.extract_strided_slice %get3A_228 {offsets = [5], sizes = [1], strides = [1]} : vector<16xf32> to vector<1xf32>
      %squeeze3A_272 = vector.extract %slice3A_271[0] : f32 from vector<1xf32>
      %broadcast_in_dim3A_273 = vector.broadcast %squeeze3A_272 : f32 to vector<16xf32>
      %mul3A_274 = arith.constant 256 : i32
      %mul3A_275 = arith.muli %scan3A_224, %mul3A_274 : i32
      %add3A_276 = arith.constant 80 : i32
      %add3A_277 = arith.addi %mul3A_275, %add3A_276 : i32
      %swap3A_278 = arith.index_cast %add3A_277 : i32 to index
      %swap3A_279 = tpu.vector_load %arg11[%swap3A_278] {strides = array<i32>} : memref<10240xf32, #tpu.memory_space<vmem>>, vector<16xf32>,
      tpu.vector_store %arg11[%swap3A_278], %broadcast_in_dim3A_273 {strides = array<i32>} : memref<10240xf32, #tpu.memory_space<vmem>>, vector<16xf32>,
      %slice3A_280 = vector.extract_strided_slice %get3A_228 {offsets = [6], sizes = [1], strides = [1]} : vector<16xf32> to vector<1xf32>
      %squeeze3A_281 = vector.extract %slice3A_280[0] : f32 from vector<1xf32>
      %broadcast_in_dim3A_282 = vector.broadcast %squeeze3A_281 : f32 to vector<16xf32>
      %mul3A_283 = arith.constant 256 : i32
      %mul3A_284 = arith.muli %scan3A_224, %mul3A_283 : i32
      %add3A_285 = arith.constant 96 : i32
      %add3A_286 = arith.addi %mul3A_284, %add3A_285 : i32
      %swap3A_287 = arith.index_cast %add3A_286 : i32 to index
      %swap3A_288 = tpu.vector_load %arg11[%swap3A_287] {strides = array<i32>} : memref<10240xf32, #tpu.memory_space<vmem>>, vector<16xf32>,
      tpu.vector_store %arg11[%swap3A_287], %broadcast_in_dim3A_282 {strides = array<i32>} : memref<10240xf32, #tpu.memory_space<vmem>>, vector<16xf32>,
      %slice3A_289 = vector.extract_strided_slice %get3A_228 {offsets = [7], sizes = [1], strides = [1]} : vector<16xf32> to vector<1xf32>
      %squeeze3A_290 = vector.extract %slice3A_289[0] : f32 from vector<1xf32>
      %broadcast_in_dim3A_291 = vector.broadcast %squeeze3A_290 : f32 to vector<16xf32>
      %mul3A_292 = arith.constant 256 : i32
      %mul3A_293 = arith.muli %scan3A_224, %mul3A_292 : i32
      %add3A_294 = arith.constant 112 : i32
      %add3A_295 = arith.addi %mul3A_293, %add3A_294 : i32
      %swap3A_296 = arith.index_cast %add3A_295 : i32 to index
      %swap3A_297 = tpu.vector_load %arg11[%swap3A_296] {strides = array<i32>} : memref<10240xf32, #tpu.memory_space<vmem>>, vector<16xf32>,
      tpu.vector_store %arg11[%swap3A_296], %broadcast_in_dim3A_291 {strides = array<i32>} : memref<10240xf32, #tpu.memory_space<vmem>>, vector<16xf32>,
      %slice3A_298 = vector.extract_strided_slice %get3A_228 {offsets = [8], sizes = [1], strides = [1]} : vector<16xf32> to vector<1xf32>
      %squeeze3A_299 = vector.extract %slice3A_298[0] : f32 from vector<1xf32>
      %broadcast_in_dim3A_300 = vector.broadcast %squeeze3A_299 : f32 to vector<16xf32>
      %mul3A_301 = arith.constant 256 : i32
      %mul3A_302 = arith.muli %scan3A_224, %mul3A_301 : i32
      %add3A_303 = arith.constant 128 : i32
      %add3A_304 = arith.addi %mul3A_302, %add3A_303 : i32
      %swap3A_305 = arith.index_cast %add3A_304 : i32 to index
      %swap3A_306 = tpu.vector_load %arg11[%swap3A_305] {strides = array<i32>} : memref<10240xf32, #tpu.memory_space<vmem>>, vector<16xf32>,
      tpu.vector_store %arg11[%swap3A_305], %broadcast_in_dim3A_300 {strides = array<i32>} : memref<10240xf32, #tpu.memory_space<vmem>>, vector<16xf32>,
      %slice3A_307 = vector.extract_strided_slice %get3A_228 {offsets = [9], sizes = [1], strides = [1]} : vector<16xf32> to vector<1xf32>
      %squeeze3A_308 = vector.extract %slice3A_307[0] : f32 from vector<1xf32>
      %broadcast_in_dim3A_309 = vector.broadcast %squeeze3A_308 : f32 to vector<16xf32>
      %mul3A_310 = arith.constant 256 : i32
      %mul3A_311 = arith.muli %scan3A_224, %mul3A_310 : i32
      %add3A_312 = arith.constant 144 : i32
      %add3A_313 = arith.addi %mul3A_311, %add3A_312 : i32
      %swap3A_314 = arith.index_cast %add3A_313 : i32 to index
      %swap3A_315 = tpu.vector_load %arg11[%swap3A_314] {strides = array<i32>} : memref<10240xf32, #tpu.memory_space<vmem>>, vector<16xf32>,
      tpu.vector_store %arg11[%swap3A_314], %broadcast_in_dim3A_309 {strides = array<i32>} : memref<10240xf32, #tpu.memory_space<vmem>>, vector<16xf32>,
      %slice3A_316 = vector.extract_strided_slice %get3A_228 {offsets = [10], sizes = [1], strides = [1]} : vector<16xf32> to vector<1xf32>
      %squeeze3A_317 = vector.extract %slice3A_316[0] : f32 from vector<1xf32>
      %broadcast_in_dim3A_318 = vector.broadcast %squeeze3A_317 : f32 to vector<16xf32>
      %mul3A_319 = arith.constant 256 : i32
      %mul3A_320 = arith.muli %scan3A_224, %mul3A_319 : i32
      %add3A_321 = arith.constant 160 : i32
      %add3A_322 = arith.addi %mul3A_320, %add3A_321 : i32
      %swap3A_323 = arith.index_cast %add3A_322 : i32 to index
      %swap3A_324 = tpu.vector_load %arg11[%swap3A_323] {strides = array<i32>} : memref<10240xf32, #tpu.memory_space<vmem>>, vector<16xf32>,
      tpu.vector_store %arg11[%swap3A_323], %broadcast_in_dim3A_318 {strides = array<i32>} : memref<10240xf32, #tpu.memory_space<vmem>>, vector<16xf32>,
      %slice3A_325 = vector.extract_strided_slice %get3A_228 {offsets = [11], sizes = [1], strides = [1]} : vector<16xf32> to vector<1xf32>
      %squeeze3A_326 = vector.extract %slice3A_325[0] : f32 from vector<1xf32>
      %broadcast_in_dim3A_327 = vector.broadcast %squeeze3A_326 : f32 to vector<16xf32>
      %mul3A_328 = arith.constant 256 : i32
      %mul3A_329 = arith.muli %scan3A_224, %mul3A_328 : i32
      %add3A_330 = arith.constant 176 : i32
      %add3A_331 = arith.addi %mul3A_329, %add3A_330 : i32
      %swap3A_332 = arith.index_cast %add3A_331 : i32 to index
      %swap3A_333 = tpu.vector_load %arg11[%swap3A_332] {strides = array<i32>} : memref<10240xf32, #tpu.memory_space<vmem>>, vector<16xf32>,
      tpu.vector_store %arg11[%swap3A_332], %broadcast_in_dim3A_327 {strides = array<i32>} : memref<10240xf32, #tpu.memory_space<vmem>>, vector<16xf32>,
      %slice3A_334 = vector.extract_strided_slice %get3A_228 {offsets = [12], sizes = [1], strides = [1]} : vector<16xf32> to vector<1xf32>
      %squeeze3A_335 = vector.extract %slice3A_334[0] : f32 from vector<1xf32>
      %broadcast_in_dim3A_336 = vector.broadcast %squeeze3A_335 : f32 to vector<16xf32>
      %mul3A_337 = arith.constant 256 : i32
      %mul3A_338 = arith.muli %scan3A_224, %mul3A_337 : i32
      %add3A_339 = arith.constant 192 : i32
      %add3A_340 = arith.addi %mul3A_338, %add3A_339 : i32
      %swap3A_341 = arith.index_cast %add3A_340 : i32 to index
      %swap3A_342 = tpu.vector_load %arg11[%swap3A_341] {strides = array<i32>} : memref<10240xf32, #tpu.memory_space<vmem>>, vector<16xf32>,
      tpu.vector_store %arg11[%swap3A_341], %broadcast_in_dim3A_336 {strides = array<i32>} : memref<10240xf32, #tpu.memory_space<vmem>>, vector<16xf32>,
      %slice3A_343 = vector.extract_strided_slice %get3A_228 {offsets = [13], sizes = [1], strides = [1]} : vector<16xf32> to vector<1xf32>
      %squeeze3A_344 = vector.extract %slice3A_343[0] : f32 from vector<1xf32>
      %broadcast_in_dim3A_345 = vector.broadcast %squeeze3A_344 : f32 to vector<16xf32>
      %mul3A_346 = arith.constant 256 : i32
      %mul3A_347 = arith.muli %scan3A_224, %mul3A_346 : i32
      %add3A_348 = arith.constant 208 : i32
      %add3A_349 = arith.addi %mul3A_347, %add3A_348 : i32
      %swap3A_350 = arith.index_cast %add3A_349 : i32 to index
      %swap3A_351 = tpu.vector_load %arg11[%swap3A_350] {strides = array<i32>} : memref<10240xf32, #tpu.memory_space<vmem>>, vector<16xf32>,
      tpu.vector_store %arg11[%swap3A_350], %broadcast_in_dim3A_345 {strides = array<i32>} : memref<10240xf32, #tpu.memory_space<vmem>>, vector<16xf32>,
      %slice3A_352 = vector.extract_strided_slice %get3A_228 {offsets = [14], sizes = [1], strides = [1]} : vector<16xf32> to vector<1xf32>
      %squeeze3A_353 = vector.extract %slice3A_352[0] : f32 from vector<1xf32>
      %broadcast_in_dim3A_354 = vector.broadcast %squeeze3A_353 : f32 to vector<16xf32>
      %mul3A_355 = arith.constant 256 : i32
      %mul3A_356 = arith.muli %scan3A_224, %mul3A_355 : i32
      %add3A_357 = arith.constant 224 : i32
      %add3A_358 = arith.addi %mul3A_356, %add3A_357 : i32
      %swap3A_359 = arith.index_cast %add3A_358 : i32 to index
      %swap3A_360 = tpu.vector_load %arg11[%swap3A_359] {strides = array<i32>} : memref<10240xf32, #tpu.memory_space<vmem>>, vector<16xf32>,
      tpu.vector_store %arg11[%swap3A_359], %broadcast_in_dim3A_354 {strides = array<i32>} : memref<10240xf32, #tpu.memory_space<vmem>>, vector<16xf32>,
      %slice3A_361 = vector.extract_strided_slice %get3A_228 {offsets = [15], sizes = [1], strides = [1]} : vector<16xf32> to vector<1xf32>
      %squeeze3A_362 = vector.extract %slice3A_361[0] : f32 from vector<1xf32>
      %broadcast_in_dim3A_363 = vector.broadcast %squeeze3A_362 : f32 to vector<16xf32>
      %mul3A_364 = arith.constant 256 : i32
      %mul3A_365 = arith.muli %scan3A_224, %mul3A_364 : i32
      %add3A_366 = arith.constant 240 : i32
      %add3A_367 = arith.addi %mul3A_365, %add3A_366 : i32
      %swap3A_368 = arith.index_cast %add3A_367 : i32 to index
      %swap3A_369 = tpu.vector_load %arg11[%swap3A_368] {strides = array<i32>} : memref<10240xf32, #tpu.memory_space<vmem>>, vector<16xf32>,
      tpu.vector_store %arg11[%swap3A_368], %broadcast_in_dim3A_363 {strides = array<i32>} : memref<10240xf32, #tpu.memory_space<vmem>>, vector<16xf32>,
      %scan3A_370 = arith.constant 0 : i32
      scf.yield %scan3A_370 : i32
    }
    %scan3A_129 = arith.constant 40 : i32
    %lt3A = arith.constant 15 : i32
    %lt3A_130 = arith.cmpi slt, %arg1, %lt3A : i32
    %convert_element_type3A = arith.extui %lt3A_130 : i1 to i32
    %cond3A = arith.constant 0 : i32
    %cond3A_131 = arith.cmpi ne, %convert_element_type3A, %cond3A : i32
    scf.if %cond3A_131 {
      %mul3A_224 = arith.constant 640 : i32
      %mul3A_225 = arith.muli %arg1, %mul3A_224 : i32
      %mul3A_226 = arith.constant 16 : i32
      %mul3A_227 = arith.muli %mul3A_225, %mul3A_226 : i32
      "tpu.region"() ({
        %run_scoped3A = tpu.sem_alloc : memref<!tpu.dma_semaphore, #tpu.memory_space<semaphore_mem>>
        %dma_start3A_228 = tpu.memref_slice %arg4[%arg0, %mul3A_227] : memref<2x160000xf32, #tpu.memory_space<hbm>> -> memref<1x10240xf32, #tpu.memory_space<hbm>>
        %dma_start3A_229 = tpu.memref_squeeze %dma_start3A_228 : memref<1x10240xf32, #tpu.memory_space<hbm>> -> memref<10240xf32, #tpu.memory_space<hbm>>
        %dma_start3A_230 = tpu.memref_slice %arg4[%arg0, %mul3A_227] : memref<2x160000xf32, #tpu.memory_space<hbm>> -> memref<1x10240xf32, #tpu.memory_space<hbm>>
        %dma_start3A_231 = tpu.memref_squeeze %dma_start3A_230 : memref<1x10240xf32, #tpu.memory_space<hbm>> -> memref<10240xf32, #tpu.memory_space<hbm>>
        tpu.enqueue_dma source(%arg11 : memref<10240xf32, #tpu.memory_space<vmem>>) target(%dma_start3A_231 : memref<10240xf32, #tpu.memory_space<hbm>>) target_semaphore(%run_scoped3A : memref<!tpu.dma_semaphore, #tpu.memory_space<semaphore_mem>>)
        %dma_wait3A_232 = tpu.memref_slice %arg4[%arg0, %mul3A_227] : memref<2x160000xf32, #tpu.memory_space<hbm>> -> memref<1x10240xf32, #tpu.memory_space<hbm>>
        %dma_wait3A_233 = tpu.memref_squeeze %dma_wait3A_232 : memref<1x10240xf32, #tpu.memory_space<hbm>> -> memref<10240xf32, #tpu.memory_space<hbm>>
        %dma_wait3A_234 = tpu.memref_slice %arg4[%arg0, %mul3A_227] : memref<2x160000xf32, #tpu.memory_space<hbm>> -> memref<1x10240xf32, #tpu.memory_space<hbm>>
        %dma_wait3A_235 = tpu.memref_squeeze %dma_wait3A_234 : memref<1x10240xf32, #tpu.memory_space<hbm>> -> memref<10240xf32, #tpu.memory_space<hbm>>
        tpu.wait_dma2 semaphore(%run_scoped3A : memref<!tpu.dma_semaphore, #tpu.memory_space<semaphore_mem>>) src(%arg11 : memref<10240xf32, #tpu.memory_space<vmem>>) dst(%dma_wait3A_235 : memref<10240xf32, #tpu.memory_space<hbm>>)
        tpu.yield
      }) : () -> ()
    } else {
    }
    %eq3A = arith.constant 15 : i32
    %eq3A_132 = arith.cmpi eq, %arg1, %eq3A : i32
    %convert_element_type3A_133 = arith.extui %eq3A_132 : i1 to i32
    %cond3A_134 = arith.constant 0 : i32
    %cond3A_135 = arith.cmpi ne, %convert_element_type3A_133, %cond3A_134 : i32
    scf.if %cond3A_135 {
      "tpu.region"() ({
        %run_scoped3A = tpu.sem_alloc : memref<!tpu.dma_semaphore, #tpu.memory_space<semaphore_mem>>
        %dma_start3A_224 = arith.constant 0 : i32
        %dma_start3A_225 = tpu.memref_slice %arg11[%dma_start3A_224] : memref<10240xf32, #tpu.memory_space<vmem>> -> memref<6400xf32, #tpu.memory_space<vmem>>
        %dma_start3A_226 = arith.constant 153600 : i32
        %dma_start3A_227 = tpu.memref_slice %arg4[%arg0, %dma_start3A_226] : memref<2x160000xf32, #tpu.memory_space<hbm>> -> memref<1x6400xf32, #tpu.memory_space<hbm>>
        %dma_start3A_228 = tpu.memref_squeeze %dma_start3A_227 : memref<1x6400xf32, #tpu.memory_space<hbm>> -> memref<6400xf32, #tpu.memory_space<hbm>>
        %dma_start3A_229 = arith.constant 153600 : i32
        %dma_start3A_230 = tpu.memref_slice %arg4[%arg0, %dma_start3A_229] : memref<2x160000xf32, #tpu.memory_space<hbm>> -> memref<1x6400xf32, #tpu.memory_space<hbm>>
        %dma_start3A_231 = tpu.memref_squeeze %dma_start3A_230 : memref<1x6400xf32, #tpu.memory_space<hbm>> -> memref<6400xf32, #tpu.memory_space<hbm>>
        %dma_start3A_232 = arith.constant 0 : i32
        %dma_start3A_233 = tpu.memref_slice %arg11[%dma_start3A_232] : memref<10240xf32, #tpu.memory_space<vmem>> -> memref<6400xf32, #tpu.memory_space<vmem>>
        tpu.enqueue_dma source(%dma_start3A_233 : memref<6400xf32, #tpu.memory_space<vmem>>) target(%dma_start3A_231 : memref<6400xf32, #tpu.memory_space<hbm>>) target_semaphore(%run_scoped3A : memref<!tpu.dma_semaphore, #tpu.memory_space<semaphore_mem>>)
        %dma_wait3A_234 = arith.constant 0 : i32
        %dma_wait3A_235 = tpu.memref_slice %arg11[%dma_wait3A_234] : memref<10240xf32, #tpu.memory_space<vmem>> -> memref<6400xf32, #tpu.memory_space<vmem>>
        %dma_wait3A_236 = arith.constant 153600 : i32
        %dma_wait3A_237 = tpu.memref_slice %arg4[%arg0, %dma_wait3A_236] : memref<2x160000xf32, #tpu.memory_space<hbm>> -> memref<1x6400xf32, #tpu.memory_space<hbm>>
        %dma_wait3A_238 = tpu.memref_squeeze %dma_wait3A_237 : memref<1x6400xf32, #tpu.memory_space<hbm>> -> memref<6400xf32, #tpu.memory_space<hbm>>
        %dma_wait3A_239 = arith.constant 153600 : i32
        %dma_wait3A_240 = tpu.memref_slice %arg4[%arg0, %dma_wait3A_239] : memref<2x160000xf32, #tpu.memory_space<hbm>> -> memref<1x6400xf32, #tpu.memory_space<hbm>>
        %dma_wait3A_241 = tpu.memref_squeeze %dma_wait3A_240 : memref<1x6400xf32, #tpu.memory_space<hbm>> -> memref<6400xf32, #tpu.memory_space<hbm>>
        %dma_wait3A_242 = arith.constant 0 : i32
        %dma_wait3A_243 = tpu.memref_slice %arg11[%dma_wait3A_242] : memref<10240xf32, #tpu.memory_space<vmem>> -> memref<6400xf32, #tpu.memory_space<vmem>>
        tpu.wait_dma2 semaphore(%run_scoped3A : memref<!tpu.dma_semaphore, #tpu.memory_space<semaphore_mem>>) src(%dma_wait3A_243 : memref<6400xf32, #tpu.memory_space<vmem>>) dst(%dma_wait3A_241 : memref<6400xf32, #tpu.memory_space<hbm>>)
        tpu.yield
      }) : () -> ()
    } else {
    }
    %mul3A_136 = arith.constant 640 : i32
    %mul3A_137 = arith.muli %arg1, %mul3A_136 : i32
    %add3A_138 = arith.constant 0 : i32
    %add3A_139 = arith.addi %add3A_138, %mul3A_137 : i32
    "tpu.region"() ({
      %run_scoped3A = tpu.sem_alloc : memref<!tpu.dma_semaphore, #tpu.memory_space<semaphore_mem>>
      %dma_start3A_224 = arith.constant 0 : i32
      %dma_start3A_225 = tpu.memref_slice %arg9[%dma_start3A_224] : memref<10240xf32, #tpu.memory_space<vmem>> -> memref<640xf32, #tpu.memory_space<vmem>>
      %dma_start3A_226 = tpu.memref_slice %arg13[%add3A_139] : memref<163840xf32, #tpu.memory_space<vmem_shared>> -> memref<640xf32, #tpu.memory_space<vmem_shared>>
      %dma_start3A_227 = arith.constant 0 : i32
      %dma_start3A_228 = tpu.memref_slice %arg9[%dma_start3A_227] : memref<10240xf32, #tpu.memory_space<vmem>> -> memref<640xf32, #tpu.memory_space<vmem>>
      %dma_start3A_229 = tpu.memref_slice %arg13[%add3A_139] : memref<163840xf32, #tpu.memory_space<vmem_shared>> -> memref<640xf32, #tpu.memory_space<vmem_shared>>
      tpu.enqueue_dma source(%dma_start3A_229 : memref<640xf32, #tpu.memory_space<vmem_shared>>) target(%dma_start3A_228 : memref<640xf32, #tpu.memory_space<vmem>>) target_semaphore(%run_scoped3A : memref<!tpu.dma_semaphore, #tpu.memory_space<semaphore_mem>>)
      %dma_wait3A_230 = arith.constant 0 : i32
      %dma_wait3A_231 = tpu.memref_slice %arg9[%dma_wait3A_230] : memref<10240xf32, #tpu.memory_space<vmem>> -> memref<640xf32, #tpu.memory_space<vmem>>
      %dma_wait3A_232 = tpu.memref_slice %arg13[%add3A_139] : memref<163840xf32, #tpu.memory_space<vmem_shared>> -> memref<640xf32, #tpu.memory_space<vmem_shared>>
      %dma_wait3A_233 = arith.constant 0 : i32
      %dma_wait3A_234 = tpu.memref_slice %arg9[%dma_wait3A_233] : memref<10240xf32, #tpu.memory_space<vmem>> -> memref<640xf32, #tpu.memory_space<vmem>>
      %dma_wait3A_235 = tpu.memref_slice %arg13[%add3A_139] : memref<163840xf32, #tpu.memory_space<vmem_shared>> -> memref<640xf32, #tpu.memory_space<vmem_shared>>
      tpu.wait_dma2 semaphore(%run_scoped3A : memref<!tpu.dma_semaphore, #tpu.memory_space<semaphore_mem>>) src(%dma_wait3A_235 : memref<640xf32, #tpu.memory_space<vmem_shared>>) dst(%dma_wait3A_234 : memref<640xf32, #tpu.memory_space<vmem>>)
      tpu.yield
    }) : () -> ()
    %mul3A_140 = arith.constant 640 : i32
    %mul3A_141 = arith.muli %arg1, %mul3A_140 : i32
    %add3A_142 = arith.constant 10240 : i32
    %add3A_143 = arith.addi %add3A_142, %mul3A_141 : i32
    "tpu.region"() ({
      %run_scoped3A = tpu.sem_alloc : memref<!tpu.dma_semaphore, #tpu.memory_space<semaphore_mem>>
      %dma_start3A_224 = arith.constant 640 : i32
      %dma_start3A_225 = tpu.memref_slice %arg9[%dma_start3A_224] : memref<10240xf32, #tpu.memory_space<vmem>> -> memref<640xf32, #tpu.memory_space<vmem>>
      %dma_start3A_226 = tpu.memref_slice %arg13[%add3A_143] : memref<163840xf32, #tpu.memory_space<vmem_shared>> -> memref<640xf32, #tpu.memory_space<vmem_shared>>
      %dma_start3A_227 = arith.constant 640 : i32
      %dma_start3A_228 = tpu.memref_slice %arg9[%dma_start3A_227] : memref<10240xf32, #tpu.memory_space<vmem>> -> memref<640xf32, #tpu.memory_space<vmem>>
      %dma_start3A_229 = tpu.memref_slice %arg13[%add3A_143] : memref<163840xf32, #tpu.memory_space<vmem_shared>> -> memref<640xf32, #tpu.memory_space<vmem_shared>>
      tpu.enqueue_dma source(%dma_start3A_229 : memref<640xf32, #tpu.memory_space<vmem_shared>>) target(%dma_start3A_228 : memref<640xf32, #tpu.memory_space<vmem>>) target_semaphore(%run_scoped3A : memref<!tpu.dma_semaphore, #tpu.memory_space<semaphore_mem>>)
      %dma_wait3A_230 = arith.constant 640 : i32
      %dma_wait3A_231 = tpu.memref_slice %arg9[%dma_wait3A_230] : memref<10240xf32, #tpu.memory_space<vmem>> -> memref<640xf32, #tpu.memory_space<vmem>>
      %dma_wait3A_232 = tpu.memref_slice %arg13[%add3A_143] : memref<163840xf32, #tpu.memory_space<vmem_shared>> -> memref<640xf32, #tpu.memory_space<vmem_shared>>
      %dma_wait3A_233 = arith.constant 640 : i32
      %dma_wait3A_234 = tpu.memref_slice %arg9[%dma_wait3A_233] : memref<10240xf32, #tpu.memory_space<vmem>> -> memref<640xf32, #tpu.memory_space<vmem>>
      %dma_wait3A_235 = tpu.memref_slice %arg13[%add3A_143] : memref<163840xf32, #tpu.memory_space<vmem_shared>> -> memref<640xf32, #tpu.memory_space<vmem_shared>>
      tpu.wait_dma2 semaphore(%run_scoped3A : memref<!tpu.dma_semaphore, #tpu.memory_space<semaphore_mem>>) src(%dma_wait3A_235 : memref<640xf32, #tpu.memory_space<vmem_shared>>) dst(%dma_wait3A_234 : memref<640xf32, #tpu.memory_space<vmem>>)
      tpu.yield
    }) : () -> ()
    %mul3A_144 = arith.constant 640 : i32
    %mul3A_145 = arith.muli %arg1, %mul3A_144 : i32
    %add3A_146 = arith.constant 20480 : i32
    %add3A_147 = arith.addi %add3A_146, %mul3A_145 : i32
    "tpu.region"() ({
      %run_scoped3A = tpu.sem_alloc : memref<!tpu.dma_semaphore, #tpu.memory_space<semaphore_mem>>
      %dma_start3A_224 = arith.constant 1280 : i32
      %dma_start3A_225 = tpu.memref_slice %arg9[%dma_start3A_224] : memref<10240xf32, #tpu.memory_space<vmem>> -> memref<640xf32, #tpu.memory_space<vmem>>
      %dma_start3A_226 = tpu.memref_slice %arg13[%add3A_147] : memref<163840xf32, #tpu.memory_space<vmem_shared>> -> memref<640xf32, #tpu.memory_space<vmem_shared>>
      %dma_start3A_227 = arith.constant 1280 : i32
      %dma_start3A_228 = tpu.memref_slice %arg9[%dma_start3A_227] : memref<10240xf32, #tpu.memory_space<vmem>> -> memref<640xf32, #tpu.memory_space<vmem>>
      %dma_start3A_229 = tpu.memref_slice %arg13[%add3A_147] : memref<163840xf32, #tpu.memory_space<vmem_shared>> -> memref<640xf32, #tpu.memory_space<vmem_shared>>
      tpu.enqueue_dma source(%dma_start3A_229 : memref<640xf32, #tpu.memory_space<vmem_shared>>) target(%dma_start3A_228 : memref<640xf32, #tpu.memory_space<vmem>>) target_semaphore(%run_scoped3A : memref<!tpu.dma_semaphore, #tpu.memory_space<semaphore_mem>>)
      %dma_wait3A_230 = arith.constant 1280 : i32
      %dma_wait3A_231 = tpu.memref_slice %arg9[%dma_wait3A_230] : memref<10240xf32, #tpu.memory_space<vmem>> -> memref<640xf32, #tpu.memory_space<vmem>>
      %dma_wait3A_232 = tpu.memref_slice %arg13[%add3A_147] : memref<163840xf32, #tpu.memory_space<vmem_shared>> -> memref<640xf32, #tpu.memory_space<vmem_shared>>
      %dma_wait3A_233 = arith.constant 1280 : i32
      %dma_wait3A_234 = tpu.memref_slice %arg9[%dma_wait3A_233] : memref<10240xf32, #tpu.memory_space<vmem>> -> memref<640xf32, #tpu.memory_space<vmem>>
      %dma_wait3A_235 = tpu.memref_slice %arg13[%add3A_147] : memref<163840xf32, #tpu.memory_space<vmem_shared>> -> memref<640xf32, #tpu.memory_space<vmem_shared>>
      tpu.wait_dma2 semaphore(%run_scoped3A : memref<!tpu.dma_semaphore, #tpu.memory_space<semaphore_mem>>) src(%dma_wait3A_235 : memref<640xf32, #tpu.memory_space<vmem_shared>>) dst(%dma_wait3A_234 : memref<640xf32, #tpu.memory_space<vmem>>)
      tpu.yield
    }) : () -> ()
    %mul3A_148 = arith.constant 640 : i32
    %mul3A_149 = arith.muli %arg1, %mul3A_148 : i32
    %add3A_150 = arith.constant 30720 : i32
    %add3A_151 = arith.addi %add3A_150, %mul3A_149 : i32
    "tpu.region"() ({
      %run_scoped3A = tpu.sem_alloc : memref<!tpu.dma_semaphore, #tpu.memory_space<semaphore_mem>>
      %dma_start3A_224 = arith.constant 1920 : i32
      %dma_start3A_225 = tpu.memref_slice %arg9[%dma_start3A_224] : memref<10240xf32, #tpu.memory_space<vmem>> -> memref<640xf32, #tpu.memory_space<vmem>>
      %dma_start3A_226 = tpu.memref_slice %arg13[%add3A_151] : memref<163840xf32, #tpu.memory_space<vmem_shared>> -> memref<640xf32, #tpu.memory_space<vmem_shared>>
      %dma_start3A_227 = arith.constant 1920 : i32
      %dma_start3A_228 = tpu.memref_slice %arg9[%dma_start3A_227] : memref<10240xf32, #tpu.memory_space<vmem>> -> memref<640xf32, #tpu.memory_space<vmem>>
      %dma_start3A_229 = tpu.memref_slice %arg13[%add3A_151] : memref<163840xf32, #tpu.memory_space<vmem_shared>> -> memref<640xf32, #tpu.memory_space<vmem_shared>>
      tpu.enqueue_dma source(%dma_start3A_229 : memref<640xf32, #tpu.memory_space<vmem_shared>>) target(%dma_start3A_228 : memref<640xf32, #tpu.memory_space<vmem>>) target_semaphore(%run_scoped3A : memref<!tpu.dma_semaphore, #tpu.memory_space<semaphore_mem>>)
      %dma_wait3A_230 = arith.constant 1920 : i32
      %dma_wait3A_231 = tpu.memref_slice %arg9[%dma_wait3A_230] : memref<10240xf32, #tpu.memory_space<vmem>> -> memref<640xf32, #tpu.memory_space<vmem>>
      %dma_wait3A_232 = tpu.memref_slice %arg13[%add3A_151] : memref<163840xf32, #tpu.memory_space<vmem_shared>> -> memref<640xf32, #tpu.memory_space<vmem_shared>>
      %dma_wait3A_233 = arith.constant 1920 : i32
      %dma_wait3A_234 = tpu.memref_slice %arg9[%dma_wait3A_233] : memref<10240xf32, #tpu.memory_space<vmem>> -> memref<640xf32, #tpu.memory_space<vmem>>
      %dma_wait3A_235 = tpu.memref_slice %arg13[%add3A_151] : memref<163840xf32, #tpu.memory_space<vmem_shared>> -> memref<640xf32, #tpu.memory_space<vmem_shared>>
      tpu.wait_dma2 semaphore(%run_scoped3A : memref<!tpu.dma_semaphore, #tpu.memory_space<semaphore_mem>>) src(%dma_wait3A_235 : memref<640xf32, #tpu.memory_space<vmem_shared>>) dst(%dma_wait3A_234 : memref<640xf32, #tpu.memory_space<vmem>>)
      tpu.yield
    }) : () -> ()
    %mul3A_152 = arith.constant 640 : i32
    %mul3A_153 = arith.muli %arg1, %mul3A_152 : i32
    %add3A_154 = arith.constant 40960 : i32
    %add3A_155 = arith.addi %add3A_154, %mul3A_153 : i32
    "tpu.region"() ({
      %run_scoped3A = tpu.sem_alloc : memref<!tpu.dma_semaphore, #tpu.memory_space<semaphore_mem>>
      %dma_start3A_224 = arith.constant 2560 : i32
      %dma_start3A_225 = tpu.memref_slice %arg9[%dma_start3A_224] : memref<10240xf32, #tpu.memory_space<vmem>> -> memref<640xf32, #tpu.memory_space<vmem>>
      %dma_start3A_226 = tpu.memref_slice %arg13[%add3A_155] : memref<163840xf32, #tpu.memory_space<vmem_shared>> -> memref<640xf32, #tpu.memory_space<vmem_shared>>
      %dma_start3A_227 = arith.constant 2560 : i32
      %dma_start3A_228 = tpu.memref_slice %arg9[%dma_start3A_227] : memref<10240xf32, #tpu.memory_space<vmem>> -> memref<640xf32, #tpu.memory_space<vmem>>
      %dma_start3A_229 = tpu.memref_slice %arg13[%add3A_155] : memref<163840xf32, #tpu.memory_space<vmem_shared>> -> memref<640xf32, #tpu.memory_space<vmem_shared>>
      tpu.enqueue_dma source(%dma_start3A_229 : memref<640xf32, #tpu.memory_space<vmem_shared>>) target(%dma_start3A_228 : memref<640xf32, #tpu.memory_space<vmem>>) target_semaphore(%run_scoped3A : memref<!tpu.dma_semaphore, #tpu.memory_space<semaphore_mem>>)
      %dma_wait3A_230 = arith.constant 2560 : i32
      %dma_wait3A_231 = tpu.memref_slice %arg9[%dma_wait3A_230] : memref<10240xf32, #tpu.memory_space<vmem>> -> memref<640xf32, #tpu.memory_space<vmem>>
      %dma_wait3A_232 = tpu.memref_slice %arg13[%add3A_155] : memref<163840xf32, #tpu.memory_space<vmem_shared>> -> memref<640xf32, #tpu.memory_space<vmem_shared>>
      %dma_wait3A_233 = arith.constant 2560 : i32
      %dma_wait3A_234 = tpu.memref_slice %arg9[%dma_wait3A_233] : memref<10240xf32, #tpu.memory_space<vmem>> -> memref<640xf32, #tpu.memory_space<vmem>>
      %dma_wait3A_235 = tpu.memref_slice %arg13[%add3A_155] : memref<163840xf32, #tpu.memory_space<vmem_shared>> -> memref<640xf32, #tpu.memory_space<vmem_shared>>
      tpu.wait_dma2 semaphore(%run_scoped3A : memref<!tpu.dma_semaphore, #tpu.memory_space<semaphore_mem>>) src(%dma_wait3A_235 : memref<640xf32, #tpu.memory_space<vmem_shared>>) dst(%dma_wait3A_234 : memref<640xf32, #tpu.memory_space<vmem>>)
      tpu.yield
    }) : () -> ()
    %mul3A_156 = arith.constant 640 : i32
    %mul3A_157 = arith.muli %arg1, %mul3A_156 : i32
    %add3A_158 = arith.constant 51200 : i32
    %add3A_159 = arith.addi %add3A_158, %mul3A_157 : i32
    "tpu.region"() ({
      %run_scoped3A = tpu.sem_alloc : memref<!tpu.dma_semaphore, #tpu.memory_space<semaphore_mem>>
      %dma_start3A_224 = arith.constant 3200 : i32
      %dma_start3A_225 = tpu.memref_slice %arg9[%dma_start3A_224] : memref<10240xf32, #tpu.memory_space<vmem>> -> memref<640xf32, #tpu.memory_space<vmem>>
      %dma_start3A_226 = tpu.memref_slice %arg13[%add3A_159] : memref<163840xf32, #tpu.memory_space<vmem_shared>> -> memref<640xf32, #tpu.memory_space<vmem_shared>>
      %dma_start3A_227 = arith.constant 3200 : i32
      %dma_start3A_228 = tpu.memref_slice %arg9[%dma_start3A_227] : memref<10240xf32, #tpu.memory_space<vmem>> -> memref<640xf32, #tpu.memory_space<vmem>>
      %dma_start3A_229 = tpu.memref_slice %arg13[%add3A_159] : memref<163840xf32, #tpu.memory_space<vmem_shared>> -> memref<640xf32, #tpu.memory_space<vmem_shared>>
      tpu.enqueue_dma source(%dma_start3A_229 : memref<640xf32, #tpu.memory_space<vmem_shared>>) target(%dma_start3A_228 : memref<640xf32, #tpu.memory_space<vmem>>) target_semaphore(%run_scoped3A : memref<!tpu.dma_semaphore, #tpu.memory_space<semaphore_mem>>)
      %dma_wait3A_230 = arith.constant 3200 : i32
      %dma_wait3A_231 = tpu.memref_slice %arg9[%dma_wait3A_230] : memref<10240xf32, #tpu.memory_space<vmem>> -> memref<640xf32, #tpu.memory_space<vmem>>
      %dma_wait3A_232 = tpu.memref_slice %arg13[%add3A_159] : memref<163840xf32, #tpu.memory_space<vmem_shared>> -> memref<640xf32, #tpu.memory_space<vmem_shared>>
      %dma_wait3A_233 = arith.constant 3200 : i32
      %dma_wait3A_234 = tpu.memref_slice %arg9[%dma_wait3A_233] : memref<10240xf32, #tpu.memory_space<vmem>> -> memref<640xf32, #tpu.memory_space<vmem>>
      %dma_wait3A_235 = tpu.memref_slice %arg13[%add3A_159] : memref<163840xf32, #tpu.memory_space<vmem_shared>> -> memref<640xf32, #tpu.memory_space<vmem_shared>>
      tpu.wait_dma2 semaphore(%run_scoped3A : memref<!tpu.dma_semaphore, #tpu.memory_space<semaphore_mem>>) src(%dma_wait3A_235 : memref<640xf32, #tpu.memory_space<vmem_shared>>) dst(%dma_wait3A_234 : memref<640xf32, #tpu.memory_space<vmem>>)
      tpu.yield
    }) : () -> ()
    %mul3A_160 = arith.constant 640 : i32
    %mul3A_161 = arith.muli %arg1, %mul3A_160 : i32
    %add3A_162 = arith.constant 61440 : i32
    %add3A_163 = arith.addi %add3A_162, %mul3A_161 : i32
    "tpu.region"() ({
      %run_scoped3A = tpu.sem_alloc : memref<!tpu.dma_semaphore, #tpu.memory_space<semaphore_mem>>
      %dma_start3A_224 = arith.constant 3840 : i32
      %dma_start3A_225 = tpu.memref_slice %arg9[%dma_start3A_224] : memref<10240xf32, #tpu.memory_space<vmem>> -> memref<640xf32, #tpu.memory_space<vmem>>
      %dma_start3A_226 = tpu.memref_slice %arg13[%add3A_163] : memref<163840xf32, #tpu.memory_space<vmem_shared>> -> memref<640xf32, #tpu.memory_space<vmem_shared>>
      %dma_start3A_227 = arith.constant 3840 : i32
      %dma_start3A_228 = tpu.memref_slice %arg9[%dma_start3A_227] : memref<10240xf32, #tpu.memory_space<vmem>> -> memref<640xf32, #tpu.memory_space<vmem>>
      %dma_start3A_229 = tpu.memref_slice %arg13[%add3A_163] : memref<163840xf32, #tpu.memory_space<vmem_shared>> -> memref<640xf32, #tpu.memory_space<vmem_shared>>
      tpu.enqueue_dma source(%dma_start3A_229 : memref<640xf32, #tpu.memory_space<vmem_shared>>) target(%dma_start3A_228 : memref<640xf32, #tpu.memory_space<vmem>>) target_semaphore(%run_scoped3A : memref<!tpu.dma_semaphore, #tpu.memory_space<semaphore_mem>>)
      %dma_wait3A_230 = arith.constant 3840 : i32
      %dma_wait3A_231 = tpu.memref_slice %arg9[%dma_wait3A_230] : memref<10240xf32, #tpu.memory_space<vmem>> -> memref<640xf32, #tpu.memory_space<vmem>>
      %dma_wait3A_232 = tpu.memref_slice %arg13[%add3A_163] : memref<163840xf32, #tpu.memory_space<vmem_shared>> -> memref<640xf32, #tpu.memory_space<vmem_shared>>
      %dma_wait3A_233 = arith.constant 3840 : i32
      %dma_wait3A_234 = tpu.memref_slice %arg9[%dma_wait3A_233] : memref<10240xf32, #tpu.memory_space<vmem>> -> memref<640xf32, #tpu.memory_space<vmem>>
      %dma_wait3A_235 = tpu.memref_slice %arg13[%add3A_163] : memref<163840xf32, #tpu.memory_space<vmem_shared>> -> memref<640xf32, #tpu.memory_space<vmem_shared>>
      tpu.wait_dma2 semaphore(%run_scoped3A : memref<!tpu.dma_semaphore, #tpu.memory_space<semaphore_mem>>) src(%dma_wait3A_235 : memref<640xf32, #tpu.memory_space<vmem_shared>>) dst(%dma_wait3A_234 : memref<640xf32, #tpu.memory_space<vmem>>)
      tpu.yield
    }) : () -> ()
    %mul3A_164 = arith.constant 640 : i32
    %mul3A_165 = arith.muli %arg1, %mul3A_164 : i32
    %add3A_166 = arith.constant 71680 : i32
    %add3A_167 = arith.addi %add3A_166, %mul3A_165 : i32
    "tpu.region"() ({
      %run_scoped3A = tpu.sem_alloc : memref<!tpu.dma_semaphore, #tpu.memory_space<semaphore_mem>>
      %dma_start3A_224 = arith.constant 4480 : i32
      %dma_start3A_225 = tpu.memref_slice %arg9[%dma_start3A_224] : memref<10240xf32, #tpu.memory_space<vmem>> -> memref<640xf32, #tpu.memory_space<vmem>>
      %dma_start3A_226 = tpu.memref_slice %arg13[%add3A_167] : memref<163840xf32, #tpu.memory_space<vmem_shared>> -> memref<640xf32, #tpu.memory_space<vmem_shared>>
      %dma_start3A_227 = arith.constant 4480 : i32
      %dma_start3A_228 = tpu.memref_slice %arg9[%dma_start3A_227] : memref<10240xf32, #tpu.memory_space<vmem>> -> memref<640xf32, #tpu.memory_space<vmem>>
      %dma_start3A_229 = tpu.memref_slice %arg13[%add3A_167] : memref<163840xf32, #tpu.memory_space<vmem_shared>> -> memref<640xf32, #tpu.memory_space<vmem_shared>>
      tpu.enqueue_dma source(%dma_start3A_229 : memref<640xf32, #tpu.memory_space<vmem_shared>>) target(%dma_start3A_228 : memref<640xf32, #tpu.memory_space<vmem>>) target_semaphore(%run_scoped3A : memref<!tpu.dma_semaphore, #tpu.memory_space<semaphore_mem>>)
      %dma_wait3A_230 = arith.constant 4480 : i32
      %dma_wait3A_231 = tpu.memref_slice %arg9[%dma_wait3A_230] : memref<10240xf32, #tpu.memory_space<vmem>> -> memref<640xf32, #tpu.memory_space<vmem>>
      %dma_wait3A_232 = tpu.memref_slice %arg13[%add3A_167] : memref<163840xf32, #tpu.memory_space<vmem_shared>> -> memref<640xf32, #tpu.memory_space<vmem_shared>>
      %dma_wait3A_233 = arith.constant 4480 : i32
      %dma_wait3A_234 = tpu.memref_slice %arg9[%dma_wait3A_233] : memref<10240xf32, #tpu.memory_space<vmem>> -> memref<640xf32, #tpu.memory_space<vmem>>
      %dma_wait3A_235 = tpu.memref_slice %arg13[%add3A_167] : memref<163840xf32, #tpu.memory_space<vmem_shared>> -> memref<640xf32, #tpu.memory_space<vmem_shared>>
      tpu.wait_dma2 semaphore(%run_scoped3A : memref<!tpu.dma_semaphore, #tpu.memory_space<semaphore_mem>>) src(%dma_wait3A_235 : memref<640xf32, #tpu.memory_space<vmem_shared>>) dst(%dma_wait3A_234 : memref<640xf32, #tpu.memory_space<vmem>>)
      tpu.yield
    }) : () -> ()
    %mul3A_168 = arith.constant 640 : i32
    %mul3A_169 = arith.muli %arg1, %mul3A_168 : i32
    %add3A_170 = arith.constant 81920 : i32
    %add3A_171 = arith.addi %add3A_170, %mul3A_169 : i32
    "tpu.region"() ({
      %run_scoped3A = tpu.sem_alloc : memref<!tpu.dma_semaphore, #tpu.memory_space<semaphore_mem>>
      %dma_start3A_224 = arith.constant 5120 : i32
      %dma_start3A_225 = tpu.memref_slice %arg9[%dma_start3A_224] : memref<10240xf32, #tpu.memory_space<vmem>> -> memref<640xf32, #tpu.memory_space<vmem>>
      %dma_start3A_226 = tpu.memref_slice %arg13[%add3A_171] : memref<163840xf32, #tpu.memory_space<vmem_shared>> -> memref<640xf32, #tpu.memory_space<vmem_shared>>
      %dma_start3A_227 = arith.constant 5120 : i32
      %dma_start3A_228 = tpu.memref_slice %arg9[%dma_start3A_227] : memref<10240xf32, #tpu.memory_space<vmem>> -> memref<640xf32, #tpu.memory_space<vmem>>
      %dma_start3A_229 = tpu.memref_slice %arg13[%add3A_171] : memref<163840xf32, #tpu.memory_space<vmem_shared>> -> memref<640xf32, #tpu.memory_space<vmem_shared>>
      tpu.enqueue_dma source(%dma_start3A_229 : memref<640xf32, #tpu.memory_space<vmem_shared>>) target(%dma_start3A_228 : memref<640xf32, #tpu.memory_space<vmem>>) target_semaphore(%run_scoped3A : memref<!tpu.dma_semaphore, #tpu.memory_space<semaphore_mem>>)
      %dma_wait3A_230 = arith.constant 5120 : i32
      %dma_wait3A_231 = tpu.memref_slice %arg9[%dma_wait3A_230] : memref<10240xf32, #tpu.memory_space<vmem>> -> memref<640xf32, #tpu.memory_space<vmem>>
      %dma_wait3A_232 = tpu.memref_slice %arg13[%add3A_171] : memref<163840xf32, #tpu.memory_space<vmem_shared>> -> memref<640xf32, #tpu.memory_space<vmem_shared>>
      %dma_wait3A_233 = arith.constant 5120 : i32
      %dma_wait3A_234 = tpu.memref_slice %arg9[%dma_wait3A_233] : memref<10240xf32, #tpu.memory_space<vmem>> -> memref<640xf32, #tpu.memory_space<vmem>>
      %dma_wait3A_235 = tpu.memref_slice %arg13[%add3A_171] : memref<163840xf32, #tpu.memory_space<vmem_shared>> -> memref<640xf32, #tpu.memory_space<vmem_shared>>
      tpu.wait_dma2 semaphore(%run_scoped3A : memref<!tpu.dma_semaphore, #tpu.memory_space<semaphore_mem>>) src(%dma_wait3A_235 : memref<640xf32, #tpu.memory_space<vmem_shared>>) dst(%dma_wait3A_234 : memref<640xf32, #tpu.memory_space<vmem>>)
      tpu.yield
    }) : () -> ()
    %mul3A_172 = arith.constant 640 : i32
    %mul3A_173 = arith.muli %arg1, %mul3A_172 : i32
    %add3A_174 = arith.constant 92160 : i32
    %add3A_175 = arith.addi %add3A_174, %mul3A_173 : i32
    "tpu.region"() ({
      %run_scoped3A = tpu.sem_alloc : memref<!tpu.dma_semaphore, #tpu.memory_space<semaphore_mem>>
      %dma_start3A_224 = arith.constant 5760 : i32
      %dma_start3A_225 = tpu.memref_slice %arg9[%dma_start3A_224] : memref<10240xf32, #tpu.memory_space<vmem>> -> memref<640xf32, #tpu.memory_space<vmem>>
      %dma_start3A_226 = tpu.memref_slice %arg13[%add3A_175] : memref<163840xf32, #tpu.memory_space<vmem_shared>> -> memref<640xf32, #tpu.memory_space<vmem_shared>>
      %dma_start3A_227 = arith.constant 5760 : i32
      %dma_start3A_228 = tpu.memref_slice %arg9[%dma_start3A_227] : memref<10240xf32, #tpu.memory_space<vmem>> -> memref<640xf32, #tpu.memory_space<vmem>>
      %dma_start3A_229 = tpu.memref_slice %arg13[%add3A_175] : memref<163840xf32, #tpu.memory_space<vmem_shared>> -> memref<640xf32, #tpu.memory_space<vmem_shared>>
      tpu.enqueue_dma source(%dma_start3A_229 : memref<640xf32, #tpu.memory_space<vmem_shared>>) target(%dma_start3A_228 : memref<640xf32, #tpu.memory_space<vmem>>) target_semaphore(%run_scoped3A : memref<!tpu.dma_semaphore, #tpu.memory_space<semaphore_mem>>)
      %dma_wait3A_230 = arith.constant 5760 : i32
      %dma_wait3A_231 = tpu.memref_slice %arg9[%dma_wait3A_230] : memref<10240xf32, #tpu.memory_space<vmem>> -> memref<640xf32, #tpu.memory_space<vmem>>
      %dma_wait3A_232 = tpu.memref_slice %arg13[%add3A_175] : memref<163840xf32, #tpu.memory_space<vmem_shared>> -> memref<640xf32, #tpu.memory_space<vmem_shared>>
      %dma_wait3A_233 = arith.constant 5760 : i32
      %dma_wait3A_234 = tpu.memref_slice %arg9[%dma_wait3A_233] : memref<10240xf32, #tpu.memory_space<vmem>> -> memref<640xf32, #tpu.memory_space<vmem>>
      %dma_wait3A_235 = tpu.memref_slice %arg13[%add3A_175] : memref<163840xf32, #tpu.memory_space<vmem_shared>> -> memref<640xf32, #tpu.memory_space<vmem_shared>>
      tpu.wait_dma2 semaphore(%run_scoped3A : memref<!tpu.dma_semaphore, #tpu.memory_space<semaphore_mem>>) src(%dma_wait3A_235 : memref<640xf32, #tpu.memory_space<vmem_shared>>) dst(%dma_wait3A_234 : memref<640xf32, #tpu.memory_space<vmem>>)
      tpu.yield
    }) : () -> ()
    %mul3A_176 = arith.constant 640 : i32
    %mul3A_177 = arith.muli %arg1, %mul3A_176 : i32
    %add3A_178 = arith.constant 102400 : i32
    %add3A_179 = arith.addi %add3A_178, %mul3A_177 : i32
    "tpu.region"() ({
      %run_scoped3A = tpu.sem_alloc : memref<!tpu.dma_semaphore, #tpu.memory_space<semaphore_mem>>
      %dma_start3A_224 = arith.constant 6400 : i32
      %dma_start3A_225 = tpu.memref_slice %arg9[%dma_start3A_224] : memref<10240xf32, #tpu.memory_space<vmem>> -> memref<640xf32, #tpu.memory_space<vmem>>
      %dma_start3A_226 = tpu.memref_slice %arg13[%add3A_179] : memref<163840xf32, #tpu.memory_space<vmem_shared>> -> memref<640xf32, #tpu.memory_space<vmem_shared>>
      %dma_start3A_227 = arith.constant 6400 : i32
      %dma_start3A_228 = tpu.memref_slice %arg9[%dma_start3A_227] : memref<10240xf32, #tpu.memory_space<vmem>> -> memref<640xf32, #tpu.memory_space<vmem>>
      %dma_start3A_229 = tpu.memref_slice %arg13[%add3A_179] : memref<163840xf32, #tpu.memory_space<vmem_shared>> -> memref<640xf32, #tpu.memory_space<vmem_shared>>
      tpu.enqueue_dma source(%dma_start3A_229 : memref<640xf32, #tpu.memory_space<vmem_shared>>) target(%dma_start3A_228 : memref<640xf32, #tpu.memory_space<vmem>>) target_semaphore(%run_scoped3A : memref<!tpu.dma_semaphore, #tpu.memory_space<semaphore_mem>>)
      %dma_wait3A_230 = arith.constant 6400 : i32
      %dma_wait3A_231 = tpu.memref_slice %arg9[%dma_wait3A_230] : memref<10240xf32, #tpu.memory_space<vmem>> -> memref<640xf32, #tpu.memory_space<vmem>>
      %dma_wait3A_232 = tpu.memref_slice %arg13[%add3A_179] : memref<163840xf32, #tpu.memory_space<vmem_shared>> -> memref<640xf32, #tpu.memory_space<vmem_shared>>
      %dma_wait3A_233 = arith.constant 6400 : i32
      %dma_wait3A_234 = tpu.memref_slice %arg9[%dma_wait3A_233] : memref<10240xf32, #tpu.memory_space<vmem>> -> memref<640xf32, #tpu.memory_space<vmem>>
      %dma_wait3A_235 = tpu.memref_slice %arg13[%add3A_179] : memref<163840xf32, #tpu.memory_space<vmem_shared>> -> memref<640xf32, #tpu.memory_space<vmem_shared>>
      tpu.wait_dma2 semaphore(%run_scoped3A : memref<!tpu.dma_semaphore, #tpu.memory_space<semaphore_mem>>) src(%dma_wait3A_235 : memref<640xf32, #tpu.memory_space<vmem_shared>>) dst(%dma_wait3A_234 : memref<640xf32, #tpu.memory_space<vmem>>)
      tpu.yield
    }) : () -> ()
    %mul3A_180 = arith.constant 640 : i32
    %mul3A_181 = arith.muli %arg1, %mul3A_180 : i32
    %add3A_182 = arith.constant 112640 : i32
    %add3A_183 = arith.addi %add3A_182, %mul3A_181 : i32
    "tpu.region"() ({
      %run_scoped3A = tpu.sem_alloc : memref<!tpu.dma_semaphore, #tpu.memory_space<semaphore_mem>>
      %dma_start3A_224 = arith.constant 7040 : i32
      %dma_start3A_225 = tpu.memref_slice %arg9[%dma_start3A_224] : memref<10240xf32, #tpu.memory_space<vmem>> -> memref<640xf32, #tpu.memory_space<vmem>>
      %dma_start3A_226 = tpu.memref_slice %arg13[%add3A_183] : memref<163840xf32, #tpu.memory_space<vmem_shared>> -> memref<640xf32, #tpu.memory_space<vmem_shared>>
      %dma_start3A_227 = arith.constant 7040 : i32
      %dma_start3A_228 = tpu.memref_slice %arg9[%dma_start3A_227] : memref<10240xf32, #tpu.memory_space<vmem>> -> memref<640xf32, #tpu.memory_space<vmem>>
      %dma_start3A_229 = tpu.memref_slice %arg13[%add3A_183] : memref<163840xf32, #tpu.memory_space<vmem_shared>> -> memref<640xf32, #tpu.memory_space<vmem_shared>>
      tpu.enqueue_dma source(%dma_start3A_229 : memref<640xf32, #tpu.memory_space<vmem_shared>>) target(%dma_start3A_228 : memref<640xf32, #tpu.memory_space<vmem>>) target_semaphore(%run_scoped3A : memref<!tpu.dma_semaphore, #tpu.memory_space<semaphore_mem>>)
      %dma_wait3A_230 = arith.constant 7040 : i32
      %dma_wait3A_231 = tpu.memref_slice %arg9[%dma_wait3A_230] : memref<10240xf32, #tpu.memory_space<vmem>> -> memref<640xf32, #tpu.memory_space<vmem>>
      %dma_wait3A_232 = tpu.memref_slice %arg13[%add3A_183] : memref<163840xf32, #tpu.memory_space<vmem_shared>> -> memref<640xf32, #tpu.memory_space<vmem_shared>>
      %dma_wait3A_233 = arith.constant 7040 : i32
      %dma_wait3A_234 = tpu.memref_slice %arg9[%dma_wait3A_233] : memref<10240xf32, #tpu.memory_space<vmem>> -> memref<640xf32, #tpu.memory_space<vmem>>
      %dma_wait3A_235 = tpu.memref_slice %arg13[%add3A_183] : memref<163840xf32, #tpu.memory_space<vmem_shared>> -> memref<640xf32, #tpu.memory_space<vmem_shared>>
      tpu.wait_dma2 semaphore(%run_scoped3A : memref<!tpu.dma_semaphore, #tpu.memory_space<semaphore_mem>>) src(%dma_wait3A_235 : memref<640xf32, #tpu.memory_space<vmem_shared>>) dst(%dma_wait3A_234 : memref<640xf32, #tpu.memory_space<vmem>>)
      tpu.yield
    }) : () -> ()
    %mul3A_184 = arith.constant 640 : i32
    %mul3A_185 = arith.muli %arg1, %mul3A_184 : i32
    %add3A_186 = arith.constant 122880 : i32
    %add3A_187 = arith.addi %add3A_186, %mul3A_185 : i32
    "tpu.region"() ({
      %run_scoped3A = tpu.sem_alloc : memref<!tpu.dma_semaphore, #tpu.memory_space<semaphore_mem>>
      %dma_start3A_224 = arith.constant 7680 : i32
      %dma_start3A_225 = tpu.memref_slice %arg9[%dma_start3A_224] : memref<10240xf32, #tpu.memory_space<vmem>> -> memref<640xf32, #tpu.memory_space<vmem>>
      %dma_start3A_226 = tpu.memref_slice %arg13[%add3A_187] : memref<163840xf32, #tpu.memory_space<vmem_shared>> -> memref<640xf32, #tpu.memory_space<vmem_shared>>
      %dma_start3A_227 = arith.constant 7680 : i32
      %dma_start3A_228 = tpu.memref_slice %arg9[%dma_start3A_227] : memref<10240xf32, #tpu.memory_space<vmem>> -> memref<640xf32, #tpu.memory_space<vmem>>
      %dma_start3A_229 = tpu.memref_slice %arg13[%add3A_187] : memref<163840xf32, #tpu.memory_space<vmem_shared>> -> memref<640xf32, #tpu.memory_space<vmem_shared>>
      tpu.enqueue_dma source(%dma_start3A_229 : memref<640xf32, #tpu.memory_space<vmem_shared>>) target(%dma_start3A_228 : memref<640xf32, #tpu.memory_space<vmem>>) target_semaphore(%run_scoped3A : memref<!tpu.dma_semaphore, #tpu.memory_space<semaphore_mem>>)
      %dma_wait3A_230 = arith.constant 7680 : i32
      %dma_wait3A_231 = tpu.memref_slice %arg9[%dma_wait3A_230] : memref<10240xf32, #tpu.memory_space<vmem>> -> memref<640xf32, #tpu.memory_space<vmem>>
      %dma_wait3A_232 = tpu.memref_slice %arg13[%add3A_187] : memref<163840xf32, #tpu.memory_space<vmem_shared>> -> memref<640xf32, #tpu.memory_space<vmem_shared>>
      %dma_wait3A_233 = arith.constant 7680 : i32
      %dma_wait3A_234 = tpu.memref_slice %arg9[%dma_wait3A_233] : memref<10240xf32, #tpu.memory_space<vmem>> -> memref<640xf32, #tpu.memory_space<vmem>>
      %dma_wait3A_235 = tpu.memref_slice %arg13[%add3A_187] : memref<163840xf32, #tpu.memory_space<vmem_shared>> -> memref<640xf32, #tpu.memory_space<vmem_shared>>
      tpu.wait_dma2 semaphore(%run_scoped3A : memref<!tpu.dma_semaphore, #tpu.memory_space<semaphore_mem>>) src(%dma_wait3A_235 : memref<640xf32, #tpu.memory_space<vmem_shared>>) dst(%dma_wait3A_234 : memref<640xf32, #tpu.memory_space<vmem>>)
      tpu.yield
    }) : () -> ()
    %mul3A_188 = arith.constant 640 : i32
    %mul3A_189 = arith.muli %arg1, %mul3A_188 : i32
    %add3A_190 = arith.constant 133120 : i32
    %add3A_191 = arith.addi %add3A_190, %mul3A_189 : i32
    "tpu.region"() ({
      %run_scoped3A = tpu.sem_alloc : memref<!tpu.dma_semaphore, #tpu.memory_space<semaphore_mem>>
      %dma_start3A_224 = arith.constant 8320 : i32
      %dma_start3A_225 = tpu.memref_slice %arg9[%dma_start3A_224] : memref<10240xf32, #tpu.memory_space<vmem>> -> memref<640xf32, #tpu.memory_space<vmem>>
      %dma_start3A_226 = tpu.memref_slice %arg13[%add3A_191] : memref<163840xf32, #tpu.memory_space<vmem_shared>> -> memref<640xf32, #tpu.memory_space<vmem_shared>>
      %dma_start3A_227 = arith.constant 8320 : i32
      %dma_start3A_228 = tpu.memref_slice %arg9[%dma_start3A_227] : memref<10240xf32, #tpu.memory_space<vmem>> -> memref<640xf32, #tpu.memory_space<vmem>>
      %dma_start3A_229 = tpu.memref_slice %arg13[%add3A_191] : memref<163840xf32, #tpu.memory_space<vmem_shared>> -> memref<640xf32, #tpu.memory_space<vmem_shared>>
      tpu.enqueue_dma source(%dma_start3A_229 : memref<640xf32, #tpu.memory_space<vmem_shared>>) target(%dma_start3A_228 : memref<640xf32, #tpu.memory_space<vmem>>) target_semaphore(%run_scoped3A : memref<!tpu.dma_semaphore, #tpu.memory_space<semaphore_mem>>)
      %dma_wait3A_230 = arith.constant 8320 : i32
      %dma_wait3A_231 = tpu.memref_slice %arg9[%dma_wait3A_230] : memref<10240xf32, #tpu.memory_space<vmem>> -> memref<640xf32, #tpu.memory_space<vmem>>
      %dma_wait3A_232 = tpu.memref_slice %arg13[%add3A_191] : memref<163840xf32, #tpu.memory_space<vmem_shared>> -> memref<640xf32, #tpu.memory_space<vmem_shared>>
      %dma_wait3A_233 = arith.constant 8320 : i32
      %dma_wait3A_234 = tpu.memref_slice %arg9[%dma_wait3A_233] : memref<10240xf32, #tpu.memory_space<vmem>> -> memref<640xf32, #tpu.memory_space<vmem>>
      %dma_wait3A_235 = tpu.memref_slice %arg13[%add3A_191] : memref<163840xf32, #tpu.memory_space<vmem_shared>> -> memref<640xf32, #tpu.memory_space<vmem_shared>>
      tpu.wait_dma2 semaphore(%run_scoped3A : memref<!tpu.dma_semaphore, #tpu.memory_space<semaphore_mem>>) src(%dma_wait3A_235 : memref<640xf32, #tpu.memory_space<vmem_shared>>) dst(%dma_wait3A_234 : memref<640xf32, #tpu.memory_space<vmem>>)
      tpu.yield
    }) : () -> ()
    %mul3A_192 = arith.constant 640 : i32
    %mul3A_193 = arith.muli %arg1, %mul3A_192 : i32
    %add3A_194 = arith.constant 143360 : i32
    %add3A_195 = arith.addi %add3A_194, %mul3A_193 : i32
    "tpu.region"() ({
      %run_scoped3A = tpu.sem_alloc : memref<!tpu.dma_semaphore, #tpu.memory_space<semaphore_mem>>
      %dma_start3A_224 = arith.constant 8960 : i32
      %dma_start3A_225 = tpu.memref_slice %arg9[%dma_start3A_224] : memref<10240xf32, #tpu.memory_space<vmem>> -> memref<640xf32, #tpu.memory_space<vmem>>
      %dma_start3A_226 = tpu.memref_slice %arg13[%add3A_195] : memref<163840xf32, #tpu.memory_space<vmem_shared>> -> memref<640xf32, #tpu.memory_space<vmem_shared>>
      %dma_start3A_227 = arith.constant 8960 : i32
      %dma_start3A_228 = tpu.memref_slice %arg9[%dma_start3A_227] : memref<10240xf32, #tpu.memory_space<vmem>> -> memref<640xf32, #tpu.memory_space<vmem>>
      %dma_start3A_229 = tpu.memref_slice %arg13[%add3A_195] : memref<163840xf32, #tpu.memory_space<vmem_shared>> -> memref<640xf32, #tpu.memory_space<vmem_shared>>
      tpu.enqueue_dma source(%dma_start3A_229 : memref<640xf32, #tpu.memory_space<vmem_shared>>) target(%dma_start3A_228 : memref<640xf32, #tpu.memory_space<vmem>>) target_semaphore(%run_scoped3A : memref<!tpu.dma_semaphore, #tpu.memory_space<semaphore_mem>>)
      %dma_wait3A_230 = arith.constant 8960 : i32
      %dma_wait3A_231 = tpu.memref_slice %arg9[%dma_wait3A_230] : memref<10240xf32, #tpu.memory_space<vmem>> -> memref<640xf32, #tpu.memory_space<vmem>>
      %dma_wait3A_232 = tpu.memref_slice %arg13[%add3A_195] : memref<163840xf32, #tpu.memory_space<vmem_shared>> -> memref<640xf32, #tpu.memory_space<vmem_shared>>
      %dma_wait3A_233 = arith.constant 8960 : i32
      %dma_wait3A_234 = tpu.memref_slice %arg9[%dma_wait3A_233] : memref<10240xf32, #tpu.memory_space<vmem>> -> memref<640xf32, #tpu.memory_space<vmem>>
      %dma_wait3A_235 = tpu.memref_slice %arg13[%add3A_195] : memref<163840xf32, #tpu.memory_space<vmem_shared>> -> memref<640xf32, #tpu.memory_space<vmem_shared>>
      tpu.wait_dma2 semaphore(%run_scoped3A : memref<!tpu.dma_semaphore, #tpu.memory_space<semaphore_mem>>) src(%dma_wait3A_235 : memref<640xf32, #tpu.memory_space<vmem_shared>>) dst(%dma_wait3A_234 : memref<640xf32, #tpu.memory_space<vmem>>)
      tpu.yield
    }) : () -> ()
    %mul3A_196 = arith.constant 640 : i32
    %mul3A_197 = arith.muli %arg1, %mul3A_196 : i32
    %add3A_198 = arith.constant 153600 : i32
    %add3A_199 = arith.addi %add3A_198, %mul3A_197 : i32
    "tpu.region"() ({
      %run_scoped3A = tpu.sem_alloc : memref<!tpu.dma_semaphore, #tpu.memory_space<semaphore_mem>>
      %dma_start3A_224 = arith.constant 9600 : i32
      %dma_start3A_225 = tpu.memref_slice %arg9[%dma_start3A_224] : memref<10240xf32, #tpu.memory_space<vmem>> -> memref<640xf32, #tpu.memory_space<vmem>>
      %dma_start3A_226 = tpu.memref_slice %arg13[%add3A_199] : memref<163840xf32, #tpu.memory_space<vmem_shared>> -> memref<640xf32, #tpu.memory_space<vmem_shared>>
      %dma_start3A_227 = arith.constant 9600 : i32
      %dma_start3A_228 = tpu.memref_slice %arg9[%dma_start3A_227] : memref<10240xf32, #tpu.memory_space<vmem>> -> memref<640xf32, #tpu.memory_space<vmem>>
      %dma_start3A_229 = tpu.memref_slice %arg13[%add3A_199] : memref<163840xf32, #tpu.memory_space<vmem_shared>> -> memref<640xf32, #tpu.memory_space<vmem_shared>>
      tpu.enqueue_dma source(%dma_start3A_229 : memref<640xf32, #tpu.memory_space<vmem_shared>>) target(%dma_start3A_228 : memref<640xf32, #tpu.memory_space<vmem>>) target_semaphore(%run_scoped3A : memref<!tpu.dma_semaphore, #tpu.memory_space<semaphore_mem>>)
      %dma_wait3A_230 = arith.constant 9600 : i32
      %dma_wait3A_231 = tpu.memref_slice %arg9[%dma_wait3A_230] : memref<10240xf32, #tpu.memory_space<vmem>> -> memref<640xf32, #tpu.memory_space<vmem>>
      %dma_wait3A_232 = tpu.memref_slice %arg13[%add3A_199] : memref<163840xf32, #tpu.memory_space<vmem_shared>> -> memref<640xf32, #tpu.memory_space<vmem_shared>>
      %dma_wait3A_233 = arith.constant 9600 : i32
      %dma_wait3A_234 = tpu.memref_slice %arg9[%dma_wait3A_233] : memref<10240xf32, #tpu.memory_space<vmem>> -> memref<640xf32, #tpu.memory_space<vmem>>
      %dma_wait3A_235 = tpu.memref_slice %arg13[%add3A_199] : memref<163840xf32, #tpu.memory_space<vmem_shared>> -> memref<640xf32, #tpu.memory_space<vmem_shared>>
      tpu.wait_dma2 semaphore(%run_scoped3A : memref<!tpu.dma_semaphore, #tpu.memory_space<semaphore_mem>>) src(%dma_wait3A_235 : memref<640xf32, #tpu.memory_space<vmem_shared>>) dst(%dma_wait3A_234 : memref<640xf32, #tpu.memory_space<vmem>>)
      tpu.yield
    }) : () -> ()
    %scan3A_200 = arith.constant 0 : i32
    %scan3A_201 = arith.constant 0 : i32
    %scan3A_202 = arith.constant 40 : i32
    %scan3A_203 = arith.addi %scan3A_201, %scan3A_202 : i32
    %scan3A_204 = arith.constant 1 : i32
    %scan3A_205 = scf.for %scan3A_224 = %scan3A_201 to %scan3A_203 step %scan3A_204 iter_args(%scan3A_225 = %scan3A_200) -> (i32)  : i32 {
      %mul3A_226 = arith.constant 16 : i32
      %mul3A_227 = arith.muli %scan3A_224, %mul3A_226 : i32
      %get3A = arith.index_cast %mul3A_227 : i32 to index
      %get3A_228 = tpu.vector_load %arg9[%get3A] {strides = array<i32>} : memref<10240xf32, #tpu.memory_space<vmem>>, vector<16xf32>,
      %mul3A_229 = arith.constant 16 : i32
      %mul3A_230 = arith.muli %scan3A_224, %mul3A_229 : i32
      %add3A_231 = arith.constant 640 : i32
      %add3A_232 = arith.addi %add3A_231, %mul3A_230 : i32
      %get3A_233 = arith.index_cast %add3A_232 : i32 to index
      %get3A_234 = tpu.vector_load %arg9[%get3A_233] {strides = array<i32>} : memref<10240xf32, #tpu.memory_space<vmem>>, vector<16xf32>,
      %add3A_235 = arith.addf %get3A_228, %get3A_234 : vector<16xf32>
      %mul3A_236 = arith.constant 16 : i32
      %mul3A_237 = arith.muli %scan3A_224, %mul3A_236 : i32
      %add3A_238 = arith.constant 1280 : i32
      %add3A_239 = arith.addi %add3A_238, %mul3A_237 : i32
      %get3A_240 = arith.index_cast %add3A_239 : i32 to index
      %get3A_241 = tpu.vector_load %arg9[%get3A_240] {strides = array<i32>} : memref<10240xf32, #tpu.memory_space<vmem>>, vector<16xf32>,
      %add3A_242 = arith.addf %add3A_235, %get3A_241 : vector<16xf32>
      %mul3A_243 = arith.constant 16 : i32
      %mul3A_244 = arith.muli %scan3A_224, %mul3A_243 : i32
      %add3A_245 = arith.constant 1920 : i32
      %add3A_246 = arith.addi %add3A_245, %mul3A_244 : i32
      %get3A_247 = arith.index_cast %add3A_246 : i32 to index
      %get3A_248 = tpu.vector_load %arg9[%get3A_247] {strides = array<i32>} : memref<10240xf32, #tpu.memory_space<vmem>>, vector<16xf32>,
      %add3A_249 = arith.addf %add3A_242, %get3A_248 : vector<16xf32>
      %mul3A_250 = arith.constant 16 : i32
      %mul3A_251 = arith.muli %scan3A_224, %mul3A_250 : i32
      %add3A_252 = arith.constant 2560 : i32
      %add3A_253 = arith.addi %add3A_252, %mul3A_251 : i32
      %get3A_254 = arith.index_cast %add3A_253 : i32 to index
      %get3A_255 = tpu.vector_load %arg9[%get3A_254] {strides = array<i32>} : memref<10240xf32, #tpu.memory_space<vmem>>, vector<16xf32>,
      %add3A_256 = arith.addf %add3A_249, %get3A_255 : vector<16xf32>
      %mul3A_257 = arith.constant 16 : i32
      %mul3A_258 = arith.muli %scan3A_224, %mul3A_257 : i32
      %add3A_259 = arith.constant 3200 : i32
      %add3A_260 = arith.addi %add3A_259, %mul3A_258 : i32
      %get3A_261 = arith.index_cast %add3A_260 : i32 to index
      %get3A_262 = tpu.vector_load %arg9[%get3A_261] {strides = array<i32>} : memref<10240xf32, #tpu.memory_space<vmem>>, vector<16xf32>,
      %add3A_263 = arith.addf %add3A_256, %get3A_262 : vector<16xf32>
      %mul3A_264 = arith.constant 16 : i32
      %mul3A_265 = arith.muli %scan3A_224, %mul3A_264 : i32
      %add3A_266 = arith.constant 3840 : i32
      %add3A_267 = arith.addi %add3A_266, %mul3A_265 : i32
      %get3A_268 = arith.index_cast %add3A_267 : i32 to index
      %get3A_269 = tpu.vector_load %arg9[%get3A_268] {strides = array<i32>} : memref<10240xf32, #tpu.memory_space<vmem>>, vector<16xf32>,
      %add3A_270 = arith.addf %add3A_263, %get3A_269 : vector<16xf32>
      %mul3A_271 = arith.constant 16 : i32
      %mul3A_272 = arith.muli %scan3A_224, %mul3A_271 : i32
      %add3A_273 = arith.constant 4480 : i32
      %add3A_274 = arith.addi %add3A_273, %mul3A_272 : i32
      %get3A_275 = arith.index_cast %add3A_274 : i32 to index
      %get3A_276 = tpu.vector_load %arg9[%get3A_275] {strides = array<i32>} : memref<10240xf32, #tpu.memory_space<vmem>>, vector<16xf32>,
      %add3A_277 = arith.addf %add3A_270, %get3A_276 : vector<16xf32>
      %mul3A_278 = arith.constant 16 : i32
      %mul3A_279 = arith.muli %scan3A_224, %mul3A_278 : i32
      %add3A_280 = arith.constant 5120 : i32
      %add3A_281 = arith.addi %add3A_280, %mul3A_279 : i32
      %get3A_282 = arith.index_cast %add3A_281 : i32 to index
      %get3A_283 = tpu.vector_load %arg9[%get3A_282] {strides = array<i32>} : memref<10240xf32, #tpu.memory_space<vmem>>, vector<16xf32>,
      %add3A_284 = arith.addf %add3A_277, %get3A_283 : vector<16xf32>
      %mul3A_285 = arith.constant 16 : i32
      %mul3A_286 = arith.muli %scan3A_224, %mul3A_285 : i32
      %add3A_287 = arith.constant 5760 : i32
      %add3A_288 = arith.addi %add3A_287, %mul3A_286 : i32
      %get3A_289 = arith.index_cast %add3A_288 : i32 to index
      %get3A_290 = tpu.vector_load %arg9[%get3A_289] {strides = array<i32>} : memref<10240xf32, #tpu.memory_space<vmem>>, vector<16xf32>,
      %add3A_291 = arith.addf %add3A_284, %get3A_290 : vector<16xf32>
      %mul3A_292 = arith.constant 16 : i32
      %mul3A_293 = arith.muli %scan3A_224, %mul3A_292 : i32
      %add3A_294 = arith.constant 6400 : i32
      %add3A_295 = arith.addi %add3A_294, %mul3A_293 : i32
      %get3A_296 = arith.index_cast %add3A_295 : i32 to index
      %get3A_297 = tpu.vector_load %arg9[%get3A_296] {strides = array<i32>} : memref<10240xf32, #tpu.memory_space<vmem>>, vector<16xf32>,
      %add3A_298 = arith.addf %add3A_291, %get3A_297 : vector<16xf32>
      %mul3A_299 = arith.constant 16 : i32
      %mul3A_300 = arith.muli %scan3A_224, %mul3A_299 : i32
      %add3A_301 = arith.constant 7040 : i32
      %add3A_302 = arith.addi %add3A_301, %mul3A_300 : i32
      %get3A_303 = arith.index_cast %add3A_302 : i32 to index
      %get3A_304 = tpu.vector_load %arg9[%get3A_303] {strides = array<i32>} : memref<10240xf32, #tpu.memory_space<vmem>>, vector<16xf32>,
      %add3A_305 = arith.addf %add3A_298, %get3A_304 : vector<16xf32>
      %mul3A_306 = arith.constant 16 : i32
      %mul3A_307 = arith.muli %scan3A_224, %mul3A_306 : i32
      %add3A_308 = arith.constant 7680 : i32
      %add3A_309 = arith.addi %add3A_308, %mul3A_307 : i32
      %get3A_310 = arith.index_cast %add3A_309 : i32 to index
      %get3A_311 = tpu.vector_load %arg9[%get3A_310] {strides = array<i32>} : memref<10240xf32, #tpu.memory_space<vmem>>, vector<16xf32>,
      %add3A_312 = arith.addf %add3A_305, %get3A_311 : vector<16xf32>
      %mul3A_313 = arith.constant 16 : i32
      %mul3A_314 = arith.muli %scan3A_224, %mul3A_313 : i32
      %add3A_315 = arith.constant 8320 : i32
      %add3A_316 = arith.addi %add3A_315, %mul3A_314 : i32
      %get3A_317 = arith.index_cast %add3A_316 : i32 to index
      %get3A_318 = tpu.vector_load %arg9[%get3A_317] {strides = array<i32>} : memref<10240xf32, #tpu.memory_space<vmem>>, vector<16xf32>,
      %add3A_319 = arith.addf %add3A_312, %get3A_318 : vector<16xf32>
      %mul3A_320 = arith.constant 16 : i32
      %mul3A_321 = arith.muli %scan3A_224, %mul3A_320 : i32
      %add3A_322 = arith.constant 8960 : i32
      %add3A_323 = arith.addi %add3A_322, %mul3A_321 : i32
      %get3A_324 = arith.index_cast %add3A_323 : i32 to index
      %get3A_325 = tpu.vector_load %arg9[%get3A_324] {strides = array<i32>} : memref<10240xf32, #tpu.memory_space<vmem>>, vector<16xf32>,
      %add3A_326 = arith.addf %add3A_319, %get3A_325 : vector<16xf32>
      %mul3A_327 = arith.constant 16 : i32
      %mul3A_328 = arith.muli %scan3A_224, %mul3A_327 : i32
      %add3A_329 = arith.constant 9600 : i32
      %add3A_330 = arith.addi %add3A_329, %mul3A_328 : i32
      %get3A_331 = arith.index_cast %add3A_330 : i32 to index
      %get3A_332 = tpu.vector_load %arg9[%get3A_331] {strides = array<i32>} : memref<10240xf32, #tpu.memory_space<vmem>>, vector<16xf32>,
      %add3A_333 = arith.addf %add3A_326, %get3A_332 : vector<16xf32>
      %mul3A_334 = arith.constant 16 : i32
      %mul3A_335 = arith.muli %scan3A_224, %mul3A_334 : i32
      %swap3A = arith.index_cast %mul3A_335 : i32 to index
      %swap3A_336 = tpu.vector_load %arg10[%swap3A] {strides = array<i32>} : memref<640xf32, #tpu.memory_space<vmem>>, vector<16xf32>,
      tpu.vector_store %arg10[%swap3A], %add3A_333 {strides = array<i32>} : memref<640xf32, #tpu.memory_space<vmem>>, vector<16xf32>,
      %scan3A_337 = arith.constant 0 : i32
      scf.yield %scan3A_337 : i32
    }
    %scan3A_206 = arith.constant 40 : i32
    %scan3A_207 = arith.constant 0 : i32
    %scan3A_208 = arith.constant 0 : i32
    %scan3A_209 = arith.constant 40 : i32
    %scan3A_210 = arith.addi %scan3A_208, %scan3A_209 : i32
    %scan3A_211 = arith.constant 1 : i32
    %scan3A_212 = scf.for %scan3A_224 = %scan3A_208 to %scan3A_210 step %scan3A_211 iter_args(%scan3A_225 = %scan3A_207) -> (i32)  : i32 {
      %mul3A_226 = arith.constant 16 : i32
      %mul3A_227 = arith.muli %scan3A_224, %mul3A_226 : i32
      %get3A = arith.index_cast %mul3A_227 : i32 to index
      %get3A_228 = tpu.vector_load %arg10[%get3A] {strides = array<i32>} : memref<640xf32, #tpu.memory_space<vmem>>, vector<16xf32>,
      %slice3A = vector.extract_strided_slice %get3A_228 {offsets = [0], sizes = [1], strides = [1]} : vector<16xf32> to vector<1xf32>
      %squeeze3A = vector.extract %slice3A[0] : f32 from vector<1xf32>
      %broadcast_in_dim3A_229 = vector.broadcast %squeeze3A : f32 to vector<16xf32>
      %mul3A_230 = arith.constant 256 : i32
      %mul3A_231 = arith.muli %scan3A_224, %mul3A_230 : i32
      %add3A_232 = arith.constant 0 : i32
      %add3A_233 = arith.addi %mul3A_231, %add3A_232 : i32
      %swap3A = arith.index_cast %add3A_233 : i32 to index
      %swap3A_234 = tpu.vector_load %arg11[%swap3A] {strides = array<i32>} : memref<10240xf32, #tpu.memory_space<vmem>>, vector<16xf32>,
      tpu.vector_store %arg11[%swap3A], %broadcast_in_dim3A_229 {strides = array<i32>} : memref<10240xf32, #tpu.memory_space<vmem>>, vector<16xf32>,
      %slice3A_235 = vector.extract_strided_slice %get3A_228 {offsets = [1], sizes = [1], strides = [1]} : vector<16xf32> to vector<1xf32>
      %squeeze3A_236 = vector.extract %slice3A_235[0] : f32 from vector<1xf32>
      %broadcast_in_dim3A_237 = vector.broadcast %squeeze3A_236 : f32 to vector<16xf32>
      %mul3A_238 = arith.constant 256 : i32
      %mul3A_239 = arith.muli %scan3A_224, %mul3A_238 : i32
      %add3A_240 = arith.constant 16 : i32
      %add3A_241 = arith.addi %mul3A_239, %add3A_240 : i32
      %swap3A_242 = arith.index_cast %add3A_241 : i32 to index
      %swap3A_243 = tpu.vector_load %arg11[%swap3A_242] {strides = array<i32>} : memref<10240xf32, #tpu.memory_space<vmem>>, vector<16xf32>,
      tpu.vector_store %arg11[%swap3A_242], %broadcast_in_dim3A_237 {strides = array<i32>} : memref<10240xf32, #tpu.memory_space<vmem>>, vector<16xf32>,
      %slice3A_244 = vector.extract_strided_slice %get3A_228 {offsets = [2], sizes = [1], strides = [1]} : vector<16xf32> to vector<1xf32>
      %squeeze3A_245 = vector.extract %slice3A_244[0] : f32 from vector<1xf32>
      %broadcast_in_dim3A_246 = vector.broadcast %squeeze3A_245 : f32 to vector<16xf32>
      %mul3A_247 = arith.constant 256 : i32
      %mul3A_248 = arith.muli %scan3A_224, %mul3A_247 : i32
      %add3A_249 = arith.constant 32 : i32
      %add3A_250 = arith.addi %mul3A_248, %add3A_249 : i32
      %swap3A_251 = arith.index_cast %add3A_250 : i32 to index
      %swap3A_252 = tpu.vector_load %arg11[%swap3A_251] {strides = array<i32>} : memref<10240xf32, #tpu.memory_space<vmem>>, vector<16xf32>,
      tpu.vector_store %arg11[%swap3A_251], %broadcast_in_dim3A_246 {strides = array<i32>} : memref<10240xf32, #tpu.memory_space<vmem>>, vector<16xf32>,
      %slice3A_253 = vector.extract_strided_slice %get3A_228 {offsets = [3], sizes = [1], strides = [1]} : vector<16xf32> to vector<1xf32>
      %squeeze3A_254 = vector.extract %slice3A_253[0] : f32 from vector<1xf32>
      %broadcast_in_dim3A_255 = vector.broadcast %squeeze3A_254 : f32 to vector<16xf32>
      %mul3A_256 = arith.constant 256 : i32
      %mul3A_257 = arith.muli %scan3A_224, %mul3A_256 : i32
      %add3A_258 = arith.constant 48 : i32
      %add3A_259 = arith.addi %mul3A_257, %add3A_258 : i32
      %swap3A_260 = arith.index_cast %add3A_259 : i32 to index
      %swap3A_261 = tpu.vector_load %arg11[%swap3A_260] {strides = array<i32>} : memref<10240xf32, #tpu.memory_space<vmem>>, vector<16xf32>,
      tpu.vector_store %arg11[%swap3A_260], %broadcast_in_dim3A_255 {strides = array<i32>} : memref<10240xf32, #tpu.memory_space<vmem>>, vector<16xf32>,
      %slice3A_262 = vector.extract_strided_slice %get3A_228 {offsets = [4], sizes = [1], strides = [1]} : vector<16xf32> to vector<1xf32>
      %squeeze3A_263 = vector.extract %slice3A_262[0] : f32 from vector<1xf32>
      %broadcast_in_dim3A_264 = vector.broadcast %squeeze3A_263 : f32 to vector<16xf32>
      %mul3A_265 = arith.constant 256 : i32
      %mul3A_266 = arith.muli %scan3A_224, %mul3A_265 : i32
      %add3A_267 = arith.constant 64 : i32
      %add3A_268 = arith.addi %mul3A_266, %add3A_267 : i32
      %swap3A_269 = arith.index_cast %add3A_268 : i32 to index
      %swap3A_270 = tpu.vector_load %arg11[%swap3A_269] {strides = array<i32>} : memref<10240xf32, #tpu.memory_space<vmem>>, vector<16xf32>,
      tpu.vector_store %arg11[%swap3A_269], %broadcast_in_dim3A_264 {strides = array<i32>} : memref<10240xf32, #tpu.memory_space<vmem>>, vector<16xf32>,
      %slice3A_271 = vector.extract_strided_slice %get3A_228 {offsets = [5], sizes = [1], strides = [1]} : vector<16xf32> to vector<1xf32>
      %squeeze3A_272 = vector.extract %slice3A_271[0] : f32 from vector<1xf32>
      %broadcast_in_dim3A_273 = vector.broadcast %squeeze3A_272 : f32 to vector<16xf32>
      %mul3A_274 = arith.constant 256 : i32
      %mul3A_275 = arith.muli %scan3A_224, %mul3A_274 : i32
      %add3A_276 = arith.constant 80 : i32
      %add3A_277 = arith.addi %mul3A_275, %add3A_276 : i32
      %swap3A_278 = arith.index_cast %add3A_277 : i32 to index
      %swap3A_279 = tpu.vector_load %arg11[%swap3A_278] {strides = array<i32>} : memref<10240xf32, #tpu.memory_space<vmem>>, vector<16xf32>,
      tpu.vector_store %arg11[%swap3A_278], %broadcast_in_dim3A_273 {strides = array<i32>} : memref<10240xf32, #tpu.memory_space<vmem>>, vector<16xf32>,
      %slice3A_280 = vector.extract_strided_slice %get3A_228 {offsets = [6], sizes = [1], strides = [1]} : vector<16xf32> to vector<1xf32>
      %squeeze3A_281 = vector.extract %slice3A_280[0] : f32 from vector<1xf32>
      %broadcast_in_dim3A_282 = vector.broadcast %squeeze3A_281 : f32 to vector<16xf32>
      %mul3A_283 = arith.constant 256 : i32
      %mul3A_284 = arith.muli %scan3A_224, %mul3A_283 : i32
      %add3A_285 = arith.constant 96 : i32
      %add3A_286 = arith.addi %mul3A_284, %add3A_285 : i32
      %swap3A_287 = arith.index_cast %add3A_286 : i32 to index
      %swap3A_288 = tpu.vector_load %arg11[%swap3A_287] {strides = array<i32>} : memref<10240xf32, #tpu.memory_space<vmem>>, vector<16xf32>,
      tpu.vector_store %arg11[%swap3A_287], %broadcast_in_dim3A_282 {strides = array<i32>} : memref<10240xf32, #tpu.memory_space<vmem>>, vector<16xf32>,
      %slice3A_289 = vector.extract_strided_slice %get3A_228 {offsets = [7], sizes = [1], strides = [1]} : vector<16xf32> to vector<1xf32>
      %squeeze3A_290 = vector.extract %slice3A_289[0] : f32 from vector<1xf32>
      %broadcast_in_dim3A_291 = vector.broadcast %squeeze3A_290 : f32 to vector<16xf32>
      %mul3A_292 = arith.constant 256 : i32
      %mul3A_293 = arith.muli %scan3A_224, %mul3A_292 : i32
      %add3A_294 = arith.constant 112 : i32
      %add3A_295 = arith.addi %mul3A_293, %add3A_294 : i32
      %swap3A_296 = arith.index_cast %add3A_295 : i32 to index
      %swap3A_297 = tpu.vector_load %arg11[%swap3A_296] {strides = array<i32>} : memref<10240xf32, #tpu.memory_space<vmem>>, vector<16xf32>,
      tpu.vector_store %arg11[%swap3A_296], %broadcast_in_dim3A_291 {strides = array<i32>} : memref<10240xf32, #tpu.memory_space<vmem>>, vector<16xf32>,
      %slice3A_298 = vector.extract_strided_slice %get3A_228 {offsets = [8], sizes = [1], strides = [1]} : vector<16xf32> to vector<1xf32>
      %squeeze3A_299 = vector.extract %slice3A_298[0] : f32 from vector<1xf32>
      %broadcast_in_dim3A_300 = vector.broadcast %squeeze3A_299 : f32 to vector<16xf32>
      %mul3A_301 = arith.constant 256 : i32
      %mul3A_302 = arith.muli %scan3A_224, %mul3A_301 : i32
      %add3A_303 = arith.constant 128 : i32
      %add3A_304 = arith.addi %mul3A_302, %add3A_303 : i32
      %swap3A_305 = arith.index_cast %add3A_304 : i32 to index
      %swap3A_306 = tpu.vector_load %arg11[%swap3A_305] {strides = array<i32>} : memref<10240xf32, #tpu.memory_space<vmem>>, vector<16xf32>,
      tpu.vector_store %arg11[%swap3A_305], %broadcast_in_dim3A_300 {strides = array<i32>} : memref<10240xf32, #tpu.memory_space<vmem>>, vector<16xf32>,
      %slice3A_307 = vector.extract_strided_slice %get3A_228 {offsets = [9], sizes = [1], strides = [1]} : vector<16xf32> to vector<1xf32>
      %squeeze3A_308 = vector.extract %slice3A_307[0] : f32 from vector<1xf32>
      %broadcast_in_dim3A_309 = vector.broadcast %squeeze3A_308 : f32 to vector<16xf32>
      %mul3A_310 = arith.constant 256 : i32
      %mul3A_311 = arith.muli %scan3A_224, %mul3A_310 : i32
      %add3A_312 = arith.constant 144 : i32
      %add3A_313 = arith.addi %mul3A_311, %add3A_312 : i32
      %swap3A_314 = arith.index_cast %add3A_313 : i32 to index
      %swap3A_315 = tpu.vector_load %arg11[%swap3A_314] {strides = array<i32>} : memref<10240xf32, #tpu.memory_space<vmem>>, vector<16xf32>,
      tpu.vector_store %arg11[%swap3A_314], %broadcast_in_dim3A_309 {strides = array<i32>} : memref<10240xf32, #tpu.memory_space<vmem>>, vector<16xf32>,
      %slice3A_316 = vector.extract_strided_slice %get3A_228 {offsets = [10], sizes = [1], strides = [1]} : vector<16xf32> to vector<1xf32>
      %squeeze3A_317 = vector.extract %slice3A_316[0] : f32 from vector<1xf32>
      %broadcast_in_dim3A_318 = vector.broadcast %squeeze3A_317 : f32 to vector<16xf32>
      %mul3A_319 = arith.constant 256 : i32
      %mul3A_320 = arith.muli %scan3A_224, %mul3A_319 : i32
      %add3A_321 = arith.constant 160 : i32
      %add3A_322 = arith.addi %mul3A_320, %add3A_321 : i32
      %swap3A_323 = arith.index_cast %add3A_322 : i32 to index
      %swap3A_324 = tpu.vector_load %arg11[%swap3A_323] {strides = array<i32>} : memref<10240xf32, #tpu.memory_space<vmem>>, vector<16xf32>,
      tpu.vector_store %arg11[%swap3A_323], %broadcast_in_dim3A_318 {strides = array<i32>} : memref<10240xf32, #tpu.memory_space<vmem>>, vector<16xf32>,
      %slice3A_325 = vector.extract_strided_slice %get3A_228 {offsets = [11], sizes = [1], strides = [1]} : vector<16xf32> to vector<1xf32>
      %squeeze3A_326 = vector.extract %slice3A_325[0] : f32 from vector<1xf32>
      %broadcast_in_dim3A_327 = vector.broadcast %squeeze3A_326 : f32 to vector<16xf32>
      %mul3A_328 = arith.constant 256 : i32
      %mul3A_329 = arith.muli %scan3A_224, %mul3A_328 : i32
      %add3A_330 = arith.constant 176 : i32
      %add3A_331 = arith.addi %mul3A_329, %add3A_330 : i32
      %swap3A_332 = arith.index_cast %add3A_331 : i32 to index
      %swap3A_333 = tpu.vector_load %arg11[%swap3A_332] {strides = array<i32>} : memref<10240xf32, #tpu.memory_space<vmem>>, vector<16xf32>,
      tpu.vector_store %arg11[%swap3A_332], %broadcast_in_dim3A_327 {strides = array<i32>} : memref<10240xf32, #tpu.memory_space<vmem>>, vector<16xf32>,
      %slice3A_334 = vector.extract_strided_slice %get3A_228 {offsets = [12], sizes = [1], strides = [1]} : vector<16xf32> to vector<1xf32>
      %squeeze3A_335 = vector.extract %slice3A_334[0] : f32 from vector<1xf32>
      %broadcast_in_dim3A_336 = vector.broadcast %squeeze3A_335 : f32 to vector<16xf32>
      %mul3A_337 = arith.constant 256 : i32
      %mul3A_338 = arith.muli %scan3A_224, %mul3A_337 : i32
      %add3A_339 = arith.constant 192 : i32
      %add3A_340 = arith.addi %mul3A_338, %add3A_339 : i32
      %swap3A_341 = arith.index_cast %add3A_340 : i32 to index
      %swap3A_342 = tpu.vector_load %arg11[%swap3A_341] {strides = array<i32>} : memref<10240xf32, #tpu.memory_space<vmem>>, vector<16xf32>,
      tpu.vector_store %arg11[%swap3A_341], %broadcast_in_dim3A_336 {strides = array<i32>} : memref<10240xf32, #tpu.memory_space<vmem>>, vector<16xf32>,
      %slice3A_343 = vector.extract_strided_slice %get3A_228 {offsets = [13], sizes = [1], strides = [1]} : vector<16xf32> to vector<1xf32>
      %squeeze3A_344 = vector.extract %slice3A_343[0] : f32 from vector<1xf32>
      %broadcast_in_dim3A_345 = vector.broadcast %squeeze3A_344 : f32 to vector<16xf32>
      %mul3A_346 = arith.constant 256 : i32
      %mul3A_347 = arith.muli %scan3A_224, %mul3A_346 : i32
      %add3A_348 = arith.constant 208 : i32
      %add3A_349 = arith.addi %mul3A_347, %add3A_348 : i32
      %swap3A_350 = arith.index_cast %add3A_349 : i32 to index
      %swap3A_351 = tpu.vector_load %arg11[%swap3A_350] {strides = array<i32>} : memref<10240xf32, #tpu.memory_space<vmem>>, vector<16xf32>,
      tpu.vector_store %arg11[%swap3A_350], %broadcast_in_dim3A_345 {strides = array<i32>} : memref<10240xf32, #tpu.memory_space<vmem>>, vector<16xf32>,
      %slice3A_352 = vector.extract_strided_slice %get3A_228 {offsets = [14], sizes = [1], strides = [1]} : vector<16xf32> to vector<1xf32>
      %squeeze3A_353 = vector.extract %slice3A_352[0] : f32 from vector<1xf32>
      %broadcast_in_dim3A_354 = vector.broadcast %squeeze3A_353 : f32 to vector<16xf32>
      %mul3A_355 = arith.constant 256 : i32
      %mul3A_356 = arith.muli %scan3A_224, %mul3A_355 : i32
      %add3A_357 = arith.constant 224 : i32
      %add3A_358 = arith.addi %mul3A_356, %add3A_357 : i32
      %swap3A_359 = arith.index_cast %add3A_358 : i32 to index
      %swap3A_360 = tpu.vector_load %arg11[%swap3A_359] {strides = array<i32>} : memref<10240xf32, #tpu.memory_space<vmem>>, vector<16xf32>,
      tpu.vector_store %arg11[%swap3A_359], %broadcast_in_dim3A_354 {strides = array<i32>} : memref<10240xf32, #tpu.memory_space<vmem>>, vector<16xf32>,
      %slice3A_361 = vector.extract_strided_slice %get3A_228 {offsets = [15], sizes = [1], strides = [1]} : vector<16xf32> to vector<1xf32>
      %squeeze3A_362 = vector.extract %slice3A_361[0] : f32 from vector<1xf32>
      %broadcast_in_dim3A_363 = vector.broadcast %squeeze3A_362 : f32 to vector<16xf32>
      %mul3A_364 = arith.constant 256 : i32
      %mul3A_365 = arith.muli %scan3A_224, %mul3A_364 : i32
      %add3A_366 = arith.constant 240 : i32
      %add3A_367 = arith.addi %mul3A_365, %add3A_366 : i32
      %swap3A_368 = arith.index_cast %add3A_367 : i32 to index
      %swap3A_369 = tpu.vector_load %arg11[%swap3A_368] {strides = array<i32>} : memref<10240xf32, #tpu.memory_space<vmem>>, vector<16xf32>,
      tpu.vector_store %arg11[%swap3A_368], %broadcast_in_dim3A_363 {strides = array<i32>} : memref<10240xf32, #tpu.memory_space<vmem>>, vector<16xf32>,
      %scan3A_370 = arith.constant 0 : i32
      scf.yield %scan3A_370 : i32
    }
    %scan3A_213 = arith.constant 40 : i32
    %lt3A_214 = arith.constant 15 : i32
    %lt3A_215 = arith.cmpi slt, %arg1, %lt3A_214 : i32
    %convert_element_type3A_216 = arith.extui %lt3A_215 : i1 to i32
    %cond3A_217 = arith.constant 0 : i32
    %cond3A_218 = arith.cmpi ne, %convert_element_type3A_216, %cond3A_217 : i32
    scf.if %cond3A_218 {
      %mul3A_224 = arith.constant 640 : i32
      %mul3A_225 = arith.muli %arg1, %mul3A_224 : i32
      %mul3A_226 = arith.constant 16 : i32
      %mul3A_227 = arith.muli %mul3A_225, %mul3A_226 : i32
      "tpu.region"() ({
        %run_scoped3A = tpu.sem_alloc : memref<!tpu.dma_semaphore, #tpu.memory_space<semaphore_mem>>
        %dma_start3A_228 = tpu.memref_slice %arg5[%arg0, %mul3A_227] : memref<2x160000xf32, #tpu.memory_space<hbm>> -> memref<1x10240xf32, #tpu.memory_space<hbm>>
        %dma_start3A_229 = tpu.memref_squeeze %dma_start3A_228 : memref<1x10240xf32, #tpu.memory_space<hbm>> -> memref<10240xf32, #tpu.memory_space<hbm>>
        %dma_start3A_230 = tpu.memref_slice %arg5[%arg0, %mul3A_227] : memref<2x160000xf32, #tpu.memory_space<hbm>> -> memref<1x10240xf32, #tpu.memory_space<hbm>>
        %dma_start3A_231 = tpu.memref_squeeze %dma_start3A_230 : memref<1x10240xf32, #tpu.memory_space<hbm>> -> memref<10240xf32, #tpu.memory_space<hbm>>
        tpu.enqueue_dma source(%arg11 : memref<10240xf32, #tpu.memory_space<vmem>>) target(%dma_start3A_231 : memref<10240xf32, #tpu.memory_space<hbm>>) target_semaphore(%run_scoped3A : memref<!tpu.dma_semaphore, #tpu.memory_space<semaphore_mem>>)
        %dma_wait3A_232 = tpu.memref_slice %arg5[%arg0, %mul3A_227] : memref<2x160000xf32, #tpu.memory_space<hbm>> -> memref<1x10240xf32, #tpu.memory_space<hbm>>
        %dma_wait3A_233 = tpu.memref_squeeze %dma_wait3A_232 : memref<1x10240xf32, #tpu.memory_space<hbm>> -> memref<10240xf32, #tpu.memory_space<hbm>>
        %dma_wait3A_234 = tpu.memref_slice %arg5[%arg0, %mul3A_227] : memref<2x160000xf32, #tpu.memory_space<hbm>> -> memref<1x10240xf32, #tpu.memory_space<hbm>>
        %dma_wait3A_235 = tpu.memref_squeeze %dma_wait3A_234 : memref<1x10240xf32, #tpu.memory_space<hbm>> -> memref<10240xf32, #tpu.memory_space<hbm>>
        tpu.wait_dma2 semaphore(%run_scoped3A : memref<!tpu.dma_semaphore, #tpu.memory_space<semaphore_mem>>) src(%arg11 : memref<10240xf32, #tpu.memory_space<vmem>>) dst(%dma_wait3A_235 : memref<10240xf32, #tpu.memory_space<hbm>>)
        tpu.yield
      }) : () -> ()
    } else {
    }
    %eq3A_219 = arith.constant 15 : i32
    %eq3A_220 = arith.cmpi eq, %arg1, %eq3A_219 : i32
    %convert_element_type3A_221 = arith.extui %eq3A_220 : i1 to i32
    %cond3A_222 = arith.constant 0 : i32
    %cond3A_223 = arith.cmpi ne, %convert_element_type3A_221, %cond3A_222 : i32
    scf.if %cond3A_223 {
      "tpu.region"() ({
        %run_scoped3A = tpu.sem_alloc : memref<!tpu.dma_semaphore, #tpu.memory_space<semaphore_mem>>
        %dma_start3A_224 = arith.constant 0 : i32
        %dma_start3A_225 = tpu.memref_slice %arg11[%dma_start3A_224] : memref<10240xf32, #tpu.memory_space<vmem>> -> memref<6400xf32, #tpu.memory_space<vmem>>
        %dma_start3A_226 = arith.constant 153600 : i32
        %dma_start3A_227 = tpu.memref_slice %arg5[%arg0, %dma_start3A_226] : memref<2x160000xf32, #tpu.memory_space<hbm>> -> memref<1x6400xf32, #tpu.memory_space<hbm>>
        %dma_start3A_228 = tpu.memref_squeeze %dma_start3A_227 : memref<1x6400xf32, #tpu.memory_space<hbm>> -> memref<6400xf32, #tpu.memory_space<hbm>>
        %dma_start3A_229 = arith.constant 153600 : i32
        %dma_start3A_230 = tpu.memref_slice %arg5[%arg0, %dma_start3A_229] : memref<2x160000xf32, #tpu.memory_space<hbm>> -> memref<1x6400xf32, #tpu.memory_space<hbm>>
        %dma_start3A_231 = tpu.memref_squeeze %dma_start3A_230 : memref<1x6400xf32, #tpu.memory_space<hbm>> -> memref<6400xf32, #tpu.memory_space<hbm>>
        %dma_start3A_232 = arith.constant 0 : i32
        %dma_start3A_233 = tpu.memref_slice %arg11[%dma_start3A_232] : memref<10240xf32, #tpu.memory_space<vmem>> -> memref<6400xf32, #tpu.memory_space<vmem>>
        tpu.enqueue_dma source(%dma_start3A_233 : memref<6400xf32, #tpu.memory_space<vmem>>) target(%dma_start3A_231 : memref<6400xf32, #tpu.memory_space<hbm>>) target_semaphore(%run_scoped3A : memref<!tpu.dma_semaphore, #tpu.memory_space<semaphore_mem>>)
        %dma_wait3A_234 = arith.constant 0 : i32
        %dma_wait3A_235 = tpu.memref_slice %arg11[%dma_wait3A_234] : memref<10240xf32, #tpu.memory_space<vmem>> -> memref<6400xf32, #tpu.memory_space<vmem>>
        %dma_wait3A_236 = arith.constant 153600 : i32
        %dma_wait3A_237 = tpu.memref_slice %arg5[%arg0, %dma_wait3A_236] : memref<2x160000xf32, #tpu.memory_space<hbm>> -> memref<1x6400xf32, #tpu.memory_space<hbm>>
        %dma_wait3A_238 = tpu.memref_squeeze %dma_wait3A_237 : memref<1x6400xf32, #tpu.memory_space<hbm>> -> memref<6400xf32, #tpu.memory_space<hbm>>
        %dma_wait3A_239 = arith.constant 153600 : i32
        %dma_wait3A_240 = tpu.memref_slice %arg5[%arg0, %dma_wait3A_239] : memref<2x160000xf32, #tpu.memory_space<hbm>> -> memref<1x6400xf32, #tpu.memory_space<hbm>>
        %dma_wait3A_241 = tpu.memref_squeeze %dma_wait3A_240 : memref<1x6400xf32, #tpu.memory_space<hbm>> -> memref<6400xf32, #tpu.memory_space<hbm>>
        %dma_wait3A_242 = arith.constant 0 : i32
        %dma_wait3A_243 = tpu.memref_slice %arg11[%dma_wait3A_242] : memref<10240xf32, #tpu.memory_space<vmem>> -> memref<6400xf32, #tpu.memory_space<vmem>>
        tpu.wait_dma2 semaphore(%run_scoped3A : memref<!tpu.dma_semaphore, #tpu.memory_space<semaphore_mem>>) src(%dma_wait3A_243 : memref<6400xf32, #tpu.memory_space<vmem>>) dst(%dma_wait3A_241 : memref<6400xf32, #tpu.memory_space<hbm>>)
        tpu.yield
      }) : () -> ()
    } else {
    }
    return
  }
}

#map = affine_map<(d0, d1) -> (0, 0)>
#map1 = affine_map<(d0, d1) -> (0)>
#map2 = affine_map<(d0, d1) -> (0, 0, 0)>
module attributes {stable_mosaic.version = 14 : i64} {
  func.func @_agg_body(%arg0: i32, %arg1: i32, %arg2: memref<10000x128xf32, #tpu.memory_space<hbm>>, %arg3: memref<320000xi32, #tpu.memory_space<hbm>>, %arg4: memref<32x125x80xi32, #tpu.memory_space<hbm>>, %arg5: memref<2x10000x128xf32, #tpu.memory_space<hbm>>, %arg6: memref<10000xi32, #tpu.memory_space<vmem>>, %arg7: memref<125x80xi32, #tpu.memory_space<vmem>>, %arg8: memref<80x128xf32, #tpu.memory_space<vmem>>, %arg9: memref<80x128xf32, #tpu.memory_space<vmem>>, %arg10: memref<10000x128xf32, #tpu.memory_space<vmem_shared>>, %arg11: memref<!tpu.dma_semaphore, #tpu.memory_space<semaphore_mem>>, %arg12: memref<!tpu.dma_semaphore, #tpu.memory_space<semaphore_mem>>, %arg13: memref<!tpu.dma_semaphore, #tpu.memory_space<semaphore_mem>>) attributes {dimension_semantics = [#tpu.dimension_semantics<core_parallel>, #tpu.dimension_semantics<subcore_parallel>], iteration_bounds = array<i64: 2, 16>, scalar_prefetch = 0 : i64, scratch_operands = 8 : i64, tpu.core_type = #tpu.core_type<sc_vector_subcore>, window_params = [{transform_indices = #map}, {transform_indices = #map1}, {transform_indices = #map2}, {transform_indices = #map2}]} {
    %mul3A = arith.constant 16 : i32
    %mul3A_0 = arith.muli %arg0, %mul3A : i32
    %add3A = arith.addi %mul3A_0, %arg1 : i32
    %mul3A_1 = arith.constant 10000 : i32
    %mul3A_2 = arith.muli %add3A, %mul3A_1 : i32
    %dma_start3A = tpu.memref_slice %arg3[%mul3A_2] : memref<320000xi32, #tpu.memory_space<hbm>> -> memref<10000xi32, #tpu.memory_space<hbm>>
    %dma_start3A_3 = tpu.memref_slice %arg3[%mul3A_2] : memref<320000xi32, #tpu.memory_space<hbm>> -> memref<10000xi32, #tpu.memory_space<hbm>>
    tpu.enqueue_dma source(%dma_start3A_3 : memref<10000xi32, #tpu.memory_space<hbm>>) target(%arg6 : memref<10000xi32, #tpu.memory_space<vmem>>) target_semaphore(%arg13 : memref<!tpu.dma_semaphore, #tpu.memory_space<semaphore_mem>>)
    %dma_start3A_4 = arith.constant 0 : i32
    %dma_start3A_5 = arith.constant 0 : i32
    %dma_start3A_6 = tpu.memref_slice %arg4[%add3A, %dma_start3A_4, %dma_start3A_5] : memref<32x125x80xi32, #tpu.memory_space<hbm>> -> memref<1x125x80xi32, #tpu.memory_space<hbm>>
    %dma_start3A_7 = tpu.memref_squeeze %dma_start3A_6 : memref<1x125x80xi32, #tpu.memory_space<hbm>> -> memref<125x80xi32, #tpu.memory_space<hbm>>
    %dma_start3A_8 = arith.constant 0 : i32
    %dma_start3A_9 = arith.constant 0 : i32
    %dma_start3A_10 = tpu.memref_slice %arg4[%add3A, %dma_start3A_8, %dma_start3A_9] : memref<32x125x80xi32, #tpu.memory_space<hbm>> -> memref<1x125x80xi32, #tpu.memory_space<hbm>>
    %dma_start3A_11 = tpu.memref_squeeze %dma_start3A_10 : memref<1x125x80xi32, #tpu.memory_space<hbm>> -> memref<125x80xi32, #tpu.memory_space<hbm>>
    tpu.enqueue_dma source(%dma_start3A_11 : memref<125x80xi32, #tpu.memory_space<hbm>>) target(%arg7 : memref<125x80xi32, #tpu.memory_space<vmem>>) target_semaphore(%arg13 : memref<!tpu.dma_semaphore, #tpu.memory_space<semaphore_mem>>)
    %scan3A = arith.constant 0 : i32
    %scan3A_12 = arith.constant 0 : i32
    %scan3A_13 = arith.constant 80 : i32
    %scan3A_14 = arith.addi %scan3A_12, %scan3A_13 : i32
    %scan3A_15 = arith.constant 1 : i32
    %scan3A_16 = scf.for %scan3A_87 = %scan3A_12 to %scan3A_14 step %scan3A_15 iter_args(%scan3A_88 = %scan3A) -> (i32)  : i32 {
      %scan3A_89 = arith.constant 0 : i32
      %scan3A_90 = arith.constant 0 : i32
      %scan3A_91 = arith.constant 8 : i32
      %scan3A_92 = arith.addi %scan3A_90, %scan3A_91 : i32
      %scan3A_93 = arith.constant 1 : i32
      %scan3A_94 = scf.for %scan3A_96 = %scan3A_90 to %scan3A_92 step %scan3A_93 iter_args(%scan3A_97 = %scan3A_89) -> (i32)  : i32 {
        %broadcast_in_dim3A = arith.constant 0.000000e+00 : f32
        %broadcast_in_dim3A_98 = vector.broadcast %broadcast_in_dim3A : f32 to vector<16xf32>
        %mul3A_99 = arith.constant 16 : i32
        %mul3A_100 = arith.muli %scan3A_96, %mul3A_99 : i32
        %swap3A = arith.index_cast %scan3A_87 : i32 to index
        %swap3A_101 = arith.index_cast %mul3A_100 : i32 to index
        %swap3A_102 = tpu.vector_load %arg8[%swap3A, %swap3A_101] {strides = array<i32>} : memref<80x128xf32, #tpu.memory_space<vmem>>, vector<1x16xf32>,
        %swap3A_103 = vector.shape_cast %swap3A_102 : vector<1x16xf32> to vector<16xf32>
        %swap3A_104 = vector.shape_cast %broadcast_in_dim3A_98 : vector<16xf32> to vector<1x16xf32>
        tpu.vector_store %arg8[%swap3A, %swap3A_101], %swap3A_104 {strides = array<i32>} : memref<80x128xf32, #tpu.memory_space<vmem>>, vector<1x16xf32>,
        %scan3A_105 = arith.constant 0 : i32
        scf.yield %scan3A_105 : i32
      }
      %scan3A_95 = arith.constant 8 : i32
      scf.yield %scan3A_94 : i32
    }
    %scan3A_17 = arith.constant 80 : i32
    %mul3A_18 = arith.constant 624 : i32
    %mul3A_19 = arith.muli %arg1, %mul3A_18 : i32
    %add3A_20 = arith.constant 0 : i32
    %add3A_21 = arith.addi %mul3A_19, %add3A_20 : i32
    "tpu.region"() ({
      %run_scoped3A = tpu.sem_alloc : memref<!tpu.dma_semaphore, #tpu.memory_space<semaphore_mem>>
      %dma_start3A_87 = arith.constant 0 : i32
      %dma_start3A_88 = tpu.memref_slice %arg10[%add3A_21, %dma_start3A_87] : memref<10000x128xf32, #tpu.memory_space<vmem_shared>> -> memref<80x128xf32, #tpu.memory_space<vmem_shared>>
      %dma_start3A_89 = arith.constant 0 : i32
      %dma_start3A_90 = tpu.memref_slice %arg10[%add3A_21, %dma_start3A_89] : memref<10000x128xf32, #tpu.memory_space<vmem_shared>> -> memref<80x128xf32, #tpu.memory_space<vmem_shared>>
      tpu.enqueue_dma source(%arg8 : memref<80x128xf32, #tpu.memory_space<vmem>>) target(%dma_start3A_90 : memref<80x128xf32, #tpu.memory_space<vmem_shared>>) target_semaphore(%run_scoped3A : memref<!tpu.dma_semaphore, #tpu.memory_space<semaphore_mem>>)
      %dma_wait3A_91 = arith.constant 0 : i32
      %dma_wait3A_92 = tpu.memref_slice %arg10[%add3A_21, %dma_wait3A_91] : memref<10000x128xf32, #tpu.memory_space<vmem_shared>> -> memref<80x128xf32, #tpu.memory_space<vmem_shared>>
      %dma_wait3A_93 = arith.constant 0 : i32
      %dma_wait3A_94 = tpu.memref_slice %arg10[%add3A_21, %dma_wait3A_93] : memref<10000x128xf32, #tpu.memory_space<vmem_shared>> -> memref<80x128xf32, #tpu.memory_space<vmem_shared>>
      tpu.wait_dma2 semaphore(%run_scoped3A : memref<!tpu.dma_semaphore, #tpu.memory_space<semaphore_mem>>) src(%arg8 : memref<80x128xf32, #tpu.memory_space<vmem>>) dst(%dma_wait3A_94 : memref<80x128xf32, #tpu.memory_space<vmem_shared>>)
      tpu.yield
    }) : () -> ()
    %add3A_22 = arith.constant 80 : i32
    %add3A_23 = arith.addi %mul3A_19, %add3A_22 : i32
    "tpu.region"() ({
      %run_scoped3A = tpu.sem_alloc : memref<!tpu.dma_semaphore, #tpu.memory_space<semaphore_mem>>
      %dma_start3A_87 = arith.constant 0 : i32
      %dma_start3A_88 = tpu.memref_slice %arg10[%add3A_23, %dma_start3A_87] : memref<10000x128xf32, #tpu.memory_space<vmem_shared>> -> memref<80x128xf32, #tpu.memory_space<vmem_shared>>
      %dma_start3A_89 = arith.constant 0 : i32
      %dma_start3A_90 = tpu.memref_slice %arg10[%add3A_23, %dma_start3A_89] : memref<10000x128xf32, #tpu.memory_space<vmem_shared>> -> memref<80x128xf32, #tpu.memory_space<vmem_shared>>
      tpu.enqueue_dma source(%arg8 : memref<80x128xf32, #tpu.memory_space<vmem>>) target(%dma_start3A_90 : memref<80x128xf32, #tpu.memory_space<vmem_shared>>) target_semaphore(%run_scoped3A : memref<!tpu.dma_semaphore, #tpu.memory_space<semaphore_mem>>)
      %dma_wait3A_91 = arith.constant 0 : i32
      %dma_wait3A_92 = tpu.memref_slice %arg10[%add3A_23, %dma_wait3A_91] : memref<10000x128xf32, #tpu.memory_space<vmem_shared>> -> memref<80x128xf32, #tpu.memory_space<vmem_shared>>
      %dma_wait3A_93 = arith.constant 0 : i32
      %dma_wait3A_94 = tpu.memref_slice %arg10[%add3A_23, %dma_wait3A_93] : memref<10000x128xf32, #tpu.memory_space<vmem_shared>> -> memref<80x128xf32, #tpu.memory_space<vmem_shared>>
      tpu.wait_dma2 semaphore(%run_scoped3A : memref<!tpu.dma_semaphore, #tpu.memory_space<semaphore_mem>>) src(%arg8 : memref<80x128xf32, #tpu.memory_space<vmem>>) dst(%dma_wait3A_94 : memref<80x128xf32, #tpu.memory_space<vmem_shared>>)
      tpu.yield
    }) : () -> ()
    %add3A_24 = arith.constant 160 : i32
    %add3A_25 = arith.addi %mul3A_19, %add3A_24 : i32
    "tpu.region"() ({
      %run_scoped3A = tpu.sem_alloc : memref<!tpu.dma_semaphore, #tpu.memory_space<semaphore_mem>>
      %dma_start3A_87 = arith.constant 0 : i32
      %dma_start3A_88 = tpu.memref_slice %arg10[%add3A_25, %dma_start3A_87] : memref<10000x128xf32, #tpu.memory_space<vmem_shared>> -> memref<80x128xf32, #tpu.memory_space<vmem_shared>>
      %dma_start3A_89 = arith.constant 0 : i32
      %dma_start3A_90 = tpu.memref_slice %arg10[%add3A_25, %dma_start3A_89] : memref<10000x128xf32, #tpu.memory_space<vmem_shared>> -> memref<80x128xf32, #tpu.memory_space<vmem_shared>>
      tpu.enqueue_dma source(%arg8 : memref<80x128xf32, #tpu.memory_space<vmem>>) target(%dma_start3A_90 : memref<80x128xf32, #tpu.memory_space<vmem_shared>>) target_semaphore(%run_scoped3A : memref<!tpu.dma_semaphore, #tpu.memory_space<semaphore_mem>>)
      %dma_wait3A_91 = arith.constant 0 : i32
      %dma_wait3A_92 = tpu.memref_slice %arg10[%add3A_25, %dma_wait3A_91] : memref<10000x128xf32, #tpu.memory_space<vmem_shared>> -> memref<80x128xf32, #tpu.memory_space<vmem_shared>>
      %dma_wait3A_93 = arith.constant 0 : i32
      %dma_wait3A_94 = tpu.memref_slice %arg10[%add3A_25, %dma_wait3A_93] : memref<10000x128xf32, #tpu.memory_space<vmem_shared>> -> memref<80x128xf32, #tpu.memory_space<vmem_shared>>
      tpu.wait_dma2 semaphore(%run_scoped3A : memref<!tpu.dma_semaphore, #tpu.memory_space<semaphore_mem>>) src(%arg8 : memref<80x128xf32, #tpu.memory_space<vmem>>) dst(%dma_wait3A_94 : memref<80x128xf32, #tpu.memory_space<vmem_shared>>)
      tpu.yield
    }) : () -> ()
    %add3A_26 = arith.constant 240 : i32
    %add3A_27 = arith.addi %mul3A_19, %add3A_26 : i32
    "tpu.region"() ({
      %run_scoped3A = tpu.sem_alloc : memref<!tpu.dma_semaphore, #tpu.memory_space<semaphore_mem>>
      %dma_start3A_87 = arith.constant 0 : i32
      %dma_start3A_88 = tpu.memref_slice %arg10[%add3A_27, %dma_start3A_87] : memref<10000x128xf32, #tpu.memory_space<vmem_shared>> -> memref<80x128xf32, #tpu.memory_space<vmem_shared>>
      %dma_start3A_89 = arith.constant 0 : i32
      %dma_start3A_90 = tpu.memref_slice %arg10[%add3A_27, %dma_start3A_89] : memref<10000x128xf32, #tpu.memory_space<vmem_shared>> -> memref<80x128xf32, #tpu.memory_space<vmem_shared>>
      tpu.enqueue_dma source(%arg8 : memref<80x128xf32, #tpu.memory_space<vmem>>) target(%dma_start3A_90 : memref<80x128xf32, #tpu.memory_space<vmem_shared>>) target_semaphore(%run_scoped3A : memref<!tpu.dma_semaphore, #tpu.memory_space<semaphore_mem>>)
      %dma_wait3A_91 = arith.constant 0 : i32
      %dma_wait3A_92 = tpu.memref_slice %arg10[%add3A_27, %dma_wait3A_91] : memref<10000x128xf32, #tpu.memory_space<vmem_shared>> -> memref<80x128xf32, #tpu.memory_space<vmem_shared>>
      %dma_wait3A_93 = arith.constant 0 : i32
      %dma_wait3A_94 = tpu.memref_slice %arg10[%add3A_27, %dma_wait3A_93] : memref<10000x128xf32, #tpu.memory_space<vmem_shared>> -> memref<80x128xf32, #tpu.memory_space<vmem_shared>>
      tpu.wait_dma2 semaphore(%run_scoped3A : memref<!tpu.dma_semaphore, #tpu.memory_space<semaphore_mem>>) src(%arg8 : memref<80x128xf32, #tpu.memory_space<vmem>>) dst(%dma_wait3A_94 : memref<80x128xf32, #tpu.memory_space<vmem_shared>>)
      tpu.yield
    }) : () -> ()
    %add3A_28 = arith.constant 320 : i32
    %add3A_29 = arith.addi %mul3A_19, %add3A_28 : i32
    "tpu.region"() ({
      %run_scoped3A = tpu.sem_alloc : memref<!tpu.dma_semaphore, #tpu.memory_space<semaphore_mem>>
      %dma_start3A_87 = arith.constant 0 : i32
      %dma_start3A_88 = tpu.memref_slice %arg10[%add3A_29, %dma_start3A_87] : memref<10000x128xf32, #tpu.memory_space<vmem_shared>> -> memref<80x128xf32, #tpu.memory_space<vmem_shared>>
      %dma_start3A_89 = arith.constant 0 : i32
      %dma_start3A_90 = tpu.memref_slice %arg10[%add3A_29, %dma_start3A_89] : memref<10000x128xf32, #tpu.memory_space<vmem_shared>> -> memref<80x128xf32, #tpu.memory_space<vmem_shared>>
      tpu.enqueue_dma source(%arg8 : memref<80x128xf32, #tpu.memory_space<vmem>>) target(%dma_start3A_90 : memref<80x128xf32, #tpu.memory_space<vmem_shared>>) target_semaphore(%run_scoped3A : memref<!tpu.dma_semaphore, #tpu.memory_space<semaphore_mem>>)
      %dma_wait3A_91 = arith.constant 0 : i32
      %dma_wait3A_92 = tpu.memref_slice %arg10[%add3A_29, %dma_wait3A_91] : memref<10000x128xf32, #tpu.memory_space<vmem_shared>> -> memref<80x128xf32, #tpu.memory_space<vmem_shared>>
      %dma_wait3A_93 = arith.constant 0 : i32
      %dma_wait3A_94 = tpu.memref_slice %arg10[%add3A_29, %dma_wait3A_93] : memref<10000x128xf32, #tpu.memory_space<vmem_shared>> -> memref<80x128xf32, #tpu.memory_space<vmem_shared>>
      tpu.wait_dma2 semaphore(%run_scoped3A : memref<!tpu.dma_semaphore, #tpu.memory_space<semaphore_mem>>) src(%arg8 : memref<80x128xf32, #tpu.memory_space<vmem>>) dst(%dma_wait3A_94 : memref<80x128xf32, #tpu.memory_space<vmem_shared>>)
      tpu.yield
    }) : () -> ()
    %add3A_30 = arith.constant 400 : i32
    %add3A_31 = arith.addi %mul3A_19, %add3A_30 : i32
    "tpu.region"() ({
      %run_scoped3A = tpu.sem_alloc : memref<!tpu.dma_semaphore, #tpu.memory_space<semaphore_mem>>
      %dma_start3A_87 = arith.constant 0 : i32
      %dma_start3A_88 = tpu.memref_slice %arg10[%add3A_31, %dma_start3A_87] : memref<10000x128xf32, #tpu.memory_space<vmem_shared>> -> memref<80x128xf32, #tpu.memory_space<vmem_shared>>
      %dma_start3A_89 = arith.constant 0 : i32
      %dma_start3A_90 = tpu.memref_slice %arg10[%add3A_31, %dma_start3A_89] : memref<10000x128xf32, #tpu.memory_space<vmem_shared>> -> memref<80x128xf32, #tpu.memory_space<vmem_shared>>
      tpu.enqueue_dma source(%arg8 : memref<80x128xf32, #tpu.memory_space<vmem>>) target(%dma_start3A_90 : memref<80x128xf32, #tpu.memory_space<vmem_shared>>) target_semaphore(%run_scoped3A : memref<!tpu.dma_semaphore, #tpu.memory_space<semaphore_mem>>)
      %dma_wait3A_91 = arith.constant 0 : i32
      %dma_wait3A_92 = tpu.memref_slice %arg10[%add3A_31, %dma_wait3A_91] : memref<10000x128xf32, #tpu.memory_space<vmem_shared>> -> memref<80x128xf32, #tpu.memory_space<vmem_shared>>
      %dma_wait3A_93 = arith.constant 0 : i32
      %dma_wait3A_94 = tpu.memref_slice %arg10[%add3A_31, %dma_wait3A_93] : memref<10000x128xf32, #tpu.memory_space<vmem_shared>> -> memref<80x128xf32, #tpu.memory_space<vmem_shared>>
      tpu.wait_dma2 semaphore(%run_scoped3A : memref<!tpu.dma_semaphore, #tpu.memory_space<semaphore_mem>>) src(%arg8 : memref<80x128xf32, #tpu.memory_space<vmem>>) dst(%dma_wait3A_94 : memref<80x128xf32, #tpu.memory_space<vmem_shared>>)
      tpu.yield
    }) : () -> ()
    %add3A_32 = arith.constant 480 : i32
    %add3A_33 = arith.addi %mul3A_19, %add3A_32 : i32
    "tpu.region"() ({
      %run_scoped3A = tpu.sem_alloc : memref<!tpu.dma_semaphore, #tpu.memory_space<semaphore_mem>>
      %dma_start3A_87 = arith.constant 0 : i32
      %dma_start3A_88 = tpu.memref_slice %arg10[%add3A_33, %dma_start3A_87] : memref<10000x128xf32, #tpu.memory_space<vmem_shared>> -> memref<80x128xf32, #tpu.memory_space<vmem_shared>>
      %dma_start3A_89 = arith.constant 0 : i32
      %dma_start3A_90 = tpu.memref_slice %arg10[%add3A_33, %dma_start3A_89] : memref<10000x128xf32, #tpu.memory_space<vmem_shared>> -> memref<80x128xf32, #tpu.memory_space<vmem_shared>>
      tpu.enqueue_dma source(%arg8 : memref<80x128xf32, #tpu.memory_space<vmem>>) target(%dma_start3A_90 : memref<80x128xf32, #tpu.memory_space<vmem_shared>>) target_semaphore(%run_scoped3A : memref<!tpu.dma_semaphore, #tpu.memory_space<semaphore_mem>>)
      %dma_wait3A_91 = arith.constant 0 : i32
      %dma_wait3A_92 = tpu.memref_slice %arg10[%add3A_33, %dma_wait3A_91] : memref<10000x128xf32, #tpu.memory_space<vmem_shared>> -> memref<80x128xf32, #tpu.memory_space<vmem_shared>>
      %dma_wait3A_93 = arith.constant 0 : i32
      %dma_wait3A_94 = tpu.memref_slice %arg10[%add3A_33, %dma_wait3A_93] : memref<10000x128xf32, #tpu.memory_space<vmem_shared>> -> memref<80x128xf32, #tpu.memory_space<vmem_shared>>
      tpu.wait_dma2 semaphore(%run_scoped3A : memref<!tpu.dma_semaphore, #tpu.memory_space<semaphore_mem>>) src(%arg8 : memref<80x128xf32, #tpu.memory_space<vmem>>) dst(%dma_wait3A_94 : memref<80x128xf32, #tpu.memory_space<vmem_shared>>)
      tpu.yield
    }) : () -> ()
    %add3A_34 = arith.constant 624 : i32
    %add3A_35 = arith.addi %mul3A_19, %add3A_34 : i32
    %sub3A = arith.constant 64 : i32
    %sub3A_36 = arith.subi %add3A_35, %sub3A : i32
    "tpu.region"() ({
      %run_scoped3A = tpu.sem_alloc : memref<!tpu.dma_semaphore, #tpu.memory_space<semaphore_mem>>
      %dma_start3A_87 = arith.constant 0 : i32
      %dma_start3A_88 = arith.constant 0 : i32
      %dma_start3A_89 = tpu.memref_slice %arg8[%dma_start3A_87, %dma_start3A_88] : memref<80x128xf32, #tpu.memory_space<vmem>> -> memref<64x128xf32, #tpu.memory_space<vmem>>
      %dma_start3A_90 = arith.constant 0 : i32
      %dma_start3A_91 = tpu.memref_slice %arg10[%sub3A_36, %dma_start3A_90] : memref<10000x128xf32, #tpu.memory_space<vmem_shared>> -> memref<64x128xf32, #tpu.memory_space<vmem_shared>>
      %dma_start3A_92 = arith.constant 0 : i32
      %dma_start3A_93 = tpu.memref_slice %arg10[%sub3A_36, %dma_start3A_92] : memref<10000x128xf32, #tpu.memory_space<vmem_shared>> -> memref<64x128xf32, #tpu.memory_space<vmem_shared>>
      %dma_start3A_94 = arith.constant 0 : i32
      %dma_start3A_95 = arith.constant 0 : i32
      %dma_start3A_96 = tpu.memref_slice %arg8[%dma_start3A_94, %dma_start3A_95] : memref<80x128xf32, #tpu.memory_space<vmem>> -> memref<64x128xf32, #tpu.memory_space<vmem>>
      tpu.enqueue_dma source(%dma_start3A_96 : memref<64x128xf32, #tpu.memory_space<vmem>>) target(%dma_start3A_93 : memref<64x128xf32, #tpu.memory_space<vmem_shared>>) target_semaphore(%run_scoped3A : memref<!tpu.dma_semaphore, #tpu.memory_space<semaphore_mem>>)
      %dma_wait3A_97 = arith.constant 0 : i32
      %dma_wait3A_98 = arith.constant 0 : i32
      %dma_wait3A_99 = tpu.memref_slice %arg8[%dma_wait3A_97, %dma_wait3A_98] : memref<80x128xf32, #tpu.memory_space<vmem>> -> memref<64x128xf32, #tpu.memory_space<vmem>>
      %dma_wait3A_100 = arith.constant 0 : i32
      %dma_wait3A_101 = tpu.memref_slice %arg10[%sub3A_36, %dma_wait3A_100] : memref<10000x128xf32, #tpu.memory_space<vmem_shared>> -> memref<64x128xf32, #tpu.memory_space<vmem_shared>>
      %dma_wait3A_102 = arith.constant 0 : i32
      %dma_wait3A_103 = tpu.memref_slice %arg10[%sub3A_36, %dma_wait3A_102] : memref<10000x128xf32, #tpu.memory_space<vmem_shared>> -> memref<64x128xf32, #tpu.memory_space<vmem_shared>>
      %dma_wait3A_104 = arith.constant 0 : i32
      %dma_wait3A_105 = arith.constant 0 : i32
      %dma_wait3A_106 = tpu.memref_slice %arg8[%dma_wait3A_104, %dma_wait3A_105] : memref<80x128xf32, #tpu.memory_space<vmem>> -> memref<64x128xf32, #tpu.memory_space<vmem>>
      tpu.wait_dma2 semaphore(%run_scoped3A : memref<!tpu.dma_semaphore, #tpu.memory_space<semaphore_mem>>) src(%dma_wait3A_106 : memref<64x128xf32, #tpu.memory_space<vmem>>) dst(%dma_wait3A_103 : memref<64x128xf32, #tpu.memory_space<vmem_shared>>)
      tpu.yield
    }) : () -> ()
    %eq3A = arith.constant 15 : i32
    %eq3A_37 = arith.cmpi eq, %arg1, %eq3A : i32
    %convert_element_type3A = arith.extui %eq3A_37 : i1 to i32
    %cond3A = arith.constant 0 : i32
    %cond3A_38 = arith.cmpi ne, %convert_element_type3A, %cond3A : i32
    scf.if %cond3A_38 {
      "tpu.region"() ({
        %run_scoped3A = tpu.sem_alloc : memref<!tpu.dma_semaphore, #tpu.memory_space<semaphore_mem>>
        %dma_start3A_87 = arith.constant 0 : i32
        %dma_start3A_88 = arith.constant 0 : i32
        %dma_start3A_89 = tpu.memref_slice %arg8[%dma_start3A_87, %dma_start3A_88] : memref<80x128xf32, #tpu.memory_space<vmem>> -> memref<16x128xf32, #tpu.memory_space<vmem>>
        %dma_start3A_90 = arith.constant 9984 : i32
        %dma_start3A_91 = arith.constant 0 : i32
        %dma_start3A_92 = tpu.memref_slice %arg10[%dma_start3A_90, %dma_start3A_91] : memref<10000x128xf32, #tpu.memory_space<vmem_shared>> -> memref<16x128xf32, #tpu.memory_space<vmem_shared>>
        %dma_start3A_93 = arith.constant 9984 : i32
        %dma_start3A_94 = arith.constant 0 : i32
        %dma_start3A_95 = tpu.memref_slice %arg10[%dma_start3A_93, %dma_start3A_94] : memref<10000x128xf32, #tpu.memory_space<vmem_shared>> -> memref<16x128xf32, #tpu.memory_space<vmem_shared>>
        %dma_start3A_96 = arith.constant 0 : i32
        %dma_start3A_97 = arith.constant 0 : i32
        %dma_start3A_98 = tpu.memref_slice %arg8[%dma_start3A_96, %dma_start3A_97] : memref<80x128xf32, #tpu.memory_space<vmem>> -> memref<16x128xf32, #tpu.memory_space<vmem>>
        tpu.enqueue_dma source(%dma_start3A_98 : memref<16x128xf32, #tpu.memory_space<vmem>>) target(%dma_start3A_95 : memref<16x128xf32, #tpu.memory_space<vmem_shared>>) target_semaphore(%run_scoped3A : memref<!tpu.dma_semaphore, #tpu.memory_space<semaphore_mem>>)
        %dma_wait3A_99 = arith.constant 0 : i32
        %dma_wait3A_100 = arith.constant 0 : i32
        %dma_wait3A_101 = tpu.memref_slice %arg8[%dma_wait3A_99, %dma_wait3A_100] : memref<80x128xf32, #tpu.memory_space<vmem>> -> memref<16x128xf32, #tpu.memory_space<vmem>>
        %dma_wait3A_102 = arith.constant 9984 : i32
        %dma_wait3A_103 = arith.constant 0 : i32
        %dma_wait3A_104 = tpu.memref_slice %arg10[%dma_wait3A_102, %dma_wait3A_103] : memref<10000x128xf32, #tpu.memory_space<vmem_shared>> -> memref<16x128xf32, #tpu.memory_space<vmem_shared>>
        %dma_wait3A_105 = arith.constant 9984 : i32
        %dma_wait3A_106 = arith.constant 0 : i32
        %dma_wait3A_107 = tpu.memref_slice %arg10[%dma_wait3A_105, %dma_wait3A_106] : memref<10000x128xf32, #tpu.memory_space<vmem_shared>> -> memref<16x128xf32, #tpu.memory_space<vmem_shared>>
        %dma_wait3A_108 = arith.constant 0 : i32
        %dma_wait3A_109 = arith.constant 0 : i32
        %dma_wait3A_110 = tpu.memref_slice %arg8[%dma_wait3A_108, %dma_wait3A_109] : memref<80x128xf32, #tpu.memory_space<vmem>> -> memref<16x128xf32, #tpu.memory_space<vmem>>
        tpu.wait_dma2 semaphore(%run_scoped3A : memref<!tpu.dma_semaphore, #tpu.memory_space<semaphore_mem>>) src(%dma_wait3A_110 : memref<16x128xf32, #tpu.memory_space<vmem>>) dst(%dma_wait3A_107 : memref<16x128xf32, #tpu.memory_space<vmem_shared>>)
        tpu.yield
      }) : () -> ()
    } else {
    }
    %dma_wait3A = tpu.memref_slice %arg3[%mul3A_2] : memref<320000xi32, #tpu.memory_space<hbm>> -> memref<10000xi32, #tpu.memory_space<hbm>>
    %dma_wait3A_39 = tpu.memref_slice %arg3[%mul3A_2] : memref<320000xi32, #tpu.memory_space<hbm>> -> memref<10000xi32, #tpu.memory_space<hbm>>
    tpu.wait_dma2 semaphore(%arg13 : memref<!tpu.dma_semaphore, #tpu.memory_space<semaphore_mem>>) src(%dma_wait3A_39 : memref<10000xi32, #tpu.memory_space<hbm>>) dst(%arg6 : memref<10000xi32, #tpu.memory_space<vmem>>)
    %dma_wait3A_40 = arith.constant 0 : i32
    %dma_wait3A_41 = arith.constant 0 : i32
    %dma_wait3A_42 = tpu.memref_slice %arg4[%add3A, %dma_wait3A_40, %dma_wait3A_41] : memref<32x125x80xi32, #tpu.memory_space<hbm>> -> memref<1x125x80xi32, #tpu.memory_space<hbm>>
    %dma_wait3A_43 = tpu.memref_squeeze %dma_wait3A_42 : memref<1x125x80xi32, #tpu.memory_space<hbm>> -> memref<125x80xi32, #tpu.memory_space<hbm>>
    %dma_wait3A_44 = arith.constant 0 : i32
    %dma_wait3A_45 = arith.constant 0 : i32
    %dma_wait3A_46 = tpu.memref_slice %arg4[%add3A, %dma_wait3A_44, %dma_wait3A_45] : memref<32x125x80xi32, #tpu.memory_space<hbm>> -> memref<1x125x80xi32, #tpu.memory_space<hbm>>
    %dma_wait3A_47 = tpu.memref_squeeze %dma_wait3A_46 : memref<1x125x80xi32, #tpu.memory_space<hbm>> -> memref<125x80xi32, #tpu.memory_space<hbm>>
    tpu.wait_dma2 semaphore(%arg13 : memref<!tpu.dma_semaphore, #tpu.memory_space<semaphore_mem>>) src(%dma_wait3A_47 : memref<125x80xi32, #tpu.memory_space<hbm>>) dst(%arg7 : memref<125x80xi32, #tpu.memory_space<vmem>>)
    %barrier3A = arith.constant 0 : index
    tpu.barrier barrier_id(%barrier3A)
    %dma_start3A_48 = arith.constant 0 : i32
    %dma_start3A_49 = tpu.memref_slice %arg6[%dma_start3A_48] : memref<10000xi32, #tpu.memory_space<vmem>> -> memref<80xi32, #tpu.memory_space<vmem>>
    %dma_start3A_50 = arith.constant 0 : i32
    %dma_start3A_51 = arith.constant 0 : i32
    %dma_start3A_52 = tpu.memref_slice %arg2[%dma_start3A_50, %dma_start3A_51] : memref<10000x128xf32, #tpu.memory_space<hbm>> -> memref<10000x128xf32, #tpu.memory_space<hbm>>
    tpu.enqueue_indirect_dma source(%dma_start3A_52 : memref<10000x128xf32, #tpu.memory_space<hbm>>) target(%arg8 : memref<80x128xf32, #tpu.memory_space<vmem>>) offsets(%dma_start3A_49 : memref<80xi32, #tpu.memory_space<vmem>>) semaphore(%arg11 : memref<!tpu.dma_semaphore, #tpu.memory_space<semaphore_mem>>)
    %scan3A_53 = arith.constant 0 : i32
    %scan3A_54 = arith.constant 0 : i32
    %scan3A_55 = arith.constant 62 : i32
    %scan3A_56 = arith.addi %scan3A_54, %scan3A_55 : i32
    %scan3A_57 = arith.constant 1 : i32
    %scan3A_58 = scf.for %scan3A_87 = %scan3A_54 to %scan3A_56 step %scan3A_57 iter_args(%scan3A_88 = %scan3A_53) -> (i32)  : i32 {
      %dma_wait3A_89 = arith.constant 0 : i32
      %dma_wait3A_90 = tpu.memref_slice %arg6[%dma_wait3A_89] : memref<10000xi32, #tpu.memory_space<vmem>> -> memref<80xi32, #tpu.memory_space<vmem>>
      %dma_wait3A_91 = arith.constant 0 : i32
      %dma_wait3A_92 = arith.constant 0 : i32
      %dma_wait3A_93 = tpu.memref_slice %arg2[%dma_wait3A_91, %dma_wait3A_92] : memref<10000x128xf32, #tpu.memory_space<hbm>> -> memref<10000x128xf32, #tpu.memory_space<hbm>>
      tpu.wait_indirect_dma semaphore(%arg11 : memref<!tpu.dma_semaphore, #tpu.memory_space<semaphore_mem>>) src(%dma_wait3A_93 : memref<10000x128xf32, #tpu.memory_space<hbm>>) dst(%arg8 : memref<80x128xf32, #tpu.memory_space<vmem>>)
      %mul3A_94 = arith.constant 2 : i32
      %mul3A_95 = arith.muli %mul3A_94, %scan3A_87 : i32
      %dma_start3A_96 = arith.constant 0 : i32
      %dma_start3A_97 = tpu.memref_slice %arg7[%mul3A_95, %dma_start3A_96] : memref<125x80xi32, #tpu.memory_space<vmem>> -> memref<1x80xi32, #tpu.memory_space<vmem>>
      %dma_start3A_98 = tpu.memref_squeeze %dma_start3A_97 : memref<1x80xi32, #tpu.memory_space<vmem>> -> memref<80xi32, #tpu.memory_space<vmem>>
      %dma_start3A_99 = arith.constant 0 : i32
      %dma_start3A_100 = arith.constant 0 : i32
      %dma_start3A_101 = tpu.memref_slice %arg10[%dma_start3A_99, %dma_start3A_100] : memref<10000x128xf32, #tpu.memory_space<vmem_shared>> -> memref<10000x128xf32, #tpu.memory_space<vmem_shared>>
      tpu.enqueue_indirect_dma source(%arg8 : memref<80x128xf32, #tpu.memory_space<vmem>>) target(%dma_start3A_101 : memref<10000x128xf32, #tpu.memory_space<vmem_shared>>) offsets(%dma_start3A_98 : memref<80xi32, #tpu.memory_space<vmem>>) semaphore(%arg11 : memref<!tpu.dma_semaphore, #tpu.memory_space<semaphore_mem>>) {add = true}
      %mul3A_102 = arith.constant 2 : i32
      %mul3A_103 = arith.muli %mul3A_102, %scan3A_87 : i32
      %add3A_104 = arith.constant 1 : i32
      %add3A_105 = arith.addi %mul3A_103, %add3A_104 : i32
      %mul3A_106 = arith.constant 80 : i32
      %mul3A_107 = arith.muli %add3A_105, %mul3A_106 : i32
      %dma_start3A_108 = tpu.memref_slice %arg6[%mul3A_107] : memref<10000xi32, #tpu.memory_space<vmem>> -> memref<80xi32, #tpu.memory_space<vmem>>
      %dma_start3A_109 = arith.constant 0 : i32
      %dma_start3A_110 = arith.constant 0 : i32
      %dma_start3A_111 = tpu.memref_slice %arg2[%dma_start3A_109, %dma_start3A_110] : memref<10000x128xf32, #tpu.memory_space<hbm>> -> memref<10000x128xf32, #tpu.memory_space<hbm>>
      tpu.enqueue_indirect_dma source(%dma_start3A_111 : memref<10000x128xf32, #tpu.memory_space<hbm>>) target(%arg9 : memref<80x128xf32, #tpu.memory_space<vmem>>) offsets(%dma_start3A_108 : memref<80xi32, #tpu.memory_space<vmem>>) semaphore(%arg12 : memref<!tpu.dma_semaphore, #tpu.memory_space<semaphore_mem>>)
      %dma_wait3A_112 = arith.constant 0 : i32
      %dma_wait3A_113 = arith.constant 0 : i32
      %dma_wait3A_114 = tpu.memref_slice %arg7[%dma_wait3A_112, %dma_wait3A_113] : memref<125x80xi32, #tpu.memory_space<vmem>> -> memref<1x80xi32, #tpu.memory_space<vmem>>
      %dma_wait3A_115 = tpu.memref_squeeze %dma_wait3A_114 : memref<1x80xi32, #tpu.memory_space<vmem>> -> memref<80xi32, #tpu.memory_space<vmem>>
      %dma_wait3A_116 = arith.constant 0 : i32
      %dma_wait3A_117 = arith.constant 0 : i32
      %dma_wait3A_118 = tpu.memref_slice %arg10[%dma_wait3A_116, %dma_wait3A_117] : memref<10000x128xf32, #tpu.memory_space<vmem_shared>> -> memref<10000x128xf32, #tpu.memory_space<vmem_shared>>
      tpu.wait_indirect_dma semaphore(%arg11 : memref<!tpu.dma_semaphore, #tpu.memory_space<semaphore_mem>>) src(%arg8 : memref<80x128xf32, #tpu.memory_space<vmem>>) dst(%dma_wait3A_118 : memref<10000x128xf32, #tpu.memory_space<vmem_shared>>)
      %mul3A_119 = arith.constant 2 : i32
      %mul3A_120 = arith.muli %mul3A_119, %scan3A_87 : i32
      %add3A_121 = arith.constant 2 : i32
      %add3A_122 = arith.addi %mul3A_120, %add3A_121 : i32
      %mul3A_123 = arith.constant 80 : i32
      %mul3A_124 = arith.muli %add3A_122, %mul3A_123 : i32
      %dma_start3A_125 = tpu.memref_slice %arg6[%mul3A_124] : memref<10000xi32, #tpu.memory_space<vmem>> -> memref<80xi32, #tpu.memory_space<vmem>>
      %dma_start3A_126 = arith.constant 0 : i32
      %dma_start3A_127 = arith.constant 0 : i32
      %dma_start3A_128 = tpu.memref_slice %arg2[%dma_start3A_126, %dma_start3A_127] : memref<10000x128xf32, #tpu.memory_space<hbm>> -> memref<10000x128xf32, #tpu.memory_space<hbm>>
      tpu.enqueue_indirect_dma source(%dma_start3A_128 : memref<10000x128xf32, #tpu.memory_space<hbm>>) target(%arg8 : memref<80x128xf32, #tpu.memory_space<vmem>>) offsets(%dma_start3A_125 : memref<80xi32, #tpu.memory_space<vmem>>) semaphore(%arg11 : memref<!tpu.dma_semaphore, #tpu.memory_space<semaphore_mem>>)
      %dma_wait3A_129 = arith.constant 0 : i32
      %dma_wait3A_130 = tpu.memref_slice %arg6[%dma_wait3A_129] : memref<10000xi32, #tpu.memory_space<vmem>> -> memref<80xi32, #tpu.memory_space<vmem>>
      %dma_wait3A_131 = arith.constant 0 : i32
      %dma_wait3A_132 = arith.constant 0 : i32
      %dma_wait3A_133 = tpu.memref_slice %arg2[%dma_wait3A_131, %dma_wait3A_132] : memref<10000x128xf32, #tpu.memory_space<hbm>> -> memref<10000x128xf32, #tpu.memory_space<hbm>>
      tpu.wait_indirect_dma semaphore(%arg12 : memref<!tpu.dma_semaphore, #tpu.memory_space<semaphore_mem>>) src(%dma_wait3A_133 : memref<10000x128xf32, #tpu.memory_space<hbm>>) dst(%arg9 : memref<80x128xf32, #tpu.memory_space<vmem>>)
      %mul3A_134 = arith.constant 2 : i32
      %mul3A_135 = arith.muli %mul3A_134, %scan3A_87 : i32
      %add3A_136 = arith.constant 1 : i32
      %add3A_137 = arith.addi %mul3A_135, %add3A_136 : i32
      %dma_start3A_138 = arith.constant 0 : i32
      %dma_start3A_139 = tpu.memref_slice %arg7[%add3A_137, %dma_start3A_138] : memref<125x80xi32, #tpu.memory_space<vmem>> -> memref<1x80xi32, #tpu.memory_space<vmem>>
      %dma_start3A_140 = tpu.memref_squeeze %dma_start3A_139 : memref<1x80xi32, #tpu.memory_space<vmem>> -> memref<80xi32, #tpu.memory_space<vmem>>
      %dma_start3A_141 = arith.constant 0 : i32
      %dma_start3A_142 = arith.constant 0 : i32
      %dma_start3A_143 = tpu.memref_slice %arg10[%dma_start3A_141, %dma_start3A_142] : memref<10000x128xf32, #tpu.memory_space<vmem_shared>> -> memref<10000x128xf32, #tpu.memory_space<vmem_shared>>
      tpu.enqueue_indirect_dma source(%arg9 : memref<80x128xf32, #tpu.memory_space<vmem>>) target(%dma_start3A_143 : memref<10000x128xf32, #tpu.memory_space<vmem_shared>>) offsets(%dma_start3A_140 : memref<80xi32, #tpu.memory_space<vmem>>) semaphore(%arg12 : memref<!tpu.dma_semaphore, #tpu.memory_space<semaphore_mem>>) {add = true}
      %dma_wait3A_144 = arith.constant 0 : i32
      %dma_wait3A_145 = arith.constant 0 : i32
      %dma_wait3A_146 = tpu.memref_slice %arg7[%dma_wait3A_144, %dma_wait3A_145] : memref<125x80xi32, #tpu.memory_space<vmem>> -> memref<1x80xi32, #tpu.memory_space<vmem>>
      %dma_wait3A_147 = tpu.memref_squeeze %dma_wait3A_146 : memref<1x80xi32, #tpu.memory_space<vmem>> -> memref<80xi32, #tpu.memory_space<vmem>>
      %dma_wait3A_148 = arith.constant 0 : i32
      %dma_wait3A_149 = arith.constant 0 : i32
      %dma_wait3A_150 = tpu.memref_slice %arg10[%dma_wait3A_148, %dma_wait3A_149] : memref<10000x128xf32, #tpu.memory_space<vmem_shared>> -> memref<10000x128xf32, #tpu.memory_space<vmem_shared>>
      tpu.wait_indirect_dma semaphore(%arg12 : memref<!tpu.dma_semaphore, #tpu.memory_space<semaphore_mem>>) src(%arg9 : memref<80x128xf32, #tpu.memory_space<vmem>>) dst(%dma_wait3A_150 : memref<10000x128xf32, #tpu.memory_space<vmem_shared>>)
      %scan3A_151 = arith.constant 0 : i32
      scf.yield %scan3A_151 : i32
    }
    %scan3A_59 = arith.constant 62 : i32
    %dma_wait3A_60 = arith.constant 0 : i32
    %dma_wait3A_61 = tpu.memref_slice %arg6[%dma_wait3A_60] : memref<10000xi32, #tpu.memory_space<vmem>> -> memref<80xi32, #tpu.memory_space<vmem>>
    %dma_wait3A_62 = arith.constant 0 : i32
    %dma_wait3A_63 = arith.constant 0 : i32
    %dma_wait3A_64 = tpu.memref_slice %arg2[%dma_wait3A_62, %dma_wait3A_63] : memref<10000x128xf32, #tpu.memory_space<hbm>> -> memref<10000x128xf32, #tpu.memory_space<hbm>>
    tpu.wait_indirect_dma semaphore(%arg11 : memref<!tpu.dma_semaphore, #tpu.memory_space<semaphore_mem>>) src(%dma_wait3A_64 : memref<10000x128xf32, #tpu.memory_space<hbm>>) dst(%arg8 : memref<80x128xf32, #tpu.memory_space<vmem>>)
    %dma_start3A_65 = arith.constant 124 : i32
    %dma_start3A_66 = arith.constant 0 : i32
    %dma_start3A_67 = tpu.memref_slice %arg7[%dma_start3A_65, %dma_start3A_66] : memref<125x80xi32, #tpu.memory_space<vmem>> -> memref<1x80xi32, #tpu.memory_space<vmem>>
    %dma_start3A_68 = tpu.memref_squeeze %dma_start3A_67 : memref<1x80xi32, #tpu.memory_space<vmem>> -> memref<80xi32, #tpu.memory_space<vmem>>
    %dma_start3A_69 = arith.constant 0 : i32
    %dma_start3A_70 = arith.constant 0 : i32
    %dma_start3A_71 = tpu.memref_slice %arg10[%dma_start3A_69, %dma_start3A_70] : memref<10000x128xf32, #tpu.memory_space<vmem_shared>> -> memref<10000x128xf32, #tpu.memory_space<vmem_shared>>
    tpu.enqueue_indirect_dma source(%arg8 : memref<80x128xf32, #tpu.memory_space<vmem>>) target(%dma_start3A_71 : memref<10000x128xf32, #tpu.memory_space<vmem_shared>>) offsets(%dma_start3A_68 : memref<80xi32, #tpu.memory_space<vmem>>) semaphore(%arg11 : memref<!tpu.dma_semaphore, #tpu.memory_space<semaphore_mem>>) {add = true}
    %dma_wait3A_72 = arith.constant 0 : i32
    %dma_wait3A_73 = arith.constant 0 : i32
    %dma_wait3A_74 = tpu.memref_slice %arg7[%dma_wait3A_72, %dma_wait3A_73] : memref<125x80xi32, #tpu.memory_space<vmem>> -> memref<1x80xi32, #tpu.memory_space<vmem>>
    %dma_wait3A_75 = tpu.memref_squeeze %dma_wait3A_74 : memref<1x80xi32, #tpu.memory_space<vmem>> -> memref<80xi32, #tpu.memory_space<vmem>>
    %dma_wait3A_76 = arith.constant 0 : i32
    %dma_wait3A_77 = arith.constant 0 : i32
    %dma_wait3A_78 = tpu.memref_slice %arg10[%dma_wait3A_76, %dma_wait3A_77] : memref<10000x128xf32, #tpu.memory_space<vmem_shared>> -> memref<10000x128xf32, #tpu.memory_space<vmem_shared>>
    tpu.wait_indirect_dma semaphore(%arg11 : memref<!tpu.dma_semaphore, #tpu.memory_space<semaphore_mem>>) src(%arg8 : memref<80x128xf32, #tpu.memory_space<vmem>>) dst(%dma_wait3A_78 : memref<10000x128xf32, #tpu.memory_space<vmem_shared>>)
    %barrier3A_79 = arith.constant 0 : index
    tpu.barrier barrier_id(%barrier3A_79)
    %mul3A_80 = arith.constant 624 : i32
    %mul3A_81 = arith.muli %arg1, %mul3A_80 : i32
    "tpu.region"() ({
      %run_scoped3A = tpu.sem_alloc : memref<!tpu.dma_semaphore, #tpu.memory_space<semaphore_mem>>
      %dma_start3A_87 = arith.constant 0 : i32
      %dma_start3A_88 = tpu.memref_slice %arg5[%arg0, %mul3A_81, %dma_start3A_87] : memref<2x10000x128xf32, #tpu.memory_space<hbm>> -> memref<1x624x128xf32, #tpu.memory_space<hbm>>
      %dma_start3A_89 = tpu.memref_squeeze %dma_start3A_88 : memref<1x624x128xf32, #tpu.memory_space<hbm>> -> memref<624x128xf32, #tpu.memory_space<hbm>>
      %dma_start3A_90 = arith.constant 0 : i32
      %dma_start3A_91 = tpu.memref_slice %arg10[%mul3A_81, %dma_start3A_90] : memref<10000x128xf32, #tpu.memory_space<vmem_shared>> -> memref<624x128xf32, #tpu.memory_space<vmem_shared>>
      tpu.enqueue_dma source(%dma_start3A_91 : memref<624x128xf32, #tpu.memory_space<vmem_shared>>) target(%dma_start3A_89 : memref<624x128xf32, #tpu.memory_space<hbm>>) target_semaphore(%run_scoped3A : memref<!tpu.dma_semaphore, #tpu.memory_space<semaphore_mem>>)
      %dma_wait3A_92 = arith.constant 0 : i32
      %dma_wait3A_93 = tpu.memref_slice %arg5[%arg0, %mul3A_81, %dma_wait3A_92] : memref<2x10000x128xf32, #tpu.memory_space<hbm>> -> memref<1x624x128xf32, #tpu.memory_space<hbm>>
      %dma_wait3A_94 = tpu.memref_squeeze %dma_wait3A_93 : memref<1x624x128xf32, #tpu.memory_space<hbm>> -> memref<624x128xf32, #tpu.memory_space<hbm>>
      %dma_wait3A_95 = arith.constant 0 : i32
      %dma_wait3A_96 = tpu.memref_slice %arg10[%mul3A_81, %dma_wait3A_95] : memref<10000x128xf32, #tpu.memory_space<vmem_shared>> -> memref<624x128xf32, #tpu.memory_space<vmem_shared>>
      tpu.wait_dma2 semaphore(%run_scoped3A : memref<!tpu.dma_semaphore, #tpu.memory_space<semaphore_mem>>) src(%dma_wait3A_96 : memref<624x128xf32, #tpu.memory_space<vmem_shared>>) dst(%dma_wait3A_94 : memref<624x128xf32, #tpu.memory_space<hbm>>)
      tpu.yield
    }) : () -> ()
    %eq3A_82 = arith.constant 15 : i32
    %eq3A_83 = arith.cmpi eq, %arg1, %eq3A_82 : i32
    %convert_element_type3A_84 = arith.extui %eq3A_83 : i1 to i32
    %cond3A_85 = arith.constant 0 : i32
    %cond3A_86 = arith.cmpi ne, %convert_element_type3A_84, %cond3A_85 : i32
    scf.if %cond3A_86 {
      "tpu.region"() ({
        %run_scoped3A = tpu.sem_alloc : memref<!tpu.dma_semaphore, #tpu.memory_space<semaphore_mem>>
        %dma_start3A_87 = arith.constant 9984 : i32
        %dma_start3A_88 = arith.constant 0 : i32
        %dma_start3A_89 = tpu.memref_slice %arg5[%arg0, %dma_start3A_87, %dma_start3A_88] : memref<2x10000x128xf32, #tpu.memory_space<hbm>> -> memref<1x16x128xf32, #tpu.memory_space<hbm>>
        %dma_start3A_90 = tpu.memref_squeeze %dma_start3A_89 : memref<1x16x128xf32, #tpu.memory_space<hbm>> -> memref<16x128xf32, #tpu.memory_space<hbm>>
        %dma_start3A_91 = arith.constant 9984 : i32
        %dma_start3A_92 = arith.constant 0 : i32
        %dma_start3A_93 = tpu.memref_slice %arg10[%dma_start3A_91, %dma_start3A_92] : memref<10000x128xf32, #tpu.memory_space<vmem_shared>> -> memref<16x128xf32, #tpu.memory_space<vmem_shared>>
        tpu.enqueue_dma source(%dma_start3A_93 : memref<16x128xf32, #tpu.memory_space<vmem_shared>>) target(%dma_start3A_90 : memref<16x128xf32, #tpu.memory_space<hbm>>) target_semaphore(%run_scoped3A : memref<!tpu.dma_semaphore, #tpu.memory_space<semaphore_mem>>)
        %dma_wait3A_94 = arith.constant 9984 : i32
        %dma_wait3A_95 = arith.constant 0 : i32
        %dma_wait3A_96 = tpu.memref_slice %arg5[%arg0, %dma_wait3A_94, %dma_wait3A_95] : memref<2x10000x128xf32, #tpu.memory_space<hbm>> -> memref<1x16x128xf32, #tpu.memory_space<hbm>>
        %dma_wait3A_97 = tpu.memref_squeeze %dma_wait3A_96 : memref<1x16x128xf32, #tpu.memory_space<hbm>> -> memref<16x128xf32, #tpu.memory_space<hbm>>
        %dma_wait3A_98 = arith.constant 9984 : i32
        %dma_wait3A_99 = arith.constant 0 : i32
        %dma_wait3A_100 = tpu.memref_slice %arg10[%dma_wait3A_98, %dma_wait3A_99] : memref<10000x128xf32, #tpu.memory_space<vmem_shared>> -> memref<16x128xf32, #tpu.memory_space<vmem_shared>>
        tpu.wait_dma2 semaphore(%run_scoped3A : memref<!tpu.dma_semaphore, #tpu.memory_space<semaphore_mem>>) src(%dma_wait3A_100 : memref<16x128xf32, #tpu.memory_space<vmem_shared>>) dst(%dma_wait3A_97 : memref<16x128xf32, #tpu.memory_space<hbm>>)
        tpu.yield
      }) : () -> ()
    } else {
    }
    return
  }
}

#map = affine_map<(d0, d1) -> (0, 0)>
#map1 = affine_map<(d0, d1) -> (0)>
#map2 = affine_map<(d0, d1) -> (0, 0, 0)>
module attributes {stable_mosaic.version = 14 : i64} {
  func.func @_agg_body(%arg0: i32, %arg1: i32, %arg2: memref<10000x128xf32, #tpu.memory_space<hbm>>, %arg3: memref<320000xi32, #tpu.memory_space<hbm>>, %arg4: memref<32x125x80xi32, #tpu.memory_space<hbm>>, %arg5: memref<2x10000x128xf32, #tpu.memory_space<hbm>>, %arg6: memref<10000xi32, #tpu.memory_space<vmem>>, %arg7: memref<125x80xi32, #tpu.memory_space<vmem>>, %arg8: memref<80x128xf32, #tpu.memory_space<vmem>>, %arg9: memref<80x128xf32, #tpu.memory_space<vmem>>, %arg10: memref<10000x128xf32, #tpu.memory_space<vmem_shared>>, %arg11: memref<!tpu.dma_semaphore, #tpu.memory_space<semaphore_mem>>, %arg12: memref<!tpu.dma_semaphore, #tpu.memory_space<semaphore_mem>>, %arg13: memref<!tpu.dma_semaphore, #tpu.memory_space<semaphore_mem>>) attributes {dimension_semantics = [#tpu.dimension_semantics<core_parallel>, #tpu.dimension_semantics<subcore_parallel>], iteration_bounds = array<i64: 2, 16>, scalar_prefetch = 0 : i64, scratch_operands = 8 : i64, tpu.core_type = #tpu.core_type<sc_vector_subcore>, window_params = [{transform_indices = #map}, {transform_indices = #map1}, {transform_indices = #map2}, {transform_indices = #map2}]} {
    %mul3A = arith.constant 16 : i32
    %mul3A_0 = arith.muli %arg0, %mul3A : i32
    %add3A = arith.addi %mul3A_0, %arg1 : i32
    %mul3A_1 = arith.constant 10000 : i32
    %mul3A_2 = arith.muli %add3A, %mul3A_1 : i32
    %dma_start3A = tpu.memref_slice %arg3[%mul3A_2] : memref<320000xi32, #tpu.memory_space<hbm>> -> memref<10000xi32, #tpu.memory_space<hbm>>
    %dma_start3A_3 = tpu.memref_slice %arg3[%mul3A_2] : memref<320000xi32, #tpu.memory_space<hbm>> -> memref<10000xi32, #tpu.memory_space<hbm>>
    tpu.enqueue_dma source(%dma_start3A_3 : memref<10000xi32, #tpu.memory_space<hbm>>) target(%arg6 : memref<10000xi32, #tpu.memory_space<vmem>>) target_semaphore(%arg13 : memref<!tpu.dma_semaphore, #tpu.memory_space<semaphore_mem>>)
    %dma_start3A_4 = arith.constant 0 : i32
    %dma_start3A_5 = arith.constant 0 : i32
    %dma_start3A_6 = tpu.memref_slice %arg4[%add3A, %dma_start3A_4, %dma_start3A_5] : memref<32x125x80xi32, #tpu.memory_space<hbm>> -> memref<1x125x80xi32, #tpu.memory_space<hbm>>
    %dma_start3A_7 = tpu.memref_squeeze %dma_start3A_6 : memref<1x125x80xi32, #tpu.memory_space<hbm>> -> memref<125x80xi32, #tpu.memory_space<hbm>>
    %dma_start3A_8 = arith.constant 0 : i32
    %dma_start3A_9 = arith.constant 0 : i32
    %dma_start3A_10 = tpu.memref_slice %arg4[%add3A, %dma_start3A_8, %dma_start3A_9] : memref<32x125x80xi32, #tpu.memory_space<hbm>> -> memref<1x125x80xi32, #tpu.memory_space<hbm>>
    %dma_start3A_11 = tpu.memref_squeeze %dma_start3A_10 : memref<1x125x80xi32, #tpu.memory_space<hbm>> -> memref<125x80xi32, #tpu.memory_space<hbm>>
    tpu.enqueue_dma source(%dma_start3A_11 : memref<125x80xi32, #tpu.memory_space<hbm>>) target(%arg7 : memref<125x80xi32, #tpu.memory_space<vmem>>) target_semaphore(%arg13 : memref<!tpu.dma_semaphore, #tpu.memory_space<semaphore_mem>>)
    %scan3A = arith.constant 0 : i32
    %scan3A_12 = arith.constant 0 : i32
    %scan3A_13 = arith.constant 80 : i32
    %scan3A_14 = arith.addi %scan3A_12, %scan3A_13 : i32
    %scan3A_15 = arith.constant 1 : i32
    %scan3A_16 = scf.for %scan3A_87 = %scan3A_12 to %scan3A_14 step %scan3A_15 iter_args(%scan3A_88 = %scan3A) -> (i32)  : i32 {
      %scan3A_89 = arith.constant 0 : i32
      %scan3A_90 = arith.constant 0 : i32
      %scan3A_91 = arith.constant 8 : i32
      %scan3A_92 = arith.addi %scan3A_90, %scan3A_91 : i32
      %scan3A_93 = arith.constant 1 : i32
      %scan3A_94 = scf.for %scan3A_96 = %scan3A_90 to %scan3A_92 step %scan3A_93 iter_args(%scan3A_97 = %scan3A_89) -> (i32)  : i32 {
        %broadcast_in_dim3A = arith.constant 0.000000e+00 : f32
        %broadcast_in_dim3A_98 = vector.broadcast %broadcast_in_dim3A : f32 to vector<16xf32>
        %mul3A_99 = arith.constant 16 : i32
        %mul3A_100 = arith.muli %scan3A_96, %mul3A_99 : i32
        %swap3A = arith.index_cast %scan3A_87 : i32 to index
        %swap3A_101 = arith.index_cast %mul3A_100 : i32 to index
        %swap3A_102 = tpu.vector_load %arg8[%swap3A, %swap3A_101] {strides = array<i32>} : memref<80x128xf32, #tpu.memory_space<vmem>>, vector<1x16xf32>,
        %swap3A_103 = vector.shape_cast %swap3A_102 : vector<1x16xf32> to vector<16xf32>
        %swap3A_104 = vector.shape_cast %broadcast_in_dim3A_98 : vector<16xf32> to vector<1x16xf32>
        tpu.vector_store %arg8[%swap3A, %swap3A_101], %swap3A_104 {strides = array<i32>} : memref<80x128xf32, #tpu.memory_space<vmem>>, vector<1x16xf32>,
        %scan3A_105 = arith.constant 0 : i32
        scf.yield %scan3A_105 : i32
      }
      %scan3A_95 = arith.constant 8 : i32
      scf.yield %scan3A_94 : i32
    }
    %scan3A_17 = arith.constant 80 : i32
    %mul3A_18 = arith.constant 624 : i32
    %mul3A_19 = arith.muli %arg1, %mul3A_18 : i32
    %add3A_20 = arith.constant 0 : i32
    %add3A_21 = arith.addi %mul3A_19, %add3A_20 : i32
    "tpu.region"() ({
      %run_scoped3A = tpu.sem_alloc : memref<!tpu.dma_semaphore, #tpu.memory_space<semaphore_mem>>
      %dma_start3A_87 = arith.constant 0 : i32
      %dma_start3A_88 = tpu.memref_slice %arg10[%add3A_21, %dma_start3A_87] : memref<10000x128xf32, #tpu.memory_space<vmem_shared>> -> memref<80x128xf32, #tpu.memory_space<vmem_shared>>
      %dma_start3A_89 = arith.constant 0 : i32
      %dma_start3A_90 = tpu.memref_slice %arg10[%add3A_21, %dma_start3A_89] : memref<10000x128xf32, #tpu.memory_space<vmem_shared>> -> memref<80x128xf32, #tpu.memory_space<vmem_shared>>
      tpu.enqueue_dma source(%arg8 : memref<80x128xf32, #tpu.memory_space<vmem>>) target(%dma_start3A_90 : memref<80x128xf32, #tpu.memory_space<vmem_shared>>) target_semaphore(%run_scoped3A : memref<!tpu.dma_semaphore, #tpu.memory_space<semaphore_mem>>)
      %dma_wait3A_91 = arith.constant 0 : i32
      %dma_wait3A_92 = tpu.memref_slice %arg10[%add3A_21, %dma_wait3A_91] : memref<10000x128xf32, #tpu.memory_space<vmem_shared>> -> memref<80x128xf32, #tpu.memory_space<vmem_shared>>
      %dma_wait3A_93 = arith.constant 0 : i32
      %dma_wait3A_94 = tpu.memref_slice %arg10[%add3A_21, %dma_wait3A_93] : memref<10000x128xf32, #tpu.memory_space<vmem_shared>> -> memref<80x128xf32, #tpu.memory_space<vmem_shared>>
      tpu.wait_dma2 semaphore(%run_scoped3A : memref<!tpu.dma_semaphore, #tpu.memory_space<semaphore_mem>>) src(%arg8 : memref<80x128xf32, #tpu.memory_space<vmem>>) dst(%dma_wait3A_94 : memref<80x128xf32, #tpu.memory_space<vmem_shared>>)
      tpu.yield
    }) : () -> ()
    %add3A_22 = arith.constant 80 : i32
    %add3A_23 = arith.addi %mul3A_19, %add3A_22 : i32
    "tpu.region"() ({
      %run_scoped3A = tpu.sem_alloc : memref<!tpu.dma_semaphore, #tpu.memory_space<semaphore_mem>>
      %dma_start3A_87 = arith.constant 0 : i32
      %dma_start3A_88 = tpu.memref_slice %arg10[%add3A_23, %dma_start3A_87] : memref<10000x128xf32, #tpu.memory_space<vmem_shared>> -> memref<80x128xf32, #tpu.memory_space<vmem_shared>>
      %dma_start3A_89 = arith.constant 0 : i32
      %dma_start3A_90 = tpu.memref_slice %arg10[%add3A_23, %dma_start3A_89] : memref<10000x128xf32, #tpu.memory_space<vmem_shared>> -> memref<80x128xf32, #tpu.memory_space<vmem_shared>>
      tpu.enqueue_dma source(%arg8 : memref<80x128xf32, #tpu.memory_space<vmem>>) target(%dma_start3A_90 : memref<80x128xf32, #tpu.memory_space<vmem_shared>>) target_semaphore(%run_scoped3A : memref<!tpu.dma_semaphore, #tpu.memory_space<semaphore_mem>>)
      %dma_wait3A_91 = arith.constant 0 : i32
      %dma_wait3A_92 = tpu.memref_slice %arg10[%add3A_23, %dma_wait3A_91] : memref<10000x128xf32, #tpu.memory_space<vmem_shared>> -> memref<80x128xf32, #tpu.memory_space<vmem_shared>>
      %dma_wait3A_93 = arith.constant 0 : i32
      %dma_wait3A_94 = tpu.memref_slice %arg10[%add3A_23, %dma_wait3A_93] : memref<10000x128xf32, #tpu.memory_space<vmem_shared>> -> memref<80x128xf32, #tpu.memory_space<vmem_shared>>
      tpu.wait_dma2 semaphore(%run_scoped3A : memref<!tpu.dma_semaphore, #tpu.memory_space<semaphore_mem>>) src(%arg8 : memref<80x128xf32, #tpu.memory_space<vmem>>) dst(%dma_wait3A_94 : memref<80x128xf32, #tpu.memory_space<vmem_shared>>)
      tpu.yield
    }) : () -> ()
    %add3A_24 = arith.constant 160 : i32
    %add3A_25 = arith.addi %mul3A_19, %add3A_24 : i32
    "tpu.region"() ({
      %run_scoped3A = tpu.sem_alloc : memref<!tpu.dma_semaphore, #tpu.memory_space<semaphore_mem>>
      %dma_start3A_87 = arith.constant 0 : i32
      %dma_start3A_88 = tpu.memref_slice %arg10[%add3A_25, %dma_start3A_87] : memref<10000x128xf32, #tpu.memory_space<vmem_shared>> -> memref<80x128xf32, #tpu.memory_space<vmem_shared>>
      %dma_start3A_89 = arith.constant 0 : i32
      %dma_start3A_90 = tpu.memref_slice %arg10[%add3A_25, %dma_start3A_89] : memref<10000x128xf32, #tpu.memory_space<vmem_shared>> -> memref<80x128xf32, #tpu.memory_space<vmem_shared>>
      tpu.enqueue_dma source(%arg8 : memref<80x128xf32, #tpu.memory_space<vmem>>) target(%dma_start3A_90 : memref<80x128xf32, #tpu.memory_space<vmem_shared>>) target_semaphore(%run_scoped3A : memref<!tpu.dma_semaphore, #tpu.memory_space<semaphore_mem>>)
      %dma_wait3A_91 = arith.constant 0 : i32
      %dma_wait3A_92 = tpu.memref_slice %arg10[%add3A_25, %dma_wait3A_91] : memref<10000x128xf32, #tpu.memory_space<vmem_shared>> -> memref<80x128xf32, #tpu.memory_space<vmem_shared>>
      %dma_wait3A_93 = arith.constant 0 : i32
      %dma_wait3A_94 = tpu.memref_slice %arg10[%add3A_25, %dma_wait3A_93] : memref<10000x128xf32, #tpu.memory_space<vmem_shared>> -> memref<80x128xf32, #tpu.memory_space<vmem_shared>>
      tpu.wait_dma2 semaphore(%run_scoped3A : memref<!tpu.dma_semaphore, #tpu.memory_space<semaphore_mem>>) src(%arg8 : memref<80x128xf32, #tpu.memory_space<vmem>>) dst(%dma_wait3A_94 : memref<80x128xf32, #tpu.memory_space<vmem_shared>>)
      tpu.yield
    }) : () -> ()
    %add3A_26 = arith.constant 240 : i32
    %add3A_27 = arith.addi %mul3A_19, %add3A_26 : i32
    "tpu.region"() ({
      %run_scoped3A = tpu.sem_alloc : memref<!tpu.dma_semaphore, #tpu.memory_space<semaphore_mem>>
      %dma_start3A_87 = arith.constant 0 : i32
      %dma_start3A_88 = tpu.memref_slice %arg10[%add3A_27, %dma_start3A_87] : memref<10000x128xf32, #tpu.memory_space<vmem_shared>> -> memref<80x128xf32, #tpu.memory_space<vmem_shared>>
      %dma_start3A_89 = arith.constant 0 : i32
      %dma_start3A_90 = tpu.memref_slice %arg10[%add3A_27, %dma_start3A_89] : memref<10000x128xf32, #tpu.memory_space<vmem_shared>> -> memref<80x128xf32, #tpu.memory_space<vmem_shared>>
      tpu.enqueue_dma source(%arg8 : memref<80x128xf32, #tpu.memory_space<vmem>>) target(%dma_start3A_90 : memref<80x128xf32, #tpu.memory_space<vmem_shared>>) target_semaphore(%run_scoped3A : memref<!tpu.dma_semaphore, #tpu.memory_space<semaphore_mem>>)
      %dma_wait3A_91 = arith.constant 0 : i32
      %dma_wait3A_92 = tpu.memref_slice %arg10[%add3A_27, %dma_wait3A_91] : memref<10000x128xf32, #tpu.memory_space<vmem_shared>> -> memref<80x128xf32, #tpu.memory_space<vmem_shared>>
      %dma_wait3A_93 = arith.constant 0 : i32
      %dma_wait3A_94 = tpu.memref_slice %arg10[%add3A_27, %dma_wait3A_93] : memref<10000x128xf32, #tpu.memory_space<vmem_shared>> -> memref<80x128xf32, #tpu.memory_space<vmem_shared>>
      tpu.wait_dma2 semaphore(%run_scoped3A : memref<!tpu.dma_semaphore, #tpu.memory_space<semaphore_mem>>) src(%arg8 : memref<80x128xf32, #tpu.memory_space<vmem>>) dst(%dma_wait3A_94 : memref<80x128xf32, #tpu.memory_space<vmem_shared>>)
      tpu.yield
    }) : () -> ()
    %add3A_28 = arith.constant 320 : i32
    %add3A_29 = arith.addi %mul3A_19, %add3A_28 : i32
    "tpu.region"() ({
      %run_scoped3A = tpu.sem_alloc : memref<!tpu.dma_semaphore, #tpu.memory_space<semaphore_mem>>
      %dma_start3A_87 = arith.constant 0 : i32
      %dma_start3A_88 = tpu.memref_slice %arg10[%add3A_29, %dma_start3A_87] : memref<10000x128xf32, #tpu.memory_space<vmem_shared>> -> memref<80x128xf32, #tpu.memory_space<vmem_shared>>
      %dma_start3A_89 = arith.constant 0 : i32
      %dma_start3A_90 = tpu.memref_slice %arg10[%add3A_29, %dma_start3A_89] : memref<10000x128xf32, #tpu.memory_space<vmem_shared>> -> memref<80x128xf32, #tpu.memory_space<vmem_shared>>
      tpu.enqueue_dma source(%arg8 : memref<80x128xf32, #tpu.memory_space<vmem>>) target(%dma_start3A_90 : memref<80x128xf32, #tpu.memory_space<vmem_shared>>) target_semaphore(%run_scoped3A : memref<!tpu.dma_semaphore, #tpu.memory_space<semaphore_mem>>)
      %dma_wait3A_91 = arith.constant 0 : i32
      %dma_wait3A_92 = tpu.memref_slice %arg10[%add3A_29, %dma_wait3A_91] : memref<10000x128xf32, #tpu.memory_space<vmem_shared>> -> memref<80x128xf32, #tpu.memory_space<vmem_shared>>
      %dma_wait3A_93 = arith.constant 0 : i32
      %dma_wait3A_94 = tpu.memref_slice %arg10[%add3A_29, %dma_wait3A_93] : memref<10000x128xf32, #tpu.memory_space<vmem_shared>> -> memref<80x128xf32, #tpu.memory_space<vmem_shared>>
      tpu.wait_dma2 semaphore(%run_scoped3A : memref<!tpu.dma_semaphore, #tpu.memory_space<semaphore_mem>>) src(%arg8 : memref<80x128xf32, #tpu.memory_space<vmem>>) dst(%dma_wait3A_94 : memref<80x128xf32, #tpu.memory_space<vmem_shared>>)
      tpu.yield
    }) : () -> ()
    %add3A_30 = arith.constant 400 : i32
    %add3A_31 = arith.addi %mul3A_19, %add3A_30 : i32
    "tpu.region"() ({
      %run_scoped3A = tpu.sem_alloc : memref<!tpu.dma_semaphore, #tpu.memory_space<semaphore_mem>>
      %dma_start3A_87 = arith.constant 0 : i32
      %dma_start3A_88 = tpu.memref_slice %arg10[%add3A_31, %dma_start3A_87] : memref<10000x128xf32, #tpu.memory_space<vmem_shared>> -> memref<80x128xf32, #tpu.memory_space<vmem_shared>>
      %dma_start3A_89 = arith.constant 0 : i32
      %dma_start3A_90 = tpu.memref_slice %arg10[%add3A_31, %dma_start3A_89] : memref<10000x128xf32, #tpu.memory_space<vmem_shared>> -> memref<80x128xf32, #tpu.memory_space<vmem_shared>>
      tpu.enqueue_dma source(%arg8 : memref<80x128xf32, #tpu.memory_space<vmem>>) target(%dma_start3A_90 : memref<80x128xf32, #tpu.memory_space<vmem_shared>>) target_semaphore(%run_scoped3A : memref<!tpu.dma_semaphore, #tpu.memory_space<semaphore_mem>>)
      %dma_wait3A_91 = arith.constant 0 : i32
      %dma_wait3A_92 = tpu.memref_slice %arg10[%add3A_31, %dma_wait3A_91] : memref<10000x128xf32, #tpu.memory_space<vmem_shared>> -> memref<80x128xf32, #tpu.memory_space<vmem_shared>>
      %dma_wait3A_93 = arith.constant 0 : i32
      %dma_wait3A_94 = tpu.memref_slice %arg10[%add3A_31, %dma_wait3A_93] : memref<10000x128xf32, #tpu.memory_space<vmem_shared>> -> memref<80x128xf32, #tpu.memory_space<vmem_shared>>
      tpu.wait_dma2 semaphore(%run_scoped3A : memref<!tpu.dma_semaphore, #tpu.memory_space<semaphore_mem>>) src(%arg8 : memref<80x128xf32, #tpu.memory_space<vmem>>) dst(%dma_wait3A_94 : memref<80x128xf32, #tpu.memory_space<vmem_shared>>)
      tpu.yield
    }) : () -> ()
    %add3A_32 = arith.constant 480 : i32
    %add3A_33 = arith.addi %mul3A_19, %add3A_32 : i32
    "tpu.region"() ({
      %run_scoped3A = tpu.sem_alloc : memref<!tpu.dma_semaphore, #tpu.memory_space<semaphore_mem>>
      %dma_start3A_87 = arith.constant 0 : i32
      %dma_start3A_88 = tpu.memref_slice %arg10[%add3A_33, %dma_start3A_87] : memref<10000x128xf32, #tpu.memory_space<vmem_shared>> -> memref<80x128xf32, #tpu.memory_space<vmem_shared>>
      %dma_start3A_89 = arith.constant 0 : i32
      %dma_start3A_90 = tpu.memref_slice %arg10[%add3A_33, %dma_start3A_89] : memref<10000x128xf32, #tpu.memory_space<vmem_shared>> -> memref<80x128xf32, #tpu.memory_space<vmem_shared>>
      tpu.enqueue_dma source(%arg8 : memref<80x128xf32, #tpu.memory_space<vmem>>) target(%dma_start3A_90 : memref<80x128xf32, #tpu.memory_space<vmem_shared>>) target_semaphore(%run_scoped3A : memref<!tpu.dma_semaphore, #tpu.memory_space<semaphore_mem>>)
      %dma_wait3A_91 = arith.constant 0 : i32
      %dma_wait3A_92 = tpu.memref_slice %arg10[%add3A_33, %dma_wait3A_91] : memref<10000x128xf32, #tpu.memory_space<vmem_shared>> -> memref<80x128xf32, #tpu.memory_space<vmem_shared>>
      %dma_wait3A_93 = arith.constant 0 : i32
      %dma_wait3A_94 = tpu.memref_slice %arg10[%add3A_33, %dma_wait3A_93] : memref<10000x128xf32, #tpu.memory_space<vmem_shared>> -> memref<80x128xf32, #tpu.memory_space<vmem_shared>>
      tpu.wait_dma2 semaphore(%run_scoped3A : memref<!tpu.dma_semaphore, #tpu.memory_space<semaphore_mem>>) src(%arg8 : memref<80x128xf32, #tpu.memory_space<vmem>>) dst(%dma_wait3A_94 : memref<80x128xf32, #tpu.memory_space<vmem_shared>>)
      tpu.yield
    }) : () -> ()
    %add3A_34 = arith.constant 624 : i32
    %add3A_35 = arith.addi %mul3A_19, %add3A_34 : i32
    %sub3A = arith.constant 64 : i32
    %sub3A_36 = arith.subi %add3A_35, %sub3A : i32
    "tpu.region"() ({
      %run_scoped3A = tpu.sem_alloc : memref<!tpu.dma_semaphore, #tpu.memory_space<semaphore_mem>>
      %dma_start3A_87 = arith.constant 0 : i32
      %dma_start3A_88 = arith.constant 0 : i32
      %dma_start3A_89 = tpu.memref_slice %arg8[%dma_start3A_87, %dma_start3A_88] : memref<80x128xf32, #tpu.memory_space<vmem>> -> memref<64x128xf32, #tpu.memory_space<vmem>>
      %dma_start3A_90 = arith.constant 0 : i32
      %dma_start3A_91 = tpu.memref_slice %arg10[%sub3A_36, %dma_start3A_90] : memref<10000x128xf32, #tpu.memory_space<vmem_shared>> -> memref<64x128xf32, #tpu.memory_space<vmem_shared>>
      %dma_start3A_92 = arith.constant 0 : i32
      %dma_start3A_93 = tpu.memref_slice %arg10[%sub3A_36, %dma_start3A_92] : memref<10000x128xf32, #tpu.memory_space<vmem_shared>> -> memref<64x128xf32, #tpu.memory_space<vmem_shared>>
      %dma_start3A_94 = arith.constant 0 : i32
      %dma_start3A_95 = arith.constant 0 : i32
      %dma_start3A_96 = tpu.memref_slice %arg8[%dma_start3A_94, %dma_start3A_95] : memref<80x128xf32, #tpu.memory_space<vmem>> -> memref<64x128xf32, #tpu.memory_space<vmem>>
      tpu.enqueue_dma source(%dma_start3A_96 : memref<64x128xf32, #tpu.memory_space<vmem>>) target(%dma_start3A_93 : memref<64x128xf32, #tpu.memory_space<vmem_shared>>) target_semaphore(%run_scoped3A : memref<!tpu.dma_semaphore, #tpu.memory_space<semaphore_mem>>)
      %dma_wait3A_97 = arith.constant 0 : i32
      %dma_wait3A_98 = arith.constant 0 : i32
      %dma_wait3A_99 = tpu.memref_slice %arg8[%dma_wait3A_97, %dma_wait3A_98] : memref<80x128xf32, #tpu.memory_space<vmem>> -> memref<64x128xf32, #tpu.memory_space<vmem>>
      %dma_wait3A_100 = arith.constant 0 : i32
      %dma_wait3A_101 = tpu.memref_slice %arg10[%sub3A_36, %dma_wait3A_100] : memref<10000x128xf32, #tpu.memory_space<vmem_shared>> -> memref<64x128xf32, #tpu.memory_space<vmem_shared>>
      %dma_wait3A_102 = arith.constant 0 : i32
      %dma_wait3A_103 = tpu.memref_slice %arg10[%sub3A_36, %dma_wait3A_102] : memref<10000x128xf32, #tpu.memory_space<vmem_shared>> -> memref<64x128xf32, #tpu.memory_space<vmem_shared>>
      %dma_wait3A_104 = arith.constant 0 : i32
      %dma_wait3A_105 = arith.constant 0 : i32
      %dma_wait3A_106 = tpu.memref_slice %arg8[%dma_wait3A_104, %dma_wait3A_105] : memref<80x128xf32, #tpu.memory_space<vmem>> -> memref<64x128xf32, #tpu.memory_space<vmem>>
      tpu.wait_dma2 semaphore(%run_scoped3A : memref<!tpu.dma_semaphore, #tpu.memory_space<semaphore_mem>>) src(%dma_wait3A_106 : memref<64x128xf32, #tpu.memory_space<vmem>>) dst(%dma_wait3A_103 : memref<64x128xf32, #tpu.memory_space<vmem_shared>>)
      tpu.yield
    }) : () -> ()
    %eq3A = arith.constant 15 : i32
    %eq3A_37 = arith.cmpi eq, %arg1, %eq3A : i32
    %convert_element_type3A = arith.extui %eq3A_37 : i1 to i32
    %cond3A = arith.constant 0 : i32
    %cond3A_38 = arith.cmpi ne, %convert_element_type3A, %cond3A : i32
    scf.if %cond3A_38 {
      "tpu.region"() ({
        %run_scoped3A = tpu.sem_alloc : memref<!tpu.dma_semaphore, #tpu.memory_space<semaphore_mem>>
        %dma_start3A_87 = arith.constant 0 : i32
        %dma_start3A_88 = arith.constant 0 : i32
        %dma_start3A_89 = tpu.memref_slice %arg8[%dma_start3A_87, %dma_start3A_88] : memref<80x128xf32, #tpu.memory_space<vmem>> -> memref<16x128xf32, #tpu.memory_space<vmem>>
        %dma_start3A_90 = arith.constant 9984 : i32
        %dma_start3A_91 = arith.constant 0 : i32
        %dma_start3A_92 = tpu.memref_slice %arg10[%dma_start3A_90, %dma_start3A_91] : memref<10000x128xf32, #tpu.memory_space<vmem_shared>> -> memref<16x128xf32, #tpu.memory_space<vmem_shared>>
        %dma_start3A_93 = arith.constant 9984 : i32
        %dma_start3A_94 = arith.constant 0 : i32
        %dma_start3A_95 = tpu.memref_slice %arg10[%dma_start3A_93, %dma_start3A_94] : memref<10000x128xf32, #tpu.memory_space<vmem_shared>> -> memref<16x128xf32, #tpu.memory_space<vmem_shared>>
        %dma_start3A_96 = arith.constant 0 : i32
        %dma_start3A_97 = arith.constant 0 : i32
        %dma_start3A_98 = tpu.memref_slice %arg8[%dma_start3A_96, %dma_start3A_97] : memref<80x128xf32, #tpu.memory_space<vmem>> -> memref<16x128xf32, #tpu.memory_space<vmem>>
        tpu.enqueue_dma source(%dma_start3A_98 : memref<16x128xf32, #tpu.memory_space<vmem>>) target(%dma_start3A_95 : memref<16x128xf32, #tpu.memory_space<vmem_shared>>) target_semaphore(%run_scoped3A : memref<!tpu.dma_semaphore, #tpu.memory_space<semaphore_mem>>)
        %dma_wait3A_99 = arith.constant 0 : i32
        %dma_wait3A_100 = arith.constant 0 : i32
        %dma_wait3A_101 = tpu.memref_slice %arg8[%dma_wait3A_99, %dma_wait3A_100] : memref<80x128xf32, #tpu.memory_space<vmem>> -> memref<16x128xf32, #tpu.memory_space<vmem>>
        %dma_wait3A_102 = arith.constant 9984 : i32
        %dma_wait3A_103 = arith.constant 0 : i32
        %dma_wait3A_104 = tpu.memref_slice %arg10[%dma_wait3A_102, %dma_wait3A_103] : memref<10000x128xf32, #tpu.memory_space<vmem_shared>> -> memref<16x128xf32, #tpu.memory_space<vmem_shared>>
        %dma_wait3A_105 = arith.constant 9984 : i32
        %dma_wait3A_106 = arith.constant 0 : i32
        %dma_wait3A_107 = tpu.memref_slice %arg10[%dma_wait3A_105, %dma_wait3A_106] : memref<10000x128xf32, #tpu.memory_space<vmem_shared>> -> memref<16x128xf32, #tpu.memory_space<vmem_shared>>
        %dma_wait3A_108 = arith.constant 0 : i32
        %dma_wait3A_109 = arith.constant 0 : i32
        %dma_wait3A_110 = tpu.memref_slice %arg8[%dma_wait3A_108, %dma_wait3A_109] : memref<80x128xf32, #tpu.memory_space<vmem>> -> memref<16x128xf32, #tpu.memory_space<vmem>>
        tpu.wait_dma2 semaphore(%run_scoped3A : memref<!tpu.dma_semaphore, #tpu.memory_space<semaphore_mem>>) src(%dma_wait3A_110 : memref<16x128xf32, #tpu.memory_space<vmem>>) dst(%dma_wait3A_107 : memref<16x128xf32, #tpu.memory_space<vmem_shared>>)
        tpu.yield
      }) : () -> ()
    } else {
    }
    %dma_wait3A = tpu.memref_slice %arg3[%mul3A_2] : memref<320000xi32, #tpu.memory_space<hbm>> -> memref<10000xi32, #tpu.memory_space<hbm>>
    %dma_wait3A_39 = tpu.memref_slice %arg3[%mul3A_2] : memref<320000xi32, #tpu.memory_space<hbm>> -> memref<10000xi32, #tpu.memory_space<hbm>>
    tpu.wait_dma2 semaphore(%arg13 : memref<!tpu.dma_semaphore, #tpu.memory_space<semaphore_mem>>) src(%dma_wait3A_39 : memref<10000xi32, #tpu.memory_space<hbm>>) dst(%arg6 : memref<10000xi32, #tpu.memory_space<vmem>>)
    %dma_wait3A_40 = arith.constant 0 : i32
    %dma_wait3A_41 = arith.constant 0 : i32
    %dma_wait3A_42 = tpu.memref_slice %arg4[%add3A, %dma_wait3A_40, %dma_wait3A_41] : memref<32x125x80xi32, #tpu.memory_space<hbm>> -> memref<1x125x80xi32, #tpu.memory_space<hbm>>
    %dma_wait3A_43 = tpu.memref_squeeze %dma_wait3A_42 : memref<1x125x80xi32, #tpu.memory_space<hbm>> -> memref<125x80xi32, #tpu.memory_space<hbm>>
    %dma_wait3A_44 = arith.constant 0 : i32
    %dma_wait3A_45 = arith.constant 0 : i32
    %dma_wait3A_46 = tpu.memref_slice %arg4[%add3A, %dma_wait3A_44, %dma_wait3A_45] : memref<32x125x80xi32, #tpu.memory_space<hbm>> -> memref<1x125x80xi32, #tpu.memory_space<hbm>>
    %dma_wait3A_47 = tpu.memref_squeeze %dma_wait3A_46 : memref<1x125x80xi32, #tpu.memory_space<hbm>> -> memref<125x80xi32, #tpu.memory_space<hbm>>
    tpu.wait_dma2 semaphore(%arg13 : memref<!tpu.dma_semaphore, #tpu.memory_space<semaphore_mem>>) src(%dma_wait3A_47 : memref<125x80xi32, #tpu.memory_space<hbm>>) dst(%arg7 : memref<125x80xi32, #tpu.memory_space<vmem>>)
    %barrier3A = arith.constant 0 : index
    tpu.barrier barrier_id(%barrier3A)
    %dma_start3A_48 = arith.constant 0 : i32
    %dma_start3A_49 = tpu.memref_slice %arg6[%dma_start3A_48] : memref<10000xi32, #tpu.memory_space<vmem>> -> memref<80xi32, #tpu.memory_space<vmem>>
    %dma_start3A_50 = arith.constant 0 : i32
    %dma_start3A_51 = arith.constant 0 : i32
    %dma_start3A_52 = tpu.memref_slice %arg2[%dma_start3A_50, %dma_start3A_51] : memref<10000x128xf32, #tpu.memory_space<hbm>> -> memref<10000x128xf32, #tpu.memory_space<hbm>>
    tpu.enqueue_indirect_dma source(%dma_start3A_52 : memref<10000x128xf32, #tpu.memory_space<hbm>>) target(%arg8 : memref<80x128xf32, #tpu.memory_space<vmem>>) offsets(%dma_start3A_49 : memref<80xi32, #tpu.memory_space<vmem>>) semaphore(%arg11 : memref<!tpu.dma_semaphore, #tpu.memory_space<semaphore_mem>>)
    %scan3A_53 = arith.constant 0 : i32
    %scan3A_54 = arith.constant 0 : i32
    %scan3A_55 = arith.constant 62 : i32
    %scan3A_56 = arith.addi %scan3A_54, %scan3A_55 : i32
    %scan3A_57 = arith.constant 1 : i32
    %scan3A_58 = scf.for %scan3A_87 = %scan3A_54 to %scan3A_56 step %scan3A_57 iter_args(%scan3A_88 = %scan3A_53) -> (i32)  : i32 {
      %dma_wait3A_89 = arith.constant 0 : i32
      %dma_wait3A_90 = tpu.memref_slice %arg6[%dma_wait3A_89] : memref<10000xi32, #tpu.memory_space<vmem>> -> memref<80xi32, #tpu.memory_space<vmem>>
      %dma_wait3A_91 = arith.constant 0 : i32
      %dma_wait3A_92 = arith.constant 0 : i32
      %dma_wait3A_93 = tpu.memref_slice %arg2[%dma_wait3A_91, %dma_wait3A_92] : memref<10000x128xf32, #tpu.memory_space<hbm>> -> memref<10000x128xf32, #tpu.memory_space<hbm>>
      tpu.wait_indirect_dma semaphore(%arg11 : memref<!tpu.dma_semaphore, #tpu.memory_space<semaphore_mem>>) src(%dma_wait3A_93 : memref<10000x128xf32, #tpu.memory_space<hbm>>) dst(%arg8 : memref<80x128xf32, #tpu.memory_space<vmem>>)
      %mul3A_94 = arith.constant 2 : i32
      %mul3A_95 = arith.muli %mul3A_94, %scan3A_87 : i32
      %dma_start3A_96 = arith.constant 0 : i32
      %dma_start3A_97 = tpu.memref_slice %arg7[%mul3A_95, %dma_start3A_96] : memref<125x80xi32, #tpu.memory_space<vmem>> -> memref<1x80xi32, #tpu.memory_space<vmem>>
      %dma_start3A_98 = tpu.memref_squeeze %dma_start3A_97 : memref<1x80xi32, #tpu.memory_space<vmem>> -> memref<80xi32, #tpu.memory_space<vmem>>
      %dma_start3A_99 = arith.constant 0 : i32
      %dma_start3A_100 = arith.constant 0 : i32
      %dma_start3A_101 = tpu.memref_slice %arg10[%dma_start3A_99, %dma_start3A_100] : memref<10000x128xf32, #tpu.memory_space<vmem_shared>> -> memref<10000x128xf32, #tpu.memory_space<vmem_shared>>
      tpu.enqueue_indirect_dma source(%arg8 : memref<80x128xf32, #tpu.memory_space<vmem>>) target(%dma_start3A_101 : memref<10000x128xf32, #tpu.memory_space<vmem_shared>>) offsets(%dma_start3A_98 : memref<80xi32, #tpu.memory_space<vmem>>) semaphore(%arg11 : memref<!tpu.dma_semaphore, #tpu.memory_space<semaphore_mem>>) {add = true}
      %mul3A_102 = arith.constant 2 : i32
      %mul3A_103 = arith.muli %mul3A_102, %scan3A_87 : i32
      %add3A_104 = arith.constant 1 : i32
      %add3A_105 = arith.addi %mul3A_103, %add3A_104 : i32
      %mul3A_106 = arith.constant 80 : i32
      %mul3A_107 = arith.muli %add3A_105, %mul3A_106 : i32
      %dma_start3A_108 = tpu.memref_slice %arg6[%mul3A_107] : memref<10000xi32, #tpu.memory_space<vmem>> -> memref<80xi32, #tpu.memory_space<vmem>>
      %dma_start3A_109 = arith.constant 0 : i32
      %dma_start3A_110 = arith.constant 0 : i32
      %dma_start3A_111 = tpu.memref_slice %arg2[%dma_start3A_109, %dma_start3A_110] : memref<10000x128xf32, #tpu.memory_space<hbm>> -> memref<10000x128xf32, #tpu.memory_space<hbm>>
      tpu.enqueue_indirect_dma source(%dma_start3A_111 : memref<10000x128xf32, #tpu.memory_space<hbm>>) target(%arg9 : memref<80x128xf32, #tpu.memory_space<vmem>>) offsets(%dma_start3A_108 : memref<80xi32, #tpu.memory_space<vmem>>) semaphore(%arg12 : memref<!tpu.dma_semaphore, #tpu.memory_space<semaphore_mem>>)
      %dma_wait3A_112 = arith.constant 0 : i32
      %dma_wait3A_113 = arith.constant 0 : i32
      %dma_wait3A_114 = tpu.memref_slice %arg7[%dma_wait3A_112, %dma_wait3A_113] : memref<125x80xi32, #tpu.memory_space<vmem>> -> memref<1x80xi32, #tpu.memory_space<vmem>>
      %dma_wait3A_115 = tpu.memref_squeeze %dma_wait3A_114 : memref<1x80xi32, #tpu.memory_space<vmem>> -> memref<80xi32, #tpu.memory_space<vmem>>
      %dma_wait3A_116 = arith.constant 0 : i32
      %dma_wait3A_117 = arith.constant 0 : i32
      %dma_wait3A_118 = tpu.memref_slice %arg10[%dma_wait3A_116, %dma_wait3A_117] : memref<10000x128xf32, #tpu.memory_space<vmem_shared>> -> memref<10000x128xf32, #tpu.memory_space<vmem_shared>>
      tpu.wait_indirect_dma semaphore(%arg11 : memref<!tpu.dma_semaphore, #tpu.memory_space<semaphore_mem>>) src(%arg8 : memref<80x128xf32, #tpu.memory_space<vmem>>) dst(%dma_wait3A_118 : memref<10000x128xf32, #tpu.memory_space<vmem_shared>>)
      %mul3A_119 = arith.constant 2 : i32
      %mul3A_120 = arith.muli %mul3A_119, %scan3A_87 : i32
      %add3A_121 = arith.constant 2 : i32
      %add3A_122 = arith.addi %mul3A_120, %add3A_121 : i32
      %mul3A_123 = arith.constant 80 : i32
      %mul3A_124 = arith.muli %add3A_122, %mul3A_123 : i32
      %dma_start3A_125 = tpu.memref_slice %arg6[%mul3A_124] : memref<10000xi32, #tpu.memory_space<vmem>> -> memref<80xi32, #tpu.memory_space<vmem>>
      %dma_start3A_126 = arith.constant 0 : i32
      %dma_start3A_127 = arith.constant 0 : i32
      %dma_start3A_128 = tpu.memref_slice %arg2[%dma_start3A_126, %dma_start3A_127] : memref<10000x128xf32, #tpu.memory_space<hbm>> -> memref<10000x128xf32, #tpu.memory_space<hbm>>
      tpu.enqueue_indirect_dma source(%dma_start3A_128 : memref<10000x128xf32, #tpu.memory_space<hbm>>) target(%arg8 : memref<80x128xf32, #tpu.memory_space<vmem>>) offsets(%dma_start3A_125 : memref<80xi32, #tpu.memory_space<vmem>>) semaphore(%arg11 : memref<!tpu.dma_semaphore, #tpu.memory_space<semaphore_mem>>)
      %dma_wait3A_129 = arith.constant 0 : i32
      %dma_wait3A_130 = tpu.memref_slice %arg6[%dma_wait3A_129] : memref<10000xi32, #tpu.memory_space<vmem>> -> memref<80xi32, #tpu.memory_space<vmem>>
      %dma_wait3A_131 = arith.constant 0 : i32
      %dma_wait3A_132 = arith.constant 0 : i32
      %dma_wait3A_133 = tpu.memref_slice %arg2[%dma_wait3A_131, %dma_wait3A_132] : memref<10000x128xf32, #tpu.memory_space<hbm>> -> memref<10000x128xf32, #tpu.memory_space<hbm>>
      tpu.wait_indirect_dma semaphore(%arg12 : memref<!tpu.dma_semaphore, #tpu.memory_space<semaphore_mem>>) src(%dma_wait3A_133 : memref<10000x128xf32, #tpu.memory_space<hbm>>) dst(%arg9 : memref<80x128xf32, #tpu.memory_space<vmem>>)
      %mul3A_134 = arith.constant 2 : i32
      %mul3A_135 = arith.muli %mul3A_134, %scan3A_87 : i32
      %add3A_136 = arith.constant 1 : i32
      %add3A_137 = arith.addi %mul3A_135, %add3A_136 : i32
      %dma_start3A_138 = arith.constant 0 : i32
      %dma_start3A_139 = tpu.memref_slice %arg7[%add3A_137, %dma_start3A_138] : memref<125x80xi32, #tpu.memory_space<vmem>> -> memref<1x80xi32, #tpu.memory_space<vmem>>
      %dma_start3A_140 = tpu.memref_squeeze %dma_start3A_139 : memref<1x80xi32, #tpu.memory_space<vmem>> -> memref<80xi32, #tpu.memory_space<vmem>>
      %dma_start3A_141 = arith.constant 0 : i32
      %dma_start3A_142 = arith.constant 0 : i32
      %dma_start3A_143 = tpu.memref_slice %arg10[%dma_start3A_141, %dma_start3A_142] : memref<10000x128xf32, #tpu.memory_space<vmem_shared>> -> memref<10000x128xf32, #tpu.memory_space<vmem_shared>>
      tpu.enqueue_indirect_dma source(%arg9 : memref<80x128xf32, #tpu.memory_space<vmem>>) target(%dma_start3A_143 : memref<10000x128xf32, #tpu.memory_space<vmem_shared>>) offsets(%dma_start3A_140 : memref<80xi32, #tpu.memory_space<vmem>>) semaphore(%arg12 : memref<!tpu.dma_semaphore, #tpu.memory_space<semaphore_mem>>) {add = true}
      %dma_wait3A_144 = arith.constant 0 : i32
      %dma_wait3A_145 = arith.constant 0 : i32
      %dma_wait3A_146 = tpu.memref_slice %arg7[%dma_wait3A_144, %dma_wait3A_145] : memref<125x80xi32, #tpu.memory_space<vmem>> -> memref<1x80xi32, #tpu.memory_space<vmem>>
      %dma_wait3A_147 = tpu.memref_squeeze %dma_wait3A_146 : memref<1x80xi32, #tpu.memory_space<vmem>> -> memref<80xi32, #tpu.memory_space<vmem>>
      %dma_wait3A_148 = arith.constant 0 : i32
      %dma_wait3A_149 = arith.constant 0 : i32
      %dma_wait3A_150 = tpu.memref_slice %arg10[%dma_wait3A_148, %dma_wait3A_149] : memref<10000x128xf32, #tpu.memory_space<vmem_shared>> -> memref<10000x128xf32, #tpu.memory_space<vmem_shared>>
      tpu.wait_indirect_dma semaphore(%arg12 : memref<!tpu.dma_semaphore, #tpu.memory_space<semaphore_mem>>) src(%arg9 : memref<80x128xf32, #tpu.memory_space<vmem>>) dst(%dma_wait3A_150 : memref<10000x128xf32, #tpu.memory_space<vmem_shared>>)
      %scan3A_151 = arith.constant 0 : i32
      scf.yield %scan3A_151 : i32
    }
    %scan3A_59 = arith.constant 62 : i32
    %dma_wait3A_60 = arith.constant 0 : i32
    %dma_wait3A_61 = tpu.memref_slice %arg6[%dma_wait3A_60] : memref<10000xi32, #tpu.memory_space<vmem>> -> memref<80xi32, #tpu.memory_space<vmem>>
    %dma_wait3A_62 = arith.constant 0 : i32
    %dma_wait3A_63 = arith.constant 0 : i32
    %dma_wait3A_64 = tpu.memref_slice %arg2[%dma_wait3A_62, %dma_wait3A_63] : memref<10000x128xf32, #tpu.memory_space<hbm>> -> memref<10000x128xf32, #tpu.memory_space<hbm>>
    tpu.wait_indirect_dma semaphore(%arg11 : memref<!tpu.dma_semaphore, #tpu.memory_space<semaphore_mem>>) src(%dma_wait3A_64 : memref<10000x128xf32, #tpu.memory_space<hbm>>) dst(%arg8 : memref<80x128xf32, #tpu.memory_space<vmem>>)
    %dma_start3A_65 = arith.constant 124 : i32
    %dma_start3A_66 = arith.constant 0 : i32
    %dma_start3A_67 = tpu.memref_slice %arg7[%dma_start3A_65, %dma_start3A_66] : memref<125x80xi32, #tpu.memory_space<vmem>> -> memref<1x80xi32, #tpu.memory_space<vmem>>
    %dma_start3A_68 = tpu.memref_squeeze %dma_start3A_67 : memref<1x80xi32, #tpu.memory_space<vmem>> -> memref<80xi32, #tpu.memory_space<vmem>>
    %dma_start3A_69 = arith.constant 0 : i32
    %dma_start3A_70 = arith.constant 0 : i32
    %dma_start3A_71 = tpu.memref_slice %arg10[%dma_start3A_69, %dma_start3A_70] : memref<10000x128xf32, #tpu.memory_space<vmem_shared>> -> memref<10000x128xf32, #tpu.memory_space<vmem_shared>>
    tpu.enqueue_indirect_dma source(%arg8 : memref<80x128xf32, #tpu.memory_space<vmem>>) target(%dma_start3A_71 : memref<10000x128xf32, #tpu.memory_space<vmem_shared>>) offsets(%dma_start3A_68 : memref<80xi32, #tpu.memory_space<vmem>>) semaphore(%arg11 : memref<!tpu.dma_semaphore, #tpu.memory_space<semaphore_mem>>) {add = true}
    %dma_wait3A_72 = arith.constant 0 : i32
    %dma_wait3A_73 = arith.constant 0 : i32
    %dma_wait3A_74 = tpu.memref_slice %arg7[%dma_wait3A_72, %dma_wait3A_73] : memref<125x80xi32, #tpu.memory_space<vmem>> -> memref<1x80xi32, #tpu.memory_space<vmem>>
    %dma_wait3A_75 = tpu.memref_squeeze %dma_wait3A_74 : memref<1x80xi32, #tpu.memory_space<vmem>> -> memref<80xi32, #tpu.memory_space<vmem>>
    %dma_wait3A_76 = arith.constant 0 : i32
    %dma_wait3A_77 = arith.constant 0 : i32
    %dma_wait3A_78 = tpu.memref_slice %arg10[%dma_wait3A_76, %dma_wait3A_77] : memref<10000x128xf32, #tpu.memory_space<vmem_shared>> -> memref<10000x128xf32, #tpu.memory_space<vmem_shared>>
    tpu.wait_indirect_dma semaphore(%arg11 : memref<!tpu.dma_semaphore, #tpu.memory_space<semaphore_mem>>) src(%arg8 : memref<80x128xf32, #tpu.memory_space<vmem>>) dst(%dma_wait3A_78 : memref<10000x128xf32, #tpu.memory_space<vmem_shared>>)
    %barrier3A_79 = arith.constant 0 : index
    tpu.barrier barrier_id(%barrier3A_79)
    %mul3A_80 = arith.constant 624 : i32
    %mul3A_81 = arith.muli %arg1, %mul3A_80 : i32
    "tpu.region"() ({
      %run_scoped3A = tpu.sem_alloc : memref<!tpu.dma_semaphore, #tpu.memory_space<semaphore_mem>>
      %dma_start3A_87 = arith.constant 0 : i32
      %dma_start3A_88 = tpu.memref_slice %arg5[%arg0, %mul3A_81, %dma_start3A_87] : memref<2x10000x128xf32, #tpu.memory_space<hbm>> -> memref<1x624x128xf32, #tpu.memory_space<hbm>>
      %dma_start3A_89 = tpu.memref_squeeze %dma_start3A_88 : memref<1x624x128xf32, #tpu.memory_space<hbm>> -> memref<624x128xf32, #tpu.memory_space<hbm>>
      %dma_start3A_90 = arith.constant 0 : i32
      %dma_start3A_91 = tpu.memref_slice %arg10[%mul3A_81, %dma_start3A_90] : memref<10000x128xf32, #tpu.memory_space<vmem_shared>> -> memref<624x128xf32, #tpu.memory_space<vmem_shared>>
      tpu.enqueue_dma source(%dma_start3A_91 : memref<624x128xf32, #tpu.memory_space<vmem_shared>>) target(%dma_start3A_89 : memref<624x128xf32, #tpu.memory_space<hbm>>) target_semaphore(%run_scoped3A : memref<!tpu.dma_semaphore, #tpu.memory_space<semaphore_mem>>)
      %dma_wait3A_92 = arith.constant 0 : i32
      %dma_wait3A_93 = tpu.memref_slice %arg5[%arg0, %mul3A_81, %dma_wait3A_92] : memref<2x10000x128xf32, #tpu.memory_space<hbm>> -> memref<1x624x128xf32, #tpu.memory_space<hbm>>
      %dma_wait3A_94 = tpu.memref_squeeze %dma_wait3A_93 : memref<1x624x128xf32, #tpu.memory_space<hbm>> -> memref<624x128xf32, #tpu.memory_space<hbm>>
      %dma_wait3A_95 = arith.constant 0 : i32
      %dma_wait3A_96 = tpu.memref_slice %arg10[%mul3A_81, %dma_wait3A_95] : memref<10000x128xf32, #tpu.memory_space<vmem_shared>> -> memref<624x128xf32, #tpu.memory_space<vmem_shared>>
      tpu.wait_dma2 semaphore(%run_scoped3A : memref<!tpu.dma_semaphore, #tpu.memory_space<semaphore_mem>>) src(%dma_wait3A_96 : memref<624x128xf32, #tpu.memory_space<vmem_shared>>) dst(%dma_wait3A_94 : memref<624x128xf32, #tpu.memory_space<hbm>>)
      tpu.yield
    }) : () -> ()
    %eq3A_82 = arith.constant 15 : i32
    %eq3A_83 = arith.cmpi eq, %arg1, %eq3A_82 : i32
    %convert_element_type3A_84 = arith.extui %eq3A_83 : i1 to i32
    %cond3A_85 = arith.constant 0 : i32
    %cond3A_86 = arith.cmpi ne, %convert_element_type3A_84, %cond3A_85 : i32
    scf.if %cond3A_86 {
      "tpu.region"() ({
        %run_scoped3A = tpu.sem_alloc : memref<!tpu.dma_semaphore, #tpu.memory_space<semaphore_mem>>
        %dma_start3A_87 = arith.constant 9984 : i32
        %dma_start3A_88 = arith.constant 0 : i32
        %dma_start3A_89 = tpu.memref_slice %arg5[%arg0, %dma_start3A_87, %dma_start3A_88] : memref<2x10000x128xf32, #tpu.memory_space<hbm>> -> memref<1x16x128xf32, #tpu.memory_space<hbm>>
        %dma_start3A_90 = tpu.memref_squeeze %dma_start3A_89 : memref<1x16x128xf32, #tpu.memory_space<hbm>> -> memref<16x128xf32, #tpu.memory_space<hbm>>
        %dma_start3A_91 = arith.constant 9984 : i32
        %dma_start3A_92 = arith.constant 0 : i32
        %dma_start3A_93 = tpu.memref_slice %arg10[%dma_start3A_91, %dma_start3A_92] : memref<10000x128xf32, #tpu.memory_space<vmem_shared>> -> memref<16x128xf32, #tpu.memory_space<vmem_shared>>
        tpu.enqueue_dma source(%dma_start3A_93 : memref<16x128xf32, #tpu.memory_space<vmem_shared>>) target(%dma_start3A_90 : memref<16x128xf32, #tpu.memory_space<hbm>>) target_semaphore(%run_scoped3A : memref<!tpu.dma_semaphore, #tpu.memory_space<semaphore_mem>>)
        %dma_wait3A_94 = arith.constant 9984 : i32
        %dma_wait3A_95 = arith.constant 0 : i32
        %dma_wait3A_96 = tpu.memref_slice %arg5[%arg0, %dma_wait3A_94, %dma_wait3A_95] : memref<2x10000x128xf32, #tpu.memory_space<hbm>> -> memref<1x16x128xf32, #tpu.memory_space<hbm>>
        %dma_wait3A_97 = tpu.memref_squeeze %dma_wait3A_96 : memref<1x16x128xf32, #tpu.memory_space<hbm>> -> memref<16x128xf32, #tpu.memory_space<hbm>>
        %dma_wait3A_98 = arith.constant 9984 : i32
        %dma_wait3A_99 = arith.constant 0 : i32
        %dma_wait3A_100 = tpu.memref_slice %arg10[%dma_wait3A_98, %dma_wait3A_99] : memref<10000x128xf32, #tpu.memory_space<vmem_shared>> -> memref<16x128xf32, #tpu.memory_space<vmem_shared>>
        tpu.wait_dma2 semaphore(%run_scoped3A : memref<!tpu.dma_semaphore, #tpu.memory_space<semaphore_mem>>) src(%dma_wait3A_100 : memref<16x128xf32, #tpu.memory_space<vmem_shared>>) dst(%dma_wait3A_97 : memref<16x128xf32, #tpu.memory_space<hbm>>)
        tpu.yield
      }) : () -> ()
    } else {
    }
    return
  }
}

#map = affine_map<(d0, d1) -> (0, 0)>
#map1 = affine_map<(d0, d1) -> (0)>
#map2 = affine_map<(d0, d1) -> (0, 0, 0)>
module attributes {stable_mosaic.version = 14 : i64} {
  func.func @_agg_body(%arg0: i32, %arg1: i32, %arg2: memref<10000x128xf32, #tpu.memory_space<hbm>>, %arg3: memref<320000xi32, #tpu.memory_space<hbm>>, %arg4: memref<32x125x80xi32, #tpu.memory_space<hbm>>, %arg5: memref<2x10000x128xf32, #tpu.memory_space<hbm>>, %arg6: memref<10000xi32, #tpu.memory_space<vmem>>, %arg7: memref<125x80xi32, #tpu.memory_space<vmem>>, %arg8: memref<80x128xf32, #tpu.memory_space<vmem>>, %arg9: memref<80x128xf32, #tpu.memory_space<vmem>>, %arg10: memref<10000x128xf32, #tpu.memory_space<vmem_shared>>, %arg11: memref<!tpu.dma_semaphore, #tpu.memory_space<semaphore_mem>>, %arg12: memref<!tpu.dma_semaphore, #tpu.memory_space<semaphore_mem>>, %arg13: memref<!tpu.dma_semaphore, #tpu.memory_space<semaphore_mem>>) attributes {dimension_semantics = [#tpu.dimension_semantics<core_parallel>, #tpu.dimension_semantics<subcore_parallel>], iteration_bounds = array<i64: 2, 16>, scalar_prefetch = 0 : i64, scratch_operands = 8 : i64, tpu.core_type = #tpu.core_type<sc_vector_subcore>, window_params = [{transform_indices = #map}, {transform_indices = #map1}, {transform_indices = #map2}, {transform_indices = #map2}]} {
    %mul3A = arith.constant 16 : i32
    %mul3A_0 = arith.muli %arg0, %mul3A : i32
    %add3A = arith.addi %mul3A_0, %arg1 : i32
    %mul3A_1 = arith.constant 10000 : i32
    %mul3A_2 = arith.muli %add3A, %mul3A_1 : i32
    %dma_start3A = tpu.memref_slice %arg3[%mul3A_2] : memref<320000xi32, #tpu.memory_space<hbm>> -> memref<10000xi32, #tpu.memory_space<hbm>>
    %dma_start3A_3 = tpu.memref_slice %arg3[%mul3A_2] : memref<320000xi32, #tpu.memory_space<hbm>> -> memref<10000xi32, #tpu.memory_space<hbm>>
    tpu.enqueue_dma source(%dma_start3A_3 : memref<10000xi32, #tpu.memory_space<hbm>>) target(%arg6 : memref<10000xi32, #tpu.memory_space<vmem>>) target_semaphore(%arg13 : memref<!tpu.dma_semaphore, #tpu.memory_space<semaphore_mem>>)
    %dma_start3A_4 = arith.constant 0 : i32
    %dma_start3A_5 = arith.constant 0 : i32
    %dma_start3A_6 = tpu.memref_slice %arg4[%add3A, %dma_start3A_4, %dma_start3A_5] : memref<32x125x80xi32, #tpu.memory_space<hbm>> -> memref<1x125x80xi32, #tpu.memory_space<hbm>>
    %dma_start3A_7 = tpu.memref_squeeze %dma_start3A_6 : memref<1x125x80xi32, #tpu.memory_space<hbm>> -> memref<125x80xi32, #tpu.memory_space<hbm>>
    %dma_start3A_8 = arith.constant 0 : i32
    %dma_start3A_9 = arith.constant 0 : i32
    %dma_start3A_10 = tpu.memref_slice %arg4[%add3A, %dma_start3A_8, %dma_start3A_9] : memref<32x125x80xi32, #tpu.memory_space<hbm>> -> memref<1x125x80xi32, #tpu.memory_space<hbm>>
    %dma_start3A_11 = tpu.memref_squeeze %dma_start3A_10 : memref<1x125x80xi32, #tpu.memory_space<hbm>> -> memref<125x80xi32, #tpu.memory_space<hbm>>
    tpu.enqueue_dma source(%dma_start3A_11 : memref<125x80xi32, #tpu.memory_space<hbm>>) target(%arg7 : memref<125x80xi32, #tpu.memory_space<vmem>>) target_semaphore(%arg13 : memref<!tpu.dma_semaphore, #tpu.memory_space<semaphore_mem>>)
    %scan3A = arith.constant 0 : i32
    %scan3A_12 = arith.constant 0 : i32
    %scan3A_13 = arith.constant 80 : i32
    %scan3A_14 = arith.addi %scan3A_12, %scan3A_13 : i32
    %scan3A_15 = arith.constant 1 : i32
    %scan3A_16 = scf.for %scan3A_87 = %scan3A_12 to %scan3A_14 step %scan3A_15 iter_args(%scan3A_88 = %scan3A) -> (i32)  : i32 {
      %scan3A_89 = arith.constant 0 : i32
      %scan3A_90 = arith.constant 0 : i32
      %scan3A_91 = arith.constant 8 : i32
      %scan3A_92 = arith.addi %scan3A_90, %scan3A_91 : i32
      %scan3A_93 = arith.constant 1 : i32
      %scan3A_94 = scf.for %scan3A_96 = %scan3A_90 to %scan3A_92 step %scan3A_93 iter_args(%scan3A_97 = %scan3A_89) -> (i32)  : i32 {
        %broadcast_in_dim3A = arith.constant 0.000000e+00 : f32
        %broadcast_in_dim3A_98 = vector.broadcast %broadcast_in_dim3A : f32 to vector<16xf32>
        %mul3A_99 = arith.constant 16 : i32
        %mul3A_100 = arith.muli %scan3A_96, %mul3A_99 : i32
        %swap3A = arith.index_cast %scan3A_87 : i32 to index
        %swap3A_101 = arith.index_cast %mul3A_100 : i32 to index
        %swap3A_102 = tpu.vector_load %arg8[%swap3A, %swap3A_101] {strides = array<i32>} : memref<80x128xf32, #tpu.memory_space<vmem>>, vector<1x16xf32>,
        %swap3A_103 = vector.shape_cast %swap3A_102 : vector<1x16xf32> to vector<16xf32>
        %swap3A_104 = vector.shape_cast %broadcast_in_dim3A_98 : vector<16xf32> to vector<1x16xf32>
        tpu.vector_store %arg8[%swap3A, %swap3A_101], %swap3A_104 {strides = array<i32>} : memref<80x128xf32, #tpu.memory_space<vmem>>, vector<1x16xf32>,
        %scan3A_105 = arith.constant 0 : i32
        scf.yield %scan3A_105 : i32
      }
      %scan3A_95 = arith.constant 8 : i32
      scf.yield %scan3A_94 : i32
    }
    %scan3A_17 = arith.constant 80 : i32
    %mul3A_18 = arith.constant 624 : i32
    %mul3A_19 = arith.muli %arg1, %mul3A_18 : i32
    %add3A_20 = arith.constant 0 : i32
    %add3A_21 = arith.addi %mul3A_19, %add3A_20 : i32
    "tpu.region"() ({
      %run_scoped3A = tpu.sem_alloc : memref<!tpu.dma_semaphore, #tpu.memory_space<semaphore_mem>>
      %dma_start3A_87 = arith.constant 0 : i32
      %dma_start3A_88 = tpu.memref_slice %arg10[%add3A_21, %dma_start3A_87] : memref<10000x128xf32, #tpu.memory_space<vmem_shared>> -> memref<80x128xf32, #tpu.memory_space<vmem_shared>>
      %dma_start3A_89 = arith.constant 0 : i32
      %dma_start3A_90 = tpu.memref_slice %arg10[%add3A_21, %dma_start3A_89] : memref<10000x128xf32, #tpu.memory_space<vmem_shared>> -> memref<80x128xf32, #tpu.memory_space<vmem_shared>>
      tpu.enqueue_dma source(%arg8 : memref<80x128xf32, #tpu.memory_space<vmem>>) target(%dma_start3A_90 : memref<80x128xf32, #tpu.memory_space<vmem_shared>>) target_semaphore(%run_scoped3A : memref<!tpu.dma_semaphore, #tpu.memory_space<semaphore_mem>>)
      %dma_wait3A_91 = arith.constant 0 : i32
      %dma_wait3A_92 = tpu.memref_slice %arg10[%add3A_21, %dma_wait3A_91] : memref<10000x128xf32, #tpu.memory_space<vmem_shared>> -> memref<80x128xf32, #tpu.memory_space<vmem_shared>>
      %dma_wait3A_93 = arith.constant 0 : i32
      %dma_wait3A_94 = tpu.memref_slice %arg10[%add3A_21, %dma_wait3A_93] : memref<10000x128xf32, #tpu.memory_space<vmem_shared>> -> memref<80x128xf32, #tpu.memory_space<vmem_shared>>
      tpu.wait_dma2 semaphore(%run_scoped3A : memref<!tpu.dma_semaphore, #tpu.memory_space<semaphore_mem>>) src(%arg8 : memref<80x128xf32, #tpu.memory_space<vmem>>) dst(%dma_wait3A_94 : memref<80x128xf32, #tpu.memory_space<vmem_shared>>)
      tpu.yield
    }) : () -> ()
    %add3A_22 = arith.constant 80 : i32
    %add3A_23 = arith.addi %mul3A_19, %add3A_22 : i32
    "tpu.region"() ({
      %run_scoped3A = tpu.sem_alloc : memref<!tpu.dma_semaphore, #tpu.memory_space<semaphore_mem>>
      %dma_start3A_87 = arith.constant 0 : i32
      %dma_start3A_88 = tpu.memref_slice %arg10[%add3A_23, %dma_start3A_87] : memref<10000x128xf32, #tpu.memory_space<vmem_shared>> -> memref<80x128xf32, #tpu.memory_space<vmem_shared>>
      %dma_start3A_89 = arith.constant 0 : i32
      %dma_start3A_90 = tpu.memref_slice %arg10[%add3A_23, %dma_start3A_89] : memref<10000x128xf32, #tpu.memory_space<vmem_shared>> -> memref<80x128xf32, #tpu.memory_space<vmem_shared>>
      tpu.enqueue_dma source(%arg8 : memref<80x128xf32, #tpu.memory_space<vmem>>) target(%dma_start3A_90 : memref<80x128xf32, #tpu.memory_space<vmem_shared>>) target_semaphore(%run_scoped3A : memref<!tpu.dma_semaphore, #tpu.memory_space<semaphore_mem>>)
      %dma_wait3A_91 = arith.constant 0 : i32
      %dma_wait3A_92 = tpu.memref_slice %arg10[%add3A_23, %dma_wait3A_91] : memref<10000x128xf32, #tpu.memory_space<vmem_shared>> -> memref<80x128xf32, #tpu.memory_space<vmem_shared>>
      %dma_wait3A_93 = arith.constant 0 : i32
      %dma_wait3A_94 = tpu.memref_slice %arg10[%add3A_23, %dma_wait3A_93] : memref<10000x128xf32, #tpu.memory_space<vmem_shared>> -> memref<80x128xf32, #tpu.memory_space<vmem_shared>>
      tpu.wait_dma2 semaphore(%run_scoped3A : memref<!tpu.dma_semaphore, #tpu.memory_space<semaphore_mem>>) src(%arg8 : memref<80x128xf32, #tpu.memory_space<vmem>>) dst(%dma_wait3A_94 : memref<80x128xf32, #tpu.memory_space<vmem_shared>>)
      tpu.yield
    }) : () -> ()
    %add3A_24 = arith.constant 160 : i32
    %add3A_25 = arith.addi %mul3A_19, %add3A_24 : i32
    "tpu.region"() ({
      %run_scoped3A = tpu.sem_alloc : memref<!tpu.dma_semaphore, #tpu.memory_space<semaphore_mem>>
      %dma_start3A_87 = arith.constant 0 : i32
      %dma_start3A_88 = tpu.memref_slice %arg10[%add3A_25, %dma_start3A_87] : memref<10000x128xf32, #tpu.memory_space<vmem_shared>> -> memref<80x128xf32, #tpu.memory_space<vmem_shared>>
      %dma_start3A_89 = arith.constant 0 : i32
      %dma_start3A_90 = tpu.memref_slice %arg10[%add3A_25, %dma_start3A_89] : memref<10000x128xf32, #tpu.memory_space<vmem_shared>> -> memref<80x128xf32, #tpu.memory_space<vmem_shared>>
      tpu.enqueue_dma source(%arg8 : memref<80x128xf32, #tpu.memory_space<vmem>>) target(%dma_start3A_90 : memref<80x128xf32, #tpu.memory_space<vmem_shared>>) target_semaphore(%run_scoped3A : memref<!tpu.dma_semaphore, #tpu.memory_space<semaphore_mem>>)
      %dma_wait3A_91 = arith.constant 0 : i32
      %dma_wait3A_92 = tpu.memref_slice %arg10[%add3A_25, %dma_wait3A_91] : memref<10000x128xf32, #tpu.memory_space<vmem_shared>> -> memref<80x128xf32, #tpu.memory_space<vmem_shared>>
      %dma_wait3A_93 = arith.constant 0 : i32
      %dma_wait3A_94 = tpu.memref_slice %arg10[%add3A_25, %dma_wait3A_93] : memref<10000x128xf32, #tpu.memory_space<vmem_shared>> -> memref<80x128xf32, #tpu.memory_space<vmem_shared>>
      tpu.wait_dma2 semaphore(%run_scoped3A : memref<!tpu.dma_semaphore, #tpu.memory_space<semaphore_mem>>) src(%arg8 : memref<80x128xf32, #tpu.memory_space<vmem>>) dst(%dma_wait3A_94 : memref<80x128xf32, #tpu.memory_space<vmem_shared>>)
      tpu.yield
    }) : () -> ()
    %add3A_26 = arith.constant 240 : i32
    %add3A_27 = arith.addi %mul3A_19, %add3A_26 : i32
    "tpu.region"() ({
      %run_scoped3A = tpu.sem_alloc : memref<!tpu.dma_semaphore, #tpu.memory_space<semaphore_mem>>
      %dma_start3A_87 = arith.constant 0 : i32
      %dma_start3A_88 = tpu.memref_slice %arg10[%add3A_27, %dma_start3A_87] : memref<10000x128xf32, #tpu.memory_space<vmem_shared>> -> memref<80x128xf32, #tpu.memory_space<vmem_shared>>
      %dma_start3A_89 = arith.constant 0 : i32
      %dma_start3A_90 = tpu.memref_slice %arg10[%add3A_27, %dma_start3A_89] : memref<10000x128xf32, #tpu.memory_space<vmem_shared>> -> memref<80x128xf32, #tpu.memory_space<vmem_shared>>
      tpu.enqueue_dma source(%arg8 : memref<80x128xf32, #tpu.memory_space<vmem>>) target(%dma_start3A_90 : memref<80x128xf32, #tpu.memory_space<vmem_shared>>) target_semaphore(%run_scoped3A : memref<!tpu.dma_semaphore, #tpu.memory_space<semaphore_mem>>)
      %dma_wait3A_91 = arith.constant 0 : i32
      %dma_wait3A_92 = tpu.memref_slice %arg10[%add3A_27, %dma_wait3A_91] : memref<10000x128xf32, #tpu.memory_space<vmem_shared>> -> memref<80x128xf32, #tpu.memory_space<vmem_shared>>
      %dma_wait3A_93 = arith.constant 0 : i32
      %dma_wait3A_94 = tpu.memref_slice %arg10[%add3A_27, %dma_wait3A_93] : memref<10000x128xf32, #tpu.memory_space<vmem_shared>> -> memref<80x128xf32, #tpu.memory_space<vmem_shared>>
      tpu.wait_dma2 semaphore(%run_scoped3A : memref<!tpu.dma_semaphore, #tpu.memory_space<semaphore_mem>>) src(%arg8 : memref<80x128xf32, #tpu.memory_space<vmem>>) dst(%dma_wait3A_94 : memref<80x128xf32, #tpu.memory_space<vmem_shared>>)
      tpu.yield
    }) : () -> ()
    %add3A_28 = arith.constant 320 : i32
    %add3A_29 = arith.addi %mul3A_19, %add3A_28 : i32
    "tpu.region"() ({
      %run_scoped3A = tpu.sem_alloc : memref<!tpu.dma_semaphore, #tpu.memory_space<semaphore_mem>>
      %dma_start3A_87 = arith.constant 0 : i32
      %dma_start3A_88 = tpu.memref_slice %arg10[%add3A_29, %dma_start3A_87] : memref<10000x128xf32, #tpu.memory_space<vmem_shared>> -> memref<80x128xf32, #tpu.memory_space<vmem_shared>>
      %dma_start3A_89 = arith.constant 0 : i32
      %dma_start3A_90 = tpu.memref_slice %arg10[%add3A_29, %dma_start3A_89] : memref<10000x128xf32, #tpu.memory_space<vmem_shared>> -> memref<80x128xf32, #tpu.memory_space<vmem_shared>>
      tpu.enqueue_dma source(%arg8 : memref<80x128xf32, #tpu.memory_space<vmem>>) target(%dma_start3A_90 : memref<80x128xf32, #tpu.memory_space<vmem_shared>>) target_semaphore(%run_scoped3A : memref<!tpu.dma_semaphore, #tpu.memory_space<semaphore_mem>>)
      %dma_wait3A_91 = arith.constant 0 : i32
      %dma_wait3A_92 = tpu.memref_slice %arg10[%add3A_29, %dma_wait3A_91] : memref<10000x128xf32, #tpu.memory_space<vmem_shared>> -> memref<80x128xf32, #tpu.memory_space<vmem_shared>>
      %dma_wait3A_93 = arith.constant 0 : i32
      %dma_wait3A_94 = tpu.memref_slice %arg10[%add3A_29, %dma_wait3A_93] : memref<10000x128xf32, #tpu.memory_space<vmem_shared>> -> memref<80x128xf32, #tpu.memory_space<vmem_shared>>
      tpu.wait_dma2 semaphore(%run_scoped3A : memref<!tpu.dma_semaphore, #tpu.memory_space<semaphore_mem>>) src(%arg8 : memref<80x128xf32, #tpu.memory_space<vmem>>) dst(%dma_wait3A_94 : memref<80x128xf32, #tpu.memory_space<vmem_shared>>)
      tpu.yield
    }) : () -> ()
    %add3A_30 = arith.constant 400 : i32
    %add3A_31 = arith.addi %mul3A_19, %add3A_30 : i32
    "tpu.region"() ({
      %run_scoped3A = tpu.sem_alloc : memref<!tpu.dma_semaphore, #tpu.memory_space<semaphore_mem>>
      %dma_start3A_87 = arith.constant 0 : i32
      %dma_start3A_88 = tpu.memref_slice %arg10[%add3A_31, %dma_start3A_87] : memref<10000x128xf32, #tpu.memory_space<vmem_shared>> -> memref<80x128xf32, #tpu.memory_space<vmem_shared>>
      %dma_start3A_89 = arith.constant 0 : i32
      %dma_start3A_90 = tpu.memref_slice %arg10[%add3A_31, %dma_start3A_89] : memref<10000x128xf32, #tpu.memory_space<vmem_shared>> -> memref<80x128xf32, #tpu.memory_space<vmem_shared>>
      tpu.enqueue_dma source(%arg8 : memref<80x128xf32, #tpu.memory_space<vmem>>) target(%dma_start3A_90 : memref<80x128xf32, #tpu.memory_space<vmem_shared>>) target_semaphore(%run_scoped3A : memref<!tpu.dma_semaphore, #tpu.memory_space<semaphore_mem>>)
      %dma_wait3A_91 = arith.constant 0 : i32
      %dma_wait3A_92 = tpu.memref_slice %arg10[%add3A_31, %dma_wait3A_91] : memref<10000x128xf32, #tpu.memory_space<vmem_shared>> -> memref<80x128xf32, #tpu.memory_space<vmem_shared>>
      %dma_wait3A_93 = arith.constant 0 : i32
      %dma_wait3A_94 = tpu.memref_slice %arg10[%add3A_31, %dma_wait3A_93] : memref<10000x128xf32, #tpu.memory_space<vmem_shared>> -> memref<80x128xf32, #tpu.memory_space<vmem_shared>>
      tpu.wait_dma2 semaphore(%run_scoped3A : memref<!tpu.dma_semaphore, #tpu.memory_space<semaphore_mem>>) src(%arg8 : memref<80x128xf32, #tpu.memory_space<vmem>>) dst(%dma_wait3A_94 : memref<80x128xf32, #tpu.memory_space<vmem_shared>>)
      tpu.yield
    }) : () -> ()
    %add3A_32 = arith.constant 480 : i32
    %add3A_33 = arith.addi %mul3A_19, %add3A_32 : i32
    "tpu.region"() ({
      %run_scoped3A = tpu.sem_alloc : memref<!tpu.dma_semaphore, #tpu.memory_space<semaphore_mem>>
      %dma_start3A_87 = arith.constant 0 : i32
      %dma_start3A_88 = tpu.memref_slice %arg10[%add3A_33, %dma_start3A_87] : memref<10000x128xf32, #tpu.memory_space<vmem_shared>> -> memref<80x128xf32, #tpu.memory_space<vmem_shared>>
      %dma_start3A_89 = arith.constant 0 : i32
      %dma_start3A_90 = tpu.memref_slice %arg10[%add3A_33, %dma_start3A_89] : memref<10000x128xf32, #tpu.memory_space<vmem_shared>> -> memref<80x128xf32, #tpu.memory_space<vmem_shared>>
      tpu.enqueue_dma source(%arg8 : memref<80x128xf32, #tpu.memory_space<vmem>>) target(%dma_start3A_90 : memref<80x128xf32, #tpu.memory_space<vmem_shared>>) target_semaphore(%run_scoped3A : memref<!tpu.dma_semaphore, #tpu.memory_space<semaphore_mem>>)
      %dma_wait3A_91 = arith.constant 0 : i32
      %dma_wait3A_92 = tpu.memref_slice %arg10[%add3A_33, %dma_wait3A_91] : memref<10000x128xf32, #tpu.memory_space<vmem_shared>> -> memref<80x128xf32, #tpu.memory_space<vmem_shared>>
      %dma_wait3A_93 = arith.constant 0 : i32
      %dma_wait3A_94 = tpu.memref_slice %arg10[%add3A_33, %dma_wait3A_93] : memref<10000x128xf32, #tpu.memory_space<vmem_shared>> -> memref<80x128xf32, #tpu.memory_space<vmem_shared>>
      tpu.wait_dma2 semaphore(%run_scoped3A : memref<!tpu.dma_semaphore, #tpu.memory_space<semaphore_mem>>) src(%arg8 : memref<80x128xf32, #tpu.memory_space<vmem>>) dst(%dma_wait3A_94 : memref<80x128xf32, #tpu.memory_space<vmem_shared>>)
      tpu.yield
    }) : () -> ()
    %add3A_34 = arith.constant 624 : i32
    %add3A_35 = arith.addi %mul3A_19, %add3A_34 : i32
    %sub3A = arith.constant 64 : i32
    %sub3A_36 = arith.subi %add3A_35, %sub3A : i32
    "tpu.region"() ({
      %run_scoped3A = tpu.sem_alloc : memref<!tpu.dma_semaphore, #tpu.memory_space<semaphore_mem>>
      %dma_start3A_87 = arith.constant 0 : i32
      %dma_start3A_88 = arith.constant 0 : i32
      %dma_start3A_89 = tpu.memref_slice %arg8[%dma_start3A_87, %dma_start3A_88] : memref<80x128xf32, #tpu.memory_space<vmem>> -> memref<64x128xf32, #tpu.memory_space<vmem>>
      %dma_start3A_90 = arith.constant 0 : i32
      %dma_start3A_91 = tpu.memref_slice %arg10[%sub3A_36, %dma_start3A_90] : memref<10000x128xf32, #tpu.memory_space<vmem_shared>> -> memref<64x128xf32, #tpu.memory_space<vmem_shared>>
      %dma_start3A_92 = arith.constant 0 : i32
      %dma_start3A_93 = tpu.memref_slice %arg10[%sub3A_36, %dma_start3A_92] : memref<10000x128xf32, #tpu.memory_space<vmem_shared>> -> memref<64x128xf32, #tpu.memory_space<vmem_shared>>
      %dma_start3A_94 = arith.constant 0 : i32
      %dma_start3A_95 = arith.constant 0 : i32
      %dma_start3A_96 = tpu.memref_slice %arg8[%dma_start3A_94, %dma_start3A_95] : memref<80x128xf32, #tpu.memory_space<vmem>> -> memref<64x128xf32, #tpu.memory_space<vmem>>
      tpu.enqueue_dma source(%dma_start3A_96 : memref<64x128xf32, #tpu.memory_space<vmem>>) target(%dma_start3A_93 : memref<64x128xf32, #tpu.memory_space<vmem_shared>>) target_semaphore(%run_scoped3A : memref<!tpu.dma_semaphore, #tpu.memory_space<semaphore_mem>>)
      %dma_wait3A_97 = arith.constant 0 : i32
      %dma_wait3A_98 = arith.constant 0 : i32
      %dma_wait3A_99 = tpu.memref_slice %arg8[%dma_wait3A_97, %dma_wait3A_98] : memref<80x128xf32, #tpu.memory_space<vmem>> -> memref<64x128xf32, #tpu.memory_space<vmem>>
      %dma_wait3A_100 = arith.constant 0 : i32
      %dma_wait3A_101 = tpu.memref_slice %arg10[%sub3A_36, %dma_wait3A_100] : memref<10000x128xf32, #tpu.memory_space<vmem_shared>> -> memref<64x128xf32, #tpu.memory_space<vmem_shared>>
      %dma_wait3A_102 = arith.constant 0 : i32
      %dma_wait3A_103 = tpu.memref_slice %arg10[%sub3A_36, %dma_wait3A_102] : memref<10000x128xf32, #tpu.memory_space<vmem_shared>> -> memref<64x128xf32, #tpu.memory_space<vmem_shared>>
      %dma_wait3A_104 = arith.constant 0 : i32
      %dma_wait3A_105 = arith.constant 0 : i32
      %dma_wait3A_106 = tpu.memref_slice %arg8[%dma_wait3A_104, %dma_wait3A_105] : memref<80x128xf32, #tpu.memory_space<vmem>> -> memref<64x128xf32, #tpu.memory_space<vmem>>
      tpu.wait_dma2 semaphore(%run_scoped3A : memref<!tpu.dma_semaphore, #tpu.memory_space<semaphore_mem>>) src(%dma_wait3A_106 : memref<64x128xf32, #tpu.memory_space<vmem>>) dst(%dma_wait3A_103 : memref<64x128xf32, #tpu.memory_space<vmem_shared>>)
      tpu.yield
    }) : () -> ()
    %eq3A = arith.constant 15 : i32
    %eq3A_37 = arith.cmpi eq, %arg1, %eq3A : i32
    %convert_element_type3A = arith.extui %eq3A_37 : i1 to i32
    %cond3A = arith.constant 0 : i32
    %cond3A_38 = arith.cmpi ne, %convert_element_type3A, %cond3A : i32
    scf.if %cond3A_38 {
      "tpu.region"() ({
        %run_scoped3A = tpu.sem_alloc : memref<!tpu.dma_semaphore, #tpu.memory_space<semaphore_mem>>
        %dma_start3A_87 = arith.constant 0 : i32
        %dma_start3A_88 = arith.constant 0 : i32
        %dma_start3A_89 = tpu.memref_slice %arg8[%dma_start3A_87, %dma_start3A_88] : memref<80x128xf32, #tpu.memory_space<vmem>> -> memref<16x128xf32, #tpu.memory_space<vmem>>
        %dma_start3A_90 = arith.constant 9984 : i32
        %dma_start3A_91 = arith.constant 0 : i32
        %dma_start3A_92 = tpu.memref_slice %arg10[%dma_start3A_90, %dma_start3A_91] : memref<10000x128xf32, #tpu.memory_space<vmem_shared>> -> memref<16x128xf32, #tpu.memory_space<vmem_shared>>
        %dma_start3A_93 = arith.constant 9984 : i32
        %dma_start3A_94 = arith.constant 0 : i32
        %dma_start3A_95 = tpu.memref_slice %arg10[%dma_start3A_93, %dma_start3A_94] : memref<10000x128xf32, #tpu.memory_space<vmem_shared>> -> memref<16x128xf32, #tpu.memory_space<vmem_shared>>
        %dma_start3A_96 = arith.constant 0 : i32
        %dma_start3A_97 = arith.constant 0 : i32
        %dma_start3A_98 = tpu.memref_slice %arg8[%dma_start3A_96, %dma_start3A_97] : memref<80x128xf32, #tpu.memory_space<vmem>> -> memref<16x128xf32, #tpu.memory_space<vmem>>
        tpu.enqueue_dma source(%dma_start3A_98 : memref<16x128xf32, #tpu.memory_space<vmem>>) target(%dma_start3A_95 : memref<16x128xf32, #tpu.memory_space<vmem_shared>>) target_semaphore(%run_scoped3A : memref<!tpu.dma_semaphore, #tpu.memory_space<semaphore_mem>>)
        %dma_wait3A_99 = arith.constant 0 : i32
        %dma_wait3A_100 = arith.constant 0 : i32
        %dma_wait3A_101 = tpu.memref_slice %arg8[%dma_wait3A_99, %dma_wait3A_100] : memref<80x128xf32, #tpu.memory_space<vmem>> -> memref<16x128xf32, #tpu.memory_space<vmem>>
        %dma_wait3A_102 = arith.constant 9984 : i32
        %dma_wait3A_103 = arith.constant 0 : i32
        %dma_wait3A_104 = tpu.memref_slice %arg10[%dma_wait3A_102, %dma_wait3A_103] : memref<10000x128xf32, #tpu.memory_space<vmem_shared>> -> memref<16x128xf32, #tpu.memory_space<vmem_shared>>
        %dma_wait3A_105 = arith.constant 9984 : i32
        %dma_wait3A_106 = arith.constant 0 : i32
        %dma_wait3A_107 = tpu.memref_slice %arg10[%dma_wait3A_105, %dma_wait3A_106] : memref<10000x128xf32, #tpu.memory_space<vmem_shared>> -> memref<16x128xf32, #tpu.memory_space<vmem_shared>>
        %dma_wait3A_108 = arith.constant 0 : i32
        %dma_wait3A_109 = arith.constant 0 : i32
        %dma_wait3A_110 = tpu.memref_slice %arg8[%dma_wait3A_108, %dma_wait3A_109] : memref<80x128xf32, #tpu.memory_space<vmem>> -> memref<16x128xf32, #tpu.memory_space<vmem>>
        tpu.wait_dma2 semaphore(%run_scoped3A : memref<!tpu.dma_semaphore, #tpu.memory_space<semaphore_mem>>) src(%dma_wait3A_110 : memref<16x128xf32, #tpu.memory_space<vmem>>) dst(%dma_wait3A_107 : memref<16x128xf32, #tpu.memory_space<vmem_shared>>)
        tpu.yield
      }) : () -> ()
    } else {
    }
    %dma_wait3A = tpu.memref_slice %arg3[%mul3A_2] : memref<320000xi32, #tpu.memory_space<hbm>> -> memref<10000xi32, #tpu.memory_space<hbm>>
    %dma_wait3A_39 = tpu.memref_slice %arg3[%mul3A_2] : memref<320000xi32, #tpu.memory_space<hbm>> -> memref<10000xi32, #tpu.memory_space<hbm>>
    tpu.wait_dma2 semaphore(%arg13 : memref<!tpu.dma_semaphore, #tpu.memory_space<semaphore_mem>>) src(%dma_wait3A_39 : memref<10000xi32, #tpu.memory_space<hbm>>) dst(%arg6 : memref<10000xi32, #tpu.memory_space<vmem>>)
    %dma_wait3A_40 = arith.constant 0 : i32
    %dma_wait3A_41 = arith.constant 0 : i32
    %dma_wait3A_42 = tpu.memref_slice %arg4[%add3A, %dma_wait3A_40, %dma_wait3A_41] : memref<32x125x80xi32, #tpu.memory_space<hbm>> -> memref<1x125x80xi32, #tpu.memory_space<hbm>>
    %dma_wait3A_43 = tpu.memref_squeeze %dma_wait3A_42 : memref<1x125x80xi32, #tpu.memory_space<hbm>> -> memref<125x80xi32, #tpu.memory_space<hbm>>
    %dma_wait3A_44 = arith.constant 0 : i32
    %dma_wait3A_45 = arith.constant 0 : i32
    %dma_wait3A_46 = tpu.memref_slice %arg4[%add3A, %dma_wait3A_44, %dma_wait3A_45] : memref<32x125x80xi32, #tpu.memory_space<hbm>> -> memref<1x125x80xi32, #tpu.memory_space<hbm>>
    %dma_wait3A_47 = tpu.memref_squeeze %dma_wait3A_46 : memref<1x125x80xi32, #tpu.memory_space<hbm>> -> memref<125x80xi32, #tpu.memory_space<hbm>>
    tpu.wait_dma2 semaphore(%arg13 : memref<!tpu.dma_semaphore, #tpu.memory_space<semaphore_mem>>) src(%dma_wait3A_47 : memref<125x80xi32, #tpu.memory_space<hbm>>) dst(%arg7 : memref<125x80xi32, #tpu.memory_space<vmem>>)
    %barrier3A = arith.constant 0 : index
    tpu.barrier barrier_id(%barrier3A)
    %dma_start3A_48 = arith.constant 0 : i32
    %dma_start3A_49 = tpu.memref_slice %arg6[%dma_start3A_48] : memref<10000xi32, #tpu.memory_space<vmem>> -> memref<80xi32, #tpu.memory_space<vmem>>
    %dma_start3A_50 = arith.constant 0 : i32
    %dma_start3A_51 = arith.constant 0 : i32
    %dma_start3A_52 = tpu.memref_slice %arg2[%dma_start3A_50, %dma_start3A_51] : memref<10000x128xf32, #tpu.memory_space<hbm>> -> memref<10000x128xf32, #tpu.memory_space<hbm>>
    tpu.enqueue_indirect_dma source(%dma_start3A_52 : memref<10000x128xf32, #tpu.memory_space<hbm>>) target(%arg8 : memref<80x128xf32, #tpu.memory_space<vmem>>) offsets(%dma_start3A_49 : memref<80xi32, #tpu.memory_space<vmem>>) semaphore(%arg11 : memref<!tpu.dma_semaphore, #tpu.memory_space<semaphore_mem>>)
    %scan3A_53 = arith.constant 0 : i32
    %scan3A_54 = arith.constant 0 : i32
    %scan3A_55 = arith.constant 62 : i32
    %scan3A_56 = arith.addi %scan3A_54, %scan3A_55 : i32
    %scan3A_57 = arith.constant 1 : i32
    %scan3A_58 = scf.for %scan3A_87 = %scan3A_54 to %scan3A_56 step %scan3A_57 iter_args(%scan3A_88 = %scan3A_53) -> (i32)  : i32 {
      %dma_wait3A_89 = arith.constant 0 : i32
      %dma_wait3A_90 = tpu.memref_slice %arg6[%dma_wait3A_89] : memref<10000xi32, #tpu.memory_space<vmem>> -> memref<80xi32, #tpu.memory_space<vmem>>
      %dma_wait3A_91 = arith.constant 0 : i32
      %dma_wait3A_92 = arith.constant 0 : i32
      %dma_wait3A_93 = tpu.memref_slice %arg2[%dma_wait3A_91, %dma_wait3A_92] : memref<10000x128xf32, #tpu.memory_space<hbm>> -> memref<10000x128xf32, #tpu.memory_space<hbm>>
      tpu.wait_indirect_dma semaphore(%arg11 : memref<!tpu.dma_semaphore, #tpu.memory_space<semaphore_mem>>) src(%dma_wait3A_93 : memref<10000x128xf32, #tpu.memory_space<hbm>>) dst(%arg8 : memref<80x128xf32, #tpu.memory_space<vmem>>)
      %mul3A_94 = arith.constant 2 : i32
      %mul3A_95 = arith.muli %mul3A_94, %scan3A_87 : i32
      %dma_start3A_96 = arith.constant 0 : i32
      %dma_start3A_97 = tpu.memref_slice %arg7[%mul3A_95, %dma_start3A_96] : memref<125x80xi32, #tpu.memory_space<vmem>> -> memref<1x80xi32, #tpu.memory_space<vmem>>
      %dma_start3A_98 = tpu.memref_squeeze %dma_start3A_97 : memref<1x80xi32, #tpu.memory_space<vmem>> -> memref<80xi32, #tpu.memory_space<vmem>>
      %dma_start3A_99 = arith.constant 0 : i32
      %dma_start3A_100 = arith.constant 0 : i32
      %dma_start3A_101 = tpu.memref_slice %arg10[%dma_start3A_99, %dma_start3A_100] : memref<10000x128xf32, #tpu.memory_space<vmem_shared>> -> memref<10000x128xf32, #tpu.memory_space<vmem_shared>>
      tpu.enqueue_indirect_dma source(%arg8 : memref<80x128xf32, #tpu.memory_space<vmem>>) target(%dma_start3A_101 : memref<10000x128xf32, #tpu.memory_space<vmem_shared>>) offsets(%dma_start3A_98 : memref<80xi32, #tpu.memory_space<vmem>>) semaphore(%arg11 : memref<!tpu.dma_semaphore, #tpu.memory_space<semaphore_mem>>) {add = true}
      %mul3A_102 = arith.constant 2 : i32
      %mul3A_103 = arith.muli %mul3A_102, %scan3A_87 : i32
      %add3A_104 = arith.constant 1 : i32
      %add3A_105 = arith.addi %mul3A_103, %add3A_104 : i32
      %mul3A_106 = arith.constant 80 : i32
      %mul3A_107 = arith.muli %add3A_105, %mul3A_106 : i32
      %dma_start3A_108 = tpu.memref_slice %arg6[%mul3A_107] : memref<10000xi32, #tpu.memory_space<vmem>> -> memref<80xi32, #tpu.memory_space<vmem>>
      %dma_start3A_109 = arith.constant 0 : i32
      %dma_start3A_110 = arith.constant 0 : i32
      %dma_start3A_111 = tpu.memref_slice %arg2[%dma_start3A_109, %dma_start3A_110] : memref<10000x128xf32, #tpu.memory_space<hbm>> -> memref<10000x128xf32, #tpu.memory_space<hbm>>
      tpu.enqueue_indirect_dma source(%dma_start3A_111 : memref<10000x128xf32, #tpu.memory_space<hbm>>) target(%arg9 : memref<80x128xf32, #tpu.memory_space<vmem>>) offsets(%dma_start3A_108 : memref<80xi32, #tpu.memory_space<vmem>>) semaphore(%arg12 : memref<!tpu.dma_semaphore, #tpu.memory_space<semaphore_mem>>)
      %dma_wait3A_112 = arith.constant 0 : i32
      %dma_wait3A_113 = arith.constant 0 : i32
      %dma_wait3A_114 = tpu.memref_slice %arg7[%dma_wait3A_112, %dma_wait3A_113] : memref<125x80xi32, #tpu.memory_space<vmem>> -> memref<1x80xi32, #tpu.memory_space<vmem>>
      %dma_wait3A_115 = tpu.memref_squeeze %dma_wait3A_114 : memref<1x80xi32, #tpu.memory_space<vmem>> -> memref<80xi32, #tpu.memory_space<vmem>>
      %dma_wait3A_116 = arith.constant 0 : i32
      %dma_wait3A_117 = arith.constant 0 : i32
      %dma_wait3A_118 = tpu.memref_slice %arg10[%dma_wait3A_116, %dma_wait3A_117] : memref<10000x128xf32, #tpu.memory_space<vmem_shared>> -> memref<10000x128xf32, #tpu.memory_space<vmem_shared>>
      tpu.wait_indirect_dma semaphore(%arg11 : memref<!tpu.dma_semaphore, #tpu.memory_space<semaphore_mem>>) src(%arg8 : memref<80x128xf32, #tpu.memory_space<vmem>>) dst(%dma_wait3A_118 : memref<10000x128xf32, #tpu.memory_space<vmem_shared>>)
      %mul3A_119 = arith.constant 2 : i32
      %mul3A_120 = arith.muli %mul3A_119, %scan3A_87 : i32
      %add3A_121 = arith.constant 2 : i32
      %add3A_122 = arith.addi %mul3A_120, %add3A_121 : i32
      %mul3A_123 = arith.constant 80 : i32
      %mul3A_124 = arith.muli %add3A_122, %mul3A_123 : i32
      %dma_start3A_125 = tpu.memref_slice %arg6[%mul3A_124] : memref<10000xi32, #tpu.memory_space<vmem>> -> memref<80xi32, #tpu.memory_space<vmem>>
      %dma_start3A_126 = arith.constant 0 : i32
      %dma_start3A_127 = arith.constant 0 : i32
      %dma_start3A_128 = tpu.memref_slice %arg2[%dma_start3A_126, %dma_start3A_127] : memref<10000x128xf32, #tpu.memory_space<hbm>> -> memref<10000x128xf32, #tpu.memory_space<hbm>>
      tpu.enqueue_indirect_dma source(%dma_start3A_128 : memref<10000x128xf32, #tpu.memory_space<hbm>>) target(%arg8 : memref<80x128xf32, #tpu.memory_space<vmem>>) offsets(%dma_start3A_125 : memref<80xi32, #tpu.memory_space<vmem>>) semaphore(%arg11 : memref<!tpu.dma_semaphore, #tpu.memory_space<semaphore_mem>>)
      %dma_wait3A_129 = arith.constant 0 : i32
      %dma_wait3A_130 = tpu.memref_slice %arg6[%dma_wait3A_129] : memref<10000xi32, #tpu.memory_space<vmem>> -> memref<80xi32, #tpu.memory_space<vmem>>
      %dma_wait3A_131 = arith.constant 0 : i32
      %dma_wait3A_132 = arith.constant 0 : i32
      %dma_wait3A_133 = tpu.memref_slice %arg2[%dma_wait3A_131, %dma_wait3A_132] : memref<10000x128xf32, #tpu.memory_space<hbm>> -> memref<10000x128xf32, #tpu.memory_space<hbm>>
      tpu.wait_indirect_dma semaphore(%arg12 : memref<!tpu.dma_semaphore, #tpu.memory_space<semaphore_mem>>) src(%dma_wait3A_133 : memref<10000x128xf32, #tpu.memory_space<hbm>>) dst(%arg9 : memref<80x128xf32, #tpu.memory_space<vmem>>)
      %mul3A_134 = arith.constant 2 : i32
      %mul3A_135 = arith.muli %mul3A_134, %scan3A_87 : i32
      %add3A_136 = arith.constant 1 : i32
      %add3A_137 = arith.addi %mul3A_135, %add3A_136 : i32
      %dma_start3A_138 = arith.constant 0 : i32
      %dma_start3A_139 = tpu.memref_slice %arg7[%add3A_137, %dma_start3A_138] : memref<125x80xi32, #tpu.memory_space<vmem>> -> memref<1x80xi32, #tpu.memory_space<vmem>>
      %dma_start3A_140 = tpu.memref_squeeze %dma_start3A_139 : memref<1x80xi32, #tpu.memory_space<vmem>> -> memref<80xi32, #tpu.memory_space<vmem>>
      %dma_start3A_141 = arith.constant 0 : i32
      %dma_start3A_142 = arith.constant 0 : i32
      %dma_start3A_143 = tpu.memref_slice %arg10[%dma_start3A_141, %dma_start3A_142] : memref<10000x128xf32, #tpu.memory_space<vmem_shared>> -> memref<10000x128xf32, #tpu.memory_space<vmem_shared>>
      tpu.enqueue_indirect_dma source(%arg9 : memref<80x128xf32, #tpu.memory_space<vmem>>) target(%dma_start3A_143 : memref<10000x128xf32, #tpu.memory_space<vmem_shared>>) offsets(%dma_start3A_140 : memref<80xi32, #tpu.memory_space<vmem>>) semaphore(%arg12 : memref<!tpu.dma_semaphore, #tpu.memory_space<semaphore_mem>>) {add = true}
      %dma_wait3A_144 = arith.constant 0 : i32
      %dma_wait3A_145 = arith.constant 0 : i32
      %dma_wait3A_146 = tpu.memref_slice %arg7[%dma_wait3A_144, %dma_wait3A_145] : memref<125x80xi32, #tpu.memory_space<vmem>> -> memref<1x80xi32, #tpu.memory_space<vmem>>
      %dma_wait3A_147 = tpu.memref_squeeze %dma_wait3A_146 : memref<1x80xi32, #tpu.memory_space<vmem>> -> memref<80xi32, #tpu.memory_space<vmem>>
      %dma_wait3A_148 = arith.constant 0 : i32
      %dma_wait3A_149 = arith.constant 0 : i32
      %dma_wait3A_150 = tpu.memref_slice %arg10[%dma_wait3A_148, %dma_wait3A_149] : memref<10000x128xf32, #tpu.memory_space<vmem_shared>> -> memref<10000x128xf32, #tpu.memory_space<vmem_shared>>
      tpu.wait_indirect_dma semaphore(%arg12 : memref<!tpu.dma_semaphore, #tpu.memory_space<semaphore_mem>>) src(%arg9 : memref<80x128xf32, #tpu.memory_space<vmem>>) dst(%dma_wait3A_150 : memref<10000x128xf32, #tpu.memory_space<vmem_shared>>)
      %scan3A_151 = arith.constant 0 : i32
      scf.yield %scan3A_151 : i32
    }
    %scan3A_59 = arith.constant 62 : i32
    %dma_wait3A_60 = arith.constant 0 : i32
    %dma_wait3A_61 = tpu.memref_slice %arg6[%dma_wait3A_60] : memref<10000xi32, #tpu.memory_space<vmem>> -> memref<80xi32, #tpu.memory_space<vmem>>
    %dma_wait3A_62 = arith.constant 0 : i32
    %dma_wait3A_63 = arith.constant 0 : i32
    %dma_wait3A_64 = tpu.memref_slice %arg2[%dma_wait3A_62, %dma_wait3A_63] : memref<10000x128xf32, #tpu.memory_space<hbm>> -> memref<10000x128xf32, #tpu.memory_space<hbm>>
    tpu.wait_indirect_dma semaphore(%arg11 : memref<!tpu.dma_semaphore, #tpu.memory_space<semaphore_mem>>) src(%dma_wait3A_64 : memref<10000x128xf32, #tpu.memory_space<hbm>>) dst(%arg8 : memref<80x128xf32, #tpu.memory_space<vmem>>)
    %dma_start3A_65 = arith.constant 124 : i32
    %dma_start3A_66 = arith.constant 0 : i32
    %dma_start3A_67 = tpu.memref_slice %arg7[%dma_start3A_65, %dma_start3A_66] : memref<125x80xi32, #tpu.memory_space<vmem>> -> memref<1x80xi32, #tpu.memory_space<vmem>>
    %dma_start3A_68 = tpu.memref_squeeze %dma_start3A_67 : memref<1x80xi32, #tpu.memory_space<vmem>> -> memref<80xi32, #tpu.memory_space<vmem>>
    %dma_start3A_69 = arith.constant 0 : i32
    %dma_start3A_70 = arith.constant 0 : i32
    %dma_start3A_71 = tpu.memref_slice %arg10[%dma_start3A_69, %dma_start3A_70] : memref<10000x128xf32, #tpu.memory_space<vmem_shared>> -> memref<10000x128xf32, #tpu.memory_space<vmem_shared>>
    tpu.enqueue_indirect_dma source(%arg8 : memref<80x128xf32, #tpu.memory_space<vmem>>) target(%dma_start3A_71 : memref<10000x128xf32, #tpu.memory_space<vmem_shared>>) offsets(%dma_start3A_68 : memref<80xi32, #tpu.memory_space<vmem>>) semaphore(%arg11 : memref<!tpu.dma_semaphore, #tpu.memory_space<semaphore_mem>>) {add = true}
    %dma_wait3A_72 = arith.constant 0 : i32
    %dma_wait3A_73 = arith.constant 0 : i32
    %dma_wait3A_74 = tpu.memref_slice %arg7[%dma_wait3A_72, %dma_wait3A_73] : memref<125x80xi32, #tpu.memory_space<vmem>> -> memref<1x80xi32, #tpu.memory_space<vmem>>
    %dma_wait3A_75 = tpu.memref_squeeze %dma_wait3A_74 : memref<1x80xi32, #tpu.memory_space<vmem>> -> memref<80xi32, #tpu.memory_space<vmem>>
    %dma_wait3A_76 = arith.constant 0 : i32
    %dma_wait3A_77 = arith.constant 0 : i32
    %dma_wait3A_78 = tpu.memref_slice %arg10[%dma_wait3A_76, %dma_wait3A_77] : memref<10000x128xf32, #tpu.memory_space<vmem_shared>> -> memref<10000x128xf32, #tpu.memory_space<vmem_shared>>
    tpu.wait_indirect_dma semaphore(%arg11 : memref<!tpu.dma_semaphore, #tpu.memory_space<semaphore_mem>>) src(%arg8 : memref<80x128xf32, #tpu.memory_space<vmem>>) dst(%dma_wait3A_78 : memref<10000x128xf32, #tpu.memory_space<vmem_shared>>)
    %barrier3A_79 = arith.constant 0 : index
    tpu.barrier barrier_id(%barrier3A_79)
    %mul3A_80 = arith.constant 624 : i32
    %mul3A_81 = arith.muli %arg1, %mul3A_80 : i32
    "tpu.region"() ({
      %run_scoped3A = tpu.sem_alloc : memref<!tpu.dma_semaphore, #tpu.memory_space<semaphore_mem>>
      %dma_start3A_87 = arith.constant 0 : i32
      %dma_start3A_88 = tpu.memref_slice %arg5[%arg0, %mul3A_81, %dma_start3A_87] : memref<2x10000x128xf32, #tpu.memory_space<hbm>> -> memref<1x624x128xf32, #tpu.memory_space<hbm>>
      %dma_start3A_89 = tpu.memref_squeeze %dma_start3A_88 : memref<1x624x128xf32, #tpu.memory_space<hbm>> -> memref<624x128xf32, #tpu.memory_space<hbm>>
      %dma_start3A_90 = arith.constant 0 : i32
      %dma_start3A_91 = tpu.memref_slice %arg10[%mul3A_81, %dma_start3A_90] : memref<10000x128xf32, #tpu.memory_space<vmem_shared>> -> memref<624x128xf32, #tpu.memory_space<vmem_shared>>
      tpu.enqueue_dma source(%dma_start3A_91 : memref<624x128xf32, #tpu.memory_space<vmem_shared>>) target(%dma_start3A_89 : memref<624x128xf32, #tpu.memory_space<hbm>>) target_semaphore(%run_scoped3A : memref<!tpu.dma_semaphore, #tpu.memory_space<semaphore_mem>>)
      %dma_wait3A_92 = arith.constant 0 : i32
      %dma_wait3A_93 = tpu.memref_slice %arg5[%arg0, %mul3A_81, %dma_wait3A_92] : memref<2x10000x128xf32, #tpu.memory_space<hbm>> -> memref<1x624x128xf32, #tpu.memory_space<hbm>>
      %dma_wait3A_94 = tpu.memref_squeeze %dma_wait3A_93 : memref<1x624x128xf32, #tpu.memory_space<hbm>> -> memref<624x128xf32, #tpu.memory_space<hbm>>
      %dma_wait3A_95 = arith.constant 0 : i32
      %dma_wait3A_96 = tpu.memref_slice %arg10[%mul3A_81, %dma_wait3A_95] : memref<10000x128xf32, #tpu.memory_space<vmem_shared>> -> memref<624x128xf32, #tpu.memory_space<vmem_shared>>
      tpu.wait_dma2 semaphore(%run_scoped3A : memref<!tpu.dma_semaphore, #tpu.memory_space<semaphore_mem>>) src(%dma_wait3A_96 : memref<624x128xf32, #tpu.memory_space<vmem_shared>>) dst(%dma_wait3A_94 : memref<624x128xf32, #tpu.memory_space<hbm>>)
      tpu.yield
    }) : () -> ()
    %eq3A_82 = arith.constant 15 : i32
    %eq3A_83 = arith.cmpi eq, %arg1, %eq3A_82 : i32
    %convert_element_type3A_84 = arith.extui %eq3A_83 : i1 to i32
    %cond3A_85 = arith.constant 0 : i32
    %cond3A_86 = arith.cmpi ne, %convert_element_type3A_84, %cond3A_85 : i32
    scf.if %cond3A_86 {
      "tpu.region"() ({
        %run_scoped3A = tpu.sem_alloc : memref<!tpu.dma_semaphore, #tpu.memory_space<semaphore_mem>>
        %dma_start3A_87 = arith.constant 9984 : i32
        %dma_start3A_88 = arith.constant 0 : i32
        %dma_start3A_89 = tpu.memref_slice %arg5[%arg0, %dma_start3A_87, %dma_start3A_88] : memref<2x10000x128xf32, #tpu.memory_space<hbm>> -> memref<1x16x128xf32, #tpu.memory_space<hbm>>
        %dma_start3A_90 = tpu.memref_squeeze %dma_start3A_89 : memref<1x16x128xf32, #tpu.memory_space<hbm>> -> memref<16x128xf32, #tpu.memory_space<hbm>>
        %dma_start3A_91 = arith.constant 9984 : i32
        %dma_start3A_92 = arith.constant 0 : i32
        %dma_start3A_93 = tpu.memref_slice %arg10[%dma_start3A_91, %dma_start3A_92] : memref<10000x128xf32, #tpu.memory_space<vmem_shared>> -> memref<16x128xf32, #tpu.memory_space<vmem_shared>>
        tpu.enqueue_dma source(%dma_start3A_93 : memref<16x128xf32, #tpu.memory_space<vmem_shared>>) target(%dma_start3A_90 : memref<16x128xf32, #tpu.memory_space<hbm>>) target_semaphore(%run_scoped3A : memref<!tpu.dma_semaphore, #tpu.memory_space<semaphore_mem>>)
        %dma_wait3A_94 = arith.constant 9984 : i32
        %dma_wait3A_95 = arith.constant 0 : i32
        %dma_wait3A_96 = tpu.memref_slice %arg5[%arg0, %dma_wait3A_94, %dma_wait3A_95] : memref<2x10000x128xf32, #tpu.memory_space<hbm>> -> memref<1x16x128xf32, #tpu.memory_space<hbm>>
        %dma_wait3A_97 = tpu.memref_squeeze %dma_wait3A_96 : memref<1x16x128xf32, #tpu.memory_space<hbm>> -> memref<16x128xf32, #tpu.memory_space<hbm>>
        %dma_wait3A_98 = arith.constant 9984 : i32
        %dma_wait3A_99 = arith.constant 0 : i32
        %dma_wait3A_100 = tpu.memref_slice %arg10[%dma_wait3A_98, %dma_wait3A_99] : memref<10000x128xf32, #tpu.memory_space<vmem_shared>> -> memref<16x128xf32, #tpu.memory_space<vmem_shared>>
        tpu.wait_dma2 semaphore(%run_scoped3A : memref<!tpu.dma_semaphore, #tpu.memory_space<semaphore_mem>>) src(%dma_wait3A_100 : memref<16x128xf32, #tpu.memory_space<vmem_shared>>) dst(%dma_wait3A_97 : memref<16x128xf32, #tpu.memory_space<hbm>>)
        tpu.yield
      }) : () -> ()
    } else {
    }
    return
  }
}

module attributes {stable_mosaic.version = 14 : i64} {
  func.func @_l1_body(%arg0: i32, %arg1: memref<1000x128xf32, #tpu.memory_space<vmem>>, %arg2: memref<2x1000x16xf32, #tpu.memory_space<vmem>>, %arg3: memref<128x128xf32, #tpu.memory_space<vmem>>, %arg4: memref<1000x128xf32, #tpu.memory_space<vmem>>) attributes {dimension_semantics = [#tpu.dimension_semantics<arbitrary>], iteration_bounds = array<i64: 10>, scalar_prefetch = 0 : i64, scratch_operands = 0 : i64, tpu.core_type = #tpu.core_type<tc>, window_params = [{transform_indices = @transform_0, window_bounds = array<i64: 1000, 128>}, {transform_indices = @transform_1, window_bounds = array<i64: 2, 1000, 16>}, {pipeline_mode = #tpu.pipeline_mode<synchronous>, transform_indices = @transform_2, window_bounds = array<i64: 128, 128>}, {transform_indices = @transform_3, window_bounds = array<i64: 1000, 128>}]} {
    %get3A = arith.constant 0 : index
    %get3A_0 = arith.constant 0 : index
    %get3A_1 = arith.constant 0 : index
    %get3A_2 = vector.load %arg2[%get3A, %get3A_0, %get3A_1] : memref<2x1000x16xf32, #tpu.memory_space<vmem>>, vector<1x1000x16xf32>
    %get3A_3 = vector.shape_cast %get3A_2 : vector<1x1000x16xf32> to vector<1000x16xf32>
    %get3A_4 = arith.constant 1 : index
    %get3A_5 = arith.constant 0 : index
    %get3A_6 = arith.constant 0 : index
    %get3A_7 = vector.load %arg2[%get3A_4, %get3A_5, %get3A_6] : memref<2x1000x16xf32, #tpu.memory_space<vmem>>, vector<1x1000x16xf32>
    %get3A_8 = vector.shape_cast %get3A_7 : vector<1x1000x16xf32> to vector<1000x16xf32>
    %add3A = arith.addf %get3A_3, %get3A_8 : vector<1000x16xf32>
    %slice3A = vector.extract_strided_slice %add3A {offsets = [0, 0], sizes = [1000, 1], strides = [1, 1]} : vector<1000x16xf32> to vector<1000x1xf32>
    %max3A = arith.constant 1.000000e+00 : f32
    %max3A_9 = vector.broadcast %max3A : f32 to vector<1000x1xf32>
    %max3A_10 = arith.maximumf %slice3A, %max3A_9 : vector<1000x1xf32>
    %rsqrt3A = math.rsqrt %max3A_10 : vector<1000x1xf32>
    %get3A_11 = arith.constant 0 : index
    %get3A_12 = arith.constant 0 : index
    %get3A_13 = vector.load %arg1[%get3A_11, %get3A_12] : memref<1000x128xf32, #tpu.memory_space<vmem>>, vector<1000x128xf32>
    %mul3A = vector.broadcast %rsqrt3A : vector<1000x1xf32> to vector<1000x128xf32>
    %mul3A_14 = arith.mulf %get3A_13, %mul3A : vector<1000x128xf32>
    %get3A_15 = arith.constant 0 : index
    %get3A_16 = arith.constant 0 : index
    %get3A_17 = vector.load %arg3[%get3A_15, %get3A_16] : memref<128x128xf32, #tpu.memory_space<vmem>>, vector<128x128xf32>
    %dot_general3A = arith.constant dense<0.000000e+00> : vector<1000x128xf32>
    %dot_general3A_18 = tpu.matmul %mul3A_14, %get3A_17, %dot_general3A {dimension_numbers = #tpu.dot_dimension_numbers<[1], [0], [0], [1], [0, 0, 1, 1], [], []>, transpose_lhs_hint = false} : vector<1000x128xf32>, vector<128x128xf32>, vector<1000x128xf32> -> vector<1000x128xf32>
    %swap3A = arith.constant 0 : index
    %swap3A_19 = arith.constant 0 : index
    %swap3A_20 = vector.load %arg4[%swap3A, %swap3A_19] : memref<1000x128xf32, #tpu.memory_space<vmem>>, vector<1000x128xf32>
    tpu.vector_store %arg4[%swap3A, %swap3A_19], %dot_general3A_18 {strides = array<i32>} : memref<1000x128xf32, #tpu.memory_space<vmem>>, vector<1000x128xf32>,
    return
  }
  func.func @transform_0(%arg0: i32) -> (i32, i32) {
    %c0_i32 = arith.constant 0 : i32
    %c0_i32_0 = arith.constant 0 : i32
    return %arg0, %c0_i32 : i32, i32
  }
  func.func @transform_1(%arg0: i32) -> (i32, i32, i32) {
    %c0_i32 = arith.constant 0 : i32
    %c0_i32_0 = arith.constant 0 : i32
    %c0_i32_1 = arith.constant 0 : i32
    return %c0_i32, %arg0, %c0_i32_0 : i32, i32, i32
  }
  func.func @transform_2(%arg0: i32) -> (i32, i32) {
    %c0_i32 = arith.constant 0 : i32
    %c0_i32_0 = arith.constant 0 : i32
    %c0_i32_1 = arith.constant 0 : i32
    return %c0_i32, %c0_i32_0 : i32, i32
  }
  func.func @transform_3(%arg0: i32) -> (i32, i32) {
    %c0_i32 = arith.constant 0 : i32
    %c0_i32_0 = arith.constant 0 : i32
    return %arg0, %c0_i32 : i32, i32
  }
}

module attributes {stable_mosaic.version = 14 : i64} {
  func.func @_mid_body(%arg0: i32, %arg1: memref<2x1000x128xf32, #tpu.memory_space<vmem>>, %arg2: memref<2x1000x16xf32, #tpu.memory_space<vmem>>, %arg3: memref<2x1000x16xf32, #tpu.memory_space<vmem>>, %arg4: memref<1x128xf32, #tpu.memory_space<vmem>>, %arg5: memref<128x128xf32, #tpu.memory_space<vmem>>, %arg6: memref<1000x128xf32, #tpu.memory_space<vmem>>) attributes {dimension_semantics = [#tpu.dimension_semantics<arbitrary>], iteration_bounds = array<i64: 10>, scalar_prefetch = 0 : i64, scratch_operands = 0 : i64, tpu.core_type = #tpu.core_type<tc>, window_params = [{transform_indices = @transform_0, window_bounds = array<i64: 2, 1000, 128>}, {transform_indices = @transform_1, window_bounds = array<i64: 2, 1000, 16>}, {transform_indices = @transform_2, window_bounds = array<i64: 2, 1000, 16>}, {pipeline_mode = #tpu.pipeline_mode<synchronous>, transform_indices = @transform_3, window_bounds = array<i64: 1, 128>}, {pipeline_mode = #tpu.pipeline_mode<synchronous>, transform_indices = @transform_4, window_bounds = array<i64: 128, 128>}, {transform_indices = @transform_5, window_bounds = array<i64: 1000, 128>}]} {
    %get3A = arith.constant 0 : index
    %get3A_0 = arith.constant 0 : index
    %get3A_1 = arith.constant 0 : index
    %get3A_2 = vector.load %arg1[%get3A, %get3A_0, %get3A_1] : memref<2x1000x128xf32, #tpu.memory_space<vmem>>, vector<1x1000x128xf32>
    %get3A_3 = vector.shape_cast %get3A_2 : vector<1x1000x128xf32> to vector<1000x128xf32>
    %get3A_4 = arith.constant 1 : index
    %get3A_5 = arith.constant 0 : index
    %get3A_6 = arith.constant 0 : index
    %get3A_7 = vector.load %arg1[%get3A_4, %get3A_5, %get3A_6] : memref<2x1000x128xf32, #tpu.memory_space<vmem>>, vector<1x1000x128xf32>
    %get3A_8 = vector.shape_cast %get3A_7 : vector<1x1000x128xf32> to vector<1000x128xf32>
    %add3A = arith.addf %get3A_3, %get3A_8 : vector<1000x128xf32>
    %get3A_9 = arith.constant 0 : index
    %get3A_10 = arith.constant 0 : index
    %get3A_11 = arith.constant 0 : index
    %get3A_12 = vector.load %arg2[%get3A_9, %get3A_10, %get3A_11] : memref<2x1000x16xf32, #tpu.memory_space<vmem>>, vector<1x1000x16xf32>
    %get3A_13 = vector.shape_cast %get3A_12 : vector<1x1000x16xf32> to vector<1000x16xf32>
    %get3A_14 = arith.constant 1 : index
    %get3A_15 = arith.constant 0 : index
    %get3A_16 = arith.constant 0 : index
    %get3A_17 = vector.load %arg2[%get3A_14, %get3A_15, %get3A_16] : memref<2x1000x16xf32, #tpu.memory_space<vmem>>, vector<1x1000x16xf32>
    %get3A_18 = vector.shape_cast %get3A_17 : vector<1x1000x16xf32> to vector<1000x16xf32>
    %add3A_19 = arith.addf %get3A_13, %get3A_18 : vector<1000x16xf32>
    %slice3A = vector.extract_strided_slice %add3A_19 {offsets = [0, 0], sizes = [1000, 1], strides = [1, 1]} : vector<1000x16xf32> to vector<1000x1xf32>
    %max3A = arith.constant 1.000000e+00 : f32
    %max3A_20 = vector.broadcast %max3A : f32 to vector<1000x1xf32>
    %max3A_21 = arith.maximumf %slice3A, %max3A_20 : vector<1000x1xf32>
    %rsqrt3A = math.rsqrt %max3A_21 : vector<1000x1xf32>
    %mul3A = vector.broadcast %rsqrt3A : vector<1000x1xf32> to vector<1000x128xf32>
    %mul3A_22 = arith.mulf %add3A, %mul3A : vector<1000x128xf32>
    %get3A_23 = arith.constant 0 : index
    %get3A_24 = arith.constant 0 : index
    %get3A_25 = vector.load %arg4[%get3A_23, %get3A_24] : memref<1x128xf32, #tpu.memory_space<vmem>>, vector<1x128xf32>
    %add3A_26 = vector.broadcast %get3A_25 : vector<1x128xf32> to vector<1000x128xf32>
    %add3A_27 = arith.addf %mul3A_22, %add3A_26 : vector<1000x128xf32>
    %max3A_28 = arith.constant 0.000000e+00 : f32
    %max3A_29 = vector.broadcast %max3A_28 : f32 to vector<1000x128xf32>
    %max3A_30 = arith.maximumf %add3A_27, %max3A_29 : vector<1000x128xf32>
    %get3A_31 = arith.constant 0 : index
    %get3A_32 = arith.constant 0 : index
    %get3A_33 = arith.constant 0 : index
    %get3A_34 = vector.load %arg3[%get3A_31, %get3A_32, %get3A_33] : memref<2x1000x16xf32, #tpu.memory_space<vmem>>, vector<1x1000x16xf32>
    %get3A_35 = vector.shape_cast %get3A_34 : vector<1x1000x16xf32> to vector<1000x16xf32>
    %get3A_36 = arith.constant 1 : index
    %get3A_37 = arith.constant 0 : index
    %get3A_38 = arith.constant 0 : index
    %get3A_39 = vector.load %arg3[%get3A_36, %get3A_37, %get3A_38] : memref<2x1000x16xf32, #tpu.memory_space<vmem>>, vector<1x1000x16xf32>
    %get3A_40 = vector.shape_cast %get3A_39 : vector<1x1000x16xf32> to vector<1000x16xf32>
    %add3A_41 = arith.addf %get3A_35, %get3A_40 : vector<1000x16xf32>
    %slice3A_42 = vector.extract_strided_slice %add3A_41 {offsets = [0, 0], sizes = [1000, 1], strides = [1, 1]} : vector<1000x16xf32> to vector<1000x1xf32>
    %max3A_43 = arith.constant 1.000000e+00 : f32
    %max3A_44 = vector.broadcast %max3A_43 : f32 to vector<1000x1xf32>
    %max3A_45 = arith.maximumf %slice3A_42, %max3A_44 : vector<1000x1xf32>
    %rsqrt3A_46 = math.rsqrt %max3A_45 : vector<1000x1xf32>
    %mul3A_47 = vector.broadcast %rsqrt3A_46 : vector<1000x1xf32> to vector<1000x128xf32>
    %mul3A_48 = arith.mulf %max3A_30, %mul3A_47 : vector<1000x128xf32>
    %get3A_49 = arith.constant 0 : index
    %get3A_50 = arith.constant 0 : index
    %get3A_51 = vector.load %arg5[%get3A_49, %get3A_50] : memref<128x128xf32, #tpu.memory_space<vmem>>, vector<128x128xf32>
    %dot_general3A = arith.constant dense<0.000000e+00> : vector<1000x128xf32>
    %dot_general3A_52 = tpu.matmul %mul3A_48, %get3A_51, %dot_general3A {dimension_numbers = #tpu.dot_dimension_numbers<[1], [0], [0], [1], [0, 0, 1, 1], [], []>, transpose_lhs_hint = false} : vector<1000x128xf32>, vector<128x128xf32>, vector<1000x128xf32> -> vector<1000x128xf32>
    %swap3A = arith.constant 0 : index
    %swap3A_53 = arith.constant 0 : index
    %swap3A_54 = vector.load %arg6[%swap3A, %swap3A_53] : memref<1000x128xf32, #tpu.memory_space<vmem>>, vector<1000x128xf32>
    tpu.vector_store %arg6[%swap3A, %swap3A_53], %dot_general3A_52 {strides = array<i32>} : memref<1000x128xf32, #tpu.memory_space<vmem>>, vector<1000x128xf32>,
    return
  }
  func.func @transform_0(%arg0: i32) -> (i32, i32, i32) {
    %c0_i32 = arith.constant 0 : i32
    %c0_i32_0 = arith.constant 0 : i32
    %c0_i32_1 = arith.constant 0 : i32
    return %c0_i32, %arg0, %c0_i32_0 : i32, i32, i32
  }
  func.func @transform_1(%arg0: i32) -> (i32, i32, i32) {
    %c0_i32 = arith.constant 0 : i32
    %c0_i32_0 = arith.constant 0 : i32
    %c0_i32_1 = arith.constant 0 : i32
    return %c0_i32, %arg0, %c0_i32_0 : i32, i32, i32
  }
  func.func @transform_2(%arg0: i32) -> (i32, i32, i32) {
    %c0_i32 = arith.constant 0 : i32
    %c0_i32_0 = arith.constant 0 : i32
    %c0_i32_1 = arith.constant 0 : i32
    return %c0_i32, %arg0, %c0_i32_0 : i32, i32, i32
  }
  func.func @transform_3(%arg0: i32) -> (i32, i32) {
    %c0_i32 = arith.constant 0 : i32
    %c0_i32_0 = arith.constant 0 : i32
    %c0_i32_1 = arith.constant 0 : i32
    return %c0_i32, %c0_i32_0 : i32, i32
  }
  func.func @transform_4(%arg0: i32) -> (i32, i32) {
    %c0_i32 = arith.constant 0 : i32
    %c0_i32_0 = arith.constant 0 : i32
    %c0_i32_1 = arith.constant 0 : i32
    return %c0_i32, %c0_i32_0 : i32, i32
  }
  func.func @transform_5(%arg0: i32) -> (i32, i32) {
    %c0_i32 = arith.constant 0 : i32
    %c0_i32_0 = arith.constant 0 : i32
    return %arg0, %c0_i32 : i32, i32
  }
}

module attributes {stable_mosaic.version = 14 : i64} {
  func.func @_final_body(%arg0: i32, %arg1: memref<2x1000x128xf32, #tpu.memory_space<vmem>>, %arg2: memref<2x1000x16xf32, #tpu.memory_space<vmem>>, %arg3: memref<1x64xf32, #tpu.memory_space<vmem>>, %arg4: memref<1000x64xf32, #tpu.memory_space<vmem>>) attributes {dimension_semantics = [#tpu.dimension_semantics<arbitrary>], iteration_bounds = array<i64: 10>, scalar_prefetch = 0 : i64, scratch_operands = 0 : i64, tpu.core_type = #tpu.core_type<tc>, window_params = [{transform_indices = @transform_0, window_bounds = array<i64: 2, 1000, 128>}, {transform_indices = @transform_1, window_bounds = array<i64: 2, 1000, 16>}, {pipeline_mode = #tpu.pipeline_mode<synchronous>, transform_indices = @transform_2, window_bounds = array<i64: 1, 64>}, {transform_indices = @transform_3, window_bounds = array<i64: 1000, 64>}]} {
    %get3A = arith.constant 0 : index
    %get3A_0 = arith.constant 0 : index
    %get3A_1 = arith.constant 0 : index
    %get3A_2 = vector.load %arg1[%get3A, %get3A_0, %get3A_1] : memref<2x1000x128xf32, #tpu.memory_space<vmem>>, vector<1x1000x64xf32>
    %get3A_3 = vector.shape_cast %get3A_2 : vector<1x1000x64xf32> to vector<1000x64xf32>
    %get3A_4 = arith.constant 1 : index
    %get3A_5 = arith.constant 0 : index
    %get3A_6 = arith.constant 0 : index
    %get3A_7 = vector.load %arg1[%get3A_4, %get3A_5, %get3A_6] : memref<2x1000x128xf32, #tpu.memory_space<vmem>>, vector<1x1000x64xf32>
    %get3A_8 = vector.shape_cast %get3A_7 : vector<1x1000x64xf32> to vector<1000x64xf32>
    %add3A = arith.addf %get3A_3, %get3A_8 : vector<1000x64xf32>
    %get3A_9 = arith.constant 0 : index
    %get3A_10 = arith.constant 0 : index
    %get3A_11 = arith.constant 0 : index
    %get3A_12 = vector.load %arg2[%get3A_9, %get3A_10, %get3A_11] : memref<2x1000x16xf32, #tpu.memory_space<vmem>>, vector<1x1000x16xf32>
    %get3A_13 = vector.shape_cast %get3A_12 : vector<1x1000x16xf32> to vector<1000x16xf32>
    %get3A_14 = arith.constant 1 : index
    %get3A_15 = arith.constant 0 : index
    %get3A_16 = arith.constant 0 : index
    %get3A_17 = vector.load %arg2[%get3A_14, %get3A_15, %get3A_16] : memref<2x1000x16xf32, #tpu.memory_space<vmem>>, vector<1x1000x16xf32>
    %get3A_18 = vector.shape_cast %get3A_17 : vector<1x1000x16xf32> to vector<1000x16xf32>
    %add3A_19 = arith.addf %get3A_13, %get3A_18 : vector<1000x16xf32>
    %slice3A = vector.extract_strided_slice %add3A_19 {offsets = [0, 0], sizes = [1000, 1], strides = [1, 1]} : vector<1000x16xf32> to vector<1000x1xf32>
    %max3A = arith.constant 1.000000e+00 : f32
    %max3A_20 = vector.broadcast %max3A : f32 to vector<1000x1xf32>
    %max3A_21 = arith.maximumf %slice3A, %max3A_20 : vector<1000x1xf32>
    %rsqrt3A = math.rsqrt %max3A_21 : vector<1000x1xf32>
    %mul3A = vector.broadcast %rsqrt3A : vector<1000x1xf32> to vector<1000x64xf32>
    %mul3A_22 = arith.mulf %add3A, %mul3A : vector<1000x64xf32>
    %get3A_23 = arith.constant 0 : index
    %get3A_24 = arith.constant 0 : index
    %get3A_25 = vector.load %arg3[%get3A_23, %get3A_24] : memref<1x64xf32, #tpu.memory_space<vmem>>, vector<1x64xf32>
    %add3A_26 = vector.broadcast %get3A_25 : vector<1x64xf32> to vector<1000x64xf32>
    %add3A_27 = arith.addf %mul3A_22, %add3A_26 : vector<1000x64xf32>
    %swap3A = arith.constant 0 : index
    %swap3A_28 = arith.constant 0 : index
    %swap3A_29 = vector.load %arg4[%swap3A, %swap3A_28] : memref<1000x64xf32, #tpu.memory_space<vmem>>, vector<1000x64xf32>
    tpu.vector_store %arg4[%swap3A, %swap3A_28], %add3A_27 {strides = array<i32>} : memref<1000x64xf32, #tpu.memory_space<vmem>>, vector<1000x64xf32>,
    return
  }
  func.func @transform_0(%arg0: i32) -> (i32, i32, i32) {
    %c0_i32 = arith.constant 0 : i32
    %c0_i32_0 = arith.constant 0 : i32
    %c0_i32_1 = arith.constant 0 : i32
    return %c0_i32, %arg0, %c0_i32_0 : i32, i32, i32
  }
  func.func @transform_1(%arg0: i32) -> (i32, i32, i32) {
    %c0_i32 = arith.constant 0 : i32
    %c0_i32_0 = arith.constant 0 : i32
    %c0_i32_1 = arith.constant 0 : i32
    return %c0_i32, %arg0, %c0_i32_0 : i32, i32, i32
  }
  func.func @transform_2(%arg0: i32) -> (i32, i32) {
    %c0_i32 = arith.constant 0 : i32
    %c0_i32_0 = arith.constant 0 : i32
    %c0_i32_1 = arith.constant 0 : i32
    return %c0_i32, %c0_i32_0 : i32, i32
  }
  func.func @transform_3(%arg0: i32) -> (i32, i32) {
    %c0_i32 = arith.constant 0 : i32
    %c0_i32_0 = arith.constant 0 : i32
    return %arg0, %c0_i32 : i32, i32
  }
}

</mosaic_0001>

<sc_bundles>
// kernel: kernel.10.cloned.1.call-start
scs
__scs_entry_jumppad:
0x0: {  	(pc) =	sbr.rel $0x88, $3  }
0x1: {  	(tag) =	ssettag $0x0;
	lr =	simm.s32 $0x1  }
0x2: {  	[smem:$0x3F99] =	sst lr;
	_ =	strace $0xD0000000  }
0x3: {  	_ = 	snop  }
0x4: {  	_ = 	snop  }
0x5: {  	_ = 	snop  }
0x6: {  	_ = 	snop  }
0x7: {  	_ = 	snop  }
__scs_overlays_trampoline_lowered:
0x8: {  	[smem:$0x3FA8] =	sst s0  }
0x9: {  	[smem:$0x3FA9] =	sst s1  }
0xa: {  	[smem:$0x3FAA] =	sst s2  }
0xb: {  	[smem:$0x3FAB] =	sst s3  }
0xc: {  	[smem:$0x3FAC] =	sst s4  }
0xd: {  	[smem:$0x3FAD] =	sst s5  }
0xe: {  	[smem:$0x3FAE] =	sst s6  }
0xf: {  	[smem:$0x3FAF] =	sst s7  }
0x10: {  	[smem:$0x3FB0] =	sst s8  }
0x11: {  	[smem:$0x3FB1] =	sst s9;
	s0 =	simm.s32 @!p0 $0x0  }
0x12: {  	s1 =	sld [smem:$0x3F97];
	s0 =	simm.s32 @p0 $0x1  }
0x13: {  	[smem:$0x3FB2] =	sst s0;
	s0 =	simm.s32 @!p1 $0x0  }
0x14: {  	s2 =	sld [smem:$0x3F96];
	s0 =	simm.s32 @p1 $0x1  }
0x15: {  	[smem:$0x3FB3] =	sst s0;
	s0 =	simm.s32 @!p2 $0x0  }
0x16: {  	s3 =	sld [smem:$0x3FDB];
	s0 =	simm.s32 @p2 $0x1  }
0x17: {  	s4 =	simm.s32 $0x1BF5;
	[smem:$0x3FB5] =	sst s0  }
0x18: {  	s0 =	sld [smem:$0x3F98];
	_ =	swait.ge [sflag:s4], $0x0  }
0x19: {  	s7 =	sld [smem:$0x3F99]  }
0x1a: {  	s8 =	sadd.s32 $0xFFFFE003, lr  }
0x1b: {  	s9 =	sadd.s32 $0xFFFFFEF7, lr;
	s5 =	simm.s32 $0xFFFFFFFF;
	p2 =	slt.u32 s8, $0xFFFFF086  }
0x1c: {  	p1 =	slt.u32 s9, $0xF7A;
	s5 =	simm.s32 @!p2 $0x0  }
0x1d: {  	s5 =	simm.s32 @p1 $0x1;
	p0 =	seq.s32 s7, s2  }
0x1e: {  	s7 =	smul.u32 @!p0 $0xF7A, s2;
	p2 =	seq.s32 @!p0 s5, $0x0  }
0x1f: {  	s9 =	smul.u32 $0xF7A, s1;
	s8 =	simm.s32 @!p0 $0x1BF5;
	p2 =	por !p2, p0  }
0x20: {  	[sflag:s8] =	ssyncset.s32 @!p0 $0xFFFFF086;
	s6 =	sadd.s32 @!p0 s3, s7;
	s7 =	simm.s32 @!p0 $0x108  }
0x21: {  	s3 =	sadd.s32 s3, s9;
	s6 =	sadd.s32 @!p0 $0x88, s6;
	s7 =	simm.s32 @p2 $0x1082  }
0x22: {  	[simem:s7], [sflag:s8] =	dma.local @!p0 [hbm:s6], $0xF7A  }
0x23: {  	s9 =	sor.u32 $0xD0000000, s2;
	s6 =	simm.s32 $0x108;
	_ =	swait.ge @!p0 [sflag:s8], $0x0  }
0x24: {  	s3 =	sadd.s32 $0x88, s3;
	s6 =	simm.s32 @!p1 $0x1082;
	[sflag:s4] =	ssyncset.s32 $0xFFFFF086  }
0x25: {  	[simem:s6], [sflag:s4] =	dma.local [hbm:s3], $0xF7A  }
0x26: {  	[smem:$0x3F99] =	sst s1;
	(tag) =	ssettag s2;
	_ =	strace s9  }
0x27: {  	s1 =	sld [smem:$0x3FA9]  }
0x28: {  	s2 =	sld [smem:$0x3FAA]  }
0x29: {  	s4 =	sld [smem:$0x3FAC]  }
0x2a: {  	p0 =	seq.s32 s5, $0x0;
	s5 =	sld [smem:$0x3FAD]  }
0x2b: {  	s6 =	sld [smem:$0x3FAE]  }
0x2c: {  	s7 =	sld [smem:$0x3FAF]  }
0x2d: {  	s3 =	simm.s32 $0x108;
	s8 =	sld [smem:$0x3FB0]  }
0x2e: {  	s3 =	simm.s32 @!p0 $0x1082;
	s9 =	sld [smem:$0x3FB1]  }
0x2f: {  	lr =	sadd.s32 s0, s3;
	s0 =	sld [smem:$0x3FA8]  }
0x30: {  	s3 =	sld [smem:$0x3FAB]  }
0x31: {  	[smem:$0x3FB4] =	sst s10  }
0x32: {  	s10 =	sld [smem:$0x3FB2];
	_ =	sdelay $0x3  }
0x33: {  	p0 =	seq.s32 s10, $0x1;
	s10 =	sld [smem:$0x3FB4];
	_ =	sdelay $0x3  }
0x34: {  	[smem:$0x3FB4] =	sst s10  }
0x35: {  	s10 =	sld [smem:$0x3FB3];
	_ =	sdelay $0x3  }
0x36: {  	p1 =	seq.s32 s10, $0x1;
	s10 =	sld [smem:$0x3FB4];
	_ =	sdelay $0x3  }
0x37: {  	[smem:$0x3FB4] =	sst s10  }
0x38: {  	s10 =	sld [smem:$0x3FB5]  }
0x39: {  	_ = 	snop;
	(pc) =	sbr.ind lr, $3  }
0x3a: {  	_ = 	snop  }
0x3b: {  	_ = 	snop  }
0x3c: {  	p2 =	seq.s32 s10, $0x1;
	s10 =	sld [smem:$0x3FB4]  }
0x3d: {  	_ =	shalt  }
0x3e: {  	_ =	shalt  }
0x3f: {  	_ =	shalt  }
0x40: {  	_ =	shalt  }
0x41: {  	_ =	shalt  }
0x42: {  	_ =	shalt  }
0x43: {  	_ =	shalt  }
0x44: {  	_ =	shalt  }
0x45: {  	_ =	shalt  }
0x46: {  	_ =	shalt  }
0x47: {  	_ =	shalt  }
0x48: {  	_ =	shalt  }
0x49: {  	_ =	shalt  }
0x4a: {  	_ =	shalt  }
0x4b: {  	_ =	shalt  }
0x4c: {  	_ =	shalt  }
0x4d: {  	_ =	shalt  }
0x4e: {  	_ =	shalt  }
0x4f: {  	_ =	shalt  }
0x50: {  	_ =	shalt  }
0x51: {  	_ =	shalt  }
0x52: {  	_ =	shalt  }
0x53: {  	_ =	shalt  }
0x54: {  	_ =	shalt  }
0x55: {  	_ =	shalt  }
0x56: {  	_ =	shalt  }
0x57: {  	_ =	shalt  }
0x58: {  	_ =	shalt  }
0x59: {  	_ =	shalt  }
0x5a: {  	_ =	shalt  }
0x5b: {  	_ =	shalt  }
0x5c: {  	_ =	shalt  }
0x5d: {  	_ =	shalt  }
0x5e: {  	_ =	shalt  }
0x5f: {  	_ =	shalt  }
0x60: {  	_ =	shalt  }
0x61: {  	_ =	shalt  }
0x62: {  	_ =	shalt  }
0x63: {  	_ =	shalt  }
0x64: {  	_ =	shalt  }
0x65: {  	_ =	shalt  }
0x66: {  	_ =	shalt  }
0x67: {  	_ =	shalt  }
0x68: {  	_ =	shalt  }
0x69: {  	_ =	shalt  }
0x6a: {  	_ =	shalt  }
0x6b: {  	_ =	shalt  }
0x6c: {  	_ =	shalt  }
0x6d: {  	_ =	shalt  }
0x6e: {  	_ =	shalt  }
0x6f: {  	_ =	shalt  }
0x70: {  	_ =	shalt  }
0x71: {  	_ =	shalt  }
0x72: {  	_ =	shalt  }
0x73: {  	_ =	shalt  }
0x74: {  	_ =	shalt  }
0x75: {  	_ =	shalt  }
0x76: {  	_ =	shalt  }
0x77: {  	_ =	shalt  }
0x78: {  	_ =	shalt  }
0x79: {  	_ =	shalt  }
0x7a: {  	_ =	shalt  }
0x7b: {  	_ =	shalt  }
0x7c: {  	_ =	shalt  }
0x7d: {  	_ =	shalt  }
0x7e: {  	_ =	shalt  }
0x7f: {  	_ =	shalt  }
0x80: {  	_ =	shalt  }
0x81: {  	_ =	shalt  }
0x82: {  	_ =	shalt  }
0x83: {  	_ =	shalt  }
0x84: {  	_ =	shalt  }
0x85: {  	_ =	shalt  }
0x86: {  	_ =	shalt  }
0x87: {  	_ =	shalt  }
.Lfunc_end0:
.L_simem_size_0:
called_computation_lowered:
.L_overlay_start_0:
0x88: {  	s2 =	sld [smem:$0x3FD9]  }
0x89: {  	s3 =	sld [smem:$0x3FFE];
	_ =	sdelay $0x1  }
0x8a: {  	s1 =	srdreg.scid  }
0x8b: {  	s0 =	sand.u32 $0x1, s1  }
0x8c: {  	s16 =	sshll.u32 s0, $0xA;
	s2 =	sadd.s32 s3, s2  }
0x8d: {  	s2 =	sadd.s32 s2, s16  }
0x8e: {  	[smem:$0x3FC0] =	sst s2  }
0x8f: {  	_ = 	snop  }
0x90: {  	(tm) =	ssettm $0x1  }
0x91: {  	s17 =	sld [smem:$0x3FFB];
	_ =	sdelay $0x3  }
0x92: {  	_ =	strace s17  }
0x93: {  	s2 =	sld [smem:$0x3FFC];
	_ =	sdelay $0x3  }
0x94: {  	_ =	strace s2  }
0x95: {  	s2 =	sld [smem:$0x3FFD];
	_ =	sdelay $0x3  }
0x96: {  	_ =	strace s2  }
0x97: {  	_ =	strace $0x8FFFFFFF  }
0x98: {  	s18 =	sld [smem:$0x3FDB];
	_ =	sdelay $0x1  }
0x99: {  	s19 =	simm.s32 $_scs_section_size  }
0x9a: {  	s4 =	simm.s32 $_size__tile_overlayer_lowered;
	s5 =	simm.s32 $_tile_overlayer_lowered  }
0x9b: {  	s22 =	simm.s32 $0x1BFF;
	s21 =	sshll.u32 s5, $0x1;
	s2 =	sadd.s32 s19, s18  }
0x9c: {  	s6 =	simm.s32 $0x0;
	s20 =	sshll.u32 s4, $0x1;
	s4 =	sadd.s32 s21, s2  }
0x9d: {  	[timem:s6], [sflag:s22] =	dma.local [hbm:s4], s20  }
0x9e: {  	_ =	swait.ge [sflag:s22], s20  }
0x9f: {  	s3 =	ssub.s32 $0x0, s20;
	[sflag:s22] =	ssyncset.done $0x0  }
0xa0: {  	[sflag:s22] =	ssyncadd.s32 s3;
	_ =	sdelay $0x1  }
0xa1: {  	s23 =	simm.s32 $0x1B8B  }
0xa2: {  	_ =	swait.ge [sflag:s23], $0x1  }
0xa3: {  	[sflag:s23] =	ssyncset.done $0x0  }
0xa4: {  	s25 =	simm.s32 $0x1B8E;
	s24 =	sld [smem:$0x3FFE];
	[sflag:s23] =	ssyncadd.s32 $0xFFFFFFFF  }
0xa5: {  	s26 =	simm.s32 $execute0_lowered;
	[smem:$0x3FD2] =	sst s25  }
0xa6: {  	s4 =	sshll.u32 s26, $0x1;
	_ =	strace $0x80000046;
	[dreg:$0x1] =	wrdreg $0xFFFFFFFF  }
0xa7: {  	s28 =	simm.s32 $_size_execute0_lowered;
	s2 =	sadd.s32 s2, s4;
	[dreg:$0x0] =	wrdreg $0x0  }
0xa8: {  	s4 =	sshll.u32 s28, $0x1;
	[dreg:$0x2] =	wrdreg s2  }
0xa9: {  	[dreg:$0x3] =	wrdreg s4  }
0xaa: {  	[dreg:$0x4] =	wrdreg $0xC0  }
0xab: {  	_ =	task [dreg:s6], $0x5FFFF  }
0xac: {  	[dreg:$0x1] =	wrdreg $0xFFFFFFFF  }
0xad: {  	[dreg:$0x0] =	wrdreg $0x60  }
0xae: {  	[dreg:$0x2] =	wrdreg s24  }
0xaf: {  	[dreg:$0x3] =	wrdreg $0xF1000  }
0xb0: {  	[dreg:$0x4] =	wrdreg $0x119000  }
0xb1: {  	[dreg:$0x5] =	wrdreg $0x9  }
0xb2: {  	_ =	task.clear_ibuf [dreg:s6], $0x6FFFF;
	_ =	strace $0x90000046  }
0xb3: {  	s29 =	simm.s32 $0x9;
	_ =	strace $0x80000048  }
0xb4: {  	_ =	swait.ge [sflag:s29], $0x1  }
0xb5: {  	[sflag:s29] =	ssyncadd.s32 $0xFFFFFFFF  }
0xb6: {  	_ =	strace $0x90000048  }
0xb7: {  	_ =	sfence  }
0xb8: {  	s30 =	sld [smem:$0x0];
	_ =	sdelay $0x2  }
0xb9: {  	s31 =	sshll.u32 s1, $0xD;
	s1 =	sshrl.u32 s1, $0x2  }
0xba: {  	s3 =	sand.u32 $0x4000, s31;
	s1 =	sadd.s32 s1, s30  }
0xbb: {  	s0 =	sor.u32 s3, s0;
	s1 =	sshll.u32 s1, $0x11  }
0xbc: {  	s0 =	sor.u32 s1, s0  }
0xbd: {  	s0 =	sadd.s32 $0x8F2B, s0  }
0xbe: {  	[sflag:s0] =	ssyncadd.remote.s32 $0x1  }
0xbf: {  	_ =	sfence.sel $0xFFFF  }
0xc0: {  	[dreg:$0x0] =	wrdreg $0xFFFFFFFF;
	(pc) =	sbr.abs _section_cstart, $3  }
0xc1: {  	[dreg:$0x1] =	wrdreg $0xFFFFFFFF  }
0xc2: {  	_ =	task.clear_ibuf [dreg:s6], $0x2FFFF;
	_ =	strace $0x9FFFFFFF  }
0xc3: {  	(tm) =	ssettm $0x7FFFFFFF  }
tec
execute0_lowered:
.L_overlay_start_1:
0x0: {  	(tag) =	ssettag $0x1  }
0x1: {  	s4 =	rddreg [dreg:$0x1]  }
0x2: {  	s0 =	srdreg.scid;
	s23 =	stileid.u32  }
0x3: {  	s3 =	rddreg [dreg:$0x2];
	s1 =	simm.s32 $0x0;
	s6 =	smul.u32 $0x2800, s23  }
0x4: {  	s5 =	sand.u32 $0x1, s0;
	s8 =	smul.u32 $0x280, s23;
	[smem:$0x7FF] =	sst s1  }
0x5: {  	s14 =	smul.u32 $0x5000, s23;
	s0 =	sshll.u32 s5, $0x4;
	s7 =	ssub.s32 $0x2, s5  }
0x6: {  	s5 =	sshll.u32 s5, $0x7;
	s2 =	sor.u32 s23, s0;
	s16 =	sshrl.u32 s7, $0x1  }
0x7: {  	s17 =	sadd.s32 s6, s4;
	s6 =	sadd.s32 s6, s3;
	s18 =	sadd.s32 s8, s4  }
0x8: {  	s10 =	sadd.s32 $0x7800, s8;
	s11 =	sadd.s32 $0xA000, s8;
	[dreg:$0x4] =	wrdreg s17  }
0x9: {  	s13 =	sadd.s32 $0xF000, s8;
	s5 =	sor.u32 s5, s14;
	[dreg:$0x5] =	wrdreg s6  }
0xa: {  	s14 =	sor.u32 $0x14000, s8;
	[dreg:$0x6] =	wrdreg s18;
	s20 =	sadd.s32 s10, s4  }
0xb: {  	s9 =	smul.u32 $0x4E2, s2;
	s21 =	sadd.s32 s11, s4;
	[dreg:$0x9] =	wrdreg s20  }
0xc: {  	s2 =	ssub.s32 s7, s16;
	s22 =	sadd.s32 s13, s4;
	[dreg:$0xa] =	wrdreg s21  }
0xd: {  	s7 =	sadd.s32 $0x2800, s8;
	s24 =	sadd.s32 s14, s4;
	[dreg:$0xc] =	wrdreg s22  }
0xe: {  	s6 =	sadd.s32 $0x5000, s8;
	s19 =	sadd.s32 s7, s4;
	[dreg:$0xe] =	wrdreg s24  }
0xf: {  	s18 =	sadd.s32 $0x1B800, s8;
	s12 =	sadd.s32 s6, s4;
	[dreg:$0x7] =	wrdreg s19  }
0x10: {  	s25 =	sadd.s32 s18, s4;
	[dreg:$0x8] =	wrdreg s12  }
0x11: {  	s21 =	sadd.s32 $0x23000, s8;
	s18 =	sadd.s32 s18, s3;
	[dreg:$0x11] =	wrdreg s25  }
0x12: {  	s26 =	sadd.s32 s21, s4;
	[smem:$0x7F9] =	sst s18  }
0x13: {  	s25 =	sadd.s32 s8, s3;
	[dreg:$0x14] =	wrdreg s26  }
0x14: {  	s12 =	sadd.s32 $0xC800, s8;
	s21 =	sadd.s32 s21, s3;
	[dreg:$0x16] =	wrdreg s25  }
0x15: {  	s15 =	sadd.s32 s12, s4;
	[smem:$0x7FC] =	sst s21  }
0x16: {  	s26 =	sadd.s32 s7, s3;
	[dreg:$0xb] =	wrdreg s15;
	s15 =	sadd.s32 $0x11800, s8  }
0x17: {  	[dreg:$0x17] =	wrdreg s26;
	s16 =	sadd.s32 s15, s4  }
0x18: {  	s7 =	sadd.s32 s6, s3;
	[dreg:$0xd] =	wrdreg s16;
	s16 =	sadd.s32 $0x16800, s8  }
0x19: {  	s28 =	simm.s32 $0xBA00;
	[dreg:$0x18] =	wrdreg s7;
	s17 =	sadd.s32 s16, s4  }
0x1a: {  	s16 =	sadd.s32 s16, s3;
	[dreg:$0xf] =	wrdreg s17;
	s17 =	sadd.s32 $0x19000, s8  }
0x1b: {  	s29 =	simm.s32 $0xBC80;
	[dreg:$0x1f] =	wrdreg s16;
	s19 =	sadd.s32 s17, s4  }
0x1c: {  	s17 =	sadd.s32 s17, s3;
	[dreg:$0x10] =	wrdreg s19;
	s19 =	sadd.s32 $0x1E000, s8  }
0x1d: {  	s30 =	simm.s32 $0xBF00;
	[smem:$0x7F8] =	sst s17;
	s20 =	sadd.s32 s19, s4  }
0x1e: {  	s24 =	sadd.s32 $0x25800, s8;
	s19 =	sadd.s32 s19, s3;
	[dreg:$0x12] =	wrdreg s20  }
0x1f: {  	s20 =	sadd.s32 $0x20800, s8;
	s8 =	sadd.s32 s10, s3;
	[smem:$0x7FA] =	sst s19  }
0x20: {  	s31 =	simm.s32 $0xC180;
	s10 =	sadd.s32 s11, s3;
	[dreg:$0x19] =	wrdreg s8  }
0x21: {  	p0 =	seq.s32 s23, $0xF;
	s11 =	sadd.s32 s12, s3;
	[dreg:$0x1a] =	wrdreg s10  }
0x22: {  	s23 =	simm.s32 $0xB000;
	s12 =	sadd.s32 s13, s3;
	[dreg:$0x1b] =	wrdreg s11  }
0x23: {  	s5 =	sshrl.u32 s5, $0x3;
	s13 =	sadd.s32 s15, s3;
	[dreg:$0x1c] =	wrdreg s12  }
0x24: {  	s18 =	simm.s32 $0xA380;
	s15 =	sadd.s32 s14, s3;
	[dreg:$0x1d] =	wrdreg s13  }
0x25: {  	s21 =	simm.s32 $0xAB00;
	s22 =	sadd.s32 s20, s4;
	[dreg:$0x1e] =	wrdreg s15  }
0x26: {  	s16 =	simm.s32 $0x2;
	s4 =	sadd.s32 s24, s4;
	[dreg:$0x13] =	wrdreg s22  }
0x27: {  	s17 =	simm.s32 $0xA100;
	s20 =	sadd.s32 s20, s3;
	[dreg:$0x15] =	wrdreg s4  }
0x28: {  	s14 =	simm.s32 $0x4E80;
	s3 =	sadd.s32 s24, s3;
	[smem:$0x7FB] =	sst s20  }
0x29: {  	s19 =	simm.s32 $0xA600;
	s12 =	smax.u32 s2, $0x1;
	[smem:$0x7FD] =	sst s3  }
0x2a: {  	s13 =	simm.s32 $0x1;
	s15 =	simm.s32 $0x7680;
	s22 =	rddreg [dreg:$0x0]  }
0x2b: {  	s20 =	simm.s32 $0xA880;
	s24 =	sadd.s32 s9, s22;
	s25 =	sadd.s32 $0x16E00, s22  }
0x2c: {  	s3 =	sadd.s32 $0x20C00, s22;
	_ =	strace $0x80000047;
	s22 =	simm.s32 $0xAD80  }
0x2d: {  	s6 =	sadd.s32 s25, s5;
	s26 =	sadd.s32 s0, s25;
	s7 =	sadd.s32 s3, s5  }
0x2e: {  	s0 =	sadd.s32 s0, s3;
	s8 =	sadd.s32 $0xD000, s24;
	s9 =	sadd.s32 $0x3200, s24  }
0x2f: {  	s24 =	simm.s32 $0xB280;
	s25 =	simm.s32 $0xB500;
	s10 =	sadd.s32 $0x9600, s26  }
0x30: {  	v0 =	vimm.f32 $0.0e+00;
	v1 =	vimm.f32 $1.000000000e+00;
	s11 =	sadd.s32 $0x9600, s0;
	s26 =	simm.s32 $0xB780;
	s0 =	simm.s32 $0xC400  }
.LBB2_1:
0x31: {  	s2 =	simm.s32 $0x40;
	s3 =	simm.s32 $0x0  }
.LBB2_2:
0x32: {  	p1 =	sne.s32 s2, $0x9FC0;
	[tilespmem:s3+$0x4E80] =	vst v0;
	s4 =	smov.u32 s2;
	s2 =	sadd.s32 $0x40, s2  }
.Ltmp0:
0x33: {  	[tilespmem:s3+$0x7680] =	vst v0;
	(pc) =	sbr.rel @p1 .LBB2_2-.Ltmp0, $2  }
0x34: {  	_ =	sdelay $0x2  }
0x35: {  	s3 =	sshra.s32 s4, $0x2  }
0x36: {  	[tilespmem:s3+$0x4E80] =	vst v0  }
0x37: {  	[tilespmem:s3+$0x7680] =	vst v0;
	s2 =	simm.s32 $0x0  }
0x38: {  	[tilespmem:s2], [sflag:$0x1] =	stream.linear.gather [hbm4b:s8+s2], $0x2710, $0x38;
	[tilespmem:$0x14100] =	vst v63  }
0x39: {  	s5 =	simm.s32 $0x2710  }
0x3a: {  	[tilespmem:s5], [sflag:$0x1] =	stream.linear.gather [hbm4b:s9+s2], $0x2710, $0x38;
	[tilespmem:$0x14100] =	vst v63  }
0x3b: {  	_ =	swait.ge [sflag:s13], $0x2710  }
0x3c: {  	[sflag:s13] =	ssyncset.done $0x0  }
0x3d: {  	s3 =	simm.s32 $0x0;
	s2 =	simm.s32 $0x40;
	[sflag:s13] =	ssyncadd.s32 $0xFFFFD8F0  }
.LBB2_4:
0x3e: {  	p1 =	sne.s32 s2, $0x9C00;
	v2 =	vld [tilespmem:s3+$0x0];
	_ =	sdelay $0x3  }
.Ltmp1:
0x3f: {  	(pc) =	sbr.rel @p1 .LBB2_4-.Ltmp1, $2  }
0x40: {  	_ =	sdelay $0x2  }
0x41: {  	s3 =	sshra.s32 s2, $0x2;
	s2 =	sadd.s32 $0x40, s2;
	[tilespmem:v2+s14+$0x0] =	vst.idx.add.f32.msk $0xffff, v1  }
0x42: {  	v2 =	vld [tilespmem:s3+$0x0];
	_ =	sdelay $0x7  }
0x43: {  	[tilespmem:v2+s14+$0x0] =	vst.idx.add.f32.msk $0xffff, v1  }
0x44: {  	_ =	swait.ge [sflag:s13], $0x2710  }
0x45: {  	[sflag:s13] =	ssyncset.done $0x0  }
0x46: {  	s3 =	simm.s32 $0x0;
	s2 =	simm.s32 $0x40;
	[sflag:s13] =	ssyncadd.s32 $0xFFFFD8F0  }
.LBB2_6:
0x47: {  	p1 =	sne.s32 s2, $0x9C00;
	v2 =	vld [tilespmem:s3+$0x2710];
	_ =	sdelay $0x3  }
.Ltmp2:
0x48: {  	(pc) =	sbr.rel @p1 .LBB2_6-.Ltmp2, $2  }
0x49: {  	_ =	sdelay $0x2  }
0x4a: {  	s3 =	sshra.s32 s2, $0x2;
	s2 =	sadd.s32 $0x40, s2;
	[tilespmem:v2+s15+$0x0] =	vst.idx.add.f32.msk $0xffff, v1  }
0x4b: {  	v2 =	vld [tilespmem:s3+$0x2710];
	_ =	sdelay $0x7  }
0x4c: {  	s2 =	rddreg [dreg:$0x4];
	[tilespmem:v2+s15+$0x0] =	vst.idx.add.f32.msk $0xffff, v1  }
0x4d: {  	[spmem:s2] =	stream.linear.scatter [tilespmem:s14], [sflag:$0x2], $0x2800, $0x38;
	[tilespmem:$0x14100] =	vst v63  }
0x4e: {  	_ =	swait.ge [sflag:s16], $0x2800  }
0x4f: {  	[sflag:s16] =	ssyncset.done $0x0  }
0x50: {  	s3 =	rddreg [dreg:$0x5];
	[sflag:s16] =	ssyncadd.s32 $0xFFFFD800  }
0x51: {  	[spmem:s3] =	stream.linear.scatter [tilespmem:s15], [sflag:$0x2], $0x2800, $0x38;
	[tilespmem:$0x14100] =	vst v63  }
0x52: {  	_ =	swait.ge [sflag:s16], $0x2800  }
0x53: {  	[sflag:s16] =	ssyncset.done $0x0  }
0x54: {  	[sflag:s16] =	ssyncadd.s32 $0xFFFFD800  }
0x55: {  	[bflag:$0x0] =	sbarrier.arrive $0xFFFF  }
0x56: {  	s2 =	simm.s32 $0x9E80;
	s4 =	rddreg [dreg:$0x6]  }
0x57: {  	[tilespmem:s2], [sflag:$0x2] =	stream.linear.gather [spmem:s4], $0x280, $0x38;
	[tilespmem:$0x14100] =	vst v63  }
0x58: {  	_ =	swait.ge [sflag:s16], $0x280  }
0x59: {  	[sflag:s16] =	ssyncset.done $0x0  }
0x5a: {  	s5 =	rddreg [dreg:$0x7];
	[sflag:s16] =	ssyncadd.s32 $0xFFFFFD80  }
0x5b: {  	[tilespmem:s17], [sflag:$0x2] =	stream.linear.gather [spmem:s5], $0x280, $0x38;
	[tilespmem:$0x14100] =	vst v63  }
0x5c: {  	_ =	swait.ge [sflag:s16], $0x280  }
0x5d: {  	[sflag:s16] =	ssyncset.done $0x0  }
0x5e: {  	s4 =	rddreg [dreg:$0x8];
	[sflag:s16] =	ssyncadd.s32 $0xFFFFFD80  }
0x5f: {  	[tilespmem:s18], [sflag:$0x2] =	stream.linear.gather [spmem:s4], $0x280, $0x38;
	[tilespmem:$0x14100] =	vst v63  }
0x60: {  	_ =	swait.ge [sflag:s16], $0x280  }
0x61: {  	[sflag:s16] =	ssyncset.done $0x0  }
0x62: {  	s5 =	rddreg [dreg:$0x9];
	[sflag:s16] =	ssyncadd.s32 $0xFFFFFD80  }
0x63: {  	[tilespmem:s19], [sflag:$0x2] =	stream.linear.gather [spmem:s5], $0x280, $0x38;
	[tilespmem:$0x14100] =	vst v63  }
0x64: {  	_ =	swait.ge [sflag:s16], $0x280  }
0x65: {  	[sflag:s16] =	ssyncset.done $0x0  }
0x66: {  	s4 =	rddreg [dreg:$0xa];
	[sflag:s16] =	ssyncadd.s32 $0xFFFFFD80  }
0x67: {  	[tilespmem:s20], [sflag:$0x2] =	stream.linear.gather [spmem:s4], $0x280, $0x38;
	[tilespmem:$0x14100] =	vst v63  }
0x68: {  	_ =	swait.ge [sflag:s16], $0x280  }
0x69: {  	[sflag:s16] =	ssyncset.done $0x0  }
0x6a: {  	s5 =	rddreg [dreg:$0xb];
	[sflag:s16] =	ssyncadd.s32 $0xFFFFFD80  }
0x6b: {  	[tilespmem:s21], [sflag:$0x2] =	stream.linear.gather [spmem:s5], $0x280, $0x38;
	[tilespmem:$0x14100] =	vst v63  }
0x6c: {  	_ =	swait.ge [sflag:s16], $0x280  }
0x6d: {  	[sflag:s16] =	ssyncset.done $0x0  }
0x6e: {  	s4 =	rddreg [dreg:$0xc];
	[sflag:s16] =	ssyncadd.s32 $0xFFFFFD80  }
0x6f: {  	[tilespmem:s22], [sflag:$0x2] =	stream.linear.gather [spmem:s4], $0x280, $0x38;
	[tilespmem:$0x14100] =	vst v63  }
0x70: {  	_ =	swait.ge [sflag:s16], $0x280  }
0x71: {  	[sflag:s16] =	ssyncset.done $0x0  }
0x72: {  	s5 =	rddreg [dreg:$0xd];
	[sflag:s16] =	ssyncadd.s32 $0xFFFFFD80  }
0x73: {  	[tilespmem:s23], [sflag:$0x2] =	stream.linear.gather [spmem:s5], $0x280, $0x38;
	[tilespmem:$0x14100] =	vst v63  }
0x74: {  	_ =	swait.ge [sflag:s16], $0x280  }
0x75: {  	[sflag:s16] =	ssyncset.done $0x0  }
0x76: {  	s4 =	rddreg [dreg:$0xe];
	[sflag:s16] =	ssyncadd.s32 $0xFFFFFD80  }
0x77: {  	[tilespmem:s24], [sflag:$0x2] =	stream.linear.gather [spmem:s4], $0x280, $0x38;
	[tilespmem:$0x14100] =	vst v63  }
0x78: {  	_ =	swait.ge [sflag:s16], $0x280  }
0x79: {  	[sflag:s16] =	ssyncset.done $0x0  }
0x7a: {  	s5 =	rddreg [dreg:$0xf];
	[sflag:s16] =	ssyncadd.s32 $0xFFFFFD80  }
0x7b: {  	[tilespmem:s25], [sflag:$0x2] =	stream.linear.gather [spmem:s5], $0x280, $0x38;
	[tilespmem:$0x14100] =	vst v63  }
0x7c: {  	_ =	swait.ge [sflag:s16], $0x280  }
0x7d: {  	[sflag:s16] =	ssyncset.done $0x0  }
0x7e: {  	s4 =	rddreg [dreg:$0x10];
	[sflag:s16] =	ssyncadd.s32 $0xFFFFFD80  }
0x7f: {  	[tilespmem:s26], [sflag:$0x2] =	stream.linear.gather [spmem:s4], $0x280, $0x38;
	[tilespmem:$0x14100] =	vst v63  }
0x80: {  	_ =	swait.ge [sflag:s16], $0x280  }
0x81: {  	[sflag:s16] =	ssyncset.done $0x0  }
0x82: {  	s5 =	rddreg [dreg:$0x11];
	[sflag:s16] =	ssyncadd.s32 $0xFFFFFD80  }
0x83: {  	[tilespmem:s28], [sflag:$0x2] =	stream.linear.gather [spmem:s5], $0x280, $0x38;
	[tilespmem:$0x14100] =	vst v63  }
0x84: {  	_ =	swait.ge [sflag:s16], $0x280  }
0x85: {  	[sflag:s16] =	ssyncset.done $0x0  }
0x86: {  	s4 =	rddreg [dreg:$0x12];
	[sflag:s16] =	ssyncadd.s32 $0xFFFFFD80  }
0x87: {  	[tilespmem:s29], [sflag:$0x2] =	stream.linear.gather [spmem:s4], $0x280, $0x38;
	[tilespmem:$0x14100] =	vst v63  }
0x88: {  	_ =	swait.ge [sflag:s16], $0x280  }
0x89: {  	[sflag:s16] =	ssyncset.done $0x0  }
0x8a: {  	s5 =	rddreg [dreg:$0x13];
	[sflag:s16] =	ssyncadd.s32 $0xFFFFFD80  }
0x8b: {  	[tilespmem:s30], [sflag:$0x2] =	stream.linear.gather [spmem:s5], $0x280, $0x38;
	[tilespmem:$0x14100] =	vst v63  }
0x8c: {  	_ =	swait.ge [sflag:s16], $0x280  }
0x8d: {  	[sflag:s16] =	ssyncset.done $0x0  }
0x8e: {  	s4 =	rddreg [dreg:$0x14];
	[sflag:s16] =	ssyncadd.s32 $0xFFFFFD80  }
0x8f: {  	[tilespmem:s31], [sflag:$0x2] =	stream.linear.gather [spmem:s4], $0x280, $0x38;
	[tilespmem:$0x14100] =	vst v63  }
0x90: {  	_ =	swait.ge [sflag:s16], $0x280  }
0x91: {  	[sflag:s16] =	ssyncset.done $0x0  }
0x92: {  	s5 =	rddreg [dreg:$0x15];
	[sflag:s16] =	ssyncadd.s32 $0xFFFFFD80  }
0x93: {  	[tilespmem:s0], [sflag:$0x2] =	stream.linear.gather [spmem:s5], $0x280, $0x38;
	[tilespmem:$0x14100] =	vst v63  }
0x94: {  	_ =	swait.ge [sflag:s16], $0x280  }
0x95: {  	s4 =	simm.s32 $0x0;
	[sflag:s16] =	ssyncset.done $0x0  }
0x96: {  	s3 =	sand.u32 $0x3F0, s4;
	[sflag:s16] =	ssyncadd.s32 $0xFFFFFD80  }
0x97: {  	v2 =	vld [tilespmem:s3+$0xA100]  }
0x98: {  	v3 =	vld [tilespmem:s2+$0x0];
	_ =	sdelay $0x1  }
0x99: {  	v4 =	vld [tilespmem:s3+$0xA380];
	_ =	sdelay $0x1  }
0x9a: {  	v5 =	vld [tilespmem:s3+$0xA600]  }
0x9b: {  	v2 =	vadd.f32 v2, v3  }
0x9c: {  	v3 =	vld [tilespmem:s3+$0xA880]  }
0x9d: {  	v2 =	vadd.f32 v4, v2  }
0x9e: {  	v56 =	vld [tilespmem:s3+$0xAB00]  }
0x9f: {  	v2 =	vadd.f32 v5, v2  }
0xa0: {  	v57 =	vld [tilespmem:s3+$0xAD80]  }
0xa1: {  	v2 =	vadd.f32 v3, v2  }
0xa2: {  	v3 =	vld [tilespmem:s3+$0xB000]  }
0xa3: {  	v2 =	vadd.f32 v56, v2  }
0xa4: {  	v58 =	vld [tilespmem:s3+$0xB280]  }
0xa5: {  	v2 =	vadd.f32 v57, v2  }
0xa6: {  	v59 =	vld [tilespmem:s3+$0xB500]  }
0xa7: {  	v2 =	vadd.f32 v3, v2  }
0xa8: {  	v3 =	vld [tilespmem:s3+$0xB780]  }
0xa9: {  	v2 =	vadd.f32 v58, v2  }
0xaa: {  	v60 =	vld [tilespmem:s3+$0xBA00]  }
0xab: {  	v2 =	vadd.f32 v59, v2  }
0xac: {  	v61 =	vld [tilespmem:s3+$0xBC80]  }
0xad: {  	v2 =	vadd.f32 v3, v2  }
0xae: {  	v3 =	vld [tilespmem:s3+$0xBF00]  }
0xaf: {  	v2 =	vadd.f32 v60, v2  }
0xb0: {  	v62 =	vld [tilespmem:s3+$0xC180]  }
0xb1: {  	v2 =	vadd.f32 v61, v2  }
0xb2: {  	v63 =	vld [tilespmem:s3+$0xC400]  }
0xb3: {  	v2 =	vadd.f32 v3, v2;
	_ =	sdelay $0x1  }
0xb4: {  	v2 =	vadd.f32 v62, v2;
	_ =	sdelay $0x1  }
0xb5: {  	v2 =	vadd.f32 v63, v2  }
0xb6: {  	s5 =	simm.s32 $0x10;
	s2 =	simm.s32 $0xC680  }
0xb7: {  	s3 =	sand.u32 $0x3F0, s5;
	[tilespmem:s2+$0x0] =	vst v2  }
0xb8: {  	s4 =	simm.s32 $0x9E90;
	s5 =	simm.s32 $0x20;
	v2 =	vld [tilespmem:s3+$0xA100]  }
.LBB2_8:
0xb9: {  	p1 =	sne.s32 s5, $0x270;
	v3 =	vld [tilespmem:s4+$0x0];
	_ =	sdelay $0x1  }
0xba: {  	v4 =	vld [tilespmem:s3+$0xA380];
	_ =	sdelay $0x1  }
0xbb: {  	v5 =	vld [tilespmem:s3+$0xA600]  }
0xbc: {  	v2 =	vadd.f32 v2, v3  }
0xbd: {  	v3 =	vld [tilespmem:s3+$0xA880]  }
0xbe: {  	v2 =	vadd.f32 v4, v2  }
0xbf: {  	v4 =	vld [tilespmem:s3+$0xAB00]  }
0xc0: {  	v2 =	vadd.f32 v5, v2  }
0xc1: {  	v5 =	vld [tilespmem:s3+$0xAD80]  }
0xc2: {  	v2 =	vadd.f32 v3, v2  }
0xc3: {  	v3 =	vld [tilespmem:s3+$0xB000]  }
0xc4: {  	v2 =	vadd.f32 v4, v2  }
0xc5: {  	v4 =	vld [tilespmem:s3+$0xB280]  }
0xc6: {  	v2 =	vadd.f32 v5, v2  }
0xc7: {  	v5 =	vld [tilespmem:s3+$0xB500]  }
0xc8: {  	v2 =	vadd.f32 v3, v2  }
0xc9: {  	v3 =	vld [tilespmem:s3+$0xB780]  }
0xca: {  	v2 =	vadd.f32 v4, v2  }
0xcb: {  	v4 =	vld [tilespmem:s3+$0xBA00]  }
0xcc: {  	v2 =	vadd.f32 v5, v2  }
0xcd: {  	v5 =	vld [tilespmem:s3+$0xBC80]  }
0xce: {  	v2 =	vadd.f32 v3, v2  }
0xcf: {  	v3 =	vld [tilespmem:s3+$0xBF00]  }
0xd0: {  	v2 =	vadd.f32 v4, v2  }
0xd1: {  	v4 =	vld [tilespmem:s3+$0xC180]  }
0xd2: {  	v2 =	vadd.f32 v5, v2  }
0xd3: {  	v5 =	vld [tilespmem:s3+$0xC400]  }
0xd4: {  	v2 =	vadd.f32 v3, v2;
	_ =	sdelay $0x1  }
0xd5: {  	v2 =	vadd.f32 v4, v2  }
.Ltmp3:
0xd6: {  	(pc) =	sbr.rel @p1 .LBB2_8-.Ltmp3, $4  }
0xd7: {  	v2 =	vadd.f32 v5, v2  }
0xd8: {  	s2 =	sadd.s32 $0x10, s2  }
0xd9: {  	s3 =	sand.u32 $0x3F0, s5;
	[tilespmem:s2+$0x0] =	vst v2  }
0xda: {  	s4 =	sadd.s32 $0x10, s4;
	s5 =	sadd.s32 $0x10, s5;
	v2 =	vld [tilespmem:s3+$0xA100]  }
0xdb: {  	v3 =	vld [tilespmem:s4+$0x0];
	_ =	sdelay $0x1  }
0xdc: {  	v4 =	vld [tilespmem:s3+$0xA380];
	_ =	sdelay $0x1  }
0xdd: {  	v5 =	vld [tilespmem:s3+$0xA600]  }
0xde: {  	v2 =	vadd.f32 v2, v3  }
0xdf: {  	v3 =	vld [tilespmem:s3+$0xA880]  }
0xe0: {  	v2 =	vadd.f32 v4, v2  }
0xe1: {  	v46 =	vld [tilespmem:s3+$0xAB00]  }
0xe2: {  	v2 =	vadd.f32 v5, v2  }
0xe3: {  	v47 =	vld [tilespmem:s3+$0xAD80]  }
0xe4: {  	v2 =	vadd.f32 v3, v2  }
0xe5: {  	v3 =	vld [tilespmem:s3+$0xB000]  }
0xe6: {  	v2 =	vadd.f32 v46, v2  }
0xe7: {  	v48 =	vld [tilespmem:s3+$0xB280]  }
0xe8: {  	v2 =	vadd.f32 v47, v2  }
0xe9: {  	v49 =	vld [tilespmem:s3+$0xB500]  }
0xea: {  	v2 =	vadd.f32 v3, v2  }
0xeb: {  	v3 =	vld [tilespmem:s3+$0xB780]  }
0xec: {  	v2 =	vadd.f32 v48, v2  }
0xed: {  	v50 =	vld [tilespmem:s3+$0xBA00]  }
0xee: {  	v2 =	vadd.f32 v49, v2  }
0xef: {  	v51 =	vld [tilespmem:s3+$0xBC80]  }
0xf0: {  	v2 =	vadd.f32 v3, v2  }
0xf1: {  	v3 =	vld [tilespmem:s3+$0xBF00]  }
0xf2: {  	v2 =	vadd.f32 v50, v2  }
0xf3: {  	v52 =	vld [tilespmem:s3+$0xC180]  }
0xf4: {  	v2 =	vadd.f32 v51, v2  }
0xf5: {  	v53 =	vld [tilespmem:s3+$0xC400]  }
0xf6: {  	v2 =	vadd.f32 v3, v2;
	_ =	sdelay $0x1  }
0xf7: {  	v2 =	vadd.f32 v52, v2;
	_ =	sdelay $0x1  }
0xf8: {  	v2 =	vadd.f32 v53, v2  }
0xf9: {  	s2 =	sadd.s32 $0x10, s2  }
0xfa: {  	s5 =	simm.s32 $0x0;
	[tilespmem:s2+$0x0] =	vst v2  }
0xfb: {  	v2 =	vld [tilespmem:s5+$0xC680];
	_ =	sdelay $0x4  }
0xfc: {  	v3 =	vbroadcast v2, $0x0  }
0xfd: {  	s2 =	simm.s32 $0xC980;
	v54 =	vbroadcast v2, $0x1  }
0xfe: {  	v55 =	vbroadcast v2, $0x2;
	[tilespmem:s2+$0xFFFFFF80] =	vst v3  }
0xff: {  	v56 =	vbroadcast v2, $0x4;
	[tilespmem:s2+$0xFFFFFF90] =	vst v54  }
0x100: {  	v57 =	vbroadcast v2, $0x5;
	[tilespmem:s2+$0xFFFFFFA0] =	vst v55  }
0x101: {  	v58 =	vbroadcast v2, $0x7;
	[tilespmem:s2+$0xFFFFFFC0] =	vst v56  }
0x102: {  	v59 =	vbroadcast v2, $0x8;
	[tilespmem:s2+$0xFFFFFFD0] =	vst v57  }
0x103: {  	v60 =	vbroadcast v2, $0xA;
	[tilespmem:s2+$0xFFFFFFF0] =	vst v58  }
0x104: {  	v3 =	vbroadcast v2, $0x3;
	[tilespmem:s2+$0x0] =	vst v59  }
0x105: {  	v61 =	vbroadcast v2, $0xB;
	[tilespmem:s2+$0x20] =	vst v60  }
0x106: {  	[tilespmem:s2+$0xFFFFFFB0] =	vst v3;
	v3 =	vbroadcast v2, $0x6  }
0x107: {  	v62 =	vbroadcast v2, $0xD;
	[tilespmem:s2+$0x30] =	vst v61  }
0x108: {  	[tilespmem:s2+$0xFFFFFFE0] =	vst v3;
	v3 =	vbroadcast v2, $0x9  }
0x109: {  	v63 =	vbroadcast v2, $0xE;
	[tilespmem:s2+$0x50] =	vst v62  }
0x10a: {  	[tilespmem:s2+$0x10] =	vst v3;
	v3 =	vbroadcast v2, $0xC  }
0x10b: {  	[tilespmem:s2+$0x60] =	vst v63;
	v2 =	vbroadcast v2, $0xF  }
0x10c: {  	[tilespmem:s2+$0x40] =	vst v3  }
0x10d: {  	s4 =	simm.s32 $0x10;
	s3 =	simm.s32 $0x80;
	[tilespmem:s2+$0x70] =	vst v2  }
.LBB2_10:
0x10e: {  	p1 =	sne.s32 s3, $0x9C0;
	v2 =	vld [tilespmem:s4+$0xC680];
	_ =	sdelay $0x4  }
0x10f: {  	v3 =	vbroadcast v2, $0x0;
	v4 =	vbroadcast v2, $0x1  }
0x110: {  	s2 =	sadd.s32 $0x100, s2;
	v5 =	vbroadcast v2, $0x2;
	v6 =	vbroadcast v2, $0x3  }
0x111: {  	v7 =	vbroadcast v2, $0x5;
	[tilespmem:s2+$0xFFFFFF80] =	vst v3;
	v3 =	vbroadcast v2, $0x4  }
0x112: {  	v8 =	vbroadcast v2, $0x7;
	[tilespmem:s2+$0xFFFFFF90] =	vst v4;
	v4 =	vbroadcast v2, $0x6  }
0x113: {  	v9 =	vbroadcast v2, $0x9;
	[tilespmem:s2+$0xFFFFFFA0] =	vst v5;
	v5 =	vbroadcast v2, $0x8  }
0x114: {  	v10 =	vbroadcast v2, $0xB;
	[tilespmem:s2+$0xFFFFFFB0] =	vst v6;
	v6 =	vbroadcast v2, $0xA  }
0x115: {  	v11 =	vbroadcast v2, $0xD;
	[tilespmem:s2+$0xFFFFFFC0] =	vst v3;
	v3 =	vbroadcast v2, $0xC  }
0x116: {  	[tilespmem:s2+$0xFFFFFFD0] =	vst v7;
	v7 =	vbroadcast v2, $0xE;
	v2 =	vbroadcast v2, $0xF  }
0x117: {  	[tilespmem:s2+$0xFFFFFFE0] =	vst v4  }
0x118: {  	[tilespmem:s2+$0xFFFFFFF0] =	vst v8  }
0x119: {  	[tilespmem:s2+$0x0] =	vst v5  }
0x11a: {  	[tilespmem:s2+$0x10] =	vst v9  }
0x11b: {  	[tilespmem:s2+$0x20] =	vst v6  }
.Ltmp4:
0x11c: {  	[tilespmem:s2+$0x30] =	vst v10;
	(pc) =	sbr.rel @p1 .LBB2_10-.Ltmp4, $4  }
0x11d: {  	[tilespmem:s2+$0x40] =	vst v3  }
0x11e: {  	[tilespmem:s2+$0x50] =	vst v11  }
0x11f: {  	[tilespmem:s2+$0x60] =	vst v7  }
0x120: {  	s4 =	sshra.s32 s3, $0x2;
	s3 =	sadd.s32 $0x40, s3;
	[tilespmem:s2+$0x70] =	vst v2  }
0x121: {  	v2 =	vld [tilespmem:s4+$0xC680];
	_ =	sdelay $0x4  }
0x122: {  	v3 =	vbroadcast v2, $0x0  }
0x123: {  	s2 =	sadd.s32 $0x100, s2;
	v4 =	vbroadcast v2, $0x1  }
0x124: {  	v5 =	vbroadcast v2, $0x2;
	[tilespmem:s2+$0xFFFFFF80] =	vst v3  }
0x125: {  	v46 =	vbroadcast v2, $0x4;
	[tilespmem:s2+$0xFFFFFF90] =	vst v4  }
0x126: {  	v47 =	vbroadcast v2, $0x5;
	[tilespmem:s2+$0xFFFFFFA0] =	vst v5  }
0x127: {  	v48 =	vbroadcast v2, $0x7;
	[tilespmem:s2+$0xFFFFFFC0] =	vst v46  }
0x128: {  	v49 =	vbroadcast v2, $0x8;
	[tilespmem:s2+$0xFFFFFFD0] =	vst v47  }
0x129: {  	v50 =	vbroadcast v2, $0xA;
	[tilespmem:s2+$0xFFFFFFF0] =	vst v48  }
0x12a: {  	v3 =	vbroadcast v2, $0x3;
	[tilespmem:s2+$0x0] =	vst v49  }
0x12b: {  	v51 =	vbroadcast v2, $0xB;
	[tilespmem:s2+$0x20] =	vst v50  }
0x12c: {  	[tilespmem:s2+$0xFFFFFFB0] =	vst v3;
	v3 =	vbroadcast v2, $0x6  }
0x12d: {  	v52 =	vbroadcast v2, $0xD;
	[tilespmem:s2+$0x30] =	vst v51  }
0x12e: {  	[tilespmem:s2+$0xFFFFFFE0] =	vst v3;
	v3 =	vbroadcast v2, $0x9  }
0x12f: {  	v53 =	vbroadcast v2, $0xE;
	[tilespmem:s2+$0x50] =	vst v52  }
0x130: {  	[tilespmem:s2+$0x10] =	vst v3;
	v3 =	vbroadcast v2, $0xC  }
0x131: {  	[tilespmem:s2+$0x60] =	vst v53;
	v2 =	vbroadcast v2, $0xF  }
0x132: {  	[tilespmem:s2+$0x40] =	vst v3  }
0x133: {  	s3 =	simm.s32 @p0 $0x100;
	s4 =	simm.s32 @p0 $0xC900;
	[tilespmem:s2+$0x70] =	vst v2;
	s2 =	simm.s32 @p0 $0x80  }
0x134: {  	[hbm4b:s10+s2] =	stream.strided.scatter @p0 [tilespmem:s4], [sflag:$0x2], $0x1900, s3, s2, $0x38;
	[tilespmem:$0x14100] =	vst v63  }
0x135: {  	s2 =	simm.s32 @p0 $0x2  }
0x136: {  	_ =	swait.ge @p0 [sflag:s2], $0x1900  }
0x137: {  	s3 =	simm.s32 @!p0 $0x100;
	[sflag:s2] =	ssyncset.done @p0 $0x0  }
0x138: {  	s4 =	simm.s32 @!p0 $0xC900;
	[sflag:s2] =	ssyncadd.s32 @p0 $0xFFFFE700;
	s2 =	simm.s32 @!p0 $0x80  }
0x139: {  	[hbm4b:s6+s2] =	stream.strided.scatter @!p0 [tilespmem:s4], [sflag:$0x2], $0x2800, s3, s2, $0x38;
	[tilespmem:$0x14100] =	vst v63  }
0x13a: {  	s2 =	simm.s32 @!p0 $0x2  }
0x13b: {  	_ =	swait.ge @!p0 [sflag:s2], $0x2800  }
0x13c: {  	[sflag:s2] =	ssyncset.done @!p0 $0x0  }
0x13d: {  	s4 =	rddreg [dreg:$0x16];
	[sflag:s2] =	ssyncadd.s32 @!p0 $0xFFFFD800;
	s2 =	simm.s32 $0x9E80  }
0x13e: {  	[tilespmem:s2], [sflag:$0x2] =	stream.linear.gather [spmem:s4], $0x280, $0x38;
	[tilespmem:$0x14100] =	vst v63  }
0x13f: {  	_ =	swait.ge [sflag:s16], $0x280  }
0x140: {  	[sflag:s16] =	ssyncset.done $0x0  }
0x141: {  	s5 =	rddreg [dreg:$0x17];
	[sflag:s16] =	ssyncadd.s32 $0xFFFFFD80  }
0x142: {  	[tilespmem:s17], [sflag:$0x2] =	stream.linear.gather [spmem:s5], $0x280, $0x38;
	[tilespmem:$0x14100] =	vst v63  }
0x143: {  	_ =	swait.ge [sflag:s16], $0x280  }
0x144: {  	[sflag:s16] =	ssyncset.done $0x0  }
0x145: {  	s4 =	rddreg [dreg:$0x18];
	[sflag:s16] =	ssyncadd.s32 $0xFFFFFD80  }
0x146: {  	[tilespmem:s18], [sflag:$0x2] =	stream.linear.gather [spmem:s4], $0x280, $0x38;
	[tilespmem:$0x14100] =	vst v63  }
0x147: {  	_ =	swait.ge [sflag:s16], $0x280  }
0x148: {  	[sflag:s16] =	ssyncset.done $0x0  }
0x149: {  	s5 =	rddreg [dreg:$0x19];
	[sflag:s16] =	ssyncadd.s32 $0xFFFFFD80  }
0x14a: {  	[tilespmem:s19], [sflag:$0x2] =	stream.linear.gather [spmem:s5], $0x280, $0x38;
	[tilespmem:$0x14100] =	vst v63  }
0x14b: {  	_ =	swait.ge [sflag:s16], $0x280  }
0x14c: {  	[sflag:s16] =	ssyncset.done $0x0  }
0x14d: {  	s4 =	rddreg [dreg:$0x1a];
	[sflag:s16] =	ssyncadd.s32 $0xFFFFFD80  }
0x14e: {  	[tilespmem:s20], [sflag:$0x2] =	stream.linear.gather [spmem:s4], $0x280, $0x38;
	[tilespmem:$0x14100] =	vst v63  }
0x14f: {  	_ =	swait.ge [sflag:s16], $0x280  }
0x150: {  	[sflag:s16] =	ssyncset.done $0x0  }
0x151: {  	s5 =	rddreg [dreg:$0x1b];
	[sflag:s16] =	ssyncadd.s32 $0xFFFFFD80  }
0x152: {  	[tilespmem:s21], [sflag:$0x2] =	stream.linear.gather [spmem:s5], $0x280, $0x38;
	[tilespmem:$0x14100] =	vst v63  }
0x153: {  	_ =	swait.ge [sflag:s16], $0x280  }
0x154: {  	[sflag:s16] =	ssyncset.done $0x0  }
0x155: {  	s4 =	rddreg [dreg:$0x1c];
	[sflag:s16] =	ssyncadd.s32 $0xFFFFFD80  }
0x156: {  	[tilespmem:s22], [sflag:$0x2] =	stream.linear.gather [spmem:s4], $0x280, $0x38;
	[tilespmem:$0x14100] =	vst v63  }
0x157: {  	_ =	swait.ge [sflag:s16], $0x280  }
0x158: {  	[sflag:s16] =	ssyncset.done $0x0  }
0x159: {  	s5 =	rddreg [dreg:$0x1d];
	[sflag:s16] =	ssyncadd.s32 $0xFFFFFD80  }
0x15a: {  	[tilespmem:s23], [sflag:$0x2] =	stream.linear.gather [spmem:s5], $0x280, $0x38;
	[tilespmem:$0x14100] =	vst v63  }
0x15b: {  	_ =	swait.ge [sflag:s16], $0x280  }
0x15c: {  	[sflag:s16] =	ssyncset.done $0x0  }
0x15d: {  	s4 =	rddreg [dreg:$0x1e];
	[sflag:s16] =	ssyncadd.s32 $0xFFFFFD80  }
0x15e: {  	[tilespmem:s24], [sflag:$0x2] =	stream.linear.gather [spmem:s4], $0x280, $0x38;
	[tilespmem:$0x14100] =	vst v63  }
0x15f: {  	_ =	swait.ge [sflag:s16], $0x280  }
0x160: {  	[sflag:s16] =	ssyncset.done $0x0  }
0x161: {  	s5 =	rddreg [dreg:$0x1f];
	[sflag:s16] =	ssyncadd.s32 $0xFFFFFD80  }
0x162: {  	[tilespmem:s25], [sflag:$0x2] =	stream.linear.gather [spmem:s5], $0x280, $0x38;
	[tilespmem:$0x14100] =	vst v63  }
0x163: {  	_ =	swait.ge [sflag:s16], $0x280  }
0x164: {  	s4 =	sld [smem:$0x7F8]  }
0x165: {  	[sflag:s16] =	ssyncset.done $0x0  }
0x166: {  	[sflag:s16] =	ssyncadd.s32 $0xFFFFFD80  }
0x167: {  	[tilespmem:s26], [sflag:$0x2] =	stream.linear.gather [spmem:s4], $0x280, $0x38;
	[tilespmem:$0x14100] =	vst v63  }
0x168: {  	_ =	swait.ge [sflag:s16], $0x280  }
0x169: {  	s5 =	sld [smem:$0x7F9]  }
0x16a: {  	[sflag:s16] =	ssyncset.done $0x0  }
0x16b: {  	[sflag:s16] =	ssyncadd.s32 $0xFFFFFD80  }
0x16c: {  	[tilespmem:s28], [sflag:$0x2] =	stream.linear.gather [spmem:s5], $0x280, $0x38;
	[tilespmem:$0x14100] =	vst v63  }
0x16d: {  	_ =	swait.ge [sflag:s16], $0x280  }
0x16e: {  	s4 =	sld [smem:$0x7FA]  }
0x16f: {  	[sflag:s16] =	ssyncset.done $0x0  }
0x170: {  	[sflag:s16] =	ssyncadd.s32 $0xFFFFFD80  }
0x171: {  	[tilespmem:s29], [sflag:$0x2] =	stream.linear.gather [spmem:s4], $0x280, $0x38;
	[tilespmem:$0x14100] =	vst v63  }
0x172: {  	_ =	swait.ge [sflag:s16], $0x280  }
0x173: {  	s5 =	sld [smem:$0x7FB]  }
0x174: {  	[sflag:s16] =	ssyncset.done $0x0  }
0x175: {  	[sflag:s16] =	ssyncadd.s32 $0xFFFFFD80  }
0x176: {  	[tilespmem:s30], [sflag:$0x2] =	stream.linear.gather [spmem:s5], $0x280, $0x38;
	[tilespmem:$0x14100] =	vst v63  }
0x177: {  	_ =	swait.ge [sflag:s16], $0x280  }
0x178: {  	s4 =	sld [smem:$0x7FC]  }
0x179: {  	[sflag:s16] =	ssyncset.done $0x0  }
0x17a: {  	[sflag:s16] =	ssyncadd.s32 $0xFFFFFD80  }
0x17b: {  	[tilespmem:s31], [sflag:$0x2] =	stream.linear.gather [spmem:s4], $0x280, $0x38;
	[tilespmem:$0x14100] =	vst v63  }
0x17c: {  	_ =	swait.ge [sflag:s16], $0x280  }
0x17d: {  	s5 =	sld [smem:$0x7FD]  }
0x17e: {  	[sflag:s16] =	ssyncset.done $0x0  }
0x17f: {  	[sflag:s16] =	ssyncadd.s32 $0xFFFFFD80  }
0x180: {  	[tilespmem:s0], [sflag:$0x2] =	stream.linear.gather [spmem:s5], $0x280, $0x38;
	[tilespmem:$0x14100] =	vst v63  }
0x181: {  	_ =	swait.ge [sflag:s16], $0x280  }
0x182: {  	s4 =	simm.s32 $0x0;
	[sflag:s16] =	ssyncset.done $0x0  }
0x183: {  	s3 =	sand.u32 $0x3F0, s4;
	[sflag:s16] =	ssyncadd.s32 $0xFFFFFD80  }
0x184: {  	v2 =	vld [tilespmem:s3+$0xA100]  }
0x185: {  	v3 =	vld [tilespmem:s2+$0x0];
	_ =	sdelay $0x1  }
0x186: {  	v54 =	vld [tilespmem:s3+$0xA380];
	_ =	sdelay $0x1  }
0x187: {  	v55 =	vld [tilespmem:s3+$0xA600]  }
0x188: {  	v2 =	vadd.f32 v2, v3  }
0x189: {  	v3 =	vld [tilespmem:s3+$0xA880]  }
0x18a: {  	v2 =	vadd.f32 v54, v2  }
0x18b: {  	v56 =	vld [tilespmem:s3+$0xAB00]  }
0x18c: {  	v2 =	vadd.f32 v55, v2  }
0x18d: {  	v57 =	vld [tilespmem:s3+$0xAD80]  }
0x18e: {  	v2 =	vadd.f32 v3, v2  }
0x18f: {  	v3 =	vld [tilespmem:s3+$0xB000]  }
0x190: {  	v2 =	vadd.f32 v56, v2  }
0x191: {  	v58 =	vld [tilespmem:s3+$0xB280]  }
0x192: {  	v2 =	vadd.f32 v57, v2  }
0x193: {  	v59 =	vld [tilespmem:s3+$0xB500]  }
0x194: {  	v2 =	vadd.f32 v3, v2  }
0x195: {  	v3 =	vld [tilespmem:s3+$0xB780]  }
0x196: {  	v2 =	vadd.f32 v58, v2  }
0x197: {  	v60 =	vld [tilespmem:s3+$0xBA00]  }
0x198: {  	v2 =	vadd.f32 v59, v2  }
0x199: {  	v61 =	vld [tilespmem:s3+$0xBC80]  }
0x19a: {  	v2 =	vadd.f32 v3, v2  }
0x19b: {  	v3 =	vld [tilespmem:s3+$0xBF00]  }
0x19c: {  	v2 =	vadd.f32 v60, v2  }
0x19d: {  	v62 =	vld [tilespmem:s3+$0xC180]  }
0x19e: {  	v2 =	vadd.f32 v61, v2  }
0x19f: {  	v63 =	vld [tilespmem:s3+$0xC400]  }
0x1a0: {  	v2 =	vadd.f32 v3, v2;
	_ =	sdelay $0x1  }
0x1a1: {  	v2 =	vadd.f32 v62, v2;
	_ =	sdelay $0x1  }
0x1a2: {  	v2 =	vadd.f32 v63, v2  }
0x1a3: {  	s5 =	simm.s32 $0x10;
	s2 =	simm.s32 $0xC680  }
0x1a4: {  	s3 =	sand.u32 $0x3F0, s5;
	[tilespmem:s2+$0x0] =	vst v2  }
0x1a5: {  	s4 =	simm.s32 $0x9E90;
	s5 =	simm.s32 $0x20;
	v2 =	vld [tilespmem:s3+$0xA100]  }
.LBB2_12:
0x1a6: {  	p1 =	sne.s32 s5, $0x270;
	v3 =	vld [tilespmem:s4+$0x0];
	_ =	sdelay $0x1  }
0x1a7: {  	v4 =	vld [tilespmem:s3+$0xA380];
	_ =	sdelay $0x1  }
0x1a8: {  	v5 =	vld [tilespmem:s3+$0xA600]  }
0x1a9: {  	v2 =	vadd.f32 v2, v3  }
0x1aa: {  	v3 =	vld [tilespmem:s3+$0xA880]  }
0x1ab: {  	v2 =	vadd.f32 v4, v2  }
0x1ac: {  	v4 =	vld [tilespmem:s3+$0xAB00]  }
0x1ad: {  	v2 =	vadd.f32 v5, v2  }
0x1ae: {  	v5 =	vld [tilespmem:s3+$0xAD80]  }
0x1af: {  	v2 =	vadd.f32 v3, v2  }
0x1b0: {  	v3 =	vld [tilespmem:s3+$0xB000]  }
0x1b1: {  	v2 =	vadd.f32 v4, v2  }
0x1b2: {  	v4 =	vld [tilespmem:s3+$0xB280]  }
0x1b3: {  	v2 =	vadd.f32 v5, v2  }
0x1b4: {  	v5 =	vld [tilespmem:s3+$0xB500]  }
0x1b5: {  	v2 =	vadd.f32 v3, v2  }
0x1b6: {  	v3 =	vld [tilespmem:s3+$0xB780]  }
0x1b7: {  	v2 =	vadd.f32 v4, v2  }
0x1b8: {  	v4 =	vld [tilespmem:s3+$0xBA00]  }
0x1b9: {  	v2 =	vadd.f32 v5, v2  }
0x1ba: {  	v5 =	vld [tilespmem:s3+$0xBC80]  }
0x1bb: {  	v2 =	vadd.f32 v3, v2  }
0x1bc: {  	v3 =	vld [tilespmem:s3+$0xBF00]  }
0x1bd: {  	v2 =	vadd.f32 v4, v2  }
0x1be: {  	v4 =	vld [tilespmem:s3+$0xC180]  }
0x1bf: {  	v2 =	vadd.f32 v5, v2  }
0x1c0: {  	v5 =	vld [tilespmem:s3+$0xC400]  }
0x1c1: {  	v2 =	vadd.f32 v3, v2;
	_ =	sdelay $0x1  }
0x1c2: {  	v2 =	vadd.f32 v4, v2  }
.Ltmp5:
0x1c3: {  	(pc) =	sbr.rel @p1 .LBB2_12-.Ltmp5, $4  }
0x1c4: {  	v2 =	vadd.f32 v5, v2  }
0x1c5: {  	s2 =	sadd.s32 $0x10, s2  }
0x1c6: {  	s3 =	sand.u32 $0x3F0, s5;
	[tilespmem:s2+$0x0] =	vst v2  }
0x1c7: {  	s4 =	sadd.s32 $0x10, s4;
	s5 =	sadd.s32 $0x10, s5;
	v2 =	vld [tilespmem:s3+$0xA100]  }
0x1c8: {  	v3 =	vld [tilespmem:s4+$0x0];
	_ =	sdelay $0x1  }
0x1c9: {  	v4 =	vld [tilespmem:s3+$0xA380];
	_ =	sdelay $0x1  }
0x1ca: {  	v5 =	vld [tilespmem:s3+$0xA600]  }
0x1cb: {  	v2 =	vadd.f32 v2, v3  }
0x1cc: {  	v3 =	vld [tilespmem:s3+$0xA880]  }
0x1cd: {  	v2 =	vadd.f32 v4, v2  }
0x1ce: {  	v46 =	vld [tilespmem:s3+$0xAB00]  }
0x1cf: {  	v2 =	vadd.f32 v5, v2  }
0x1d0: {  	v47 =	vld [tilespmem:s3+$0xAD80]  }
0x1d1: {  	v2 =	vadd.f32 v3, v2  }
0x1d2: {  	v3 =	vld [tilespmem:s3+$0xB000]  }
0x1d3: {  	v2 =	vadd.f32 v46, v2  }
0x1d4: {  	v48 =	vld [tilespmem:s3+$0xB280]  }
0x1d5: {  	v2 =	vadd.f32 v47, v2  }
0x1d6: {  	v49 =	vld [tilespmem:s3+$0xB500]  }
0x1d7: {  	v2 =	vadd.f32 v3, v2  }
0x1d8: {  	v3 =	vld [tilespmem:s3+$0xB780]  }
0x1d9: {  	v2 =	vadd.f32 v48, v2  }
0x1da: {  	v50 =	vld [tilespmem:s3+$0xBA00]  }
0x1db: {  	v2 =	vadd.f32 v49, v2  }
0x1dc: {  	v51 =	vld [tilespmem:s3+$0xBC80]  }
0x1dd: {  	v2 =	vadd.f32 v3, v2  }
0x1de: {  	v3 =	vld [tilespmem:s3+$0xBF00]  }
0x1df: {  	v2 =	vadd.f32 v50, v2  }
0x1e0: {  	v52 =	vld [tilespmem:s3+$0xC180]  }
0x1e1: {  	v2 =	vadd.f32 v51, v2  }
0x1e2: {  	v53 =	vld [tilespmem:s3+$0xC400]  }
0x1e3: {  	v2 =	vadd.f32 v3, v2;
	_ =	sdelay $0x1  }
0x1e4: {  	v2 =	vadd.f32 v52, v2;
	_ =	sdelay $0x1  }
0x1e5: {  	v2 =	vadd.f32 v53, v2  }
0x1e6: {  	s2 =	sadd.s32 $0x10, s2  }
0x1e7: {  	s5 =	simm.s32 $0x0;
	[tilespmem:s2+$0x0] =	vst v2  }
0x1e8: {  	v2 =	vld [tilespmem:s5+$0xC680];
	_ =	sdelay $0x4  }
0x1e9: {  	v3 =	vbroadcast v2, $0x0  }
0x1ea: {  	s2 =	simm.s32 $0xC980;
	v54 =	vbroadcast v2, $0x1  }
0x1eb: {  	v55 =	vbroadcast v2, $0x2;
	[tilespmem:s2+$0xFFFFFF80] =	vst v3  }
0x1ec: {  	v56 =	vbroadcast v2, $0x4;
	[tilespmem:s2+$0xFFFFFF90] =	vst v54  }
0x1ed: {  	v57 =	vbroadcast v2, $0x5;
	[tilespmem:s2+$0xFFFFFFA0] =	vst v55  }
0x1ee: {  	v58 =	vbroadcast v2, $0x7;
	[tilespmem:s2+$0xFFFFFFC0] =	vst v56  }
0x1ef: {  	v59 =	vbroadcast v2, $0x8;
	[tilespmem:s2+$0xFFFFFFD0] =	vst v57  }
0x1f0: {  	v60 =	vbroadcast v2, $0xA;
	[tilespmem:s2+$0xFFFFFFF0] =	vst v58  }
0x1f1: {  	v3 =	vbroadcast v2, $0x3;
	[tilespmem:s2+$0x0] =	vst v59  }
0x1f2: {  	v61 =	vbroadcast v2, $0xB;
	[tilespmem:s2+$0x20] =	vst v60  }
0x1f3: {  	[tilespmem:s2+$0xFFFFFFB0] =	vst v3;
	v3 =	vbroadcast v2, $0x6  }
0x1f4: {  	v62 =	vbroadcast v2, $0xD;
	[tilespmem:s2+$0x30] =	vst v61  }
0x1f5: {  	[tilespmem:s2+$0xFFFFFFE0] =	vst v3;
	v3 =	vbroadcast v2, $0x9  }
0x1f6: {  	v63 =	vbroadcast v2, $0xE;
	[tilespmem:s2+$0x50] =	vst v62  }
0x1f7: {  	[tilespmem:s2+$0x10] =	vst v3;
	v3 =	vbroadcast v2, $0xC  }
0x1f8: {  	[tilespmem:s2+$0x60] =	vst v63;
	v2 =	vbroadcast v2, $0xF  }
0x1f9: {  	[tilespmem:s2+$0x40] =	vst v3  }
0x1fa: {  	s4 =	simm.s32 $0x10;
	s3 =	simm.s32 $0x80;
	[tilespmem:s2+$0x70] =	vst v2  }
.LBB2_14:
0x1fb: {  	p1 =	sne.s32 s3, $0x9C0;
	v2 =	vld [tilespmem:s4+$0xC680];
	_ =	sdelay $0x4  }
0x1fc: {  	v3 =	vbroadcast v2, $0x0;
	v4 =	vbroadcast v2, $0x1  }
0x1fd: {  	s2 =	sadd.s32 $0x100, s2;
	v5 =	vbroadcast v2, $0x2;
	v6 =	vbroadcast v2, $0x3  }
0x1fe: {  	v7 =	vbroadcast v2, $0x5;
	[tilespmem:s2+$0xFFFFFF80] =	vst v3;
	v3 =	vbroadcast v2, $0x4  }
0x1ff: {  	v8 =	vbroadcast v2, $0x7;
	[tilespmem:s2+$0xFFFFFF90] =	vst v4;
	v4 =	vbroadcast v2, $0x6  }
0x200: {  	v9 =	vbroadcast v2, $0x9;
	[tilespmem:s2+$0xFFFFFFA0] =	vst v5;
	v5 =	vbroadcast v2, $0x8  }
0x201: {  	v10 =	vbroadcast v2, $0xB;
	[tilespmem:s2+$0xFFFFFFB0] =	vst v6;
	v6 =	vbroadcast v2, $0xA  }
0x202: {  	v11 =	vbroadcast v2, $0xD;
	[tilespmem:s2+$0xFFFFFFC0] =	vst v3;
	v3 =	vbroadcast v2, $0xC  }
0x203: {  	[tilespmem:s2+$0xFFFFFFD0] =	vst v7;
	v7 =	vbroadcast v2, $0xE;
	v2 =	vbroadcast v2, $0xF  }
0x204: {  	[tilespmem:s2+$0xFFFFFFE0] =	vst v4  }
0x205: {  	[tilespmem:s2+$0xFFFFFFF0] =	vst v8  }
0x206: {  	[tilespmem:s2+$0x0] =	vst v5  }
0x207: {  	[tilespmem:s2+$0x10] =	vst v9  }
0x208: {  	[tilespmem:s2+$0x20] =	vst v6  }
.Ltmp6:
0x209: {  	[tilespmem:s2+$0x30] =	vst v10;
	(pc) =	sbr.rel @p1 .LBB2_14-.Ltmp6, $4  }
0x20a: {  	[tilespmem:s2+$0x40] =	vst v3  }
0x20b: {  	[tilespmem:s2+$0x50] =	vst v11  }
0x20c: {  	[tilespmem:s2+$0x60] =	vst v7  }
0x20d: {  	s4 =	sshra.s32 s3, $0x2;
	s3 =	sadd.s32 $0x40, s3;
	[tilespmem:s2+$0x70] =	vst v2  }
0x20e: {  	v2 =	vld [tilespmem:s4+$0xC680];
	_ =	sdelay $0x4  }
0x20f: {  	v3 =	vbroadcast v2, $0x0  }
0x210: {  	s2 =	sadd.s32 $0x100, s2;
	v4 =	vbroadcast v2, $0x1  }
0x211: {  	v5 =	vbroadcast v2, $0x2;
	[tilespmem:s2+$0xFFFFFF80] =	vst v3  }
0x212: {  	v56 =	vbroadcast v2, $0x4;
	[tilespmem:s2+$0xFFFFFF90] =	vst v4  }
0x213: {  	v57 =	vbroadcast v2, $0x5;
	[tilespmem:s2+$0xFFFFFFA0] =	vst v5  }
0x214: {  	v58 =	vbroadcast v2, $0x7;
	[tilespmem:s2+$0xFFFFFFC0] =	vst v56  }
0x215: {  	v59 =	vbroadcast v2, $0x8;
	[tilespmem:s2+$0xFFFFFFD0] =	vst v57  }
0x216: {  	v60 =	vbroadcast v2, $0xA;
	[tilespmem:s2+$0xFFFFFFF0] =	vst v58  }
0x217: {  	v3 =	vbroadcast v2, $0x3;
	[tilespmem:s2+$0x0] =	vst v59  }
0x218: {  	v61 =	vbroadcast v2, $0xB;
	[tilespmem:s2+$0x20] =	vst v60  }
0x219: {  	[tilespmem:s2+$0xFFFFFFB0] =	vst v3;
	v3 =	vbroadcast v2, $0x6  }
0x21a: {  	v62 =	vbroadcast v2, $0xD;
	[tilespmem:s2+$0x30] =	vst v61  }
0x21b: {  	[tilespmem:s2+$0xFFFFFFE0] =	vst v3;
	v3 =	vbroadcast v2, $0x9  }
0x21c: {  	v63 =	vbroadcast v2, $0xE;
	[tilespmem:s2+$0x50] =	vst v62  }
0x21d: {  	[tilespmem:s2+$0x10] =	vst v3;
	v3 =	vbroadcast v2, $0xC  }
0x21e: {  	[tilespmem:s2+$0x60] =	vst v63;
	v2 =	vbroadcast v2, $0xF  }
0x21f: {  	[tilespmem:s2+$0x40] =	vst v3  }
0x220: {  	s3 =	simm.s32 @p0 $0x100;
	s4 =	simm.s32 @p0 $0xC900;
	[tilespmem:s2+$0x70] =	vst v2;
	s2 =	simm.s32 @p0 $0x80  }
0x221: {  	[hbm4b:s11+s2] =	stream.strided.scatter @p0 [tilespmem:s4], [sflag:$0x2], $0x1900, s3, s2, $0x38;
	[tilespmem:$0x14100] =	vst v63  }
0x222: {  	s2 =	simm.s32 @p0 $0x2  }
0x223: {  	s1 =	sadd.s32 $0x1, s1;
	_ =	swait.ge @p0 [sflag:s2], $0x1900  }
0x224: {  	p1 =	sne.s32 s1, s12;
	s3 =	simm.s32 @!p0 $0x100;
	[sflag:s2] =	ssyncset.done @p0 $0x0  }
0x225: {  	s4 =	simm.s32 @!p0 $0xC900;
	[sflag:s2] =	ssyncadd.s32 @p0 $0xFFFFE700;
	s2 =	simm.s32 @!p0 $0x80  }
0x226: {  	[hbm4b:s7+s2] =	stream.strided.scatter @!p0 [tilespmem:s4], [sflag:$0x2], $0x2800, s3, s2, $0x38;
	[tilespmem:$0x14100] =	vst v63  }
.Ltmp7:
0x227: {  	_ = 	snop;
	(pc) =	sbr.rel @p1 .LBB2_1-.Ltmp7, $4  }
0x228: {  	s2 =	simm.s32 @!p0 $0x2  }
0x229: {  	_ =	swait.ge @!p0 [sflag:s2], $0x2800  }
0x22a: {  	[sflag:s2] =	ssyncset.done @!p0 $0x0  }
0x22b: {  	[sflag:s2] =	ssyncadd.s32 @!p0 $0xFFFFD800  }
0x22c: {  	_ =	sfence.sel $0x180000  }
0x22d: {  	[bflag:$0x0] =	sbarrier.arrive $0xFFFF  }
0x22e: {  	_ =	strace $0x90000047  }
0x22f: {  	s0 =	stileid.u32;
	[bflag:$0x2] =	sbarrier.arrive $0xFFFF  }
0x230: {  	p0 =	sne.s32 s0, $0x0;
	s0 =	rddreg [dreg:$0x3]  }
0x231: {  	s0 =	sadd.s32 @!p0 $0x100000, s0  }
0x232: {  	[sflag:s0] =	ssyncadd.tile.s32 @!p0 $0x1;
	_ =	shalt  }
.Lfunc_end2:
_tile_overlayer_lowered:
.L_overlay_start_2:
0x233: {  	(tag) =	ssettag $0x2  }
0x234: {  	s0 =	rddreg [dreg:$0x0];
	s2 =	stileid.u32  }
0x235: {  	s1 =	rddreg [dreg:$0x1];
	p0 =	sne.s32 s2, $0x0  }
0x236: {  	s3 =	rddreg [dreg:$0x2];
	[bflag:$0x3] =	sbarrier.arrive $0xFFFF;
	s2 =	simm.s32 @!p0 $0x1C02  }
0x237: {  	[timem:s3], [sflag:s2] =	dma.local @!p0 [hbm:s0], s1  }
0x238: {  	s0 =	simm.s32 @!p0 $0x2  }
0x239: {  	_ =	swait.ge @!p0 [sflag:s0], s1  }
0x23a: {  	s1 =	ssub.s32 @!p0 $0x0, s1;
	[sflag:s0] =	ssyncset.done @!p0 $0x0  }
0x23b: {  	[sflag:s0] =	ssyncadd.s32 @!p0 s1  }
0x23c: {  	[bflag:$0x3] =	sbarrier.arrive $0xFFFF  }
0x23d: {  	_ =	shalt  }

// kernel: kernel.13.cloned.1.call-start
scs
__scs_entry_jumppad:
0x0: {  	(pc) =	sbr.rel $0x88, $3  }
0x1: {  	(tag) =	ssettag $0x0;
	lr =	simm.s32 $0x1  }
0x2: {  	[smem:$0x3F99] =	sst lr;
	_ =	strace $0xD0000000  }
0x3: {  	_ = 	snop  }
0x4: {  	_ = 	snop  }
0x5: {  	_ = 	snop  }
0x6: {  	_ = 	snop  }
0x7: {  	_ = 	snop  }
__scs_overlays_trampoline_lowered:
0x8: {  	[smem:$0x3FA8] =	sst s0  }
0x9: {  	[smem:$0x3FA9] =	sst s1  }
0xa: {  	[smem:$0x3FAA] =	sst s2  }
0xb: {  	[smem:$0x3FAB] =	sst s3  }
0xc: {  	[smem:$0x3FAC] =	sst s4  }
0xd: {  	[smem:$0x3FAD] =	sst s5  }
0xe: {  	[smem:$0x3FAE] =	sst s6  }
0xf: {  	[smem:$0x3FAF] =	sst s7  }
0x10: {  	[smem:$0x3FB0] =	sst s8  }
0x11: {  	[smem:$0x3FB1] =	sst s9;
	s0 =	simm.s32 @!p0 $0x0  }
0x12: {  	s1 =	sld [smem:$0x3F97];
	s0 =	simm.s32 @p0 $0x1  }
0x13: {  	[smem:$0x3FB2] =	sst s0;
	s0 =	simm.s32 @!p1 $0x0  }
0x14: {  	s2 =	sld [smem:$0x3F96];
	s0 =	simm.s32 @p1 $0x1  }
0x15: {  	[smem:$0x3FB3] =	sst s0;
	s0 =	simm.s32 @!p2 $0x0  }
0x16: {  	s3 =	sld [smem:$0x3FDB];
	s0 =	simm.s32 @p2 $0x1  }
0x17: {  	s4 =	simm.s32 $0x1BF5;
	[smem:$0x3FB5] =	sst s0  }
0x18: {  	s0 =	sld [smem:$0x3F98];
	_ =	swait.ge [sflag:s4], $0x0  }
0x19: {  	s7 =	sld [smem:$0x3F99]  }
0x1a: {  	s8 =	sadd.s32 $0xFFFFE003, lr  }
0x1b: {  	s9 =	sadd.s32 $0xFFFFFEF7, lr;
	s5 =	simm.s32 $0xFFFFFFFF;
	p2 =	slt.u32 s8, $0xFFFFF086  }
0x1c: {  	p1 =	slt.u32 s9, $0xF7A;
	s5 =	simm.s32 @!p2 $0x0  }
0x1d: {  	s5 =	simm.s32 @p1 $0x1;
	p0 =	seq.s32 s7, s2  }
0x1e: {  	s7 =	smul.u32 @!p0 $0xF7A, s2;
	p2 =	seq.s32 @!p0 s5, $0x0  }
0x1f: {  	s9 =	smul.u32 $0xF7A, s1;
	s8 =	simm.s32 @!p0 $0x1BF5;
	p2 =	por !p2, p0  }
0x20: {  	[sflag:s8] =	ssyncset.s32 @!p0 $0xFFFFF086;
	s6 =	sadd.s32 @!p0 s3, s7;
	s7 =	simm.s32 @!p0 $0x108  }
0x21: {  	s3 =	sadd.s32 s3, s9;
	s6 =	sadd.s32 @!p0 $0x88, s6;
	s7 =	simm.s32 @p2 $0x1082  }
0x22: {  	[simem:s7], [sflag:s8] =	dma.local @!p0 [hbm:s6], $0xF7A  }
0x23: {  	s9 =	sor.u32 $0xD0000000, s2;
	s6 =	simm.s32 $0x108;
	_ =	swait.ge @!p0 [sflag:s8], $0x0  }
0x24: {  	s3 =	sadd.s32 $0x88, s3;
	s6 =	simm.s32 @!p1 $0x1082;
	[sflag:s4] =	ssyncset.s32 $0xFFFFF086  }
0x25: {  	[simem:s6], [sflag:s4] =	dma.local [hbm:s3], $0xF7A  }
0x26: {  	[smem:$0x3F99] =	sst s1;
	(tag) =	ssettag s2;
	_ =	strace s9  }
0x27: {  	s1 =	sld [smem:$0x3FA9]  }
0x28: {  	s2 =	sld [smem:$0x3FAA]  }
0x29: {  	s4 =	sld [smem:$0x3FAC]  }
0x2a: {  	p0 =	seq.s32 s5, $0x0;
	s5 =	sld [smem:$0x3FAD]  }
0x2b: {  	s6 =	sld [smem:$0x3FAE]  }
0x2c: {  	s7 =	sld [smem:$0x3FAF]  }
0x2d: {  	s3 =	simm.s32 $0x108;
	s8 =	sld [smem:$0x3FB0]  }
0x2e: {  	s3 =	simm.s32 @!p0 $0x1082;
	s9 =	sld [smem:$0x3FB1]  }
0x2f: {  	lr =	sadd.s32 s0, s3;
	s0 =	sld [smem:$0x3FA8]  }
0x30: {  	s3 =	sld [smem:$0x3FAB]  }
0x31: {  	[smem:$0x3FB4] =	sst s10  }
0x32: {  	s10 =	sld [smem:$0x3FB2];
	_ =	sdelay $0x3  }
0x33: {  	p0 =	seq.s32 s10, $0x1;
	s10 =	sld [smem:$0x3FB4];
	_ =	sdelay $0x3  }
0x34: {  	[smem:$0x3FB4] =	sst s10  }
0x35: {  	s10 =	sld [smem:$0x3FB3];
	_ =	sdelay $0x3  }
0x36: {  	p1 =	seq.s32 s10, $0x1;
	s10 =	sld [smem:$0x3FB4];
	_ =	sdelay $0x3  }
0x37: {  	[smem:$0x3FB4] =	sst s10  }
0x38: {  	s10 =	sld [smem:$0x3FB5]  }
0x39: {  	_ = 	snop;
	(pc) =	sbr.ind lr, $3  }
0x3a: {  	_ = 	snop  }
0x3b: {  	_ = 	snop  }
0x3c: {  	p2 =	seq.s32 s10, $0x1;
	s10 =	sld [smem:$0x3FB4]  }
0x3d: {  	_ =	shalt  }
0x3e: {  	_ =	shalt  }
0x3f: {  	_ =	shalt  }
0x40: {  	_ =	shalt  }
0x41: {  	_ =	shalt  }
0x42: {  	_ =	shalt  }
0x43: {  	_ =	shalt  }
0x44: {  	_ =	shalt  }
0x45: {  	_ =	shalt  }
0x46: {  	_ =	shalt  }
0x47: {  	_ =	shalt  }
0x48: {  	_ =	shalt  }
0x49: {  	_ =	shalt  }
0x4a: {  	_ =	shalt  }
0x4b: {  	_ =	shalt  }
0x4c: {  	_ =	shalt  }
0x4d: {  	_ =	shalt  }
0x4e: {  	_ =	shalt  }
0x4f: {  	_ =	shalt  }
0x50: {  	_ =	shalt  }
0x51: {  	_ =	shalt  }
0x52: {  	_ =	shalt  }
0x53: {  	_ =	shalt  }
0x54: {  	_ =	shalt  }
0x55: {  	_ =	shalt  }
0x56: {  	_ =	shalt  }
0x57: {  	_ =	shalt  }
0x58: {  	_ =	shalt  }
0x59: {  	_ =	shalt  }
0x5a: {  	_ =	shalt  }
0x5b: {  	_ =	shalt  }
0x5c: {  	_ =	shalt  }
0x5d: {  	_ =	shalt  }
0x5e: {  	_ =	shalt  }
0x5f: {  	_ =	shalt  }
0x60: {  	_ =	shalt  }
0x61: {  	_ =	shalt  }
0x62: {  	_ =	shalt  }
0x63: {  	_ =	shalt  }
0x64: {  	_ =	shalt  }
0x65: {  	_ =	shalt  }
0x66: {  	_ =	shalt  }
0x67: {  	_ =	shalt  }
0x68: {  	_ =	shalt  }
0x69: {  	_ =	shalt  }
0x6a: {  	_ =	shalt  }
0x6b: {  	_ =	shalt  }
0x6c: {  	_ =	shalt  }
0x6d: {  	_ =	shalt  }
0x6e: {  	_ =	shalt  }
0x6f: {  	_ =	shalt  }
0x70: {  	_ =	shalt  }
0x71: {  	_ =	shalt  }
0x72: {  	_ =	shalt  }
0x73: {  	_ =	shalt  }
0x74: {  	_ =	shalt  }
0x75: {  	_ =	shalt  }
0x76: {  	_ =	shalt  }
0x77: {  	_ =	shalt  }
0x78: {  	_ =	shalt  }
0x79: {  	_ =	shalt  }
0x7a: {  	_ =	shalt  }
0x7b: {  	_ =	shalt  }
0x7c: {  	_ =	shalt  }
0x7d: {  	_ =	shalt  }
0x7e: {  	_ =	shalt  }
0x7f: {  	_ =	shalt  }
0x80: {  	_ =	shalt  }
0x81: {  	_ =	shalt  }
0x82: {  	_ =	shalt  }
0x83: {  	_ =	shalt  }
0x84: {  	_ =	shalt  }
0x85: {  	_ =	shalt  }
0x86: {  	_ =	shalt  }
0x87: {  	_ =	shalt  }
.Lfunc_end0:
.L_simem_size_0:
called_computation.1_lowered:
.L_overlay_start_0:
0x88: {  	s2 =	sld [smem:$0x3FD9]  }
0x89: {  	s3 =	sld [smem:$0x3FFE];
	_ =	sdelay $0x1  }
0x8a: {  	s1 =	srdreg.scid  }
0x8b: {  	s0 =	sand.u32 $0x1, s1  }
0x8c: {  	s17 =	sshll.u32 s0, $0xA;
	s2 =	sadd.s32 s3, s2  }
0x8d: {  	s2 =	sadd.s32 s2, s17  }
0x8e: {  	[smem:$0x3FC0] =	sst s2  }
0x8f: {  	_ = 	snop  }
0x90: {  	s2 =	sld [smem:$0x3FD0];
	(tm) =	ssettm $0x1  }
0x91: {  	s18 =	sld [smem:$0x3FFB];
	_ =	sdelay $0x3  }
0x92: {  	_ =	strace s18  }
0x93: {  	s3 =	sld [smem:$0x3FFC];
	_ =	sdelay $0x3  }
0x94: {  	_ =	strace s3  }
0x95: {  	s3 =	sld [smem:$0x3FFD];
	_ =	sdelay $0x3  }
0x96: {  	_ =	strace s3  }
0x97: {  	_ =	strace $0x8FFFFFFF  }
0x98: {  	s19 =	sld [smem:$0x3FDB];
	_ =	sdelay $0x1  }
0x99: {  	s4 =	simm.s32 $_scs_section_size  }
0x9a: {  	s5 =	simm.s32 $_size__tile_overlayer_lowered;
	s6 =	simm.s32 $_tile_overlayer_lowered  }
0x9b: {  	s22 =	simm.s32 $0x1BFF;
	s21 =	sshll.u32 s6, $0x1;
	s3 =	sadd.s32 s4, s19  }
0x9c: {  	s7 =	simm.s32 $0x0;
	s20 =	sshll.u32 s5, $0x1;
	s5 =	sadd.s32 s21, s3  }
0x9d: {  	[timem:s7], [sflag:s22] =	dma.local [hbm:s5], s20  }
0x9e: {  	_ =	swait.ge [sflag:s22], s20  }
0x9f: {  	s4 =	ssub.s32 $0x0, s20;
	[sflag:s22] =	ssyncset.done $0x0  }
0xa0: {  	[sflag:s22] =	ssyncadd.s32 s4;
	_ =	sdelay $0x1  }
0xa1: {  	s23 =	simm.s32 $0x1B8B  }
0xa2: {  	_ =	swait.ge [sflag:s23], $0x1  }
0xa3: {  	[sflag:s23] =	ssyncset.done $0x0  }
0xa4: {  	s25 =	simm.s32 $0x1B8E;
	s24 =	sld [smem:$0x3FFE];
	[sflag:s23] =	ssyncadd.s32 $0xFFFFFFFF  }
0xa5: {  	s26 =	simm.s32 $execute0_lowered;
	[smem:$0x3FD2] =	sst s25  }
0xa6: {  	s5 =	sshll.u32 s26, $0x1;
	_ =	strace $0x80000049;
	[dreg:$0x1] =	wrdreg $0xFFFFFFFF  }
0xa7: {  	s28 =	simm.s32 $_size_execute0_lowered;
	s3 =	sadd.s32 s3, s5;
	[dreg:$0x0] =	wrdreg $0x0  }
0xa8: {  	s5 =	sshll.u32 s28, $0x1;
	[dreg:$0x2] =	wrdreg s3  }
0xa9: {  	[dreg:$0x3] =	wrdreg s5  }
0xaa: {  	[dreg:$0x4] =	wrdreg $0xC0  }
0xab: {  	_ =	task [dreg:s7], $0x5FFFF  }
0xac: {  	[dreg:$0x1] =	wrdreg $0xFFFFFFFF  }
0xad: {  	[dreg:$0x0] =	wrdreg $0x60  }
0xae: {  	[dreg:$0x2] =	wrdreg s24  }
0xaf: {  	[dreg:$0x3] =	wrdreg s2  }
0xb0: {  	[dreg:$0x4] =	wrdreg $0xB7800  }
0xb1: {  	[dreg:$0x5] =	wrdreg $0x9  }
0xb2: {  	_ =	task.clear_ibuf [dreg:s7], $0x6FFFF;
	_ =	strace $0x90000049  }
0xb3: {  	s29 =	simm.s32 $0x9;
	_ =	strace $0x8000004B  }
0xb4: {  	_ =	swait.ge [sflag:s29], $0x1  }
0xb5: {  	[sflag:s29] =	ssyncadd.s32 $0xFFFFFFFF  }
0xb6: {  	_ =	strace $0x9000004B  }
0xb7: {  	_ =	sfence  }
0xb8: {  	s30 =	sld [smem:$0x0];
	_ =	sdelay $0x2  }
0xb9: {  	s31 =	sshll.u32 s1, $0xD;
	s1 =	sshrl.u32 s1, $0x2  }
0xba: {  	s3 =	sand.u32 $0x4000, s31;
	s1 =	sadd.s32 s1, s30  }
0xbb: {  	s0 =	sor.u32 s3, s0;
	s1 =	sshll.u32 s1, $0x11  }
0xbc: {  	s0 =	sor.u32 s1, s0  }
0xbd: {  	s0 =	sadd.s32 $0x8F2B, s0  }
0xbe: {  	[sflag:s0] =	ssyncadd.remote.s32 $0x1  }
0xbf: {  	_ =	sfence.sel $0xFFFF  }
0xc0: {  	[dreg:$0x0] =	wrdreg $0xFFFFFFFF;
	(pc) =	sbr.abs _section_cstart, $3  }
0xc1: {  	[dreg:$0x1] =	wrdreg $0xFFFFFFFF  }
0xc2: {  	_ =	task.clear_ibuf [dreg:s7], $0x2FFFF;
	_ =	strace $0x9FFFFFFF  }
0xc3: {  	(tm) =	ssettm $0x7FFFFFFF  }
tec
execute0_lowered:
.L_overlay_start_1:
0x0: {  	(tag) =	ssettag $0x1  }
0x1: {  	s5 =	rddreg [dreg:$0x0]  }
0x2: {  	s6 =	rddreg [dreg:$0x1]  }
0x3: {  	s1 =	rddreg [dreg:$0x2];
	s2 =	srdreg.scid  }
0x4: {  	s3 =	simm.s32 $0x0;
	s0 =	stileid.u32;
	s20 =	simm.s32 $0x6780  }
0x5: {  	s21 =	simm.s32 $0x4;
	s22 =	simm.s32 $0x3;
	s23 =	simm.s32 $0x50  }
0x6: {  	s24 =	simm.s32 $0x1;
	s25 =	simm.s32 $0x8F80;
	s26 =	simm.s32 $0x2  }
0x7: {  	s28 =	simm.s32 $0x6580;
	s29 =	simm.s32 $0x0;
	s8 =	sand.u32 $0x1, s2  }
0x8: {  	[smem:$0x7FF] =	sst s3;
	s12 =	smul.u32 $0x4E000, s0;
	s16 =	sadd.s32 $0x9FE00, s5  }
0x9: {  	s15 =	smul.u32 $0x13800, s0;
	p0 =	sne.s32 s0, $0xF;
	s4 =	sshll.u32 s8, $0x4  }
0xa: {  	_ =	strace $0x8000004A;
	s10 =	ssub.s32 $0x2, s8;
	s14 =	smul.u32 $0x138800, s8  }
0xb: {  	s7 =	sor.u32 s0, s4;
	s4 =	sadd.s32 $0x78C00, s5;
	s11 =	sshrl.u32 s10, $0x1  }
0xc: {  	s31 =	sshrl.u32 s12, $0x2;
	s9 =	smul.u32 $0x4E2, s7;
	s18 =	ssub.s32 s10, s11  }
0xd: {  	s7 =	sshll.u32 s7, $0xB;
	s15 =	sadd.s32 s15, s14;
	s17 =	sshrl.u32 s14, $0x3  }
0xe: {  	s6 =	sadd.s32 s6, s7;
	s7 =	sadd.s32 s31, s1;
	s19 =	sshrl.u32 s15, $0x3  }
0xf: {  	s17 =	sadd.s32 s16, s17;
	s15 =	sadd.s32 $0x138000, s1;
	s18 =	smax.u32 s18, $0x1  }
0x10: {  	s9 =	sadd.s32 s9, s5;
	s8 =	sadd.s32 $0x2800, s7;
	s10 =	sadd.s32 $0x7800, s7  }
0x11: {  	s11 =	sadd.s32 $0xA000, s7;
	s12 =	sadd.s32 $0xC800, s7;
	s13 =	sadd.s32 $0xF000, s7  }
0x12: {  	s14 =	sadd.s32 $0x11800, s7;
	s16 =	sadd.s32 s16, s19;
	s17 =	sadd.s32 $0x27000, s17  }
0x13: {  	v0 =	vimm.f32 $0.0e+00;
	s19 =	stileid.u32;
	s5 =	sadd.s32 $0xD000, s9;
	s9 =	sadd.s32 $0x5000, s7  }
.LBB2_1:
0x14: {  	[tilespmem:s3], [sflag:$0x3] =	stream.linear.gather [hbm4b:s5+s3], $0x2710, $0x38;
	[tilespmem:$0x1F000] =	vst v63  }
0x15: {  	s0 =	simm.s32 $0x2780;
	s30 =	simm.s32 $0x70;
	s31 =	simm.s32 $0x3C0  }
0x16: {  	[tilespmem:s0], [sflag:$0x3] =	stream.linear.gather [hbm4b:s6+s3], $0x3E80, $0x38;
	[tilespmem:$0x1F000] =	vst v63  }
.LBB2_2:
0x17: {  	p1 =	sne.s32 s31, $0x9FC0;
	[tilespmem:s30+$0x6780] =	vst v0  }
0x18: {  	[tilespmem:s30+$0x6710] =	vst v0  }
0x19: {  	[tilespmem:s30+$0x6720] =	vst v0  }
.Ltmp0:
0x1a: {  	[tilespmem:s30+$0x6730] =	vst v0;
	(pc) =	sbr.rel @p1 .LBB2_2-.Ltmp0, $4  }
0x1b: {  	[tilespmem:s30+$0x6740] =	vst v0  }
0x1c: {  	[tilespmem:s30+$0x6750] =	vst v0  }
0x1d: {  	[tilespmem:s30+$0x6760] =	vst v0  }
0x1e: {  	[tilespmem:s30+$0x6770] =	vst v0;
	s30 =	sshra.s32 s31, $0x2;
	s31 =	sadd.s32 $0x200, s31  }
0x1f: {  	[tilespmem:s30+$0x6780] =	vst v0  }
0x20: {  	[tilespmem:s30+$0x6710] =	vst v0  }
0x21: {  	[tilespmem:s30+$0x6720] =	vst v0  }
0x22: {  	[tilespmem:s30+$0x6730] =	vst v0  }
0x23: {  	[tilespmem:s30+$0x6740] =	vst v0  }
0x24: {  	[tilespmem:s30+$0x6750] =	vst v0  }
0x25: {  	[tilespmem:s30+$0x6760] =	vst v0  }
0x26: {  	[tilespmem:s30+$0x6770] =	vst v0  }
0x27: {  	[spmem:s7] =	stream.linear.scatter [tilespmem:s20], [sflag:$0x4], $0x2800, $0x38;
	[tilespmem:$0x1F000] =	vst v63  }
0x28: {  	_ =	swait.ge [sflag:s21], $0x2800  }
0x29: {  	[sflag:s21] =	ssyncset.done $0x0  }
0x2a: {  	[sflag:s21] =	ssyncadd.s32 $0xFFFFD800  }
0x2b: {  	[spmem:s8] =	stream.linear.scatter [tilespmem:s20], [sflag:$0x4], $0x2800, $0x38;
	[tilespmem:$0x1F000] =	vst v63  }
0x2c: {  	_ =	swait.ge [sflag:s21], $0x2800  }
0x2d: {  	[sflag:s21] =	ssyncset.done $0x0  }
0x2e: {  	[sflag:s21] =	ssyncadd.s32 $0xFFFFD800  }
0x2f: {  	[spmem:s9] =	stream.linear.scatter [tilespmem:s20], [sflag:$0x4], $0x2800, $0x38;
	[tilespmem:$0x1F000] =	vst v63  }
0x30: {  	_ =	swait.ge [sflag:s21], $0x2800  }
0x31: {  	[sflag:s21] =	ssyncset.done $0x0  }
0x32: {  	[sflag:s21] =	ssyncadd.s32 $0xFFFFD800  }
0x33: {  	[spmem:s10] =	stream.linear.scatter [tilespmem:s20], [sflag:$0x4], $0x2800, $0x38;
	[tilespmem:$0x1F000] =	vst v63  }
0x34: {  	_ =	swait.ge [sflag:s21], $0x2800  }
0x35: {  	[sflag:s21] =	ssyncset.done $0x0  }
0x36: {  	[sflag:s21] =	ssyncadd.s32 $0xFFFFD800  }
0x37: {  	[spmem:s11] =	stream.linear.scatter [tilespmem:s20], [sflag:$0x4], $0x2800, $0x38;
	[tilespmem:$0x1F000] =	vst v63  }
0x38: {  	_ =	swait.ge [sflag:s21], $0x2800  }
0x39: {  	[sflag:s21] =	ssyncset.done $0x0  }
0x3a: {  	[sflag:s21] =	ssyncadd.s32 $0xFFFFD800  }
0x3b: {  	[spmem:s12] =	stream.linear.scatter [tilespmem:s20], [sflag:$0x4], $0x2800, $0x38;
	[tilespmem:$0x1F000] =	vst v63  }
0x3c: {  	_ =	swait.ge [sflag:s21], $0x2800  }
0x3d: {  	[sflag:s21] =	ssyncset.done $0x0  }
0x3e: {  	[sflag:s21] =	ssyncadd.s32 $0xFFFFD800  }
0x3f: {  	[spmem:s13] =	stream.linear.scatter [tilespmem:s20], [sflag:$0x4], $0x2800, $0x38;
	[tilespmem:$0x1F000] =	vst v63  }
0x40: {  	_ =	swait.ge [sflag:s21], $0x2800  }
0x41: {  	[sflag:s21] =	ssyncset.done $0x0  }
0x42: {  	[sflag:s21] =	ssyncadd.s32 $0xFFFFD800  }
0x43: {  	[spmem:s14] =	stream.linear.scatter [tilespmem:s20], [sflag:$0x4], $0x2000, $0x38;
	[tilespmem:$0x1F000] =	vst v63  }
0x44: {  	_ =	swait.ge [sflag:s21], $0x2000  }
0x45: {  	[sflag:s21] =	ssyncset.done $0x0  }
0x46: {  	s30 =	simm.s32 @!p0 $0x6780;
	[sflag:s21] =	ssyncadd.s32 $0xFFFFE000  }
0x47: {  	[spmem:s15] =	stream.linear.scatter @!p0 [tilespmem:s30], [sflag:$0x4], $0x800, $0x38;
	[tilespmem:$0x1F000] =	vst v63  }
0x48: {  	s30 =	simm.s32 @!p0 $0x4  }
0x49: {  	_ =	swait.ge @!p0 [sflag:s30], $0x800  }
0x4a: {  	[sflag:s30] =	ssyncset.done @!p0 $0x0  }
0x4b: {  	[sflag:s30] =	ssyncadd.s32 @!p0 $0xFFFFF800  }
0x4c: {  	_ =	swait.ge [sflag:s22], $0x2710  }
0x4d: {  	[sflag:s22] =	ssyncset.done $0x0  }
0x4e: {  	[sflag:s22] =	ssyncadd.s32 $0xFFFFD8F0  }
0x4f: {  	_ =	swait.ge [sflag:s22], $0x3E80  }
0x50: {  	[sflag:s22] =	ssyncset.done $0x0  }
0x51: {  	[sflag:s22] =	ssyncadd.s32 $0xFFFFC180  }
0x52: {  	s30 =	simm.s32 $0x0;
	[bflag:$0x0] =	sbarrier.arrive $0xFFFF  }
0x53: {  	[tilespmem:s20], [sflag:$0x1] =	stream.indirect.gather [hbm4b:s4+s23], $0x80, s30, s23, $0xb8;
	[tilespmem:$0x1F000] =	vst v63  }
0x54: {  	_ =	swait.ge [sflag:s24], $0x2800  }
0x55: {  	[sflag:s24] =	ssyncset.done $0x0  }
0x56: {  	s30 =	simm.s32 $0x2780;
	[sflag:s24] =	ssyncadd.s32 $0xFFFFD800  }
0x57: {  	[spmem:s1] =	stream.indirect.scatter.add.f32 [tilespmem:s20], [sflag:$0x1], $0x80, s30, s23, $0xb8;
	[tilespmem:$0x1F000] =	vst v63  }
0x58: {  	s30 =	simm.s32 $0x50  }
0x59: {  	[tilespmem:s25], [sflag:$0x2] =	stream.indirect.gather [hbm4b:s4+s23], $0x80, s30, s23, $0xb8;
	[tilespmem:$0x1F000] =	vst v63  }
0x5a: {  	_ =	swait.ge [sflag:s24], $0x2800  }
0x5b: {  	[sflag:s24] =	ssyncset.done $0x0  }
0x5c: {  	s30 =	simm.s32 $0xA0;
	[sflag:s24] =	ssyncadd.s32 $0xFFFFD800  }
0x5d: {  	[tilespmem:s20], [sflag:$0x1] =	stream.indirect.gather [hbm4b:s4+s23], $0x80, s30, s23, $0xb8;
	[tilespmem:$0x1F000] =	vst v63  }
0x5e: {  	_ =	swait.ge [sflag:s26], $0x2800  }
0x5f: {  	[sflag:s26] =	ssyncset.done $0x0  }
0x60: {  	s31 =	simm.s32 $0x2800;
	[sflag:s26] =	ssyncadd.s32 $0xFFFFD800  }
0x61: {  	[spmem:s1] =	stream.indirect.scatter.add.f32 [tilespmem:s25], [sflag:$0x2], $0x80, s31, s23, $0xb8;
	[tilespmem:$0x1F000] =	vst v63  }
0x62: {  	_ =	swait.ge [sflag:s26], $0x2800  }
0x63: {  	s31 =	simm.s32 $0x400;
	[sflag:s26] =	ssyncset.done $0x0  }
.LBB2_4:
0x64: {  	p1 =	sne.s32 s31, $0xF400;
	[sflag:s26] =	ssyncadd.s32 $0xFFFFD800;
	s30 =	sadd.s32 $0xA0, s30  }
0x65: {  	s0 =	smov.u32 s31;
	s31 =	sadd.s32 $0x400, s31;
	_ =	swait.ge [sflag:s24], $0x2800  }
0x66: {  	s0 =	sshra.s32 s0, $0x2;
	[sflag:s24] =	ssyncset.done $0x0  }
0x67: {  	s2 =	sadd.s32 $0x2780, s0;
	[sflag:s24] =	ssyncadd.s32 $0xFFFFD800  }
0x68: {  	[spmem:s1] =	stream.indirect.scatter.add.f32 [tilespmem:s20], [sflag:$0x1], $0x80, s2, s23, $0xb8;
	[tilespmem:$0x1F000] =	vst v63  }
0x69: {  	s2 =	sadd.s32 $0xFFFFFFB0, s30  }
0x6a: {  	[tilespmem:s25], [sflag:$0x2] =	stream.indirect.gather [hbm4b:s4+s23], $0x80, s2, s23, $0xb8;
	[tilespmem:$0x1F000] =	vst v63  }
0x6b: {  	_ =	swait.ge [sflag:s24], $0x2800  }
0x6c: {  	[sflag:s24] =	ssyncset.done $0x0  }
0x6d: {  	[sflag:s24] =	ssyncadd.s32 $0xFFFFD800  }
0x6e: {  	[tilespmem:s20], [sflag:$0x1] =	stream.indirect.gather [hbm4b:s4+s23], $0x80, s30, s23, $0xb8;
	[tilespmem:$0x1F000] =	vst v63  }
0x6f: {  	_ =	swait.ge [sflag:s26], $0x2800  }
.Ltmp1:
0x70: {  	[sflag:s26] =	ssyncset.done $0x0;
	(pc) =	sbr.rel @p1 .LBB2_4-.Ltmp1, $4  }
0x71: {  	s0 =	sadd.s32 $0x2800, s0;
	[sflag:s26] =	ssyncadd.s32 $0xFFFFD800  }
0x72: {  	[spmem:s1] =	stream.indirect.scatter.add.f32 [tilespmem:s25], [sflag:$0x2], $0x80, s0, s23, $0xb8;
	[tilespmem:$0x1F000] =	vst v63  }
0x73: {  	_ =	swait.ge [sflag:s26], $0x2800  }
0x74: {  	[sflag:s26] =	ssyncset.done $0x0  }
0x75: {  	[sflag:s26] =	ssyncadd.s32 $0xFFFFD800  }
0x76: {  	_ =	swait.ge [sflag:s24], $0x2800  }
0x77: {  	[sflag:s24] =	ssyncset.done $0x0  }
0x78: {  	[sflag:s24] =	ssyncadd.s32 $0xFFFFD800  }
0x79: {  	[spmem:s1] =	stream.indirect.scatter.add.f32 [tilespmem:s20], [sflag:$0x1], $0x80, s28, s23, $0xb8;
	[tilespmem:$0x1F000] =	vst v63  }
0x7a: {  	_ =	swait.ge [sflag:s24], $0x2800  }
0x7b: {  	[sflag:s24] =	ssyncset.done $0x0  }
0x7c: {  	s0 =	sshll.u32 s19, $0x6;
	[sflag:s24] =	ssyncadd.s32 $0xFFFFD800  }
0x7d: {  	s2 =	sshrl.u32 s7, $0x3;
	s0 =	sor.u32 $0x1C04, s0;
	[bflag:$0x0] =	sbarrier.arrive $0xFFFF  }
0x7e: {  	[hbm:s16], [sflag:s0] =	dma.local [spmem:s2], $0x2700  }
0x7f: {  	_ =	swait.ge [sflag:s21], $0x2700  }
0x80: {  	s29 =	sadd.s32 $0x1, s29;
	[sflag:s21] =	ssyncset.done $0x0  }
0x81: {  	p1 =	sne.s32 s29, s18;
	s2 =	sshrl.u32 @!p0 s15, $0x3;
	[sflag:s21] =	ssyncadd.s32 $0xFFFFD900  }
0x82: {  	[hbm:s17], [sflag:s0] =	dma.local @!p0 [spmem:s2], $0x100  }
.Ltmp2:
0x83: {  	_ = 	snop;
	(pc) =	sbr.rel @p1 .LBB2_1-.Ltmp2, $4  }
0x84: {  	s0 =	simm.s32 @!p0 $0x4  }
0x85: {  	_ =	swait.ge @!p0 [sflag:s0], $0x100  }
0x86: {  	[sflag:s0] =	ssyncset.done @!p0 $0x0  }
0x87: {  	[sflag:s0] =	ssyncadd.s32 @!p0 $0xFFFFFF00  }
0x88: {  	_ =	sfence.sel $0x180000  }
0x89: {  	[bflag:$0x0] =	sbarrier.arrive $0xFFFF  }
0x8a: {  	_ =	strace $0x9000004A  }
0x8b: {  	[bflag:$0x2] =	sbarrier.arrive $0xFFFF  }
0x8c: {  	p0 =	sne.s32 s19, $0x0;
	s0 =	rddreg [dreg:$0x3]  }
0x8d: {  	s0 =	sadd.s32 @!p0 $0x100000, s0  }
0x8e: {  	[sflag:s0] =	ssyncadd.tile.s32 @!p0 $0x1;
	_ =	shalt  }
.Lfunc_end2:
_tile_overlayer_lowered:
.L_overlay_start_2:
0x8f: {  	(tag) =	ssettag $0x2  }
0x90: {  	s0 =	rddreg [dreg:$0x0];
	s2 =	stileid.u32  }
0x91: {  	s1 =	rddreg [dreg:$0x1];
	p0 =	sne.s32 s2, $0x0  }
0x92: {  	s3 =	rddreg [dreg:$0x2];
	[bflag:$0x3] =	sbarrier.arrive $0xFFFF;
	s2 =	simm.s32 @!p0 $0x1C04  }
0x93: {  	[timem:s3], [sflag:s2] =	dma.local @!p0 [hbm:s0], s1  }
0x94: {  	s0 =	simm.s32 @!p0 $0x4  }
0x95: {  	_ =	swait.ge @!p0 [sflag:s0], s1  }
0x96: {  	s1 =	ssub.s32 @!p0 $0x0, s1;
	[sflag:s0] =	ssyncset.done @!p0 $0x0  }
0x97: {  	[sflag:s0] =	ssyncadd.s32 @!p0 s1  }
0x98: {  	[bflag:$0x3] =	sbarrier.arrive $0xFFFF  }
0x99: {  	_ =	shalt  }

// kernel: kernel.16.cloned.1.call-start
scs
__scs_entry_jumppad:
0x0: {  	(pc) =	sbr.rel $0x88, $3  }
0x1: {  	(tag) =	ssettag $0x0;
	lr =	simm.s32 $0x1  }
0x2: {  	[smem:$0x3F99] =	sst lr;
	_ =	strace $0xD0000000  }
0x3: {  	_ = 	snop  }
0x4: {  	_ = 	snop  }
0x5: {  	_ = 	snop  }
0x6: {  	_ = 	snop  }
0x7: {  	_ = 	snop  }
__scs_overlays_trampoline_lowered:
0x8: {  	[smem:$0x3FA8] =	sst s0  }
0x9: {  	[smem:$0x3FA9] =	sst s1  }
0xa: {  	[smem:$0x3FAA] =	sst s2  }
0xb: {  	[smem:$0x3FAB] =	sst s3  }
0xc: {  	[smem:$0x3FAC] =	sst s4  }
0xd: {  	[smem:$0x3FAD] =	sst s5  }
0xe: {  	[smem:$0x3FAE] =	sst s6  }
0xf: {  	[smem:$0x3FAF] =	sst s7  }
0x10: {  	[smem:$0x3FB0] =	sst s8  }
0x11: {  	[smem:$0x3FB1] =	sst s9;
	s0 =	simm.s32 @!p0 $0x0  }
0x12: {  	s1 =	sld [smem:$0x3F97];
	s0 =	simm.s32 @p0 $0x1  }
0x13: {  	[smem:$0x3FB2] =	sst s0;
	s0 =	simm.s32 @!p1 $0x0  }
0x14: {  	s2 =	sld [smem:$0x3F96];
	s0 =	simm.s32 @p1 $0x1  }
0x15: {  	[smem:$0x3FB3] =	sst s0;
	s0 =	simm.s32 @!p2 $0x0  }
0x16: {  	s3 =	sld [smem:$0x3FDB];
	s0 =	simm.s32 @p2 $0x1  }
0x17: {  	s4 =	simm.s32 $0x1BF5;
	[smem:$0x3FB5] =	sst s0  }
0x18: {  	s0 =	sld [smem:$0x3F98];
	_ =	swait.ge [sflag:s4], $0x0  }
0x19: {  	s7 =	sld [smem:$0x3F99]  }
0x1a: {  	s8 =	sadd.s32 $0xFFFFE003, lr  }
0x1b: {  	s9 =	sadd.s32 $0xFFFFFEF7, lr;
	s5 =	simm.s32 $0xFFFFFFFF;
	p2 =	slt.u32 s8, $0xFFFFF086  }
0x1c: {  	p1 =	slt.u32 s9, $0xF7A;
	s5 =	simm.s32 @!p2 $0x0  }
0x1d: {  	s5 =	simm.s32 @p1 $0x1;
	p0 =	seq.s32 s7, s2  }
0x1e: {  	s7 =	smul.u32 @!p0 $0xF7A, s2;
	p2 =	seq.s32 @!p0 s5, $0x0  }
0x1f: {  	s9 =	smul.u32 $0xF7A, s1;
	s8 =	simm.s32 @!p0 $0x1BF5;
	p2 =	por !p2, p0  }
0x20: {  	[sflag:s8] =	ssyncset.s32 @!p0 $0xFFFFF086;
	s6 =	sadd.s32 @!p0 s3, s7;
	s7 =	simm.s32 @!p0 $0x108  }
0x21: {  	s3 =	sadd.s32 s3, s9;
	s6 =	sadd.s32 @!p0 $0x88, s6;
	s7 =	simm.s32 @p2 $0x1082  }
0x22: {  	[simem:s7], [sflag:s8] =	dma.local @!p0 [hbm:s6], $0xF7A  }
0x23: {  	s9 =	sor.u32 $0xD0000000, s2;
	s6 =	simm.s32 $0x108;
	_ =	swait.ge @!p0 [sflag:s8], $0x0  }
0x24: {  	s3 =	sadd.s32 $0x88, s3;
	s6 =	simm.s32 @!p1 $0x1082;
	[sflag:s4] =	ssyncset.s32 $0xFFFFF086  }
0x25: {  	[simem:s6], [sflag:s4] =	dma.local [hbm:s3], $0xF7A  }
0x26: {  	[smem:$0x3F99] =	sst s1;
	(tag) =	ssettag s2;
	_ =	strace s9  }
0x27: {  	s1 =	sld [smem:$0x3FA9]  }
0x28: {  	s2 =	sld [smem:$0x3FAA]  }
0x29: {  	s4 =	sld [smem:$0x3FAC]  }
0x2a: {  	p0 =	seq.s32 s5, $0x0;
	s5 =	sld [smem:$0x3FAD]  }
0x2b: {  	s6 =	sld [smem:$0x3FAE]  }
0x2c: {  	s7 =	sld [smem:$0x3FAF]  }
0x2d: {  	s3 =	simm.s32 $0x108;
	s8 =	sld [smem:$0x3FB0]  }
0x2e: {  	s3 =	simm.s32 @!p0 $0x1082;
	s9 =	sld [smem:$0x3FB1]  }
0x2f: {  	lr =	sadd.s32 s0, s3;
	s0 =	sld [smem:$0x3FA8]  }
0x30: {  	s3 =	sld [smem:$0x3FAB]  }
0x31: {  	[smem:$0x3FB4] =	sst s10  }
0x32: {  	s10 =	sld [smem:$0x3FB2];
	_ =	sdelay $0x3  }
0x33: {  	p0 =	seq.s32 s10, $0x1;
	s10 =	sld [smem:$0x3FB4];
	_ =	sdelay $0x3  }
0x34: {  	[smem:$0x3FB4] =	sst s10  }
0x35: {  	s10 =	sld [smem:$0x3FB3];
	_ =	sdelay $0x3  }
0x36: {  	p1 =	seq.s32 s10, $0x1;
	s10 =	sld [smem:$0x3FB4];
	_ =	sdelay $0x3  }
0x37: {  	[smem:$0x3FB4] =	sst s10  }
0x38: {  	s10 =	sld [smem:$0x3FB5]  }
0x39: {  	_ = 	snop;
	(pc) =	sbr.ind lr, $3  }
0x3a: {  	_ = 	snop  }
0x3b: {  	_ = 	snop  }
0x3c: {  	p2 =	seq.s32 s10, $0x1;
	s10 =	sld [smem:$0x3FB4]  }
0x3d: {  	_ =	shalt  }
0x3e: {  	_ =	shalt  }
0x3f: {  	_ =	shalt  }
0x40: {  	_ =	shalt  }
0x41: {  	_ =	shalt  }
0x42: {  	_ =	shalt  }
0x43: {  	_ =	shalt  }
0x44: {  	_ =	shalt  }
0x45: {  	_ =	shalt  }
0x46: {  	_ =	shalt  }
0x47: {  	_ =	shalt  }
0x48: {  	_ =	shalt  }
0x49: {  	_ =	shalt  }
0x4a: {  	_ =	shalt  }
0x4b: {  	_ =	shalt  }
0x4c: {  	_ =	shalt  }
0x4d: {  	_ =	shalt  }
0x4e: {  	_ =	shalt  }
0x4f: {  	_ =	shalt  }
0x50: {  	_ =	shalt  }
0x51: {  	_ =	shalt  }
0x52: {  	_ =	shalt  }
0x53: {  	_ =	shalt  }
0x54: {  	_ =	shalt  }
0x55: {  	_ =	shalt  }
0x56: {  	_ =	shalt  }
0x57: {  	_ =	shalt  }
0x58: {  	_ =	shalt  }
0x59: {  	_ =	shalt  }
0x5a: {  	_ =	shalt  }
0x5b: {  	_ =	shalt  }
0x5c: {  	_ =	shalt  }
0x5d: {  	_ =	shalt  }
0x5e: {  	_ =	shalt  }
0x5f: {  	_ =	shalt  }
0x60: {  	_ =	shalt  }
0x61: {  	_ =	shalt  }
0x62: {  	_ =	shalt  }
0x63: {  	_ =	shalt  }
0x64: {  	_ =	shalt  }
0x65: {  	_ =	shalt  }
0x66: {  	_ =	shalt  }
0x67: {  	_ =	shalt  }
0x68: {  	_ =	shalt  }
0x69: {  	_ =	shalt  }
0x6a: {  	_ =	shalt  }
0x6b: {  	_ =	shalt  }
0x6c: {  	_ =	shalt  }
0x6d: {  	_ =	shalt  }
0x6e: {  	_ =	shalt  }
0x6f: {  	_ =	shalt  }
0x70: {  	_ =	shalt  }
0x71: {  	_ =	shalt  }
0x72: {  	_ =	shalt  }
0x73: {  	_ =	shalt  }
0x74: {  	_ =	shalt  }
0x75: {  	_ =	shalt  }
0x76: {  	_ =	shalt  }
0x77: {  	_ =	shalt  }
0x78: {  	_ =	shalt  }
0x79: {  	_ =	shalt  }
0x7a: {  	_ =	shalt  }
0x7b: {  	_ =	shalt  }
0x7c: {  	_ =	shalt  }
0x7d: {  	_ =	shalt  }
0x7e: {  	_ =	shalt  }
0x7f: {  	_ =	shalt  }
0x80: {  	_ =	shalt  }
0x81: {  	_ =	shalt  }
0x82: {  	_ =	shalt  }
0x83: {  	_ =	shalt  }
0x84: {  	_ =	shalt  }
0x85: {  	_ =	shalt  }
0x86: {  	_ =	shalt  }
0x87: {  	_ =	shalt  }
.Lfunc_end0:
.L_simem_size_0:
called_computation.2_lowered:
.L_overlay_start_0:
0x88: {  	s2 =	sld [smem:$0x3FD9]  }
0x89: {  	s3 =	sld [smem:$0x3FFE];
	_ =	sdelay $0x1  }
0x8a: {  	s1 =	srdreg.scid  }
0x8b: {  	s0 =	sand.u32 $0x1, s1  }
0x8c: {  	s17 =	sshll.u32 s0, $0xA;
	s2 =	sadd.s32 s3, s2  }
0x8d: {  	s2 =	sadd.s32 s2, s17  }
0x8e: {  	[smem:$0x3FC0] =	sst s2  }
0x8f: {  	_ = 	snop  }
0x90: {  	s2 =	sld [smem:$0x3FD0];
	(tm) =	ssettm $0x1  }
0x91: {  	s18 =	sld [smem:$0x3FFB];
	_ =	sdelay $0x3  }
0x92: {  	_ =	strace s18  }
0x93: {  	s3 =	sld [smem:$0x3FFC];
	_ =	sdelay $0x3  }
0x94: {  	_ =	strace s3  }
0x95: {  	s3 =	sld [smem:$0x3FFD];
	_ =	sdelay $0x3  }
0x96: {  	_ =	strace s3  }
0x97: {  	_ =	strace $0x8FFFFFFF  }
0x98: {  	s19 =	sld [smem:$0x3FDB];
	_ =	sdelay $0x1  }
0x99: {  	s4 =	simm.s32 $_scs_section_size  }
0x9a: {  	s5 =	simm.s32 $_size__tile_overlayer_lowered;
	s6 =	simm.s32 $_tile_overlayer_lowered  }
0x9b: {  	s22 =	simm.s32 $0x1BFF;
	s21 =	sshll.u32 s6, $0x1;
	s3 =	sadd.s32 s4, s19  }
0x9c: {  	s7 =	simm.s32 $0x0;
	s20 =	sshll.u32 s5, $0x1;
	s5 =	sadd.s32 s21, s3  }
0x9d: {  	[timem:s7], [sflag:s22] =	dma.local [hbm:s5], s20  }
0x9e: {  	_ =	swait.ge [sflag:s22], s20  }
0x9f: {  	s4 =	ssub.s32 $0x0, s20;
	[sflag:s22] =	ssyncset.done $0x0  }
0xa0: {  	[sflag:s22] =	ssyncadd.s32 s4;
	_ =	sdelay $0x1  }
0xa1: {  	s23 =	simm.s32 $0x1B8B  }
0xa2: {  	_ =	swait.ge [sflag:s23], $0x1  }
0xa3: {  	[sflag:s23] =	ssyncset.done $0x0  }
0xa4: {  	s25 =	simm.s32 $0x1B8E;
	s24 =	sld [smem:$0x3FFE];
	[sflag:s23] =	ssyncadd.s32 $0xFFFFFFFF  }
0xa5: {  	s26 =	simm.s32 $execute0_lowered;
	[smem:$0x3FD2] =	sst s25  }
0xa6: {  	s5 =	sshll.u32 s26, $0x1;
	_ =	strace $0x8000004C;
	[dreg:$0x1] =	wrdreg $0xFFFFFFFF  }
0xa7: {  	s28 =	simm.s32 $_size_execute0_lowered;
	s3 =	sadd.s32 s3, s5;
	[dreg:$0x0] =	wrdreg $0x0  }
0xa8: {  	s5 =	sshll.u32 s28, $0x1;
	[dreg:$0x2] =	wrdreg s3  }
0xa9: {  	[dreg:$0x3] =	wrdreg s5  }
0xaa: {  	[dreg:$0x4] =	wrdreg $0xC0  }
0xab: {  	_ =	task [dreg:s7], $0x5FFFF  }
0xac: {  	[dreg:$0x1] =	wrdreg $0xFFFFFFFF  }
0xad: {  	[dreg:$0x0] =	wrdreg $0x60  }
0xae: {  	[dreg:$0x2] =	wrdreg s24  }
0xaf: {  	[dreg:$0x3] =	wrdreg s2  }
0xb0: {  	[dreg:$0x4] =	wrdreg $0xB7800  }
0xb1: {  	[dreg:$0x5] =	wrdreg $0x9  }
0xb2: {  	_ =	task.clear_ibuf [dreg:s7], $0x6FFFF;
	_ =	strace $0x9000004C  }
0xb3: {  	s29 =	simm.s32 $0x9;
	_ =	strace $0x8000004E  }
0xb4: {  	_ =	swait.ge [sflag:s29], $0x1  }
0xb5: {  	[sflag:s29] =	ssyncadd.s32 $0xFFFFFFFF  }
0xb6: {  	_ =	strace $0x9000004E  }
0xb7: {  	_ =	sfence  }
0xb8: {  	s30 =	sld [smem:$0x0];
	_ =	sdelay $0x2  }
0xb9: {  	s31 =	sshll.u32 s1, $0xD;
	s1 =	sshrl.u32 s1, $0x2  }
0xba: {  	s3 =	sand.u32 $0x4000, s31;
	s1 =	sadd.s32 s1, s30  }
0xbb: {  	s0 =	sor.u32 s3, s0;
	s1 =	sshll.u32 s1, $0x11  }
0xbc: {  	s0 =	sor.u32 s1, s0  }
0xbd: {  	s0 =	sadd.s32 $0x8F2B, s0  }
0xbe: {  	[sflag:s0] =	ssyncadd.remote.s32 $0x1  }
0xbf: {  	_ =	sfence.sel $0xFFFF  }
0xc0: {  	[dreg:$0x0] =	wrdreg $0xFFFFFFFF;
	(pc) =	sbr.abs _section_cstart, $3  }
0xc1: {  	[dreg:$0x1] =	wrdreg $0xFFFFFFFF  }
0xc2: {  	_ =	task.clear_ibuf [dreg:s7], $0x2FFFF;
	_ =	strace $0x9FFFFFFF  }
0xc3: {  	(tm) =	ssettm $0x7FFFFFFF  }
tec
execute0_lowered:
.L_overlay_start_1:
0x0: {  	(tag) =	ssettag $0x1  }
0x1: {  	s5 =	rddreg [dreg:$0x0]  }
0x2: {  	s6 =	rddreg [dreg:$0x1]  }
0x3: {  	s1 =	rddreg [dreg:$0x2];
	s2 =	srdreg.scid  }
0x4: {  	s3 =	simm.s32 $0x0;
	s0 =	stileid.u32;
	s20 =	simm.s32 $0x6780  }
0x5: {  	s21 =	simm.s32 $0x4;
	s22 =	simm.s32 $0x3;
	s23 =	simm.s32 $0x50  }
0x6: {  	s24 =	simm.s32 $0x1;
	s25 =	simm.s32 $0x8F80;
	s26 =	simm.s32 $0x2  }
0x7: {  	s28 =	simm.s32 $0x6580;
	s29 =	simm.s32 $0x0;
	s8 =	sand.u32 $0x1, s2  }
0x8: {  	[smem:$0x7FF] =	sst s3;
	s12 =	smul.u32 $0x4E000, s0;
	s16 =	sadd.s32 $0x9FE00, s5  }
0x9: {  	s15 =	smul.u32 $0x13800, s0;
	p0 =	sne.s32 s0, $0xF;
	s4 =	sshll.u32 s8, $0x4  }
0xa: {  	_ =	strace $0x8000004D;
	s10 =	ssub.s32 $0x2, s8;
	s14 =	smul.u32 $0x138800, s8  }
0xb: {  	s7 =	sor.u32 s0, s4;
	s4 =	sadd.s32 $0x78C00, s5;
	s11 =	sshrl.u32 s10, $0x1  }
0xc: {  	s31 =	sshrl.u32 s12, $0x2;
	s9 =	smul.u32 $0x4E2, s7;
	s18 =	ssub.s32 s10, s11  }
0xd: {  	s7 =	sshll.u32 s7, $0xB;
	s15 =	sadd.s32 s15, s14;
	s17 =	sshrl.u32 s14, $0x3  }
0xe: {  	s6 =	sadd.s32 s6, s7;
	s7 =	sadd.s32 s31, s1;
	s19 =	sshrl.u32 s15, $0x3  }
0xf: {  	s17 =	sadd.s32 s16, s17;
	s15 =	sadd.s32 $0x138000, s1;
	s18 =	smax.u32 s18, $0x1  }
0x10: {  	s9 =	sadd.s32 s9, s5;
	s8 =	sadd.s32 $0x2800, s7;
	s10 =	sadd.s32 $0x7800, s7  }
0x11: {  	s11 =	sadd.s32 $0xA000, s7;
	s12 =	sadd.s32 $0xC800, s7;
	s13 =	sadd.s32 $0xF000, s7  }
0x12: {  	s14 =	sadd.s32 $0x11800, s7;
	s16 =	sadd.s32 s16, s19;
	s17 =	sadd.s32 $0x27000, s17  }
0x13: {  	v0 =	vimm.f32 $0.0e+00;
	s19 =	stileid.u32;
	s5 =	sadd.s32 $0xD000, s9;
	s9 =	sadd.s32 $0x5000, s7  }
.LBB2_1:
0x14: {  	[tilespmem:s3], [sflag:$0x3] =	stream.linear.gather [hbm4b:s5+s3], $0x2710, $0x38;
	[tilespmem:$0x1F000] =	vst v63  }
0x15: {  	s0 =	simm.s32 $0x2780;
	s30 =	simm.s32 $0x70;
	s31 =	simm.s32 $0x3C0  }
0x16: {  	[tilespmem:s0], [sflag:$0x3] =	stream.linear.gather [hbm4b:s6+s3], $0x3E80, $0x38;
	[tilespmem:$0x1F000] =	vst v63  }
.LBB2_2:
0x17: {  	p1 =	sne.s32 s31, $0x9FC0;
	[tilespmem:s30+$0x6780] =	vst v0  }
0x18: {  	[tilespmem:s30+$0x6710] =	vst v0  }
0x19: {  	[tilespmem:s30+$0x6720] =	vst v0  }
.Ltmp0:
0x1a: {  	[tilespmem:s30+$0x6730] =	vst v0;
	(pc) =	sbr.rel @p1 .LBB2_2-.Ltmp0, $4  }
0x1b: {  	[tilespmem:s30+$0x6740] =	vst v0  }
0x1c: {  	[tilespmem:s30+$0x6750] =	vst v0  }
0x1d: {  	[tilespmem:s30+$0x6760] =	vst v0  }
0x1e: {  	[tilespmem:s30+$0x6770] =	vst v0;
	s30 =	sshra.s32 s31, $0x2;
	s31 =	sadd.s32 $0x200, s31  }
0x1f: {  	[tilespmem:s30+$0x6780] =	vst v0  }
0x20: {  	[tilespmem:s30+$0x6710] =	vst v0  }
0x21: {  	[tilespmem:s30+$0x6720] =	vst v0  }
0x22: {  	[tilespmem:s30+$0x6730] =	vst v0  }
0x23: {  	[tilespmem:s30+$0x6740] =	vst v0  }
0x24: {  	[tilespmem:s30+$0x6750] =	vst v0  }
0x25: {  	[tilespmem:s30+$0x6760] =	vst v0  }
0x26: {  	[tilespmem:s30+$0x6770] =	vst v0  }
0x27: {  	[spmem:s7] =	stream.linear.scatter [tilespmem:s20], [sflag:$0x4], $0x2800, $0x38;
	[tilespmem:$0x1F000] =	vst v63  }
0x28: {  	_ =	swait.ge [sflag:s21], $0x2800  }
0x29: {  	[sflag:s21] =	ssyncset.done $0x0  }
0x2a: {  	[sflag:s21] =	ssyncadd.s32 $0xFFFFD800  }
0x2b: {  	[spmem:s8] =	stream.linear.scatter [tilespmem:s20], [sflag:$0x4], $0x2800, $0x38;
	[tilespmem:$0x1F000] =	vst v63  }
0x2c: {  	_ =	swait.ge [sflag:s21], $0x2800  }
0x2d: {  	[sflag:s21] =	ssyncset.done $0x0  }
0x2e: {  	[sflag:s21] =	ssyncadd.s32 $0xFFFFD800  }
0x2f: {  	[spmem:s9] =	stream.linear.scatter [tilespmem:s20], [sflag:$0x4], $0x2800, $0x38;
	[tilespmem:$0x1F000] =	vst v63  }
0x30: {  	_ =	swait.ge [sflag:s21], $0x2800  }
0x31: {  	[sflag:s21] =	ssyncset.done $0x0  }
0x32: {  	[sflag:s21] =	ssyncadd.s32 $0xFFFFD800  }
0x33: {  	[spmem:s10] =	stream.linear.scatter [tilespmem:s20], [sflag:$0x4], $0x2800, $0x38;
	[tilespmem:$0x1F000] =	vst v63  }
0x34: {  	_ =	swait.ge [sflag:s21], $0x2800  }
0x35: {  	[sflag:s21] =	ssyncset.done $0x0  }
0x36: {  	[sflag:s21] =	ssyncadd.s32 $0xFFFFD800  }
0x37: {  	[spmem:s11] =	stream.linear.scatter [tilespmem:s20], [sflag:$0x4], $0x2800, $0x38;
	[tilespmem:$0x1F000] =	vst v63  }
0x38: {  	_ =	swait.ge [sflag:s21], $0x2800  }
0x39: {  	[sflag:s21] =	ssyncset.done $0x0  }
0x3a: {  	[sflag:s21] =	ssyncadd.s32 $0xFFFFD800  }
0x3b: {  	[spmem:s12] =	stream.linear.scatter [tilespmem:s20], [sflag:$0x4], $0x2800, $0x38;
	[tilespmem:$0x1F000] =	vst v63  }
0x3c: {  	_ =	swait.ge [sflag:s21], $0x2800  }
0x3d: {  	[sflag:s21] =	ssyncset.done $0x0  }
0x3e: {  	[sflag:s21] =	ssyncadd.s32 $0xFFFFD800  }
0x3f: {  	[spmem:s13] =	stream.linear.scatter [tilespmem:s20], [sflag:$0x4], $0x2800, $0x38;
	[tilespmem:$0x1F000] =	vst v63  }
0x40: {  	_ =	swait.ge [sflag:s21], $0x2800  }
0x41: {  	[sflag:s21] =	ssyncset.done $0x0  }
0x42: {  	[sflag:s21] =	ssyncadd.s32 $0xFFFFD800  }
0x43: {  	[spmem:s14] =	stream.linear.scatter [tilespmem:s20], [sflag:$0x4], $0x2000, $0x38;
	[tilespmem:$0x1F000] =	vst v63  }
0x44: {  	_ =	swait.ge [sflag:s21], $0x2000  }
0x45: {  	[sflag:s21] =	ssyncset.done $0x0  }
0x46: {  	s30 =	simm.s32 @!p0 $0x6780;
	[sflag:s21] =	ssyncadd.s32 $0xFFFFE000  }
0x47: {  	[spmem:s15] =	stream.linear.scatter @!p0 [tilespmem:s30], [sflag:$0x4], $0x800, $0x38;
	[tilespmem:$0x1F000] =	vst v63  }
0x48: {  	s30 =	simm.s32 @!p0 $0x4  }
0x49: {  	_ =	swait.ge @!p0 [sflag:s30], $0x800  }
0x4a: {  	[sflag:s30] =	ssyncset.done @!p0 $0x0  }
0x4b: {  	[sflag:s30] =	ssyncadd.s32 @!p0 $0xFFFFF800  }
0x4c: {  	_ =	swait.ge [sflag:s22], $0x2710  }
0x4d: {  	[sflag:s22] =	ssyncset.done $0x0  }
0x4e: {  	[sflag:s22] =	ssyncadd.s32 $0xFFFFD8F0  }
0x4f: {  	_ =	swait.ge [sflag:s22], $0x3E80  }
0x50: {  	[sflag:s22] =	ssyncset.done $0x0  }
0x51: {  	[sflag:s22] =	ssyncadd.s32 $0xFFFFC180  }
0x52: {  	s30 =	simm.s32 $0x0;
	[bflag:$0x0] =	sbarrier.arrive $0xFFFF  }
0x53: {  	[tilespmem:s20], [sflag:$0x1] =	stream.indirect.gather [hbm4b:s4+s23], $0x80, s30, s23, $0xb8;
	[tilespmem:$0x1F000] =	vst v63  }
0x54: {  	_ =	swait.ge [sflag:s24], $0x2800  }
0x55: {  	[sflag:s24] =	ssyncset.done $0x0  }
0x56: {  	s30 =	simm.s32 $0x2780;
	[sflag:s24] =	ssyncadd.s32 $0xFFFFD800  }
0x57: {  	[spmem:s1] =	stream.indirect.scatter.add.f32 [tilespmem:s20], [sflag:$0x1], $0x80, s30, s23, $0xb8;
	[tilespmem:$0x1F000] =	vst v63  }
0x58: {  	s30 =	simm.s32 $0x50  }
0x59: {  	[tilespmem:s25], [sflag:$0x2] =	stream.indirect.gather [hbm4b:s4+s23], $0x80, s30, s23, $0xb8;
	[tilespmem:$0x1F000] =	vst v63  }
0x5a: {  	_ =	swait.ge [sflag:s24], $0x2800  }
0x5b: {  	[sflag:s24] =	ssyncset.done $0x0  }
0x5c: {  	s30 =	simm.s32 $0xA0;
	[sflag:s24] =	ssyncadd.s32 $0xFFFFD800  }
0x5d: {  	[tilespmem:s20], [sflag:$0x1] =	stream.indirect.gather [hbm4b:s4+s23], $0x80, s30, s23, $0xb8;
	[tilespmem:$0x1F000] =	vst v63  }
0x5e: {  	_ =	swait.ge [sflag:s26], $0x2800  }
0x5f: {  	[sflag:s26] =	ssyncset.done $0x0  }
0x60: {  	s31 =	simm.s32 $0x2800;
	[sflag:s26] =	ssyncadd.s32 $0xFFFFD800  }
0x61: {  	[spmem:s1] =	stream.indirect.scatter.add.f32 [tilespmem:s25], [sflag:$0x2], $0x80, s31, s23, $0xb8;
	[tilespmem:$0x1F000] =	vst v63  }
0x62: {  	_ =	swait.ge [sflag:s26], $0x2800  }
0x63: {  	s31 =	simm.s32 $0x400;
	[sflag:s26] =	ssyncset.done $0x0  }
.LBB2_4:
0x64: {  	p1 =	sne.s32 s31, $0xF400;
	[sflag:s26] =	ssyncadd.s32 $0xFFFFD800;
	s30 =	sadd.s32 $0xA0, s30  }
0x65: {  	s0 =	smov.u32 s31;
	s31 =	sadd.s32 $0x400, s31;
	_ =	swait.ge [sflag:s24], $0x2800  }
0x66: {  	s0 =	sshra.s32 s0, $0x2;
	[sflag:s24] =	ssyncset.done $0x0  }
0x67: {  	s2 =	sadd.s32 $0x2780, s0;
	[sflag:s24] =	ssyncadd.s32 $0xFFFFD800  }
0x68: {  	[spmem:s1] =	stream.indirect.scatter.add.f32 [tilespmem:s20], [sflag:$0x1], $0x80, s2, s23, $0xb8;
	[tilespmem:$0x1F000] =	vst v63  }
0x69: {  	s2 =	sadd.s32 $0xFFFFFFB0, s30  }
0x6a: {  	[tilespmem:s25], [sflag:$0x2] =	stream.indirect.gather [hbm4b:s4+s23], $0x80, s2, s23, $0xb8;
	[tilespmem:$0x1F000] =	vst v63  }
0x6b: {  	_ =	swait.ge [sflag:s24], $0x2800  }
0x6c: {  	[sflag:s24] =	ssyncset.done $0x0  }
0x6d: {  	[sflag:s24] =	ssyncadd.s32 $0xFFFFD800  }
0x6e: {  	[tilespmem:s20], [sflag:$0x1] =	stream.indirect.gather [hbm4b:s4+s23], $0x80, s30, s23, $0xb8;
	[tilespmem:$0x1F000] =	vst v63  }
0x6f: {  	_ =	swait.ge [sflag:s26], $0x2800  }
.Ltmp1:
0x70: {  	[sflag:s26] =	ssyncset.done $0x0;
	(pc) =	sbr.rel @p1 .LBB2_4-.Ltmp1, $4  }
0x71: {  	s0 =	sadd.s32 $0x2800, s0;
	[sflag:s26] =	ssyncadd.s32 $0xFFFFD800  }
0x72: {  	[spmem:s1] =	stream.indirect.scatter.add.f32 [tilespmem:s25], [sflag:$0x2], $0x80, s0, s23, $0xb8;
	[tilespmem:$0x1F000] =	vst v63  }
0x73: {  	_ =	swait.ge [sflag:s26], $0x2800  }
0x74: {  	[sflag:s26] =	ssyncset.done $0x0  }
0x75: {  	[sflag:s26] =	ssyncadd.s32 $0xFFFFD800  }
0x76: {  	_ =	swait.ge [sflag:s24], $0x2800  }
0x77: {  	[sflag:s24] =	ssyncset.done $0x0  }
0x78: {  	[sflag:s24] =	ssyncadd.s32 $0xFFFFD800  }
0x79: {  	[spmem:s1] =	stream.indirect.scatter.add.f32 [tilespmem:s20], [sflag:$0x1], $0x80, s28, s23, $0xb8;
	[tilespmem:$0x1F000] =	vst v63  }
0x7a: {  	_ =	swait.ge [sflag:s24], $0x2800  }
0x7b: {  	[sflag:s24] =	ssyncset.done $0x0  }
0x7c: {  	s0 =	sshll.u32 s19, $0x6;
	[sflag:s24] =	ssyncadd.s32 $0xFFFFD800  }
0x7d: {  	s2 =	sshrl.u32 s7, $0x3;
	s0 =	sor.u32 $0x1C04, s0;
	[bflag:$0x0] =	sbarrier.arrive $0xFFFF  }
0x7e: {  	[hbm:s16], [sflag:s0] =	dma.local [spmem:s2], $0x2700  }
0x7f: {  	_ =	swait.ge [sflag:s21], $0x2700  }
0x80: {  	s29 =	sadd.s32 $0x1, s29;
	[sflag:s21] =	ssyncset.done $0x0  }
0x81: {  	p1 =	sne.s32 s29, s18;
	s2 =	sshrl.u32 @!p0 s15, $0x3;
	[sflag:s21] =	ssyncadd.s32 $0xFFFFD900  }
0x82: {  	[hbm:s17], [sflag:s0] =	dma.local @!p0 [spmem:s2], $0x100  }
.Ltmp2:
0x83: {  	_ = 	snop;
	(pc) =	sbr.rel @p1 .LBB2_1-.Ltmp2, $4  }
0x84: {  	s0 =	simm.s32 @!p0 $0x4  }
0x85: {  	_ =	swait.ge @!p0 [sflag:s0], $0x100  }
0x86: {  	[sflag:s0] =	ssyncset.done @!p0 $0x0  }
0x87: {  	[sflag:s0] =	ssyncadd.s32 @!p0 $0xFFFFFF00  }
0x88: {  	_ =	sfence.sel $0x180000  }
0x89: {  	[bflag:$0x0] =	sbarrier.arrive $0xFFFF  }
0x8a: {  	_ =	strace $0x9000004D  }
0x8b: {  	[bflag:$0x2] =	sbarrier.arrive $0xFFFF  }
0x8c: {  	p0 =	sne.s32 s19, $0x0;
	s0 =	rddreg [dreg:$0x3]  }
0x8d: {  	s0 =	sadd.s32 @!p0 $0x100000, s0  }
0x8e: {  	[sflag:s0] =	ssyncadd.tile.s32 @!p0 $0x1;
	_ =	shalt  }
.Lfunc_end2:
_tile_overlayer_lowered:
.L_overlay_start_2:
0x8f: {  	(tag) =	ssettag $0x2  }
0x90: {  	s0 =	rddreg [dreg:$0x0];
	s2 =	stileid.u32  }
0x91: {  	s1 =	rddreg [dreg:$0x1];
	p0 =	sne.s32 s2, $0x0  }
0x92: {  	s3 =	rddreg [dreg:$0x2];
	[bflag:$0x3] =	sbarrier.arrive $0xFFFF;
	s2 =	simm.s32 @!p0 $0x1C04  }
0x93: {  	[timem:s3], [sflag:s2] =	dma.local @!p0 [hbm:s0], s1  }
0x94: {  	s0 =	simm.s32 @!p0 $0x4  }
0x95: {  	_ =	swait.ge @!p0 [sflag:s0], s1  }
0x96: {  	s1 =	ssub.s32 @!p0 $0x0, s1;
	[sflag:s0] =	ssyncset.done @!p0 $0x0  }
0x97: {  	[sflag:s0] =	ssyncadd.s32 @!p0 s1  }
0x98: {  	[bflag:$0x3] =	sbarrier.arrive $0xFFFF  }
0x99: {  	_ =	shalt  }

// kernel: kernel.19.cloned.1.call-start
scs
__scs_entry_jumppad:
0x0: {  	(pc) =	sbr.rel $0x88, $3  }
0x1: {  	(tag) =	ssettag $0x0;
	lr =	simm.s32 $0x1  }
0x2: {  	[smem:$0x3F99] =	sst lr;
	_ =	strace $0xD0000000  }
0x3: {  	_ = 	snop  }
0x4: {  	_ = 	snop  }
0x5: {  	_ = 	snop  }
0x6: {  	_ = 	snop  }
0x7: {  	_ = 	snop  }
__scs_overlays_trampoline_lowered:
0x8: {  	[smem:$0x3FA8] =	sst s0  }
0x9: {  	[smem:$0x3FA9] =	sst s1  }
0xa: {  	[smem:$0x3FAA] =	sst s2  }
0xb: {  	[smem:$0x3FAB] =	sst s3  }
0xc: {  	[smem:$0x3FAC] =	sst s4  }
0xd: {  	[smem:$0x3FAD] =	sst s5  }
0xe: {  	[smem:$0x3FAE] =	sst s6  }
0xf: {  	[smem:$0x3FAF] =	sst s7  }
0x10: {  	[smem:$0x3FB0] =	sst s8  }
0x11: {  	[smem:$0x3FB1] =	sst s9;
	s0 =	simm.s32 @!p0 $0x0  }
0x12: {  	s1 =	sld [smem:$0x3F97];
	s0 =	simm.s32 @p0 $0x1  }
0x13: {  	[smem:$0x3FB2] =	sst s0;
	s0 =	simm.s32 @!p1 $0x0  }
0x14: {  	s2 =	sld [smem:$0x3F96];
	s0 =	simm.s32 @p1 $0x1  }
0x15: {  	[smem:$0x3FB3] =	sst s0;
	s0 =	simm.s32 @!p2 $0x0  }
0x16: {  	s3 =	sld [smem:$0x3FDB];
	s0 =	simm.s32 @p2 $0x1  }
0x17: {  	s4 =	simm.s32 $0x1BF5;
	[smem:$0x3FB5] =	sst s0  }
0x18: {  	s0 =	sld [smem:$0x3F98];
	_ =	swait.ge [sflag:s4], $0x0  }
0x19: {  	s7 =	sld [smem:$0x3F99]  }
0x1a: {  	s8 =	sadd.s32 $0xFFFFE003, lr  }
0x1b: {  	s9 =	sadd.s32 $0xFFFFFEF7, lr;
	s5 =	simm.s32 $0xFFFFFFFF;
	p2 =	slt.u32 s8, $0xFFFFF086  }
0x1c: {  	p1 =	slt.u32 s9, $0xF7A;
	s5 =	simm.s32 @!p2 $0x0  }
0x1d: {  	s5 =	simm.s32 @p1 $0x1;
	p0 =	seq.s32 s7, s2  }
0x1e: {  	s7 =	smul.u32 @!p0 $0xF7A, s2;
	p2 =	seq.s32 @!p0 s5, $0x0  }
0x1f: {  	s9 =	smul.u32 $0xF7A, s1;
	s8 =	simm.s32 @!p0 $0x1BF5;
	p2 =	por !p2, p0  }
0x20: {  	[sflag:s8] =	ssyncset.s32 @!p0 $0xFFFFF086;
	s6 =	sadd.s32 @!p0 s3, s7;
	s7 =	simm.s32 @!p0 $0x108  }
0x21: {  	s3 =	sadd.s32 s3, s9;
	s6 =	sadd.s32 @!p0 $0x88, s6;
	s7 =	simm.s32 @p2 $0x1082  }
0x22: {  	[simem:s7], [sflag:s8] =	dma.local @!p0 [hbm:s6], $0xF7A  }
0x23: {  	s9 =	sor.u32 $0xD0000000, s2;
	s6 =	simm.s32 $0x108;
	_ =	swait.ge @!p0 [sflag:s8], $0x0  }
0x24: {  	s3 =	sadd.s32 $0x88, s3;
	s6 =	simm.s32 @!p1 $0x1082;
	[sflag:s4] =	ssyncset.s32 $0xFFFFF086  }
0x25: {  	[simem:s6], [sflag:s4] =	dma.local [hbm:s3], $0xF7A  }
0x26: {  	[smem:$0x3F99] =	sst s1;
	(tag) =	ssettag s2;
	_ =	strace s9  }
0x27: {  	s1 =	sld [smem:$0x3FA9]  }
0x28: {  	s2 =	sld [smem:$0x3FAA]  }
0x29: {  	s4 =	sld [smem:$0x3FAC]  }
0x2a: {  	p0 =	seq.s32 s5, $0x0;
	s5 =	sld [smem:$0x3FAD]  }
0x2b: {  	s6 =	sld [smem:$0x3FAE]  }
0x2c: {  	s7 =	sld [smem:$0x3FAF]  }
0x2d: {  	s3 =	simm.s32 $0x108;
	s8 =	sld [smem:$0x3FB0]  }
0x2e: {  	s3 =	simm.s32 @!p0 $0x1082;
	s9 =	sld [smem:$0x3FB1]  }
0x2f: {  	lr =	sadd.s32 s0, s3;
	s0 =	sld [smem:$0x3FA8]  }
0x30: {  	s3 =	sld [smem:$0x3FAB]  }
0x31: {  	[smem:$0x3FB4] =	sst s10  }
0x32: {  	s10 =	sld [smem:$0x3FB2];
	_ =	sdelay $0x3  }
0x33: {  	p0 =	seq.s32 s10, $0x1;
	s10 =	sld [smem:$0x3FB4];
	_ =	sdelay $0x3  }
0x34: {  	[smem:$0x3FB4] =	sst s10  }
0x35: {  	s10 =	sld [smem:$0x3FB3];
	_ =	sdelay $0x3  }
0x36: {  	p1 =	seq.s32 s10, $0x1;
	s10 =	sld [smem:$0x3FB4];
	_ =	sdelay $0x3  }
0x37: {  	[smem:$0x3FB4] =	sst s10  }
0x38: {  	s10 =	sld [smem:$0x3FB5]  }
0x39: {  	_ = 	snop;
	(pc) =	sbr.ind lr, $3  }
0x3a: {  	_ = 	snop  }
0x3b: {  	_ = 	snop  }
0x3c: {  	p2 =	seq.s32 s10, $0x1;
	s10 =	sld [smem:$0x3FB4]  }
0x3d: {  	_ =	shalt  }
0x3e: {  	_ =	shalt  }
0x3f: {  	_ =	shalt  }
0x40: {  	_ =	shalt  }
0x41: {  	_ =	shalt  }
0x42: {  	_ =	shalt  }
0x43: {  	_ =	shalt  }
0x44: {  	_ =	shalt  }
0x45: {  	_ =	shalt  }
0x46: {  	_ =	shalt  }
0x47: {  	_ =	shalt  }
0x48: {  	_ =	shalt  }
0x49: {  	_ =	shalt  }
0x4a: {  	_ =	shalt  }
0x4b: {  	_ =	shalt  }
0x4c: {  	_ =	shalt  }
0x4d: {  	_ =	shalt  }
0x4e: {  	_ =	shalt  }
0x4f: {  	_ =	shalt  }
0x50: {  	_ =	shalt  }
0x51: {  	_ =	shalt  }
0x52: {  	_ =	shalt  }
0x53: {  	_ =	shalt  }
0x54: {  	_ =	shalt  }
0x55: {  	_ =	shalt  }
0x56: {  	_ =	shalt  }
0x57: {  	_ =	shalt  }
0x58: {  	_ =	shalt  }
0x59: {  	_ =	shalt  }
0x5a: {  	_ =	shalt  }
0x5b: {  	_ =	shalt  }
0x5c: {  	_ =	shalt  }
0x5d: {  	_ =	shalt  }
0x5e: {  	_ =	shalt  }
0x5f: {  	_ =	shalt  }
0x60: {  	_ =	shalt  }
0x61: {  	_ =	shalt  }
0x62: {  	_ =	shalt  }
0x63: {  	_ =	shalt  }
0x64: {  	_ =	shalt  }
0x65: {  	_ =	shalt  }
0x66: {  	_ =	shalt  }
0x67: {  	_ =	shalt  }
0x68: {  	_ =	shalt  }
0x69: {  	_ =	shalt  }
0x6a: {  	_ =	shalt  }
0x6b: {  	_ =	shalt  }
0x6c: {  	_ =	shalt  }
0x6d: {  	_ =	shalt  }
0x6e: {  	_ =	shalt  }
0x6f: {  	_ =	shalt  }
0x70: {  	_ =	shalt  }
0x71: {  	_ =	shalt  }
0x72: {  	_ =	shalt  }
0x73: {  	_ =	shalt  }
0x74: {  	_ =	shalt  }
0x75: {  	_ =	shalt  }
0x76: {  	_ =	shalt  }
0x77: {  	_ =	shalt  }
0x78: {  	_ =	shalt  }
0x79: {  	_ =	shalt  }
0x7a: {  	_ =	shalt  }
0x7b: {  	_ =	shalt  }
0x7c: {  	_ =	shalt  }
0x7d: {  	_ =	shalt  }
0x7e: {  	_ =	shalt  }
0x7f: {  	_ =	shalt  }
0x80: {  	_ =	shalt  }
0x81: {  	_ =	shalt  }
0x82: {  	_ =	shalt  }
0x83: {  	_ =	shalt  }
0x84: {  	_ =	shalt  }
0x85: {  	_ =	shalt  }
0x86: {  	_ =	shalt  }
0x87: {  	_ =	shalt  }
.Lfunc_end0:
.L_simem_size_0:
called_computation.3_lowered:
.L_overlay_start_0:
0x88: {  	s2 =	sld [smem:$0x3FD9]  }
0x89: {  	s3 =	sld [smem:$0x3FFE];
	_ =	sdelay $0x1  }
0x8a: {  	s1 =	srdreg.scid  }
0x8b: {  	s0 =	sand.u32 $0x1, s1  }
0x8c: {  	s17 =	sshll.u32 s0, $0xA;
	s2 =	sadd.s32 s3, s2  }
0x8d: {  	s2 =	sadd.s32 s2, s17  }
0x8e: {  	[smem:$0x3FC0] =	sst s2  }
0x8f: {  	_ = 	snop  }
0x90: {  	s2 =	sld [smem:$0x3FD0];
	(tm) =	ssettm $0x1  }
0x91: {  	s18 =	sld [smem:$0x3FFB];
	_ =	sdelay $0x3  }
0x92: {  	_ =	strace s18  }
0x93: {  	s3 =	sld [smem:$0x3FFC];
	_ =	sdelay $0x3  }
0x94: {  	_ =	strace s3  }
0x95: {  	s3 =	sld [smem:$0x3FFD];
	_ =	sdelay $0x3  }
0x96: {  	_ =	strace s3  }
0x97: {  	_ =	strace $0x8FFFFFFF  }
0x98: {  	s19 =	sld [smem:$0x3FDB];
	_ =	sdelay $0x1  }
0x99: {  	s4 =	simm.s32 $_scs_section_size  }
0x9a: {  	s5 =	simm.s32 $_size__tile_overlayer_lowered;
	s6 =	simm.s32 $_tile_overlayer_lowered  }
0x9b: {  	s22 =	simm.s32 $0x1BFF;
	s21 =	sshll.u32 s6, $0x1;
	s3 =	sadd.s32 s4, s19  }
0x9c: {  	s7 =	simm.s32 $0x0;
	s20 =	sshll.u32 s5, $0x1;
	s5 =	sadd.s32 s21, s3  }
0x9d: {  	[timem:s7], [sflag:s22] =	dma.local [hbm:s5], s20  }
0x9e: {  	_ =	swait.ge [sflag:s22], s20  }
0x9f: {  	s4 =	ssub.s32 $0x0, s20;
	[sflag:s22] =	ssyncset.done $0x0  }
0xa0: {  	[sflag:s22] =	ssyncadd.s32 s4;
	_ =	sdelay $0x1  }
0xa1: {  	s23 =	simm.s32 $0x1B8B  }
0xa2: {  	_ =	swait.ge [sflag:s23], $0x1  }
0xa3: {  	[sflag:s23] =	ssyncset.done $0x0  }
0xa4: {  	s25 =	simm.s32 $0x1B8E;
	s24 =	sld [smem:$0x3FFE];
	[sflag:s23] =	ssyncadd.s32 $0xFFFFFFFF  }
0xa5: {  	s26 =	simm.s32 $execute0_lowered;
	[smem:$0x3FD2] =	sst s25  }
0xa6: {  	s5 =	sshll.u32 s26, $0x1;
	_ =	strace $0x8000004F;
	[dreg:$0x1] =	wrdreg $0xFFFFFFFF  }
0xa7: {  	s28 =	simm.s32 $_size_execute0_lowered;
	s3 =	sadd.s32 s3, s5;
	[dreg:$0x0] =	wrdreg $0x0  }
0xa8: {  	s5 =	sshll.u32 s28, $0x1;
	[dreg:$0x2] =	wrdreg s3  }
0xa9: {  	[dreg:$0x3] =	wrdreg s5  }
0xaa: {  	[dreg:$0x4] =	wrdreg $0xC0  }
0xab: {  	_ =	task [dreg:s7], $0x5FFFF  }
0xac: {  	[dreg:$0x1] =	wrdreg $0xFFFFFFFF  }
0xad: {  	[dreg:$0x0] =	wrdreg $0x60  }
0xae: {  	[dreg:$0x2] =	wrdreg s24  }
0xaf: {  	[dreg:$0x3] =	wrdreg s2  }
0xb0: {  	[dreg:$0x4] =	wrdreg $0xB7800  }
0xb1: {  	[dreg:$0x5] =	wrdreg $0x9  }
0xb2: {  	_ =	task.clear_ibuf [dreg:s7], $0x6FFFF;
	_ =	strace $0x9000004F  }
0xb3: {  	s29 =	simm.s32 $0x9;
	_ =	strace $0x80000051  }
0xb4: {  	_ =	swait.ge [sflag:s29], $0x1  }
0xb5: {  	[sflag:s29] =	ssyncadd.s32 $0xFFFFFFFF  }
0xb6: {  	_ =	strace $0x90000051  }
0xb7: {  	_ =	sfence  }
0xb8: {  	s30 =	sld [smem:$0x0];
	_ =	sdelay $0x2  }
0xb9: {  	s31 =	sshll.u32 s1, $0xD;
	s1 =	sshrl.u32 s1, $0x2  }
0xba: {  	s3 =	sand.u32 $0x4000, s31;
	s1 =	sadd.s32 s1, s30  }
0xbb: {  	s0 =	sor.u32 s3, s0;
	s1 =	sshll.u32 s1, $0x11  }
0xbc: {  	s0 =	sor.u32 s1, s0  }
0xbd: {  	s0 =	sadd.s32 $0x8F2B, s0  }
0xbe: {  	[sflag:s0] =	ssyncadd.remote.s32 $0x1  }
0xbf: {  	_ =	sfence.sel $0xFFFF  }
0xc0: {  	[dreg:$0x0] =	wrdreg $0xFFFFFFFF;
	(pc) =	sbr.abs _section_cstart, $3  }
0xc1: {  	[dreg:$0x1] =	wrdreg $0xFFFFFFFF  }
0xc2: {  	_ =	task.clear_ibuf [dreg:s7], $0x2FFFF;
	_ =	strace $0x9FFFFFFF  }
0xc3: {  	(tm) =	ssettm $0x7FFFFFFF  }
tec
execute0_lowered:
.L_overlay_start_1:
0x0: {  	(tag) =	ssettag $0x1  }
0x1: {  	s5 =	rddreg [dreg:$0x0]  }
0x2: {  	s6 =	rddreg [dreg:$0x1]  }
0x3: {  	s1 =	rddreg [dreg:$0x2];
	s2 =	srdreg.scid  }
0x4: {  	s3 =	simm.s32 $0x0;
	s0 =	stileid.u32;
	s20 =	simm.s32 $0x6780  }
0x5: {  	s21 =	simm.s32 $0x4;
	s22 =	simm.s32 $0x3;
	s23 =	simm.s32 $0x50  }
0x6: {  	s24 =	simm.s32 $0x1;
	s25 =	simm.s32 $0x8F80;
	s26 =	simm.s32 $0x2  }
0x7: {  	s28 =	simm.s32 $0x6580;
	s29 =	simm.s32 $0x0;
	s8 =	sand.u32 $0x1, s2  }
0x8: {  	[smem:$0x7FF] =	sst s3;
	s12 =	smul.u32 $0x4E000, s0;
	s16 =	sadd.s32 $0x3E000, s5  }
0x9: {  	s15 =	smul.u32 $0x13800, s0;
	p0 =	sne.s32 s0, $0xF;
	s4 =	sshll.u32 s8, $0x4  }
0xa: {  	_ =	strace $0x80000050;
	s10 =	ssub.s32 $0x2, s8;
	s14 =	smul.u32 $0x138800, s8  }
0xb: {  	s7 =	sor.u32 s0, s4;
	s4 =	sadd.s32 $0x16E00, s5;
	s11 =	sshrl.u32 s10, $0x1  }
0xc: {  	s31 =	sshrl.u32 s12, $0x2;
	s9 =	smul.u32 $0x4E2, s7;
	s18 =	ssub.s32 s10, s11  }
0xd: {  	s7 =	sshll.u32 s7, $0xB;
	s15 =	sadd.s32 s15, s14;
	s17 =	sshrl.u32 s14, $0x3  }
0xe: {  	s6 =	sadd.s32 s6, s7;
	s7 =	sadd.s32 s31, s1;
	s19 =	sshrl.u32 s15, $0x3  }
0xf: {  	s17 =	sadd.s32 s16, s17;
	s15 =	sadd.s32 $0x138000, s1;
	s18 =	smax.u32 s18, $0x1  }
0x10: {  	s9 =	sadd.s32 s9, s5;
	s8 =	sadd.s32 $0x2800, s7;
	s10 =	sadd.s32 $0x7800, s7  }
0x11: {  	s11 =	sadd.s32 $0xA000, s7;
	s12 =	sadd.s32 $0xC800, s7;
	s13 =	sadd.s32 $0xF000, s7  }
0x12: {  	s14 =	sadd.s32 $0x11800, s7;
	s16 =	sadd.s32 s16, s19;
	s17 =	sadd.s32 $0x27000, s17  }
0x13: {  	v0 =	vimm.f32 $0.0e+00;
	s19 =	stileid.u32;
	s5 =	sadd.s32 $0xD000, s9;
	s9 =	sadd.s32 $0x5000, s7  }
.LBB2_1:
0x14: {  	[tilespmem:s3], [sflag:$0x3] =	stream.linear.gather [hbm4b:s5+s3], $0x2710, $0x38;
	[tilespmem:$0x1F000] =	vst v63  }
0x15: {  	s0 =	simm.s32 $0x2780;
	s30 =	simm.s32 $0x70;
	s31 =	simm.s32 $0x3C0  }
0x16: {  	[tilespmem:s0], [sflag:$0x3] =	stream.linear.gather [hbm4b:s6+s3], $0x3E80, $0x38;
	[tilespmem:$0x1F000] =	vst v63  }
.LBB2_2:
0x17: {  	p1 =	sne.s32 s31, $0x9FC0;
	[tilespmem:s30+$0x6780] =	vst v0  }
0x18: {  	[tilespmem:s30+$0x6710] =	vst v0  }
0x19: {  	[tilespmem:s30+$0x6720] =	vst v0  }
.Ltmp0:
0x1a: {  	[tilespmem:s30+$0x6730] =	vst v0;
	(pc) =	sbr.rel @p1 .LBB2_2-.Ltmp0, $4  }
0x1b: {  	[tilespmem:s30+$0x6740] =	vst v0  }
0x1c: {  	[tilespmem:s30+$0x6750] =	vst v0  }
0x1d: {  	[tilespmem:s30+$0x6760] =	vst v0  }
0x1e: {  	[tilespmem:s30+$0x6770] =	vst v0;
	s30 =	sshra.s32 s31, $0x2;
	s31 =	sadd.s32 $0x200, s31  }
0x1f: {  	[tilespmem:s30+$0x6780] =	vst v0  }
0x20: {  	[tilespmem:s30+$0x6710] =	vst v0  }
0x21: {  	[tilespmem:s30+$0x6720] =	vst v0  }
0x22: {  	[tilespmem:s30+$0x6730] =	vst v0  }
0x23: {  	[tilespmem:s30+$0x6740] =	vst v0  }
0x24: {  	[tilespmem:s30+$0x6750] =	vst v0  }
0x25: {  	[tilespmem:s30+$0x6760] =	vst v0  }
0x26: {  	[tilespmem:s30+$0x6770] =	vst v0  }
0x27: {  	[spmem:s7] =	stream.linear.scatter [tilespmem:s20], [sflag:$0x4], $0x2800, $0x38;
	[tilespmem:$0x1F000] =	vst v63  }
0x28: {  	_ =	swait.ge [sflag:s21], $0x2800  }
0x29: {  	[sflag:s21] =	ssyncset.done $0x0  }
0x2a: {  	[sflag:s21] =	ssyncadd.s32 $0xFFFFD800  }
0x2b: {  	[spmem:s8] =	stream.linear.scatter [tilespmem:s20], [sflag:$0x4], $0x2800, $0x38;
	[tilespmem:$0x1F000] =	vst v63  }
0x2c: {  	_ =	swait.ge [sflag:s21], $0x2800  }
0x2d: {  	[sflag:s21] =	ssyncset.done $0x0  }
0x2e: {  	[sflag:s21] =	ssyncadd.s32 $0xFFFFD800  }
0x2f: {  	[spmem:s9] =	stream.linear.scatter [tilespmem:s20], [sflag:$0x4], $0x2800, $0x38;
	[tilespmem:$0x1F000] =	vst v63  }
0x30: {  	_ =	swait.ge [sflag:s21], $0x2800  }
0x31: {  	[sflag:s21] =	ssyncset.done $0x0  }
0x32: {  	[sflag:s21] =	ssyncadd.s32 $0xFFFFD800  }
0x33: {  	[spmem:s10] =	stream.linear.scatter [tilespmem:s20], [sflag:$0x4], $0x2800, $0x38;
	[tilespmem:$0x1F000] =	vst v63  }
0x34: {  	_ =	swait.ge [sflag:s21], $0x2800  }
0x35: {  	[sflag:s21] =	ssyncset.done $0x0  }
0x36: {  	[sflag:s21] =	ssyncadd.s32 $0xFFFFD800  }
0x37: {  	[spmem:s11] =	stream.linear.scatter [tilespmem:s20], [sflag:$0x4], $0x2800, $0x38;
	[tilespmem:$0x1F000] =	vst v63  }
0x38: {  	_ =	swait.ge [sflag:s21], $0x2800  }
0x39: {  	[sflag:s21] =	ssyncset.done $0x0  }
0x3a: {  	[sflag:s21] =	ssyncadd.s32 $0xFFFFD800  }
0x3b: {  	[spmem:s12] =	stream.linear.scatter [tilespmem:s20], [sflag:$0x4], $0x2800, $0x38;
	[tilespmem:$0x1F000] =	vst v63  }
0x3c: {  	_ =	swait.ge [sflag:s21], $0x2800  }
0x3d: {  	[sflag:s21] =	ssyncset.done $0x0  }
0x3e: {  	[sflag:s21] =	ssyncadd.s32 $0xFFFFD800  }
0x3f: {  	[spmem:s13] =	stream.linear.scatter [tilespmem:s20], [sflag:$0x4], $0x2800, $0x38;
	[tilespmem:$0x1F000] =	vst v63  }
0x40: {  	_ =	swait.ge [sflag:s21], $0x2800  }
0x41: {  	[sflag:s21] =	ssyncset.done $0x0  }
0x42: {  	[sflag:s21] =	ssyncadd.s32 $0xFFFFD800  }
0x43: {  	[spmem:s14] =	stream.linear.scatter [tilespmem:s20], [sflag:$0x4], $0x2000, $0x38;
	[tilespmem:$0x1F000] =	vst v63  }
0x44: {  	_ =	swait.ge [sflag:s21], $0x2000  }
0x45: {  	[sflag:s21] =	ssyncset.done $0x0  }
0x46: {  	s30 =	simm.s32 @!p0 $0x6780;
	[sflag:s21] =	ssyncadd.s32 $0xFFFFE000  }
0x47: {  	[spmem:s15] =	stream.linear.scatter @!p0 [tilespmem:s30], [sflag:$0x4], $0x800, $0x38;
	[tilespmem:$0x1F000] =	vst v63  }
0x48: {  	s30 =	simm.s32 @!p0 $0x4  }
0x49: {  	_ =	swait.ge @!p0 [sflag:s30], $0x800  }
0x4a: {  	[sflag:s30] =	ssyncset.done @!p0 $0x0  }
0x4b: {  	[sflag:s30] =	ssyncadd.s32 @!p0 $0xFFFFF800  }
0x4c: {  	_ =	swait.ge [sflag:s22], $0x2710  }
0x4d: {  	[sflag:s22] =	ssyncset.done $0x0  }
0x4e: {  	[sflag:s22] =	ssyncadd.s32 $0xFFFFD8F0  }
0x4f: {  	_ =	swait.ge [sflag:s22], $0x3E80  }
0x50: {  	[sflag:s22] =	ssyncset.done $0x0  }
0x51: {  	[sflag:s22] =	ssyncadd.s32 $0xFFFFC180  }
0x52: {  	s30 =	simm.s32 $0x0;
	[bflag:$0x0] =	sbarrier.arrive $0xFFFF  }
0x53: {  	[tilespmem:s20], [sflag:$0x1] =	stream.indirect.gather [hbm4b:s4+s23], $0x80, s30, s23, $0xb8;
	[tilespmem:$0x1F000] =	vst v63  }
0x54: {  	_ =	swait.ge [sflag:s24], $0x2800  }
0x55: {  	[sflag:s24] =	ssyncset.done $0x0  }
0x56: {  	s30 =	simm.s32 $0x2780;
	[sflag:s24] =	ssyncadd.s32 $0xFFFFD800  }
0x57: {  	[spmem:s1] =	stream.indirect.scatter.add.f32 [tilespmem:s20], [sflag:$0x1], $0x80, s30, s23, $0xb8;
	[tilespmem:$0x1F000] =	vst v63  }
0x58: {  	s30 =	simm.s32 $0x50  }
0x59: {  	[tilespmem:s25], [sflag:$0x2] =	stream.indirect.gather [hbm4b:s4+s23], $0x80, s30, s23, $0xb8;
	[tilespmem:$0x1F000] =	vst v63  }
0x5a: {  	_ =	swait.ge [sflag:s24], $0x2800  }
0x5b: {  	[sflag:s24] =	ssyncset.done $0x0  }
0x5c: {  	s30 =	simm.s32 $0xA0;
	[sflag:s24] =	ssyncadd.s32 $0xFFFFD800  }
0x5d: {  	[tilespmem:s20], [sflag:$0x1] =	stream.indirect.gather [hbm4b:s4+s23], $0x80, s30, s23, $0xb8;
	[tilespmem:$0x1F000] =	vst v63  }
0x5e: {  	_ =	swait.ge [sflag:s26], $0x2800  }
0x5f: {  	[sflag:s26] =	ssyncset.done $0x0  }
0x60: {  	s31 =	simm.s32 $0x2800;
	[sflag:s26] =	ssyncadd.s32 $0xFFFFD800  }
0x61: {  	[spmem:s1] =	stream.indirect.scatter.add.f32 [tilespmem:s25], [sflag:$0x2], $0x80, s31, s23, $0xb8;
	[tilespmem:$0x1F000] =	vst v63  }
0x62: {  	_ =	swait.ge [sflag:s26], $0x2800  }
0x63: {  	s31 =	simm.s32 $0x400;
	[sflag:s26] =	ssyncset.done $0x0  }
.LBB2_4:
0x64: {  	p1 =	sne.s32 s31, $0xF400;
	[sflag:s26] =	ssyncadd.s32 $0xFFFFD800;
	s30 =	sadd.s32 $0xA0, s30  }
0x65: {  	s0 =	smov.u32 s31;
	s31 =	sadd.s32 $0x400, s31;
	_ =	swait.ge [sflag:s24], $0x2800  }
0x66: {  	s0 =	sshra.s32 s0, $0x2;
	[sflag:s24] =	ssyncset.done $0x0  }
0x67: {  	s2 =	sadd.s32 $0x2780, s0;
	[sflag:s24] =	ssyncadd.s32 $0xFFFFD800  }
0x68: {  	[spmem:s1] =	stream.indirect.scatter.add.f32 [tilespmem:s20], [sflag:$0x1], $0x80, s2, s23, $0xb8;
	[tilespmem:$0x1F000] =	vst v63  }
0x69: {  	s2 =	sadd.s32 $0xFFFFFFB0, s30  }
0x6a: {  	[tilespmem:s25], [sflag:$0x2] =	stream.indirect.gather [hbm4b:s4+s23], $0x80, s2, s23, $0xb8;
	[tilespmem:$0x1F000] =	vst v63  }
0x6b: {  	_ =	swait.ge [sflag:s24], $0x2800  }
0x6c: {  	[sflag:s24] =	ssyncset.done $0x0  }
0x6d: {  	[sflag:s24] =	ssyncadd.s32 $0xFFFFD800  }
0x6e: {  	[tilespmem:s20], [sflag:$0x1] =	stream.indirect.gather [hbm4b:s4+s23], $0x80, s30, s23, $0xb8;
	[tilespmem:$0x1F000] =	vst v63  }
0x6f: {  	_ =	swait.ge [sflag:s26], $0x2800  }
.Ltmp1:
0x70: {  	[sflag:s26] =	ssyncset.done $0x0;
	(pc) =	sbr.rel @p1 .LBB2_4-.Ltmp1, $4  }
0x71: {  	s0 =	sadd.s32 $0x2800, s0;
	[sflag:s26] =	ssyncadd.s32 $0xFFFFD800  }
0x72: {  	[spmem:s1] =	stream.indirect.scatter.add.f32 [tilespmem:s25], [sflag:$0x2], $0x80, s0, s23, $0xb8;
	[tilespmem:$0x1F000] =	vst v63  }
0x73: {  	_ =	swait.ge [sflag:s26], $0x2800  }
0x74: {  	[sflag:s26] =	ssyncset.done $0x0  }
0x75: {  	[sflag:s26] =	ssyncadd.s32 $0xFFFFD800  }
0x76: {  	_ =	swait.ge [sflag:s24], $0x2800  }
0x77: {  	[sflag:s24] =	ssyncset.done $0x0  }
0x78: {  	[sflag:s24] =	ssyncadd.s32 $0xFFFFD800  }
0x79: {  	[spmem:s1] =	stream.indirect.scatter.add.f32 [tilespmem:s20], [sflag:$0x1], $0x80, s28, s23, $0xb8;
	[tilespmem:$0x1F000] =	vst v63  }
0x7a: {  	_ =	swait.ge [sflag:s24], $0x2800  }
0x7b: {  	[sflag:s24] =	ssyncset.done $0x0  }
0x7c: {  	s0 =	sshll.u32 s19, $0x6;
	[sflag:s24] =	ssyncadd.s32 $0xFFFFD800  }
0x7d: {  	s2 =	sshrl.u32 s7, $0x3;
	s0 =	sor.u32 $0x1C04, s0;
	[bflag:$0x0] =	sbarrier.arrive $0xFFFF  }
0x7e: {  	[hbm:s16], [sflag:s0] =	dma.local [spmem:s2], $0x2700  }
0x7f: {  	_ =	swait.ge [sflag:s21], $0x2700  }
0x80: {  	s29 =	sadd.s32 $0x1, s29;
	[sflag:s21] =	ssyncset.done $0x0  }
0x81: {  	p1 =	sne.s32 s29, s18;
	s2 =	sshrl.u32 @!p0 s15, $0x3;
	[sflag:s21] =	ssyncadd.s32 $0xFFFFD900  }
0x82: {  	[hbm:s17], [sflag:s0] =	dma.local @!p0 [spmem:s2], $0x100  }
.Ltmp2:
0x83: {  	_ = 	snop;
	(pc) =	sbr.rel @p1 .LBB2_1-.Ltmp2, $4  }
0x84: {  	s0 =	simm.s32 @!p0 $0x4  }
0x85: {  	_ =	swait.ge @!p0 [sflag:s0], $0x100  }
0x86: {  	[sflag:s0] =	ssyncset.done @!p0 $0x0  }
0x87: {  	[sflag:s0] =	ssyncadd.s32 @!p0 $0xFFFFFF00  }
0x88: {  	_ =	sfence.sel $0x180000  }
0x89: {  	[bflag:$0x0] =	sbarrier.arrive $0xFFFF  }
0x8a: {  	_ =	strace $0x90000050  }
0x8b: {  	[bflag:$0x2] =	sbarrier.arrive $0xFFFF  }
0x8c: {  	p0 =	sne.s32 s19, $0x0;
	s0 =	rddreg [dreg:$0x3]  }
0x8d: {  	s0 =	sadd.s32 @!p0 $0x100000, s0  }
0x8e: {  	[sflag:s0] =	ssyncadd.tile.s32 @!p0 $0x1;
	_ =	shalt  }
.Lfunc_end2:
_tile_overlayer_lowered:
.L_overlay_start_2:
0x8f: {  	(tag) =	ssettag $0x2  }
0x90: {  	s0 =	rddreg [dreg:$0x0];
	s2 =	stileid.u32  }
0x91: {  	s1 =	rddreg [dreg:$0x1];
	p0 =	sne.s32 s2, $0x0  }
0x92: {  	s3 =	rddreg [dreg:$0x2];
	[bflag:$0x3] =	sbarrier.arrive $0xFFFF;
	s2 =	simm.s32 @!p0 $0x1C04  }
0x93: {  	[timem:s3], [sflag:s2] =	dma.local @!p0 [hbm:s0], s1  }
0x94: {  	s0 =	simm.s32 @!p0 $0x4  }
0x95: {  	_ =	swait.ge @!p0 [sflag:s0], s1  }
0x96: {  	s1 =	ssub.s32 @!p0 $0x0, s1;
	[sflag:s0] =	ssyncset.done @!p0 $0x0  }
0x97: {  	[sflag:s0] =	ssyncadd.s32 @!p0 s1  }
0x98: {  	[bflag:$0x3] =	sbarrier.arrive $0xFFFF  }
0x99: {  	_ =	shalt  }

</sc_bundles>
